<compile_context>
chip_gen: v7x
topology: tpu7x:2x2x1
jax: 0.10.2.dev20260603
libtpu: 0.0.44.dev20260713+nightly
codegen_flags: <defaults>
</compile_context>

<pallas_src>
import jax
import jax.numpy as jnp
from jax import lax
from jax.experimental import pallas as pl
from jax.experimental.pallas import tpu as pltpu
from jax.experimental.pallas import tpu_sc as plsc

N_NODES = 10000
N_PAD = 10240
PAD_SRC = 10200
D = 128
HD = 64
WR = HD + 16
E_REAL = 320000 + N_NODES
CHUNK = 256
IDXB = 128
EPW = 21504
E_PAD = EPW * 16
N_CHUNKS = EPW // CHUNK
PAIRS = N_CHUNKS // 2
ROWS_PER_TILE = N_PAD // 16
NI = CHUNK // IDXB


def _vgather(v, idx):
    dn = lax.GatherDimensionNumbers(
        offset_dims=(), collapsed_slice_dims=(0,), start_index_map=(0,))
    return lax.gather(v, idx[:, None], dn, slice_sizes=(1,),
                      mode=lax.GatherScatterMode.PROMISE_IN_BOUNDS)


def _sc_body(q_r, h_r, ats_r, atd_r, zo_r, zs_r, o_out, s_out,
             idx0, idx1, hx0, hx1, ee0, ee1, as0, as1, ad0, ad1,
             o_acc, s_acc, sem_g0, sem_g1, sem_w0, sem_w1):
    c = lax.axis_index("c")
    s = lax.axis_index("s")
    r0 = s * ROWS_PER_TILE

    pltpu.sync_copy(zo_r.at[pl.ds(r0, ROWS_PER_TILE)],
                    o_acc.at[pl.ds(r0, ROWS_PER_TILE)])
    pltpu.sync_copy(zs_r.at[pl.ds(r0, ROWS_PER_TILE)],
                    s_acc.at[pl.ds(r0, ROWS_PER_TILE)])
    plsc.subcore_barrier()

    jvec = [jnp.full((16,), j, jnp.int32) + c * 4 for j in range(4)]
    qbase = s * N_CHUNKS

    def fire(gq, idx_b, hx_b, as_b, ad_b, sem):
        pltpu.sync_copy(q_r.at[gq], idx_b)
        for i in range(NI):
            pltpu.async_copy(h_r.at[c].at[idx_b.at[i]],
                             hx_b.at[pl.ds(i * IDXB, IDXB)], sem)
        for i in range(NI):
            pltpu.async_copy(ats_r.at[idx_b.at[i]],
                             as_b.at[pl.ds(i * IDXB, IDXB)], sem)
        for i in range(NI):
            pltpu.async_copy(atd_r.at[idx_b.at[NI + i]],
                             ad_b.at[pl.ds(i * IDXB, IDXB)], sem)

    def wait_gathers(hx_b, as_b, ad_b, sem):
        for i in range(NI):
            pltpu.make_async_copy(h_r.at[c].at[pl.ds(0, IDXB)],
                                  hx_b.at[pl.ds(i * IDXB, IDXB)], sem).wait()
        for i in range(NI):
            pltpu.make_async_copy(ats_r.at[pl.ds(0, IDXB)],
                                  as_b.at[pl.ds(i * IDXB, IDXB)], sem).wait()
        for i in range(NI):
            pltpu.make_async_copy(atd_r.at[pl.ds(0, IDXB)],
                                  ad_b.at[pl.ds(i * IDXB, IDXB)], sem).wait()

    def compute(hx_b, as_b, ad_b, ee_b):
        @plsc.parallel_loop(0, CHUNK, step=1, unroll=8)
        def _(k):
            t = as_b[k] + ad_b[k]
            ee = jnp.exp(jnp.maximum(t, 0.2 * t))
            ee_b[k] = ee
            for j in range(4):
                m = _vgather(ee, jvec[j])
                hx_b[k, pl.ds(j * 16, 16)] = hx_b[k, pl.ds(j * 16, 16)] * m

    def fire_scatter(idx_b, hs_b, ee_b, sem):
        for i in range(NI):
            pltpu.async_copy(hs_b.at[pl.ds(i * IDXB, IDXB)],
                             o_acc.at[idx_b.at[NI + i]], sem, add=True)

        @pl.when(c == 0)
        def _():
            for i in range(NI):
                pltpu.async_copy(ee_b.at[pl.ds(i * IDXB, IDXB)],
                                 s_acc.at[idx_b.at[NI + i]], sem, add=True)

    def wait_scatter(hs_b, ee_b, sem):
        for i in range(NI):
            pltpu.make_async_copy(hs_b.at[pl.ds(i * IDXB, IDXB)],
                                  o_acc.at[pl.ds(0, IDXB)], sem).wait()

        @pl.when(c == 0)
        def _():
            for i in range(NI):
                pltpu.make_async_copy(ee_b.at[pl.ds(i * IDXB, IDXB)],
                                      s_acc.at[pl.ds(0, IDXB)], sem).wait()

    fire(qbase, idx0, hx0, as0, ad0, sem_g0)

    def pair_body(p, carry):
        g0 = qbase + 2 * p
        fire(g0 + 1, idx1, hx1, as1, ad1, sem_g1)
        wait_gathers(hx0, as0, ad0, sem_g0)
        compute(hx0, as0, ad0, ee0)
        fire_scatter(idx0, hx0, ee0, sem_w0)
        wait_scatter(hx0, ee0, sem_w0)

        @pl.when(p < PAIRS - 1)
        def _():
            fire(g0 + 2, idx0, hx0, as0, ad0, sem_g0)

        wait_gathers(hx1, as1, ad1, sem_g1)
        compute(hx1, as1, ad1, ee1)
        fire_scatter(idx1, hx1, ee1, sem_w1)
        wait_scatter(hx1, ee1, sem_w1)
        return carry

    lax.fori_loop(0, PAIRS, pair_body, 0)
    plsc.subcore_barrier()

    pltpu.sync_copy(o_acc.at[pl.ds(r0, ROWS_PER_TILE)],
                    o_out.at[c].at[pl.ds(r0, ROWS_PER_TILE)])

    @pl.when(c == 0)
    def _():
        pltpu.sync_copy(s_acc.at[pl.ds(r0, ROWS_PER_TILE)],
                        s_out.at[pl.ds(r0, ROWS_PER_TILE)])


def _sc_edge(qarr, h_tab, ats, atd, zo, zs, *, interpret=False):
    mesh = plsc.VectorSubcoreMesh(core_axis_name="c", subcore_axis_name="s",
                                  num_cores=2, num_subcores=16)
    f = pl.kernel(
        _sc_body,
        out_type=(jax.ShapeDtypeStruct((2, N_PAD, HD), jnp.float32),
                  jax.ShapeDtypeStruct((N_PAD, 16), jnp.float32)),
        mesh=mesh,
        scratch_types=[
            pltpu.VMEM((2 * NI, IDXB), jnp.int32),
            pltpu.VMEM((2 * NI, IDXB), jnp.int32),
            pltpu.VMEM((CHUNK, HD), jnp.float32),
            pltpu.VMEM((CHUNK, HD), jnp.float32),
            pltpu.VMEM((CHUNK, 16), jnp.float32),
            pltpu.VMEM((CHUNK, 16), jnp.float32),
            pltpu.VMEM((CHUNK, 16), jnp.float32),
            pltpu.VMEM((CHUNK, 16), jnp.float32),
            pltpu.VMEM((CHUNK, 16), jnp.float32),
            pltpu.VMEM((CHUNK, 16), jnp.float32),
            pltpu.VMEM_SHARED((N_PAD, HD), jnp.float32),
            pltpu.VMEM_SHARED((N_PAD, 16), jnp.float32),
            pltpu.SemaphoreType.DMA,
            pltpu.SemaphoreType.DMA,
            pltpu.SemaphoreType.DMA,
            pltpu.SemaphoreType.DMA,
        ],
        compiler_params=pltpu.CompilerParams(use_tc_tiling_on_sc=False),
        interpret=interpret,
    )
    return f(qarr, h_tab, ats, atd, zo, zs)


_BLK = 2048


def _row_mask():
    rows = jax.lax.broadcasted_iota(jnp.int32, (_BLK, 1), 0)
    return rows + pl.program_id(0) * _BLK < N_NODES


def _tc_head_body(x_ref, w_ref, as_ref, ad_ref, hx_ref, ats_ref, atd_ref):
    h = jnp.dot(x_ref[...], w_ref[...], preferred_element_type=jnp.float32)
    ats = jnp.dot(h, as_ref[...], preferred_element_type=jnp.float32)
    ok = _row_mask()
    atd_ref[...] = jnp.dot(h, ad_ref[...], preferred_element_type=jnp.float32)
    h = jnp.where(ok, h, 0.0)
    hx_ref[0] = h[:, :HD]
    hx_ref[1] = h[:, HD:]
    ats_ref[...] = jnp.where(ok, ats, -1e30)


def _tc_mid_body(o_ref, s_ref, k1_ref, b_ref, w_ref, as_ref, ad_ref,
                 hx_ref, ats_ref, atd_ref):
    p = jnp.concatenate([o_ref[0], o_ref[1]], axis=1)
    rep = jnp.dot(s_ref[...], k1_ref[...], preferred_element_type=jnp.float32)
    h = p / (rep + 1e-16) + b_ref[...]
    h = jnp.where(h > 0, h, jnp.exp(h) - 1.0)
    h2 = jnp.dot(h, w_ref[...], preferred_element_type=jnp.float32)
    ats = jnp.dot(h2, as_ref[...], preferred_element_type=jnp.float32)
    ok = _row_mask()
    atd_ref[...] = jnp.dot(h2, ad_ref[...], preferred_element_type=jnp.float32)
    h2 = jnp.where(ok, h2, 0.0)
    hx_ref[0] = h2[:, :HD]
    hx_ref[1] = h2[:, HD:]
    ats_ref[...] = jnp.where(ok, ats, -1e30)


def _tc_fin_body(o_ref, s_ref, k2_ref, b_ref, out_ref):
    p = jnp.concatenate([o_ref[0], o_ref[1]], axis=1)
    rep = jnp.dot(s_ref[...], k2_ref[...], preferred_element_type=jnp.float32)
    out_ref[...] = p / (rep + 1e-16) + b_ref[...]


def _tc_head(xp, W, As, Ad, *, interpret=False):
    return pl.pallas_call(
        _tc_head_body,
        grid=(N_PAD // _BLK,),
        in_specs=[pl.BlockSpec((_BLK, 128), lambda i: (i, 0)),
                  pl.BlockSpec((128, 128), lambda i: (0, 0)),
                  pl.BlockSpec((128, 16), lambda i: (0, 0)),
                  pl.BlockSpec((128, 16), lambda i: (0, 0))],
        out_specs=[pl.BlockSpec((2, _BLK, HD), lambda i: (0, i, 0)),
                   pl.BlockSpec((_BLK, 16), lambda i: (i, 0)),
                   pl.BlockSpec((_BLK, 16), lambda i: (i, 0))],
        out_shape=[jax.ShapeDtypeStruct((2, N_PAD, HD), jnp.float32),
                   jax.ShapeDtypeStruct((N_PAD, 16), jnp.float32),
                   jax.ShapeDtypeStruct((N_PAD, 16), jnp.float32)],
        interpret=interpret,
    )(xp, W, As, Ad)


def _tc_mid(o1, s1, K1, b1, W2, As2, Ad2, *, interpret=False):
    return pl.pallas_call(
        _tc_mid_body,
        grid=(N_PAD // _BLK,),
        in_specs=[pl.BlockSpec((2, _BLK, HD), lambda i: (0, i, 0)),
                  pl.BlockSpec((_BLK, 16), lambda i: (i, 0)),
                  pl.BlockSpec((16, 128), lambda i: (0, 0)),
                  pl.BlockSpec((1, 128), lambda i: (0, 0)),
                  pl.BlockSpec((128, 128), lambda i: (0, 0)),
                  pl.BlockSpec((128, 16), lambda i: (0, 0)),
                  pl.BlockSpec((128, 16), lambda i: (0, 0))],
        out_specs=[pl.BlockSpec((2, _BLK, HD), lambda i: (0, i, 0)),
                   pl.BlockSpec((_BLK, 16), lambda i: (i, 0)),
                   pl.BlockSpec((_BLK, 16), lambda i: (i, 0))],
        out_shape=[jax.ShapeDtypeStruct((2, N_PAD, HD), jnp.float32),
                   jax.ShapeDtypeStruct((N_PAD, 16), jnp.float32),
                   jax.ShapeDtypeStruct((N_PAD, 16), jnp.float32)],
        interpret=interpret,
    )(o1, s1, K1, b1, W2, As2, Ad2)


def _tc_fin(o2, s2, K2, b2, *, interpret=False):
    return pl.pallas_call(
        _tc_fin_body,
        grid=(N_PAD // _BLK,),
        in_specs=[pl.BlockSpec((2, _BLK, HD), lambda i: (0, i, 0)),
                  pl.BlockSpec((_BLK, 16), lambda i: (i, 0)),
                  pl.BlockSpec((16, 128), lambda i: (0, 0)),
                  pl.BlockSpec((1, 128), lambda i: (0, 0))],
        out_specs=pl.BlockSpec((_BLK, 128), lambda i: (i, 0)),
        out_shape=jax.ShapeDtypeStruct((N_PAD, 128), jnp.float32),
        interpret=interpret,
    )(o2, s2, K2, b2)


def _prep(x, edge_index, att_src1, att_dst1, att_src2, att_dst2):
    loops = jnp.arange(N_NODES, dtype=edge_index.dtype)
    src = jnp.concatenate([edge_index[0], loops])
    dst = jnp.concatenate([edge_index[1], loops])
    pad_s = jnp.full((E_PAD - E_REAL,), PAD_SRC, dtype=src.dtype)
    pad_d = jnp.zeros((E_PAD - E_REAL,), dtype=dst.dtype)
    src4 = jnp.concatenate([src, pad_s]).reshape(16, N_CHUNKS, NI,
                                                 IDXB).astype(jnp.int32)
    dst4 = jnp.concatenate([dst, pad_d]).reshape(16, N_CHUNKS, NI,
                                                 IDXB).astype(jnp.int32)
    qarr = jnp.concatenate([src4, dst4], axis=2).reshape(
        16 * N_CHUNKS, 2 * NI, IDXB)
    xp = jnp.concatenate(
        [x, jnp.zeros((N_PAD - N_NODES, D), jnp.float32)], axis=0)

    eye8 = jnp.eye(8, dtype=jnp.float32)
    z816 = jnp.zeros((128, 8), jnp.float32)
    a1s = (att_src1[0][:, :, None] * eye8[:, None, :]).reshape(128, 8)
    a1d = (att_dst1[0][:, :, None] * eye8[:, None, :]).reshape(128, 8)
    As1 = jnp.concatenate([a1s, z816], axis=1)
    Ad1 = jnp.concatenate([a1d, z816], axis=1)
    As2 = jnp.concatenate(
        [jnp.broadcast_to(att_src2[0, 0][:, None], (128, 8)), z816], axis=1)
    Ad2 = jnp.concatenate(
        [jnp.broadcast_to(att_dst2[0, 0][:, None], (128, 8)), z816], axis=1)
    K1 = jnp.concatenate([jnp.repeat(eye8, 16, axis=1),
                          jnp.zeros((8, 128), jnp.float32)], axis=0)
    K2 = jnp.concatenate([jnp.full((8, 128), 0.125, jnp.float32),
                          jnp.zeros((8, 128), jnp.float32)], axis=0)
    zo = jnp.zeros((N_PAD, HD), jnp.float32)
    zs = jnp.zeros((N_PAD, 16), jnp.float32)
    return qarr, xp, As1, Ad1, As2, Ad2, K1, K2, zo, zs


def _gat2(x, edge_index, W1, att_src1, att_dst1, b1, W2, att_src2, att_dst2,
          b2, interpret=False):
    qarr, xp, As1, Ad1, As2, Ad2, K1, K2, zo, zs = _prep(
        x, edge_index, att_src1, att_dst1, att_src2, att_dst2)
    h1, ats1, atd1 = _tc_head(xp, W1, As1, Ad1, interpret=interpret)
    o1, s1 = _sc_edge(qarr, h1, ats1, atd1, zo, zs, interpret=interpret)
    h2, ats2, atd2 = _tc_mid(o1, s1, K1, b1.reshape(1, 128), W2, As2, Ad2,
                             interpret=interpret)
    o2, s2 = _sc_edge(qarr, h2, ats2, atd2, zo, zs, interpret=interpret)
    out = _tc_fin(o2, s2, K2, b2.reshape(1, 128), interpret=interpret)
    return out[:N_NODES]


def kernel(x, edge_index, W1, att_src1, att_dst1, b1, W2, att_src2, att_dst2,
           b2):
    return _gat2(x, edge_index, W1, att_src1, att_dst1, b1, W2, att_src2,
                 att_dst2, b2)

# --- scband reference (transcript-rebuilt; emitter-appended) ---
"""Pipeline reference for scband-gat-custom-36249523978301 (READ-ONLY COPY).

The authoritative reference and input builder live on the scoring server;
editing this copy changes nothing except your own understanding.
"""

import jax, jax.numpy as jnp
import numpy as np

N_NODES = 10000
N_EDGES = 320000
IN_CH = 128
HID = 16
HEADS = 8
OUT_CH = 128


def _add_self_loops(edge_index, num_nodes):
    loops = jnp.arange(num_nodes, dtype=edge_index.dtype)
    src = jnp.concatenate([edge_index[0], loops])
    dst = jnp.concatenate([edge_index[1], loops])
    return src, dst


def _gat_conv(x, src, dst, W, att_src, att_dst, bias, concat):
    N = x.shape[0]
    H = att_src.shape[1]
    C = att_src.shape[2]
    h = (x @ W).reshape(N, H, C)
    a_src = (h * att_src).sum(-1)
    a_dst = (h * att_dst).sum(-1)
    e = a_src[src] + a_dst[dst]
    e = jax.nn.leaky_relu(e, negative_slope=0.2)
    m = jax.ops.segment_max(e, dst, num_segments=N)
    m = jnp.where(jnp.isneginf(m), 0.0, m)
    ee = jnp.exp(e - m[dst])
    s = jax.ops.segment_sum(ee, dst, num_segments=N)
    alpha = ee / (s[dst] + 1e-16)
    out = jax.ops.segment_sum(h[src] * alpha[:, :, None], dst, num_segments=N)
    if concat:
        out = out.reshape(N, H * C)
    else:
        out = out.mean(axis=1)
    return out + bias


def setup_inputs(seed: int = 0):
    key = jax.random.key(seed)
    ks = jax.random.split(key, 10)
    x = jax.random.normal(ks[0], (N_NODES, IN_CH), dtype=jnp.float32)
    edge_index = jax.random.randint(ks[1], (2, N_EDGES), 0, N_NODES, dtype=jnp.int32)
    W1 = jax.random.normal(ks[2], (IN_CH, HEADS * HID), dtype=jnp.float32) * (1.0 / np.sqrt(IN_CH))
    att_src1 = jax.random.normal(ks[3], (1, HEADS, HID), dtype=jnp.float32) * 0.1
    att_dst1 = jax.random.normal(ks[4], (1, HEADS, HID), dtype=jnp.float32) * 0.1
    b1 = jnp.zeros((HEADS * HID,), dtype=jnp.float32)
    W2 = jax.random.normal(ks[5], (HEADS * HID, OUT_CH), dtype=jnp.float32) * (1.0 / np.sqrt(HEADS * HID))
    att_src2 = jax.random.normal(ks[6], (1, 1, OUT_CH), dtype=jnp.float32) * 0.1
    att_dst2 = jax.random.normal(ks[7], (1, 1, OUT_CH), dtype=jnp.float32) * 0.1
    b2 = jnp.zeros((OUT_CH,), dtype=jnp.float32)
    return {"x": x, "edge_index": edge_index, "W1": W1, "att_src1": att_src1, "att_dst1": att_dst1, "b1": b1, "W2": W2, "att_src2": att_src2, "att_dst2": att_dst2, "b2": b2}


def reference(x, edge_index, W1, att_src1, att_dst1, b1, W2, att_src2, att_dst2, b2):
    # GAT_Custom.forward_default in eval mode (dropout=0.0), num_layers=2,
    # skip_connection=False, jk=None. Self-loops added per PyG GATConv default.
    src, dst = _add_self_loops(edge_index, x.shape[0])
    h = _gat_conv(x, src, dst, W1, att_src1, att_dst1, b1, True)
    h = jax.nn.elu(h)
    out = _gat_conv(h, src, dst, W2, att_src2, att_dst2, b2, False)
    return out

if __name__ == "__main__":
    import jax
    _d = setup_inputs()
    print(jax.jit(kernel)(*tuple(_d.values())))

</pallas_src>

<mosaic_0001>
#map = affine_map<(d0, d1) -> (0, 0, 0)>
#map1 = affine_map<(d0, d1) -> (0, 0)>
module attributes {stable_mosaic.version = 14 : i64} {
  func.func @_sc_body(%arg0: i32, %arg1: i32, %arg2: memref<1344x4x128xi32, #tpu.memory_space<hbm>>, %arg3: memref<2x10240x64xf32, #tpu.memory_space<hbm>>, %arg4: memref<10240x16xf32, #tpu.memory_space<hbm>>, %arg5: memref<10240x16xf32, #tpu.memory_space<hbm>>, %arg6: memref<10240x64xf32, #tpu.memory_space<hbm>>, %arg7: memref<10240x16xf32, #tpu.memory_space<hbm>>, %arg8: memref<2x10240x64xf32, #tpu.memory_space<hbm>>, %arg9: memref<10240x16xf32, #tpu.memory_space<hbm>>, %arg10: memref<4x128xi32, #tpu.memory_space<vmem>>, %arg11: memref<4x128xi32, #tpu.memory_space<vmem>>, %arg12: memref<256x64xf32, #tpu.memory_space<vmem>>, %arg13: memref<256x64xf32, #tpu.memory_space<vmem>>, %arg14: memref<256x16xf32, #tpu.memory_space<vmem>>, %arg15: memref<256x16xf32, #tpu.memory_space<vmem>>, %arg16: memref<256x16xf32, #tpu.memory_space<vmem>>, %arg17: memref<256x16xf32, #tpu.memory_space<vmem>>, %arg18: memref<256x16xf32, #tpu.memory_space<vmem>>, %arg19: memref<256x16xf32, #tpu.memory_space<vmem>>, %arg20: memref<10240x64xf32, #tpu.memory_space<vmem_shared>>, %arg21: memref<10240x16xf32, #tpu.memory_space<vmem_shared>>, %arg22: memref<!tpu.dma_semaphore, #tpu.memory_space<semaphore_mem>>, %arg23: memref<!tpu.dma_semaphore, #tpu.memory_space<semaphore_mem>>, %arg24: memref<!tpu.dma_semaphore, #tpu.memory_space<semaphore_mem>>, %arg25: memref<!tpu.dma_semaphore, #tpu.memory_space<semaphore_mem>>) attributes {dimension_semantics = [#tpu.dimension_semantics<core_parallel>, #tpu.dimension_semantics<subcore_parallel>], iteration_bounds = array<i64: 2, 16>, scalar_prefetch = 0 : i64, scratch_operands = 16 : i64, tpu.core_type = #tpu.core_type<sc_vector_subcore>, window_params = [{transform_indices = #map}, {transform_indices = #map}, {transform_indices = #map1}, {transform_indices = #map1}, {transform_indices = #map1}, {transform_indices = #map1}, {transform_indices = #map}, {transform_indices = #map1}]} {
    %mul3A = arith.constant 640 : i32
    %mul3A_0 = arith.muli %arg1, %mul3A : i32
    "tpu.region"() ({
      %run_scoped3A = tpu.sem_alloc : memref<!tpu.dma_semaphore, #tpu.memory_space<semaphore_mem>>
      %dma_start3A_100 = arith.constant 0 : i32
      %dma_start3A_101 = tpu.memref_slice %arg20[%mul3A_0, %dma_start3A_100] : memref<10240x64xf32, #tpu.memory_space<vmem_shared>> -> memref<640x64xf32, #tpu.memory_space<vmem_shared>>
      %dma_start3A_102 = arith.constant 0 : i32
      %dma_start3A_103 = tpu.memref_slice %arg6[%mul3A_0, %dma_start3A_102] : memref<10240x64xf32, #tpu.memory_space<hbm>> -> memref<640x64xf32, #tpu.memory_space<hbm>>
      tpu.enqueue_dma source(%dma_start3A_103 : memref<640x64xf32, #tpu.memory_space<hbm>>) target(%dma_start3A_101 : memref<640x64xf32, #tpu.memory_space<vmem_shared>>) target_semaphore(%run_scoped3A : memref<!tpu.dma_semaphore, #tpu.memory_space<semaphore_mem>>)
      %dma_wait3A = arith.constant 0 : i32
      %dma_wait3A_104 = tpu.memref_slice %arg20[%mul3A_0, %dma_wait3A] : memref<10240x64xf32, #tpu.memory_space<vmem_shared>> -> memref<640x64xf32, #tpu.memory_space<vmem_shared>>
      %dma_wait3A_105 = arith.constant 0 : i32
      %dma_wait3A_106 = tpu.memref_slice %arg6[%mul3A_0, %dma_wait3A_105] : memref<10240x64xf32, #tpu.memory_space<hbm>> -> memref<640x64xf32, #tpu.memory_space<hbm>>
      tpu.wait_dma2 semaphore(%run_scoped3A : memref<!tpu.dma_semaphore, #tpu.memory_space<semaphore_mem>>) src(%dma_wait3A_106 : memref<640x64xf32, #tpu.memory_space<hbm>>) dst(%dma_wait3A_104 : memref<640x64xf32, #tpu.memory_space<vmem_shared>>)
      tpu.yield
    }) : () -> ()
    "tpu.region"() ({
      %run_scoped3A = tpu.sem_alloc : memref<!tpu.dma_semaphore, #tpu.memory_space<semaphore_mem>>
      %dma_start3A_100 = arith.constant 0 : i32
      %dma_start3A_101 = tpu.memref_slice %arg21[%mul3A_0, %dma_start3A_100] : memref<10240x16xf32, #tpu.memory_space<vmem_shared>> -> memref<640x16xf32, #tpu.memory_space<vmem_shared>>
      %dma_start3A_102 = arith.constant 0 : i32
      %dma_start3A_103 = tpu.memref_slice %arg7[%mul3A_0, %dma_start3A_102] : memref<10240x16xf32, #tpu.memory_space<hbm>> -> memref<640x16xf32, #tpu.memory_space<hbm>>
      tpu.enqueue_dma source(%dma_start3A_103 : memref<640x16xf32, #tpu.memory_space<hbm>>) target(%dma_start3A_101 : memref<640x16xf32, #tpu.memory_space<vmem_shared>>) target_semaphore(%run_scoped3A : memref<!tpu.dma_semaphore, #tpu.memory_space<semaphore_mem>>)
      %dma_wait3A = arith.constant 0 : i32
      %dma_wait3A_104 = tpu.memref_slice %arg21[%mul3A_0, %dma_wait3A] : memref<10240x16xf32, #tpu.memory_space<vmem_shared>> -> memref<640x16xf32, #tpu.memory_space<vmem_shared>>
      %dma_wait3A_105 = arith.constant 0 : i32
      %dma_wait3A_106 = tpu.memref_slice %arg7[%mul3A_0, %dma_wait3A_105] : memref<10240x16xf32, #tpu.memory_space<hbm>> -> memref<640x16xf32, #tpu.memory_space<hbm>>
      tpu.wait_dma2 semaphore(%run_scoped3A : memref<!tpu.dma_semaphore, #tpu.memory_space<semaphore_mem>>) src(%dma_wait3A_106 : memref<640x16xf32, #tpu.memory_space<hbm>>) dst(%dma_wait3A_104 : memref<640x16xf32, #tpu.memory_space<vmem_shared>>)
      tpu.yield
    }) : () -> ()
    %barrier3A = arith.constant 0 : index
    tpu.barrier barrier_id(%barrier3A)
    %broadcast_in_dim3A = arith.constant 0 : i32
    %broadcast_in_dim3A_1 = vector.broadcast %broadcast_in_dim3A : i32 to vector<16xi32>
    %mul3A_2 = arith.constant 4 : i32
    %mul3A_3 = arith.muli %arg0, %mul3A_2 : i32
    %add3A = vector.broadcast %mul3A_3 : i32 to vector<16xi32>
    %add3A_4 = arith.addi %broadcast_in_dim3A_1, %add3A : vector<16xi32>
    %broadcast_in_dim3A_5 = arith.constant 1 : i32
    %broadcast_in_dim3A_6 = vector.broadcast %broadcast_in_dim3A_5 : i32 to vector<16xi32>
    %mul3A_7 = arith.constant 4 : i32
    %mul3A_8 = arith.muli %arg0, %mul3A_7 : i32
    %add3A_9 = vector.broadcast %mul3A_8 : i32 to vector<16xi32>
    %add3A_10 = arith.addi %broadcast_in_dim3A_6, %add3A_9 : vector<16xi32>
    %broadcast_in_dim3A_11 = arith.constant 2 : i32
    %broadcast_in_dim3A_12 = vector.broadcast %broadcast_in_dim3A_11 : i32 to vector<16xi32>
    %mul3A_13 = arith.constant 4 : i32
    %mul3A_14 = arith.muli %arg0, %mul3A_13 : i32
    %add3A_15 = vector.broadcast %mul3A_14 : i32 to vector<16xi32>
    %add3A_16 = arith.addi %broadcast_in_dim3A_12, %add3A_15 : vector<16xi32>
    %broadcast_in_dim3A_17 = arith.constant 3 : i32
    %broadcast_in_dim3A_18 = vector.broadcast %broadcast_in_dim3A_17 : i32 to vector<16xi32>
    %mul3A_19 = arith.constant 4 : i32
    %mul3A_20 = arith.muli %arg0, %mul3A_19 : i32
    %add3A_21 = vector.broadcast %mul3A_20 : i32 to vector<16xi32>
    %add3A_22 = arith.addi %broadcast_in_dim3A_18, %add3A_21 : vector<16xi32>
    %mul3A_23 = arith.constant 84 : i32
    %mul3A_24 = arith.muli %arg1, %mul3A_23 : i32
    "tpu.region"() ({
      %run_scoped3A = tpu.sem_alloc : memref<!tpu.dma_semaphore, #tpu.memory_space<semaphore_mem>>
      %dma_start3A_100 = arith.constant 0 : i32
      %dma_start3A_101 = arith.constant 0 : i32
      %dma_start3A_102 = tpu.memref_slice %arg2[%mul3A_24, %dma_start3A_100, %dma_start3A_101] : memref<1344x4x128xi32, #tpu.memory_space<hbm>> -> memref<1x4x128xi32, #tpu.memory_space<hbm>>
      %dma_start3A_103 = tpu.memref_squeeze %dma_start3A_102 : memref<1x4x128xi32, #tpu.memory_space<hbm>> -> memref<4x128xi32, #tpu.memory_space<hbm>>
      %dma_start3A_104 = arith.constant 0 : i32
      %dma_start3A_105 = arith.constant 0 : i32
      %dma_start3A_106 = tpu.memref_slice %arg2[%mul3A_24, %dma_start3A_104, %dma_start3A_105] : memref<1344x4x128xi32, #tpu.memory_space<hbm>> -> memref<1x4x128xi32, #tpu.memory_space<hbm>>
      %dma_start3A_107 = tpu.memref_squeeze %dma_start3A_106 : memref<1x4x128xi32, #tpu.memory_space<hbm>> -> memref<4x128xi32, #tpu.memory_space<hbm>>
      tpu.enqueue_dma source(%dma_start3A_107 : memref<4x128xi32, #tpu.memory_space<hbm>>) target(%arg10 : memref<4x128xi32, #tpu.memory_space<vmem>>) target_semaphore(%run_scoped3A : memref<!tpu.dma_semaphore, #tpu.memory_space<semaphore_mem>>)
      %dma_wait3A = arith.constant 0 : i32
      %dma_wait3A_108 = arith.constant 0 : i32
      %dma_wait3A_109 = tpu.memref_slice %arg2[%mul3A_24, %dma_wait3A, %dma_wait3A_108] : memref<1344x4x128xi32, #tpu.memory_space<hbm>> -> memref<1x4x128xi32, #tpu.memory_space<hbm>>
      %dma_wait3A_110 = tpu.memref_squeeze %dma_wait3A_109 : memref<1x4x128xi32, #tpu.memory_space<hbm>> -> memref<4x128xi32, #tpu.memory_space<hbm>>
      %dma_wait3A_111 = arith.constant 0 : i32
      %dma_wait3A_112 = arith.constant 0 : i32
      %dma_wait3A_113 = tpu.memref_slice %arg2[%mul3A_24, %dma_wait3A_111, %dma_wait3A_112] : memref<1344x4x128xi32, #tpu.memory_space<hbm>> -> memref<1x4x128xi32, #tpu.memory_space<hbm>>
      %dma_wait3A_114 = tpu.memref_squeeze %dma_wait3A_113 : memref<1x4x128xi32, #tpu.memory_space<hbm>> -> memref<4x128xi32, #tpu.memory_space<hbm>>
      tpu.wait_dma2 semaphore(%run_scoped3A : memref<!tpu.dma_semaphore, #tpu.memory_space<semaphore_mem>>) src(%dma_wait3A_114 : memref<4x128xi32, #tpu.memory_space<hbm>>) dst(%arg10 : memref<4x128xi32, #tpu.memory_space<vmem>>)
      tpu.yield
    }) : () -> ()
    %dma_start3A = arith.constant 0 : i32
    %dma_start3A_25 = arith.constant 0 : i32
    %dma_start3A_26 = arith.constant 0 : i32
    %dma_start3A_27 = tpu.memref_slice %arg12[%dma_start3A_25, %dma_start3A_26] : memref<256x64xf32, #tpu.memory_space<vmem>> -> memref<128x64xf32, #tpu.memory_space<vmem>>
    %dma_start3A_28 = arith.constant 0 : i32
    %dma_start3A_29 = tpu.memref_slice %arg10[%dma_start3A, %dma_start3A_28] : memref<4x128xi32, #tpu.memory_space<vmem>> -> memref<1x128xi32, #tpu.memory_space<vmem>>
    %dma_start3A_30 = tpu.memref_squeeze %dma_start3A_29 : memref<1x128xi32, #tpu.memory_space<vmem>> -> memref<128xi32, #tpu.memory_space<vmem>>
    %dma_start3A_31 = arith.constant 0 : i32
    %dma_start3A_32 = arith.constant 0 : i32
    %dma_start3A_33 = tpu.memref_slice %arg3[%arg0, %dma_start3A_31, %dma_start3A_32] : memref<2x10240x64xf32, #tpu.memory_space<hbm>> -> memref<1x10240x64xf32, #tpu.memory_space<hbm>>
    %dma_start3A_34 = tpu.memref_squeeze %dma_start3A_33 : memref<1x10240x64xf32, #tpu.memory_space<hbm>> -> memref<10240x64xf32, #tpu.memory_space<hbm>>
    %dma_start3A_35 = arith.constant 0 : i32
    %dma_start3A_36 = arith.constant 0 : i32
    %dma_start3A_37 = tpu.memref_slice %dma_start3A_34[%dma_start3A_35, %dma_start3A_36] : memref<10240x64xf32, #tpu.memory_space<hbm>> -> memref<10240x64xf32, #tpu.memory_space<hbm>>
    tpu.enqueue_indirect_dma source(%dma_start3A_37 : memref<10240x64xf32, #tpu.memory_space<hbm>>) target(%dma_start3A_27 : memref<128x64xf32, #tpu.memory_space<vmem>>) offsets(%dma_start3A_30 : memref<128xi32, #tpu.memory_space<vmem>>) semaphore(%arg22 : memref<!tpu.dma_semaphore, #tpu.memory_space<semaphore_mem>>)
    %dma_start3A_38 = arith.constant 1 : i32
    %dma_start3A_39 = arith.constant 128 : i32
    %dma_start3A_40 = arith.constant 0 : i32
    %dma_start3A_41 = tpu.memref_slice %arg12[%dma_start3A_39, %dma_start3A_40] : memref<256x64xf32, #tpu.memory_space<vmem>> -> memref<128x64xf32, #tpu.memory_space<vmem>>
    %dma_start3A_42 = arith.constant 0 : i32
    %dma_start3A_43 = tpu.memref_slice %arg10[%dma_start3A_38, %dma_start3A_42] : memref<4x128xi32, #tpu.memory_space<vmem>> -> memref<1x128xi32, #tpu.memory_space<vmem>>
    %dma_start3A_44 = tpu.memref_squeeze %dma_start3A_43 : memref<1x128xi32, #tpu.memory_space<vmem>> -> memref<128xi32, #tpu.memory_space<vmem>>
    %dma_start3A_45 = arith.constant 0 : i32
    %dma_start3A_46 = arith.constant 0 : i32
    %dma_start3A_47 = tpu.memref_slice %arg3[%arg0, %dma_start3A_45, %dma_start3A_46] : memref<2x10240x64xf32, #tpu.memory_space<hbm>> -> memref<1x10240x64xf32, #tpu.memory_space<hbm>>
    %dma_start3A_48 = tpu.memref_squeeze %dma_start3A_47 : memref<1x10240x64xf32, #tpu.memory_space<hbm>> -> memref<10240x64xf32, #tpu.memory_space<hbm>>
    %dma_start3A_49 = arith.constant 0 : i32
    %dma_start3A_50 = arith.constant 0 : i32
    %dma_start3A_51 = tpu.memref_slice %dma_start3A_48[%dma_start3A_49, %dma_start3A_50] : memref<10240x64xf32, #tpu.memory_space<hbm>> -> memref<10240x64xf32, #tpu.memory_space<hbm>>
    tpu.enqueue_indirect_dma source(%dma_start3A_51 : memref<10240x64xf32, #tpu.memory_space<hbm>>) target(%dma_start3A_41 : memref<128x64xf32, #tpu.memory_space<vmem>>) offsets(%dma_start3A_44 : memref<128xi32, #tpu.memory_space<vmem>>) semaphore(%arg22 : memref<!tpu.dma_semaphore, #tpu.memory_space<semaphore_mem>>)
    %dma_start3A_52 = arith.constant 0 : i32
    %dma_start3A_53 = arith.constant 0 : i32
    %dma_start3A_54 = arith.constant 0 : i32
    %dma_start3A_55 = tpu.memref_slice %arg16[%dma_start3A_53, %dma_start3A_54] : memref<256x16xf32, #tpu.memory_space<vmem>> -> memref<128x16xf32, #tpu.memory_space<vmem>>
    %dma_start3A_56 = arith.constant 0 : i32
    %dma_start3A_57 = tpu.memref_slice %arg10[%dma_start3A_52, %dma_start3A_56] : memref<4x128xi32, #tpu.memory_space<vmem>> -> memref<1x128xi32, #tpu.memory_space<vmem>>
    %dma_start3A_58 = tpu.memref_squeeze %dma_start3A_57 : memref<1x128xi32, #tpu.memory_space<vmem>> -> memref<128xi32, #tpu.memory_space<vmem>>
    %dma_start3A_59 = arith.constant 0 : i32
    %dma_start3A_60 = arith.constant 0 : i32
    %dma_start3A_61 = tpu.memref_slice %arg4[%dma_start3A_59, %dma_start3A_60] : memref<10240x16xf32, #tpu.memory_space<hbm>> -> memref<10240x16xf32, #tpu.memory_space<hbm>>
    tpu.enqueue_indirect_dma source(%dma_start3A_61 : memref<10240x16xf32, #tpu.memory_space<hbm>>) target(%dma_start3A_55 : memref<128x16xf32, #tpu.memory_space<vmem>>) offsets(%dma_start3A_58 : memref<128xi32, #tpu.memory_space<vmem>>) semaphore(%arg22 : memref<!tpu.dma_semaphore, #tpu.memory_space<semaphore_mem>>)
    %dma_start3A_62 = arith.constant 1 : i32
    %dma_start3A_63 = arith.constant 128 : i32
    %dma_start3A_64 = arith.constant 0 : i32
    %dma_start3A_65 = tpu.memref_slice %arg16[%dma_start3A_63, %dma_start3A_64] : memref<256x16xf32, #tpu.memory_space<vmem>> -> memref<128x16xf32, #tpu.memory_space<vmem>>
    %dma_start3A_66 = arith.constant 0 : i32
    %dma_start3A_67 = tpu.memref_slice %arg10[%dma_start3A_62, %dma_start3A_66] : memref<4x128xi32, #tpu.memory_space<vmem>> -> memref<1x128xi32, #tpu.memory_space<vmem>>
    %dma_start3A_68 = tpu.memref_squeeze %dma_start3A_67 : memref<1x128xi32, #tpu.memory_space<vmem>> -> memref<128xi32, #tpu.memory_space<vmem>>
    %dma_start3A_69 = arith.constant 0 : i32
    %dma_start3A_70 = arith.constant 0 : i32
    %dma_start3A_71 = tpu.memref_slice %arg4[%dma_start3A_69, %dma_start3A_70] : memref<10240x16xf32, #tpu.memory_space<hbm>> -> memref<10240x16xf32, #tpu.memory_space<hbm>>
    tpu.enqueue_indirect_dma source(%dma_start3A_71 : memref<10240x16xf32, #tpu.memory_space<hbm>>) target(%dma_start3A_65 : memref<128x16xf32, #tpu.memory_space<vmem>>) offsets(%dma_start3A_68 : memref<128xi32, #tpu.memory_space<vmem>>) semaphore(%arg22 : memref<!tpu.dma_semaphore, #tpu.memory_space<semaphore_mem>>)
    %dma_start3A_72 = arith.constant 2 : i32
    %dma_start3A_73 = arith.constant 0 : i32
    %dma_start3A_74 = arith.constant 0 : i32
    %dma_start3A_75 = tpu.memref_slice %arg18[%dma_start3A_73, %dma_start3A_74] : memref<256x16xf32, #tpu.memory_space<vmem>> -> memref<128x16xf32, #tpu.memory_space<vmem>>
    %dma_start3A_76 = arith.constant 0 : i32
    %dma_start3A_77 = tpu.memref_slice %arg10[%dma_start3A_72, %dma_start3A_76] : memref<4x128xi32, #tpu.memory_space<vmem>> -> memref<1x128xi32, #tpu.memory_space<vmem>>
    %dma_start3A_78 = tpu.memref_squeeze %dma_start3A_77 : memref<1x128xi32, #tpu.memory_space<vmem>> -> memref<128xi32, #tpu.memory_space<vmem>>
    %dma_start3A_79 = arith.constant 0 : i32
    %dma_start3A_80 = arith.constant 0 : i32
    %dma_start3A_81 = tpu.memref_slice %arg5[%dma_start3A_79, %dma_start3A_80] : memref<10240x16xf32, #tpu.memory_space<hbm>> -> memref<10240x16xf32, #tpu.memory_space<hbm>>
    tpu.enqueue_indirect_dma source(%dma_start3A_81 : memref<10240x16xf32, #tpu.memory_space<hbm>>) target(%dma_start3A_75 : memref<128x16xf32, #tpu.memory_space<vmem>>) offsets(%dma_start3A_78 : memref<128xi32, #tpu.memory_space<vmem>>) semaphore(%arg22 : memref<!tpu.dma_semaphore, #tpu.memory_space<semaphore_mem>>)
    %dma_start3A_82 = arith.constant 3 : i32
    %dma_start3A_83 = arith.constant 128 : i32
    %dma_start3A_84 = arith.constant 0 : i32
    %dma_start3A_85 = tpu.memref_slice %arg18[%dma_start3A_83, %dma_start3A_84] : memref<256x16xf32, #tpu.memory_space<vmem>> -> memref<128x16xf32, #tpu.memory_space<vmem>>
    %dma_start3A_86 = arith.constant 0 : i32
    %dma_start3A_87 = tpu.memref_slice %arg10[%dma_start3A_82, %dma_start3A_86] : memref<4x128xi32, #tpu.memory_space<vmem>> -> memref<1x128xi32, #tpu.memory_space<vmem>>
    %dma_start3A_88 = tpu.memref_squeeze %dma_start3A_87 : memref<1x128xi32, #tpu.memory_space<vmem>> -> memref<128xi32, #tpu.memory_space<vmem>>
    %dma_start3A_89 = arith.constant 0 : i32
    %dma_start3A_90 = arith.constant 0 : i32
    %dma_start3A_91 = tpu.memref_slice %arg5[%dma_start3A_89, %dma_start3A_90] : memref<10240x16xf32, #tpu.memory_space<hbm>> -> memref<10240x16xf32, #tpu.memory_space<hbm>>
    tpu.enqueue_indirect_dma source(%dma_start3A_91 : memref<10240x16xf32, #tpu.memory_space<hbm>>) target(%dma_start3A_85 : memref<128x16xf32, #tpu.memory_space<vmem>>) offsets(%dma_start3A_88 : memref<128xi32, #tpu.memory_space<vmem>>) semaphore(%arg22 : memref<!tpu.dma_semaphore, #tpu.memory_space<semaphore_mem>>)
    %scan3A = arith.constant 0 : i32
    %scan3A_92 = arith.constant 0 : i32
    %scan3A_93 = arith.constant 42 : i32
    %scan3A_94 = arith.addi %scan3A_92, %scan3A_93 : i32
    %scan3A_95 = arith.constant 1 : i32
    scf.for %scan3A_100 = %scan3A_92 to %scan3A_94 step %scan3A_95  : i32 {
      %mul3A_101 = arith.constant 2 : i32
      %mul3A_102 = arith.muli %mul3A_101, %scan3A_100 : i32
      %add3A_103 = arith.addi %mul3A_24, %mul3A_102 : i32
      %add3A_104 = arith.constant 1 : i32
      %add3A_105 = arith.addi %add3A_103, %add3A_104 : i32
      "tpu.region"() ({
        %run_scoped3A = tpu.sem_alloc : memref<!tpu.dma_semaphore, #tpu.memory_space<semaphore_mem>>
        %dma_start3A_466 = arith.constant 0 : i32
        %dma_start3A_467 = arith.constant 0 : i32
        %dma_start3A_468 = tpu.memref_slice %arg2[%add3A_105, %dma_start3A_466, %dma_start3A_467] : memref<1344x4x128xi32, #tpu.memory_space<hbm>> -> memref<1x4x128xi32, #tpu.memory_space<hbm>>
        %dma_start3A_469 = tpu.memref_squeeze %dma_start3A_468 : memref<1x4x128xi32, #tpu.memory_space<hbm>> -> memref<4x128xi32, #tpu.memory_space<hbm>>
        %dma_start3A_470 = arith.constant 0 : i32
        %dma_start3A_471 = arith.constant 0 : i32
        %dma_start3A_472 = tpu.memref_slice %arg2[%add3A_105, %dma_start3A_470, %dma_start3A_471] : memref<1344x4x128xi32, #tpu.memory_space<hbm>> -> memref<1x4x128xi32, #tpu.memory_space<hbm>>
        %dma_start3A_473 = tpu.memref_squeeze %dma_start3A_472 : memref<1x4x128xi32, #tpu.memory_space<hbm>> -> memref<4x128xi32, #tpu.memory_space<hbm>>
        tpu.enqueue_dma source(%dma_start3A_473 : memref<4x128xi32, #tpu.memory_space<hbm>>) target(%arg11 : memref<4x128xi32, #tpu.memory_space<vmem>>) target_semaphore(%run_scoped3A : memref<!tpu.dma_semaphore, #tpu.memory_space<semaphore_mem>>)
        %dma_wait3A_474 = arith.constant 0 : i32
        %dma_wait3A_475 = arith.constant 0 : i32
        %dma_wait3A_476 = tpu.memref_slice %arg2[%add3A_105, %dma_wait3A_474, %dma_wait3A_475] : memref<1344x4x128xi32, #tpu.memory_space<hbm>> -> memref<1x4x128xi32, #tpu.memory_space<hbm>>
        %dma_wait3A_477 = tpu.memref_squeeze %dma_wait3A_476 : memref<1x4x128xi32, #tpu.memory_space<hbm>> -> memref<4x128xi32, #tpu.memory_space<hbm>>
        %dma_wait3A_478 = arith.constant 0 : i32
        %dma_wait3A_479 = arith.constant 0 : i32
        %dma_wait3A_480 = tpu.memref_slice %arg2[%add3A_105, %dma_wait3A_478, %dma_wait3A_479] : memref<1344x4x128xi32, #tpu.memory_space<hbm>> -> memref<1x4x128xi32, #tpu.memory_space<hbm>>
        %dma_wait3A_481 = tpu.memref_squeeze %dma_wait3A_480 : memref<1x4x128xi32, #tpu.memory_space<hbm>> -> memref<4x128xi32, #tpu.memory_space<hbm>>
        tpu.wait_dma2 semaphore(%run_scoped3A : memref<!tpu.dma_semaphore, #tpu.memory_space<semaphore_mem>>) src(%dma_wait3A_481 : memref<4x128xi32, #tpu.memory_space<hbm>>) dst(%arg11 : memref<4x128xi32, #tpu.memory_space<vmem>>)
        tpu.yield
      }) : () -> ()
      %dma_start3A_106 = arith.constant 0 : i32
      %dma_start3A_107 = arith.constant 0 : i32
      %dma_start3A_108 = arith.constant 0 : i32
      %dma_start3A_109 = tpu.memref_slice %arg13[%dma_start3A_107, %dma_start3A_108] : memref<256x64xf32, #tpu.memory_space<vmem>> -> memref<128x64xf32, #tpu.memory_space<vmem>>
      %dma_start3A_110 = arith.constant 0 : i32
      %dma_start3A_111 = tpu.memref_slice %arg11[%dma_start3A_106, %dma_start3A_110] : memref<4x128xi32, #tpu.memory_space<vmem>> -> memref<1x128xi32, #tpu.memory_space<vmem>>
      %dma_start3A_112 = tpu.memref_squeeze %dma_start3A_111 : memref<1x128xi32, #tpu.memory_space<vmem>> -> memref<128xi32, #tpu.memory_space<vmem>>
      %dma_start3A_113 = arith.constant 0 : i32
      %dma_start3A_114 = arith.constant 0 : i32
      %dma_start3A_115 = tpu.memref_slice %arg3[%arg0, %dma_start3A_113, %dma_start3A_114] : memref<2x10240x64xf32, #tpu.memory_space<hbm>> -> memref<1x10240x64xf32, #tpu.memory_space<hbm>>
      %dma_start3A_116 = tpu.memref_squeeze %dma_start3A_115 : memref<1x10240x64xf32, #tpu.memory_space<hbm>> -> memref<10240x64xf32, #tpu.memory_space<hbm>>
      %dma_start3A_117 = arith.constant 0 : i32
      %dma_start3A_118 = arith.constant 0 : i32
      %dma_start3A_119 = tpu.memref_slice %dma_start3A_116[%dma_start3A_117, %dma_start3A_118] : memref<10240x64xf32, #tpu.memory_space<hbm>> -> memref<10240x64xf32, #tpu.memory_space<hbm>>
      tpu.enqueue_indirect_dma source(%dma_start3A_119 : memref<10240x64xf32, #tpu.memory_space<hbm>>) target(%dma_start3A_109 : memref<128x64xf32, #tpu.memory_space<vmem>>) offsets(%dma_start3A_112 : memref<128xi32, #tpu.memory_space<vmem>>) semaphore(%arg23 : memref<!tpu.dma_semaphore, #tpu.memory_space<semaphore_mem>>)
      %dma_start3A_120 = arith.constant 1 : i32
      %dma_start3A_121 = arith.constant 128 : i32
      %dma_start3A_122 = arith.constant 0 : i32
      %dma_start3A_123 = tpu.memref_slice %arg13[%dma_start3A_121, %dma_start3A_122] : memref<256x64xf32, #tpu.memory_space<vmem>> -> memref<128x64xf32, #tpu.memory_space<vmem>>
      %dma_start3A_124 = arith.constant 0 : i32
      %dma_start3A_125 = tpu.memref_slice %arg11[%dma_start3A_120, %dma_start3A_124] : memref<4x128xi32, #tpu.memory_space<vmem>> -> memref<1x128xi32, #tpu.memory_space<vmem>>
      %dma_start3A_126 = tpu.memref_squeeze %dma_start3A_125 : memref<1x128xi32, #tpu.memory_space<vmem>> -> memref<128xi32, #tpu.memory_space<vmem>>
      %dma_start3A_127 = arith.constant 0 : i32
      %dma_start3A_128 = arith.constant 0 : i32
      %dma_start3A_129 = tpu.memref_slice %arg3[%arg0, %dma_start3A_127, %dma_start3A_128] : memref<2x10240x64xf32, #tpu.memory_space<hbm>> -> memref<1x10240x64xf32, #tpu.memory_space<hbm>>
      %dma_start3A_130 = tpu.memref_squeeze %dma_start3A_129 : memref<1x10240x64xf32, #tpu.memory_space<hbm>> -> memref<10240x64xf32, #tpu.memory_space<hbm>>
      %dma_start3A_131 = arith.constant 0 : i32
      %dma_start3A_132 = arith.constant 0 : i32
      %dma_start3A_133 = tpu.memref_slice %dma_start3A_130[%dma_start3A_131, %dma_start3A_132] : memref<10240x64xf32, #tpu.memory_space<hbm>> -> memref<10240x64xf32, #tpu.memory_space<hbm>>
      tpu.enqueue_indirect_dma source(%dma_start3A_133 : memref<10240x64xf32, #tpu.memory_space<hbm>>) target(%dma_start3A_123 : memref<128x64xf32, #tpu.memory_space<vmem>>) offsets(%dma_start3A_126 : memref<128xi32, #tpu.memory_space<vmem>>) semaphore(%arg23 : memref<!tpu.dma_semaphore, #tpu.memory_space<semaphore_mem>>)
      %dma_start3A_134 = arith.constant 0 : i32
      %dma_start3A_135 = arith.constant 0 : i32
      %dma_start3A_136 = arith.constant 0 : i32
      %dma_start3A_137 = tpu.memref_slice %arg17[%dma_start3A_135, %dma_start3A_136] : memref<256x16xf32, #tpu.memory_space<vmem>> -> memref<128x16xf32, #tpu.memory_space<vmem>>
      %dma_start3A_138 = arith.constant 0 : i32
      %dma_start3A_139 = tpu.memref_slice %arg11[%dma_start3A_134, %dma_start3A_138] : memref<4x128xi32, #tpu.memory_space<vmem>> -> memref<1x128xi32, #tpu.memory_space<vmem>>
      %dma_start3A_140 = tpu.memref_squeeze %dma_start3A_139 : memref<1x128xi32, #tpu.memory_space<vmem>> -> memref<128xi32, #tpu.memory_space<vmem>>
      %dma_start3A_141 = arith.constant 0 : i32
      %dma_start3A_142 = arith.constant 0 : i32
      %dma_start3A_143 = tpu.memref_slice %arg4[%dma_start3A_141, %dma_start3A_142] : memref<10240x16xf32, #tpu.memory_space<hbm>> -> memref<10240x16xf32, #tpu.memory_space<hbm>>
      tpu.enqueue_indirect_dma source(%dma_start3A_143 : memref<10240x16xf32, #tpu.memory_space<hbm>>) target(%dma_start3A_137 : memref<128x16xf32, #tpu.memory_space<vmem>>) offsets(%dma_start3A_140 : memref<128xi32, #tpu.memory_space<vmem>>) semaphore(%arg23 : memref<!tpu.dma_semaphore, #tpu.memory_space<semaphore_mem>>)
      %dma_start3A_144 = arith.constant 1 : i32
      %dma_start3A_145 = arith.constant 128 : i32
      %dma_start3A_146 = arith.constant 0 : i32
      %dma_start3A_147 = tpu.memref_slice %arg17[%dma_start3A_145, %dma_start3A_146] : memref<256x16xf32, #tpu.memory_space<vmem>> -> memref<128x16xf32, #tpu.memory_space<vmem>>
      %dma_start3A_148 = arith.constant 0 : i32
      %dma_start3A_149 = tpu.memref_slice %arg11[%dma_start3A_144, %dma_start3A_148] : memref<4x128xi32, #tpu.memory_space<vmem>> -> memref<1x128xi32, #tpu.memory_space<vmem>>
      %dma_start3A_150 = tpu.memref_squeeze %dma_start3A_149 : memref<1x128xi32, #tpu.memory_space<vmem>> -> memref<128xi32, #tpu.memory_space<vmem>>
      %dma_start3A_151 = arith.constant 0 : i32
      %dma_start3A_152 = arith.constant 0 : i32
      %dma_start3A_153 = tpu.memref_slice %arg4[%dma_start3A_151, %dma_start3A_152] : memref<10240x16xf32, #tpu.memory_space<hbm>> -> memref<10240x16xf32, #tpu.memory_space<hbm>>
      tpu.enqueue_indirect_dma source(%dma_start3A_153 : memref<10240x16xf32, #tpu.memory_space<hbm>>) target(%dma_start3A_147 : memref<128x16xf32, #tpu.memory_space<vmem>>) offsets(%dma_start3A_150 : memref<128xi32, #tpu.memory_space<vmem>>) semaphore(%arg23 : memref<!tpu.dma_semaphore, #tpu.memory_space<semaphore_mem>>)
      %dma_start3A_154 = arith.constant 2 : i32
      %dma_start3A_155 = arith.constant 0 : i32
      %dma_start3A_156 = arith.constant 0 : i32
      %dma_start3A_157 = tpu.memref_slice %arg19[%dma_start3A_155, %dma_start3A_156] : memref<256x16xf32, #tpu.memory_space<vmem>> -> memref<128x16xf32, #tpu.memory_space<vmem>>
      %dma_start3A_158 = arith.constant 0 : i32
      %dma_start3A_159 = tpu.memref_slice %arg11[%dma_start3A_154, %dma_start3A_158] : memref<4x128xi32, #tpu.memory_space<vmem>> -> memref<1x128xi32, #tpu.memory_space<vmem>>
      %dma_start3A_160 = tpu.memref_squeeze %dma_start3A_159 : memref<1x128xi32, #tpu.memory_space<vmem>> -> memref<128xi32, #tpu.memory_space<vmem>>
      %dma_start3A_161 = arith.constant 0 : i32
      %dma_start3A_162 = arith.constant 0 : i32
      %dma_start3A_163 = tpu.memref_slice %arg5[%dma_start3A_161, %dma_start3A_162] : memref<10240x16xf32, #tpu.memory_space<hbm>> -> memref<10240x16xf32, #tpu.memory_space<hbm>>
      tpu.enqueue_indirect_dma source(%dma_start3A_163 : memref<10240x16xf32, #tpu.memory_space<hbm>>) target(%dma_start3A_157 : memref<128x16xf32, #tpu.memory_space<vmem>>) offsets(%dma_start3A_160 : memref<128xi32, #tpu.memory_space<vmem>>) semaphore(%arg23 : memref<!tpu.dma_semaphore, #tpu.memory_space<semaphore_mem>>)
      %dma_start3A_164 = arith.constant 3 : i32
      %dma_start3A_165 = arith.constant 128 : i32
      %dma_start3A_166 = arith.constant 0 : i32
      %dma_start3A_167 = tpu.memref_slice %arg19[%dma_start3A_165, %dma_start3A_166] : memref<256x16xf32, #tpu.memory_space<vmem>> -> memref<128x16xf32, #tpu.memory_space<vmem>>
      %dma_start3A_168 = arith.constant 0 : i32
      %dma_start3A_169 = tpu.memref_slice %arg11[%dma_start3A_164, %dma_start3A_168] : memref<4x128xi32, #tpu.memory_space<vmem>> -> memref<1x128xi32, #tpu.memory_space<vmem>>
      %dma_start3A_170 = tpu.memref_squeeze %dma_start3A_169 : memref<1x128xi32, #tpu.memory_space<vmem>> -> memref<128xi32, #tpu.memory_space<vmem>>
      %dma_start3A_171 = arith.constant 0 : i32
      %dma_start3A_172 = arith.constant 0 : i32
      %dma_start3A_173 = tpu.memref_slice %arg5[%dma_start3A_171, %dma_start3A_172] : memref<10240x16xf32, #tpu.memory_space<hbm>> -> memref<10240x16xf32, #tpu.memory_space<hbm>>
      tpu.enqueue_indirect_dma source(%dma_start3A_173 : memref<10240x16xf32, #tpu.memory_space<hbm>>) target(%dma_start3A_167 : memref<128x16xf32, #tpu.memory_space<vmem>>) offsets(%dma_start3A_170 : memref<128xi32, #tpu.memory_space<vmem>>) semaphore(%arg23 : memref<!tpu.dma_semaphore, #tpu.memory_space<semaphore_mem>>)
      %dma_wait3A = arith.constant 0 : i32
      %dma_wait3A_174 = arith.constant 0 : i32
      %dma_wait3A_175 = tpu.memref_slice %arg12[%dma_wait3A, %dma_wait3A_174] : memref<256x64xf32, #tpu.memory_space<vmem>> -> memref<128x64xf32, #tpu.memory_space<vmem>>
      %dma_wait3A_176 = arith.constant 0 : i32
      %dma_wait3A_177 = arith.constant 0 : i32
      %dma_wait3A_178 = tpu.memref_slice %arg3[%arg0, %dma_wait3A_176, %dma_wait3A_177] : memref<2x10240x64xf32, #tpu.memory_space<hbm>> -> memref<1x10240x64xf32, #tpu.memory_space<hbm>>
      %dma_wait3A_179 = tpu.memref_squeeze %dma_wait3A_178 : memref<1x10240x64xf32, #tpu.memory_space<hbm>> -> memref<10240x64xf32, #tpu.memory_space<hbm>>
      %dma_wait3A_180 = arith.constant 0 : i32
      %dma_wait3A_181 = arith.constant 0 : i32
      %dma_wait3A_182 = tpu.memref_slice %dma_wait3A_179[%dma_wait3A_180, %dma_wait3A_181] : memref<10240x64xf32, #tpu.memory_space<hbm>> -> memref<128x64xf32, #tpu.memory_space<hbm>>
      %dma_wait3A_183 = arith.constant 0 : i32
      %dma_wait3A_184 = arith.constant 0 : i32
      %dma_wait3A_185 = tpu.memref_slice %arg12[%dma_wait3A_183, %dma_wait3A_184] : memref<256x64xf32, #tpu.memory_space<vmem>> -> memref<128x64xf32, #tpu.memory_space<vmem>>
      %dma_wait3A_186 = arith.constant 0 : i32
      %dma_wait3A_187 = arith.constant 0 : i32
      %dma_wait3A_188 = tpu.memref_slice %arg3[%arg0, %dma_wait3A_186, %dma_wait3A_187] : memref<2x10240x64xf32, #tpu.memory_space<hbm>> -> memref<1x10240x64xf32, #tpu.memory_space<hbm>>
      %dma_wait3A_189 = tpu.memref_squeeze %dma_wait3A_188 : memref<1x10240x64xf32, #tpu.memory_space<hbm>> -> memref<10240x64xf32, #tpu.memory_space<hbm>>
      %dma_wait3A_190 = arith.constant 0 : i32
      %dma_wait3A_191 = arith.constant 0 : i32
      %dma_wait3A_192 = tpu.memref_slice %dma_wait3A_189[%dma_wait3A_190, %dma_wait3A_191] : memref<10240x64xf32, #tpu.memory_space<hbm>> -> memref<128x64xf32, #tpu.memory_space<hbm>>
      tpu.wait_dma2 semaphore(%arg22 : memref<!tpu.dma_semaphore, #tpu.memory_space<semaphore_mem>>) src(%dma_wait3A_192 : memref<128x64xf32, #tpu.memory_space<hbm>>) dst(%dma_wait3A_185 : memref<128x64xf32, #tpu.memory_space<vmem>>)
      %dma_wait3A_193 = arith.constant 128 : i32
      %dma_wait3A_194 = arith.constant 0 : i32
      %dma_wait3A_195 = tpu.memref_slice %arg12[%dma_wait3A_193, %dma_wait3A_194] : memref<256x64xf32, #tpu.memory_space<vmem>> -> memref<128x64xf32, #tpu.memory_space<vmem>>
      %dma_wait3A_196 = arith.constant 0 : i32
      %dma_wait3A_197 = arith.constant 0 : i32
      %dma_wait3A_198 = tpu.memref_slice %arg3[%arg0, %dma_wait3A_196, %dma_wait3A_197] : memref<2x10240x64xf32, #tpu.memory_space<hbm>> -> memref<1x10240x64xf32, #tpu.memory_space<hbm>>
      %dma_wait3A_199 = tpu.memref_squeeze %dma_wait3A_198 : memref<1x10240x64xf32, #tpu.memory_space<hbm>> -> memref<10240x64xf32, #tpu.memory_space<hbm>>
      %dma_wait3A_200 = arith.constant 0 : i32
      %dma_wait3A_201 = arith.constant 0 : i32
      %dma_wait3A_202 = tpu.memref_slice %dma_wait3A_199[%dma_wait3A_200, %dma_wait3A_201] : memref<10240x64xf32, #tpu.memory_space<hbm>> -> memref<128x64xf32, #tpu.memory_space<hbm>>
      %dma_wait3A_203 = arith.constant 128 : i32
      %dma_wait3A_204 = arith.constant 0 : i32
      %dma_wait3A_205 = tpu.memref_slice %arg12[%dma_wait3A_203, %dma_wait3A_204] : memref<256x64xf32, #tpu.memory_space<vmem>> -> memref<128x64xf32, #tpu.memory_space<vmem>>
      %dma_wait3A_206 = arith.constant 0 : i32
      %dma_wait3A_207 = arith.constant 0 : i32
      %dma_wait3A_208 = tpu.memref_slice %arg3[%arg0, %dma_wait3A_206, %dma_wait3A_207] : memref<2x10240x64xf32, #tpu.memory_space<hbm>> -> memref<1x10240x64xf32, #tpu.memory_space<hbm>>
      %dma_wait3A_209 = tpu.memref_squeeze %dma_wait3A_208 : memref<1x10240x64xf32, #tpu.memory_space<hbm>> -> memref<10240x64xf32, #tpu.memory_space<hbm>>
      %dma_wait3A_210 = arith.constant 0 : i32
      %dma_wait3A_211 = arith.constant 0 : i32
      %dma_wait3A_212 = tpu.memref_slice %dma_wait3A_209[%dma_wait3A_210, %dma_wait3A_211] : memref<10240x64xf32, #tpu.memory_space<hbm>> -> memref<128x64xf32, #tpu.memory_space<hbm>>
      tpu.wait_dma2 semaphore(%arg22 : memref<!tpu.dma_semaphore, #tpu.memory_space<semaphore_mem>>) src(%dma_wait3A_212 : memref<128x64xf32, #tpu.memory_space<hbm>>) dst(%dma_wait3A_205 : memref<128x64xf32, #tpu.memory_space<vmem>>)
      %dma_wait3A_213 = arith.constant 0 : i32
      %dma_wait3A_214 = arith.constant 0 : i32
      %dma_wait3A_215 = tpu.memref_slice %arg16[%dma_wait3A_213, %dma_wait3A_214] : memref<256x16xf32, #tpu.memory_space<vmem>> -> memref<128x16xf32, #tpu.memory_space<vmem>>
      %dma_wait3A_216 = arith.constant 0 : i32
      %dma_wait3A_217 = arith.constant 0 : i32
      %dma_wait3A_218 = tpu.memref_slice %arg4[%dma_wait3A_216, %dma_wait3A_217] : memref<10240x16xf32, #tpu.memory_space<hbm>> -> memref<128x16xf32, #tpu.memory_space<hbm>>
      %dma_wait3A_219 = arith.constant 0 : i32
      %dma_wait3A_220 = arith.constant 0 : i32
      %dma_wait3A_221 = tpu.memref_slice %arg16[%dma_wait3A_219, %dma_wait3A_220] : memref<256x16xf32, #tpu.memory_space<vmem>> -> memref<128x16xf32, #tpu.memory_space<vmem>>
      %dma_wait3A_222 = arith.constant 0 : i32
      %dma_wait3A_223 = arith.constant 0 : i32
      %dma_wait3A_224 = tpu.memref_slice %arg4[%dma_wait3A_222, %dma_wait3A_223] : memref<10240x16xf32, #tpu.memory_space<hbm>> -> memref<128x16xf32, #tpu.memory_space<hbm>>
      tpu.wait_dma2 semaphore(%arg22 : memref<!tpu.dma_semaphore, #tpu.memory_space<semaphore_mem>>) src(%dma_wait3A_224 : memref<128x16xf32, #tpu.memory_space<hbm>>) dst(%dma_wait3A_221 : memref<128x16xf32, #tpu.memory_space<vmem>>)
      %dma_wait3A_225 = arith.constant 128 : i32
      %dma_wait3A_226 = arith.constant 0 : i32
      %dma_wait3A_227 = tpu.memref_slice %arg16[%dma_wait3A_225, %dma_wait3A_226] : memref<256x16xf32, #tpu.memory_space<vmem>> -> memref<128x16xf32, #tpu.memory_space<vmem>>
      %dma_wait3A_228 = arith.constant 0 : i32
      %dma_wait3A_229 = arith.constant 0 : i32
      %dma_wait3A_230 = tpu.memref_slice %arg4[%dma_wait3A_228, %dma_wait3A_229] : memref<10240x16xf32, #tpu.memory_space<hbm>> -> memref<128x16xf32, #tpu.memory_space<hbm>>
      %dma_wait3A_231 = arith.constant 128 : i32
      %dma_wait3A_232 = arith.constant 0 : i32
      %dma_wait3A_233 = tpu.memref_slice %arg16[%dma_wait3A_231, %dma_wait3A_232] : memref<256x16xf32, #tpu.memory_space<vmem>> -> memref<128x16xf32, #tpu.memory_space<vmem>>
      %dma_wait3A_234 = arith.constant 0 : i32
      %dma_wait3A_235 = arith.constant 0 : i32
      %dma_wait3A_236 = tpu.memref_slice %arg4[%dma_wait3A_234, %dma_wait3A_235] : memref<10240x16xf32, #tpu.memory_space<hbm>> -> memref<128x16xf32, #tpu.memory_space<hbm>>
      tpu.wait_dma2 semaphore(%arg22 : memref<!tpu.dma_semaphore, #tpu.memory_space<semaphore_mem>>) src(%dma_wait3A_236 : memref<128x16xf32, #tpu.memory_space<hbm>>) dst(%dma_wait3A_233 : memref<128x16xf32, #tpu.memory_space<vmem>>)
      %dma_wait3A_237 = arith.constant 0 : i32
      %dma_wait3A_238 = arith.constant 0 : i32
      %dma_wait3A_239 = tpu.memref_slice %arg18[%dma_wait3A_237, %dma_wait3A_238] : memref<256x16xf32, #tpu.memory_space<vmem>> -> memref<128x16xf32, #tpu.memory_space<vmem>>
      %dma_wait3A_240 = arith.constant 0 : i32
      %dma_wait3A_241 = arith.constant 0 : i32
      %dma_wait3A_242 = tpu.memref_slice %arg5[%dma_wait3A_240, %dma_wait3A_241] : memref<10240x16xf32, #tpu.memory_space<hbm>> -> memref<128x16xf32, #tpu.memory_space<hbm>>
      %dma_wait3A_243 = arith.constant 0 : i32
      %dma_wait3A_244 = arith.constant 0 : i32
      %dma_wait3A_245 = tpu.memref_slice %arg18[%dma_wait3A_243, %dma_wait3A_244] : memref<256x16xf32, #tpu.memory_space<vmem>> -> memref<128x16xf32, #tpu.memory_space<vmem>>
      %dma_wait3A_246 = arith.constant 0 : i32
      %dma_wait3A_247 = arith.constant 0 : i32
      %dma_wait3A_248 = tpu.memref_slice %arg5[%dma_wait3A_246, %dma_wait3A_247] : memref<10240x16xf32, #tpu.memory_space<hbm>> -> memref<128x16xf32, #tpu.memory_space<hbm>>
      tpu.wait_dma2 semaphore(%arg22 : memref<!tpu.dma_semaphore, #tpu.memory_space<semaphore_mem>>) src(%dma_wait3A_248 : memref<128x16xf32, #tpu.memory_space<hbm>>) dst(%dma_wait3A_245 : memref<128x16xf32, #tpu.memory_space<vmem>>)
      %dma_wait3A_249 = arith.constant 128 : i32
      %dma_wait3A_250 = arith.constant 0 : i32
      %dma_wait3A_251 = tpu.memref_slice %arg18[%dma_wait3A_249, %dma_wait3A_250] : memref<256x16xf32, #tpu.memory_space<vmem>> -> memref<128x16xf32, #tpu.memory_space<vmem>>
      %dma_wait3A_252 = arith.constant 0 : i32
      %dma_wait3A_253 = arith.constant 0 : i32
      %dma_wait3A_254 = tpu.memref_slice %arg5[%dma_wait3A_252, %dma_wait3A_253] : memref<10240x16xf32, #tpu.memory_space<hbm>> -> memref<128x16xf32, #tpu.memory_space<hbm>>
      %dma_wait3A_255 = arith.constant 128 : i32
      %dma_wait3A_256 = arith.constant 0 : i32
      %dma_wait3A_257 = tpu.memref_slice %arg18[%dma_wait3A_255, %dma_wait3A_256] : memref<256x16xf32, #tpu.memory_space<vmem>> -> memref<128x16xf32, #tpu.memory_space<vmem>>
      %dma_wait3A_258 = arith.constant 0 : i32
      %dma_wait3A_259 = arith.constant 0 : i32
      %dma_wait3A_260 = tpu.memref_slice %arg5[%dma_wait3A_258, %dma_wait3A_259] : memref<10240x16xf32, #tpu.memory_space<hbm>> -> memref<128x16xf32, #tpu.memory_space<hbm>>
      tpu.wait_dma2 semaphore(%arg22 : memref<!tpu.dma_semaphore, #tpu.memory_space<semaphore_mem>>) src(%dma_wait3A_260 : memref<128x16xf32, #tpu.memory_space<hbm>>) dst(%dma_wait3A_257 : memref<128x16xf32, #tpu.memory_space<vmem>>)
      %parallel_loop3A = arith.constant 0 : i32
      %parallel_loop3A_261 = arith.constant 256 : i32
      %parallel_loop3A_262 = arith.constant 1 : i32
      scf.for %parallel_loop3A_466 = %parallel_loop3A to %parallel_loop3A_261 step %parallel_loop3A_262  : i32 {
        %parallel_loop3A_467 = arith.index_cast %parallel_loop3A_466 : i32 to index
        %parallel_loop3A_468 = arith.constant 0 : index
        %parallel_loop3A_469 = tpu.vector_load %arg16[%parallel_loop3A_467, %parallel_loop3A_468] {strides = array<i32>} : memref<256x16xf32, #tpu.memory_space<vmem>>, vector<1x16xf32>,
        %parallel_loop3A_470 = vector.shape_cast %parallel_loop3A_469 : vector<1x16xf32> to vector<16xf32>
        %parallel_loop3A_471 = arith.index_cast %parallel_loop3A_466 : i32 to index
        %parallel_loop3A_472 = arith.constant 0 : index
        %parallel_loop3A_473 = tpu.vector_load %arg18[%parallel_loop3A_471, %parallel_loop3A_472] {strides = array<i32>} : memref<256x16xf32, #tpu.memory_space<vmem>>, vector<1x16xf32>,
        %parallel_loop3A_474 = vector.shape_cast %parallel_loop3A_473 : vector<1x16xf32> to vector<16xf32>
        %parallel_loop3A_475 = arith.addf %parallel_loop3A_470, %parallel_loop3A_474 : vector<16xf32>
        %parallel_loop3A_476 = arith.constant 2.000000e-01 : f32
        %parallel_loop3A_477 = vector.broadcast %parallel_loop3A_476 : f32 to vector<16xf32>
        %parallel_loop3A_478 = arith.mulf %parallel_loop3A_477, %parallel_loop3A_475 : vector<16xf32>
        %parallel_loop3A_479 = arith.maximumf %parallel_loop3A_475, %parallel_loop3A_478 : vector<16xf32>
        %parallel_loop3A_480 = math.exp %parallel_loop3A_479 : vector<16xf32>
        %parallel_loop3A_481 = arith.index_cast %parallel_loop3A_466 : i32 to index
        %parallel_loop3A_482 = arith.constant 0 : index
        %parallel_loop3A_483 = tpu.vector_load %arg14[%parallel_loop3A_481, %parallel_loop3A_482] {strides = array<i32>} : memref<256x16xf32, #tpu.memory_space<vmem>>, vector<1x16xf32>,
        %parallel_loop3A_484 = vector.shape_cast %parallel_loop3A_483 : vector<1x16xf32> to vector<16xf32>
        %parallel_loop3A_485 = vector.shape_cast %parallel_loop3A_480 : vector<16xf32> to vector<1x16xf32>
        tpu.vector_store %arg14[%parallel_loop3A_481, %parallel_loop3A_482], %parallel_loop3A_485 {strides = array<i32>} : memref<256x16xf32, #tpu.memory_space<vmem>>, vector<1x16xf32>,
        %parallel_loop3A_486 = vector.shape_cast %add3A_4 : vector<16xi32> to vector<16x1xi32>
        %parallel_loop3A_487 = vector.shape_cast %parallel_loop3A_486 : vector<16x1xi32> to vector<16xi32>
        %parallel_loop3A_488 = tpu.dynamic_gather %parallel_loop3A_480[%parallel_loop3A_487] in [0] : vector<16xf32>, vector<16xi32> -> vector<16xf32>
        %parallel_loop3A_489 = arith.index_cast %parallel_loop3A_466 : i32 to index
        %parallel_loop3A_490 = arith.constant 0 : index
        %parallel_loop3A_491 = tpu.vector_load %arg12[%parallel_loop3A_489, %parallel_loop3A_490] {strides = array<i32>} : memref<256x64xf32, #tpu.memory_space<vmem>>, vector<1x16xf32>,
        %parallel_loop3A_492 = vector.shape_cast %parallel_loop3A_491 : vector<1x16xf32> to vector<16xf32>
        %parallel_loop3A_493 = arith.mulf %parallel_loop3A_492, %parallel_loop3A_488 : vector<16xf32>
        %parallel_loop3A_494 = arith.index_cast %parallel_loop3A_466 : i32 to index
        %parallel_loop3A_495 = arith.constant 0 : index
        %parallel_loop3A_496 = tpu.vector_load %arg12[%parallel_loop3A_494, %parallel_loop3A_495] {strides = array<i32>} : memref<256x64xf32, #tpu.memory_space<vmem>>, vector<1x16xf32>,
        %parallel_loop3A_497 = vector.shape_cast %parallel_loop3A_496 : vector<1x16xf32> to vector<16xf32>
        %parallel_loop3A_498 = vector.shape_cast %parallel_loop3A_493 : vector<16xf32> to vector<1x16xf32>
        tpu.vector_store %arg12[%parallel_loop3A_494, %parallel_loop3A_495], %parallel_loop3A_498 {strides = array<i32>} : memref<256x64xf32, #tpu.memory_space<vmem>>, vector<1x16xf32>,
        %parallel_loop3A_499 = vector.shape_cast %add3A_10 : vector<16xi32> to vector<16x1xi32>
        %parallel_loop3A_500 = vector.shape_cast %parallel_loop3A_499 : vector<16x1xi32> to vector<16xi32>
        %parallel_loop3A_501 = tpu.dynamic_gather %parallel_loop3A_480[%parallel_loop3A_500] in [0] : vector<16xf32>, vector<16xi32> -> vector<16xf32>
        %parallel_loop3A_502 = arith.index_cast %parallel_loop3A_466 : i32 to index
        %parallel_loop3A_503 = arith.constant 16 : index
        %parallel_loop3A_504 = tpu.vector_load %arg12[%parallel_loop3A_502, %parallel_loop3A_503] {strides = array<i32>} : memref<256x64xf32, #tpu.memory_space<vmem>>, vector<1x16xf32>,
        %parallel_loop3A_505 = vector.shape_cast %parallel_loop3A_504 : vector<1x16xf32> to vector<16xf32>
        %parallel_loop3A_506 = arith.mulf %parallel_loop3A_505, %parallel_loop3A_501 : vector<16xf32>
        %parallel_loop3A_507 = arith.index_cast %parallel_loop3A_466 : i32 to index
        %parallel_loop3A_508 = arith.constant 16 : index
        %parallel_loop3A_509 = tpu.vector_load %arg12[%parallel_loop3A_507, %parallel_loop3A_508] {strides = array<i32>} : memref<256x64xf32, #tpu.memory_space<vmem>>, vector<1x16xf32>,
        %parallel_loop3A_510 = vector.shape_cast %parallel_loop3A_509 : vector<1x16xf32> to vector<16xf32>
        %parallel_loop3A_511 = vector.shape_cast %parallel_loop3A_506 : vector<16xf32> to vector<1x16xf32>
        tpu.vector_store %arg12[%parallel_loop3A_507, %parallel_loop3A_508], %parallel_loop3A_511 {strides = array<i32>} : memref<256x64xf32, #tpu.memory_space<vmem>>, vector<1x16xf32>,
        %parallel_loop3A_512 = vector.shape_cast %add3A_16 : vector<16xi32> to vector<16x1xi32>
        %parallel_loop3A_513 = vector.shape_cast %parallel_loop3A_512 : vector<16x1xi32> to vector<16xi32>
        %parallel_loop3A_514 = tpu.dynamic_gather %parallel_loop3A_480[%parallel_loop3A_513] in [0] : vector<16xf32>, vector<16xi32> -> vector<16xf32>
        %parallel_loop3A_515 = arith.index_cast %parallel_loop3A_466 : i32 to index
        %parallel_loop3A_516 = arith.constant 32 : index
        %parallel_loop3A_517 = tpu.vector_load %arg12[%parallel_loop3A_515, %parallel_loop3A_516] {strides = array<i32>} : memref<256x64xf32, #tpu.memory_space<vmem>>, vector<1x16xf32>,
        %parallel_loop3A_518 = vector.shape_cast %parallel_loop3A_517 : vector<1x16xf32> to vector<16xf32>
        %parallel_loop3A_519 = arith.mulf %parallel_loop3A_518, %parallel_loop3A_514 : vector<16xf32>
        %parallel_loop3A_520 = arith.index_cast %parallel_loop3A_466 : i32 to index
        %parallel_loop3A_521 = arith.constant 32 : index
        %parallel_loop3A_522 = tpu.vector_load %arg12[%parallel_loop3A_520, %parallel_loop3A_521] {strides = array<i32>} : memref<256x64xf32, #tpu.memory_space<vmem>>, vector<1x16xf32>,
        %parallel_loop3A_523 = vector.shape_cast %parallel_loop3A_522 : vector<1x16xf32> to vector<16xf32>
        %parallel_loop3A_524 = vector.shape_cast %parallel_loop3A_519 : vector<16xf32> to vector<1x16xf32>
        tpu.vector_store %arg12[%parallel_loop3A_520, %parallel_loop3A_521], %parallel_loop3A_524 {strides = array<i32>} : memref<256x64xf32, #tpu.memory_space<vmem>>, vector<1x16xf32>,
        %parallel_loop3A_525 = vector.shape_cast %add3A_22 : vector<16xi32> to vector<16x1xi32>
        %parallel_loop3A_526 = vector.shape_cast %parallel_loop3A_525 : vector<16x1xi32> to vector<16xi32>
        %parallel_loop3A_527 = tpu.dynamic_gather %parallel_loop3A_480[%parallel_loop3A_526] in [0] : vector<16xf32>, vector<16xi32> -> vector<16xf32>
        %parallel_loop3A_528 = arith.index_cast %parallel_loop3A_466 : i32 to index
        %parallel_loop3A_529 = arith.constant 48 : index
        %parallel_loop3A_530 = tpu.vector_load %arg12[%parallel_loop3A_528, %parallel_loop3A_529] {strides = array<i32>} : memref<256x64xf32, #tpu.memory_space<vmem>>, vector<1x16xf32>,
        %parallel_loop3A_531 = vector.shape_cast %parallel_loop3A_530 : vector<1x16xf32> to vector<16xf32>
        %parallel_loop3A_532 = arith.mulf %parallel_loop3A_531, %parallel_loop3A_527 : vector<16xf32>
        %parallel_loop3A_533 = arith.index_cast %parallel_loop3A_466 : i32 to index
        %parallel_loop3A_534 = arith.constant 48 : index
        %parallel_loop3A_535 = tpu.vector_load %arg12[%parallel_loop3A_533, %parallel_loop3A_534] {strides = array<i32>} : memref<256x64xf32, #tpu.memory_space<vmem>>, vector<1x16xf32>,
        %parallel_loop3A_536 = vector.shape_cast %parallel_loop3A_535 : vector<1x16xf32> to vector<16xf32>
        %parallel_loop3A_537 = vector.shape_cast %parallel_loop3A_532 : vector<16xf32> to vector<1x16xf32>
        tpu.vector_store %arg12[%parallel_loop3A_533, %parallel_loop3A_534], %parallel_loop3A_537 {strides = array<i32>} : memref<256x64xf32, #tpu.memory_space<vmem>>, vector<1x16xf32>,
      } {sc.loop_unroll_factor = 8 : i64, sc.parallel_access}
      %dma_start3A_263 = arith.constant 2 : i32
      %dma_start3A_264 = arith.constant 0 : i32
      %dma_start3A_265 = arith.constant 0 : i32
      %dma_start3A_266 = tpu.memref_slice %arg12[%dma_start3A_264, %dma_start3A_265] : memref<256x64xf32, #tpu.memory_space<vmem>> -> memref<128x64xf32, #tpu.memory_space<vmem>>
      %dma_start3A_267 = arith.constant 0 : i32
      %dma_start3A_268 = tpu.memref_slice %arg10[%dma_start3A_263, %dma_start3A_267] : memref<4x128xi32, #tpu.memory_space<vmem>> -> memref<1x128xi32, #tpu.memory_space<vmem>>
      %dma_start3A_269 = tpu.memref_squeeze %dma_start3A_268 : memref<1x128xi32, #tpu.memory_space<vmem>> -> memref<128xi32, #tpu.memory_space<vmem>>
      %dma_start3A_270 = arith.constant 0 : i32
      %dma_start3A_271 = arith.constant 0 : i32
      %dma_start3A_272 = tpu.memref_slice %arg20[%dma_start3A_270, %dma_start3A_271] : memref<10240x64xf32, #tpu.memory_space<vmem_shared>> -> memref<10240x64xf32, #tpu.memory_space<vmem_shared>>
      tpu.enqueue_indirect_dma source(%dma_start3A_266 : memref<128x64xf32, #tpu.memory_space<vmem>>) target(%dma_start3A_272 : memref<10240x64xf32, #tpu.memory_space<vmem_shared>>) offsets(%dma_start3A_269 : memref<128xi32, #tpu.memory_space<vmem>>) semaphore(%arg24 : memref<!tpu.dma_semaphore, #tpu.memory_space<semaphore_mem>>) {add = true}
      %dma_start3A_273 = arith.constant 3 : i32
      %dma_start3A_274 = arith.constant 128 : i32
      %dma_start3A_275 = arith.constant 0 : i32
      %dma_start3A_276 = tpu.memref_slice %arg12[%dma_start3A_274, %dma_start3A_275] : memref<256x64xf32, #tpu.memory_space<vmem>> -> memref<128x64xf32, #tpu.memory_space<vmem>>
      %dma_start3A_277 = arith.constant 0 : i32
      %dma_start3A_278 = tpu.memref_slice %arg10[%dma_start3A_273, %dma_start3A_277] : memref<4x128xi32, #tpu.memory_space<vmem>> -> memref<1x128xi32, #tpu.memory_space<vmem>>
      %dma_start3A_279 = tpu.memref_squeeze %dma_start3A_278 : memref<1x128xi32, #tpu.memory_space<vmem>> -> memref<128xi32, #tpu.memory_space<vmem>>
      %dma_start3A_280 = arith.constant 0 : i32
      %dma_start3A_281 = arith.constant 0 : i32
      %dma_start3A_282 = tpu.memref_slice %arg20[%dma_start3A_280, %dma_start3A_281] : memref<10240x64xf32, #tpu.memory_space<vmem_shared>> -> memref<10240x64xf32, #tpu.memory_space<vmem_shared>>
      tpu.enqueue_indirect_dma source(%dma_start3A_276 : memref<128x64xf32, #tpu.memory_space<vmem>>) target(%dma_start3A_282 : memref<10240x64xf32, #tpu.memory_space<vmem_shared>>) offsets(%dma_start3A_279 : memref<128xi32, #tpu.memory_space<vmem>>) semaphore(%arg24 : memref<!tpu.dma_semaphore, #tpu.memory_space<semaphore_mem>>) {add = true}
      %eq3A_283 = arith.constant 0 : i32
      %eq3A_284 = arith.cmpi eq, %arg0, %eq3A_283 : i32
      %convert_element_type3A_285 = arith.extui %eq3A_284 : i1 to i32
      %cond3A_286 = arith.constant 0 : i32
      %cond3A_287 = arith.cmpi ne, %convert_element_type3A_285, %cond3A_286 : i32
      scf.if %cond3A_287 {
        %dma_start3A_466 = arith.constant 2 : i32
        %dma_start3A_467 = arith.constant 0 : i32
        %dma_start3A_468 = arith.constant 0 : i32
        %dma_start3A_469 = tpu.memref_slice %arg14[%dma_start3A_467, %dma_start3A_468] : memref<256x16xf32, #tpu.memory_space<vmem>> -> memref<128x16xf32, #tpu.memory_space<vmem>>
        %dma_start3A_470 = arith.constant 0 : i32
        %dma_start3A_471 = tpu.memref_slice %arg10[%dma_start3A_466, %dma_start3A_470] : memref<4x128xi32, #tpu.memory_space<vmem>> -> memref<1x128xi32, #tpu.memory_space<vmem>>
        %dma_start3A_472 = tpu.memref_squeeze %dma_start3A_471 : memref<1x128xi32, #tpu.memory_space<vmem>> -> memref<128xi32, #tpu.memory_space<vmem>>
        %dma_start3A_473 = arith.constant 0 : i32
        %dma_start3A_474 = arith.constant 0 : i32
        %dma_start3A_475 = tpu.memref_slice %arg21[%dma_start3A_473, %dma_start3A_474] : memref<10240x16xf32, #tpu.memory_space<vmem_shared>> -> memref<10240x16xf32, #tpu.memory_space<vmem_shared>>
        tpu.enqueue_indirect_dma source(%dma_start3A_469 : memref<128x16xf32, #tpu.memory_space<vmem>>) target(%dma_start3A_475 : memref<10240x16xf32, #tpu.memory_space<vmem_shared>>) offsets(%dma_start3A_472 : memref<128xi32, #tpu.memory_space<vmem>>) semaphore(%arg24 : memref<!tpu.dma_semaphore, #tpu.memory_space<semaphore_mem>>) {add = true}
        %dma_start3A_476 = arith.constant 3 : i32
        %dma_start3A_477 = arith.constant 128 : i32
        %dma_start3A_478 = arith.constant 0 : i32
        %dma_start3A_479 = tpu.memref_slice %arg14[%dma_start3A_477, %dma_start3A_478] : memref<256x16xf32, #tpu.memory_space<vmem>> -> memref<128x16xf32, #tpu.memory_space<vmem>>
        %dma_start3A_480 = arith.constant 0 : i32
        %dma_start3A_481 = tpu.memref_slice %arg10[%dma_start3A_476, %dma_start3A_480] : memref<4x128xi32, #tpu.memory_space<vmem>> -> memref<1x128xi32, #tpu.memory_space<vmem>>
        %dma_start3A_482 = tpu.memref_squeeze %dma_start3A_481 : memref<1x128xi32, #tpu.memory_space<vmem>> -> memref<128xi32, #tpu.memory_space<vmem>>
        %dma_start3A_483 = arith.constant 0 : i32
        %dma_start3A_484 = arith.constant 0 : i32
        %dma_start3A_485 = tpu.memref_slice %arg21[%dma_start3A_483, %dma_start3A_484] : memref<10240x16xf32, #tpu.memory_space<vmem_shared>> -> memref<10240x16xf32, #tpu.memory_space<vmem_shared>>
        tpu.enqueue_indirect_dma source(%dma_start3A_479 : memref<128x16xf32, #tpu.memory_space<vmem>>) target(%dma_start3A_485 : memref<10240x16xf32, #tpu.memory_space<vmem_shared>>) offsets(%dma_start3A_482 : memref<128xi32, #tpu.memory_space<vmem>>) semaphore(%arg24 : memref<!tpu.dma_semaphore, #tpu.memory_space<semaphore_mem>>) {add = true}
      } else {
      }
      %dma_wait3A_288 = arith.constant 0 : i32
      %dma_wait3A_289 = arith.constant 0 : i32
      %dma_wait3A_290 = tpu.memref_slice %arg12[%dma_wait3A_288, %dma_wait3A_289] : memref<256x64xf32, #tpu.memory_space<vmem>> -> memref<128x64xf32, #tpu.memory_space<vmem>>
      %dma_wait3A_291 = arith.constant 0 : i32
      %dma_wait3A_292 = arith.constant 0 : i32
      %dma_wait3A_293 = tpu.memref_slice %arg20[%dma_wait3A_291, %dma_wait3A_292] : memref<10240x64xf32, #tpu.memory_space<vmem_shared>> -> memref<128x64xf32, #tpu.memory_space<vmem_shared>>
      %dma_wait3A_294 = arith.constant 0 : i32
      %dma_wait3A_295 = arith.constant 0 : i32
      %dma_wait3A_296 = tpu.memref_slice %arg20[%dma_wait3A_294, %dma_wait3A_295] : memref<10240x64xf32, #tpu.memory_space<vmem_shared>> -> memref<128x64xf32, #tpu.memory_space<vmem_shared>>
      %dma_wait3A_297 = arith.constant 0 : i32
      %dma_wait3A_298 = arith.constant 0 : i32
      %dma_wait3A_299 = tpu.memref_slice %arg12[%dma_wait3A_297, %dma_wait3A_298] : memref<256x64xf32, #tpu.memory_space<vmem>> -> memref<128x64xf32, #tpu.memory_space<vmem>>
      tpu.wait_dma2 semaphore(%arg24 : memref<!tpu.dma_semaphore, #tpu.memory_space<semaphore_mem>>) src(%dma_wait3A_299 : memref<128x64xf32, #tpu.memory_space<vmem>>) dst(%dma_wait3A_296 : memref<128x64xf32, #tpu.memory_space<vmem_shared>>)
      %dma_wait3A_300 = arith.constant 128 : i32
      %dma_wait3A_301 = arith.constant 0 : i32
      %dma_wait3A_302 = tpu.memref_slice %arg12[%dma_wait3A_300, %dma_wait3A_301] : memref<256x64xf32, #tpu.memory_space<vmem>> -> memref<128x64xf32, #tpu.memory_space<vmem>>
      %dma_wait3A_303 = arith.constant 0 : i32
      %dma_wait3A_304 = arith.constant 0 : i32
      %dma_wait3A_305 = tpu.memref_slice %arg20[%dma_wait3A_303, %dma_wait3A_304] : memref<10240x64xf32, #tpu.memory_space<vmem_shared>> -> memref<128x64xf32, #tpu.memory_space<vmem_shared>>
      %dma_wait3A_306 = arith.constant 0 : i32
      %dma_wait3A_307 = arith.constant 0 : i32
      %dma_wait3A_308 = tpu.memref_slice %arg20[%dma_wait3A_306, %dma_wait3A_307] : memref<10240x64xf32, #tpu.memory_space<vmem_shared>> -> memref<128x64xf32, #tpu.memory_space<vmem_shared>>
      %dma_wait3A_309 = arith.constant 128 : i32
      %dma_wait3A_310 = arith.constant 0 : i32
      %dma_wait3A_311 = tpu.memref_slice %arg12[%dma_wait3A_309, %dma_wait3A_310] : memref<256x64xf32, #tpu.memory_space<vmem>> -> memref<128x64xf32, #tpu.memory_space<vmem>>
      tpu.wait_dma2 semaphore(%arg24 : memref<!tpu.dma_semaphore, #tpu.memory_space<semaphore_mem>>) src(%dma_wait3A_311 : memref<128x64xf32, #tpu.memory_space<vmem>>) dst(%dma_wait3A_308 : memref<128x64xf32, #tpu.memory_space<vmem_shared>>)
      %eq3A_312 = arith.constant 0 : i32
      %eq3A_313 = arith.cmpi eq, %arg0, %eq3A_312 : i32
      %convert_element_type3A_314 = arith.extui %eq3A_313 : i1 to i32
      %cond3A_315 = arith.constant 0 : i32
      %cond3A_316 = arith.cmpi ne, %convert_element_type3A_314, %cond3A_315 : i32
      scf.if %cond3A_316 {
        %dma_wait3A_466 = arith.constant 0 : i32
        %dma_wait3A_467 = arith.constant 0 : i32
        %dma_wait3A_468 = tpu.memref_slice %arg14[%dma_wait3A_466, %dma_wait3A_467] : memref<256x16xf32, #tpu.memory_space<vmem>> -> memref<128x16xf32, #tpu.memory_space<vmem>>
        %dma_wait3A_469 = arith.constant 0 : i32
        %dma_wait3A_470 = arith.constant 0 : i32
        %dma_wait3A_471 = tpu.memref_slice %arg21[%dma_wait3A_469, %dma_wait3A_470] : memref<10240x16xf32, #tpu.memory_space<vmem_shared>> -> memref<128x16xf32, #tpu.memory_space<vmem_shared>>
        %dma_wait3A_472 = arith.constant 0 : i32
        %dma_wait3A_473 = arith.constant 0 : i32
        %dma_wait3A_474 = tpu.memref_slice %arg21[%dma_wait3A_472, %dma_wait3A_473] : memref<10240x16xf32, #tpu.memory_space<vmem_shared>> -> memref<128x16xf32, #tpu.memory_space<vmem_shared>>
        %dma_wait3A_475 = arith.constant 0 : i32
        %dma_wait3A_476 = arith.constant 0 : i32
        %dma_wait3A_477 = tpu.memref_slice %arg14[%dma_wait3A_475, %dma_wait3A_476] : memref<256x16xf32, #tpu.memory_space<vmem>> -> memref<128x16xf32, #tpu.memory_space<vmem>>
        tpu.wait_dma2 semaphore(%arg24 : memref<!tpu.dma_semaphore, #tpu.memory_space<semaphore_mem>>) src(%dma_wait3A_477 : memref<128x16xf32, #tpu.memory_space<vmem>>) dst(%dma_wait3A_474 : memref<128x16xf32, #tpu.memory_space<vmem_shared>>)
        %dma_wait3A_478 = arith.constant 128 : i32
        %dma_wait3A_479 = arith.constant 0 : i32
        %dma_wait3A_480 = tpu.memref_slice %arg14[%dma_wait3A_478, %dma_wait3A_479] : memref<256x16xf32, #tpu.memory_space<vmem>> -> memref<128x16xf32, #tpu.memory_space<vmem>>
        %dma_wait3A_481 = arith.constant 0 : i32
        %dma_wait3A_482 = arith.constant 0 : i32
        %dma_wait3A_483 = tpu.memref_slice %arg21[%dma_wait3A_481, %dma_wait3A_482] : memref<10240x16xf32, #tpu.memory_space<vmem_shared>> -> memref<128x16xf32, #tpu.memory_space<vmem_shared>>
        %dma_wait3A_484 = arith.constant 0 : i32
        %dma_wait3A_485 = arith.constant 0 : i32
        %dma_wait3A_486 = tpu.memref_slice %arg21[%dma_wait3A_484, %dma_wait3A_485] : memref<10240x16xf32, #tpu.memory_space<vmem_shared>> -> memref<128x16xf32, #tpu.memory_space<vmem_shared>>
        %dma_wait3A_487 = arith.constant 128 : i32
        %dma_wait3A_488 = arith.constant 0 : i32
        %dma_wait3A_489 = tpu.memref_slice %arg14[%dma_wait3A_487, %dma_wait3A_488] : memref<256x16xf32, #tpu.memory_space<vmem>> -> memref<128x16xf32, #tpu.memory_space<vmem>>
        tpu.wait_dma2 semaphore(%arg24 : memref<!tpu.dma_semaphore, #tpu.memory_space<semaphore_mem>>) src(%dma_wait3A_489 : memref<128x16xf32, #tpu.memory_space<vmem>>) dst(%dma_wait3A_486 : memref<128x16xf32, #tpu.memory_space<vmem_shared>>)
      } else {
      }
      %lt3A = arith.constant 41 : i32
      %lt3A_317 = arith.cmpi slt, %scan3A_100, %lt3A : i32
      %convert_element_type3A_318 = arith.extui %lt3A_317 : i1 to i32
      %cond3A_319 = arith.constant 0 : i32
      %cond3A_320 = arith.cmpi ne, %convert_element_type3A_318, %cond3A_319 : i32
      scf.if %cond3A_320 {
        %add3A_466 = arith.constant 2 : i32
        %add3A_467 = arith.addi %add3A_103, %add3A_466 : i32
        "tpu.region"() ({
          %run_scoped3A = tpu.sem_alloc : memref<!tpu.dma_semaphore, #tpu.memory_space<semaphore_mem>>
          %dma_start3A_536 = arith.constant 0 : i32
          %dma_start3A_537 = arith.constant 0 : i32
          %dma_start3A_538 = tpu.memref_slice %arg2[%add3A_467, %dma_start3A_536, %dma_start3A_537] : memref<1344x4x128xi32, #tpu.memory_space<hbm>> -> memref<1x4x128xi32, #tpu.memory_space<hbm>>
          %dma_start3A_539 = tpu.memref_squeeze %dma_start3A_538 : memref<1x4x128xi32, #tpu.memory_space<hbm>> -> memref<4x128xi32, #tpu.memory_space<hbm>>
          %dma_start3A_540 = arith.constant 0 : i32
          %dma_start3A_541 = arith.constant 0 : i32
          %dma_start3A_542 = tpu.memref_slice %arg2[%add3A_467, %dma_start3A_540, %dma_start3A_541] : memref<1344x4x128xi32, #tpu.memory_space<hbm>> -> memref<1x4x128xi32, #tpu.memory_space<hbm>>
          %dma_start3A_543 = tpu.memref_squeeze %dma_start3A_542 : memref<1x4x128xi32, #tpu.memory_space<hbm>> -> memref<4x128xi32, #tpu.memory_space<hbm>>
          tpu.enqueue_dma source(%dma_start3A_543 : memref<4x128xi32, #tpu.memory_space<hbm>>) target(%arg10 : memref<4x128xi32, #tpu.memory_space<vmem>>) target_semaphore(%run_scoped3A : memref<!tpu.dma_semaphore, #tpu.memory_space<semaphore_mem>>)
          %dma_wait3A_544 = arith.constant 0 : i32
          %dma_wait3A_545 = arith.constant 0 : i32
          %dma_wait3A_546 = tpu.memref_slice %arg2[%add3A_467, %dma_wait3A_544, %dma_wait3A_545] : memref<1344x4x128xi32, #tpu.memory_space<hbm>> -> memref<1x4x128xi32, #tpu.memory_space<hbm>>
          %dma_wait3A_547 = tpu.memref_squeeze %dma_wait3A_546 : memref<1x4x128xi32, #tpu.memory_space<hbm>> -> memref<4x128xi32, #tpu.memory_space<hbm>>
          %dma_wait3A_548 = arith.constant 0 : i32
          %dma_wait3A_549 = arith.constant 0 : i32
          %dma_wait3A_550 = tpu.memref_slice %arg2[%add3A_467, %dma_wait3A_548, %dma_wait3A_549] : memref<1344x4x128xi32, #tpu.memory_space<hbm>> -> memref<1x4x128xi32, #tpu.memory_space<hbm>>
          %dma_wait3A_551 = tpu.memref_squeeze %dma_wait3A_550 : memref<1x4x128xi32, #tpu.memory_space<hbm>> -> memref<4x128xi32, #tpu.memory_space<hbm>>
          tpu.wait_dma2 semaphore(%run_scoped3A : memref<!tpu.dma_semaphore, #tpu.memory_space<semaphore_mem>>) src(%dma_wait3A_551 : memref<4x128xi32, #tpu.memory_space<hbm>>) dst(%arg10 : memref<4x128xi32, #tpu.memory_space<vmem>>)
          tpu.yield
        }) : () -> ()
        %dma_start3A_468 = arith.constant 0 : i32
        %dma_start3A_469 = arith.constant 0 : i32
        %dma_start3A_470 = arith.constant 0 : i32
        %dma_start3A_471 = tpu.memref_slice %arg12[%dma_start3A_469, %dma_start3A_470] : memref<256x64xf32, #tpu.memory_space<vmem>> -> memref<128x64xf32, #tpu.memory_space<vmem>>
        %dma_start3A_472 = arith.constant 0 : i32
        %dma_start3A_473 = tpu.memref_slice %arg10[%dma_start3A_468, %dma_start3A_472] : memref<4x128xi32, #tpu.memory_space<vmem>> -> memref<1x128xi32, #tpu.memory_space<vmem>>
        %dma_start3A_474 = tpu.memref_squeeze %dma_start3A_473 : memref<1x128xi32, #tpu.memory_space<vmem>> -> memref<128xi32, #tpu.memory_space<vmem>>
        %dma_start3A_475 = arith.constant 0 : i32
        %dma_start3A_476 = arith.constant 0 : i32
        %dma_start3A_477 = tpu.memref_slice %arg3[%arg0, %dma_start3A_475, %dma_start3A_476] : memref<2x10240x64xf32, #tpu.memory_space<hbm>> -> memref<1x10240x64xf32, #tpu.memory_space<hbm>>
        %dma_start3A_478 = tpu.memref_squeeze %dma_start3A_477 : memref<1x10240x64xf32, #tpu.memory_space<hbm>> -> memref<10240x64xf32, #tpu.memory_space<hbm>>
        %dma_start3A_479 = arith.constant 0 : i32
        %dma_start3A_480 = arith.constant 0 : i32
        %dma_start3A_481 = tpu.memref_slice %dma_start3A_478[%dma_start3A_479, %dma_start3A_480] : memref<10240x64xf32, #tpu.memory_space<hbm>> -> memref<10240x64xf32, #tpu.memory_space<hbm>>
        tpu.enqueue_indirect_dma source(%dma_start3A_481 : memref<10240x64xf32, #tpu.memory_space<hbm>>) target(%dma_start3A_471 : memref<128x64xf32, #tpu.memory_space<vmem>>) offsets(%dma_start3A_474 : memref<128xi32, #tpu.memory_space<vmem>>) semaphore(%arg22 : memref<!tpu.dma_semaphore, #tpu.memory_space<semaphore_mem>>)
        %dma_start3A_482 = arith.constant 1 : i32
        %dma_start3A_483 = arith.constant 128 : i32
        %dma_start3A_484 = arith.constant 0 : i32
        %dma_start3A_485 = tpu.memref_slice %arg12[%dma_start3A_483, %dma_start3A_484] : memref<256x64xf32, #tpu.memory_space<vmem>> -> memref<128x64xf32, #tpu.memory_space<vmem>>
        %dma_start3A_486 = arith.constant 0 : i32
        %dma_start3A_487 = tpu.memref_slice %arg10[%dma_start3A_482, %dma_start3A_486] : memref<4x128xi32, #tpu.memory_space<vmem>> -> memref<1x128xi32, #tpu.memory_space<vmem>>
        %dma_start3A_488 = tpu.memref_squeeze %dma_start3A_487 : memref<1x128xi32, #tpu.memory_space<vmem>> -> memref<128xi32, #tpu.memory_space<vmem>>
        %dma_start3A_489 = arith.constant 0 : i32
        %dma_start3A_490 = arith.constant 0 : i32
        %dma_start3A_491 = tpu.memref_slice %arg3[%arg0, %dma_start3A_489, %dma_start3A_490] : memref<2x10240x64xf32, #tpu.memory_space<hbm>> -> memref<1x10240x64xf32, #tpu.memory_space<hbm>>
        %dma_start3A_492 = tpu.memref_squeeze %dma_start3A_491 : memref<1x10240x64xf32, #tpu.memory_space<hbm>> -> memref<10240x64xf32, #tpu.memory_space<hbm>>
        %dma_start3A_493 = arith.constant 0 : i32
        %dma_start3A_494 = arith.constant 0 : i32
        %dma_start3A_495 = tpu.memref_slice %dma_start3A_492[%dma_start3A_493, %dma_start3A_494] : memref<10240x64xf32, #tpu.memory_space<hbm>> -> memref<10240x64xf32, #tpu.memory_space<hbm>>
        tpu.enqueue_indirect_dma source(%dma_start3A_495 : memref<10240x64xf32, #tpu.memory_space<hbm>>) target(%dma_start3A_485 : memref<128x64xf32, #tpu.memory_space<vmem>>) offsets(%dma_start3A_488 : memref<128xi32, #tpu.memory_space<vmem>>) semaphore(%arg22 : memref<!tpu.dma_semaphore, #tpu.memory_space<semaphore_mem>>)
        %dma_start3A_496 = arith.constant 0 : i32
        %dma_start3A_497 = arith.constant 0 : i32
        %dma_start3A_498 = arith.constant 0 : i32
        %dma_start3A_499 = tpu.memref_slice %arg16[%dma_start3A_497, %dma_start3A_498] : memref<256x16xf32, #tpu.memory_space<vmem>> -> memref<128x16xf32, #tpu.memory_space<vmem>>
        %dma_start3A_500 = arith.constant 0 : i32
        %dma_start3A_501 = tpu.memref_slice %arg10[%dma_start3A_496, %dma_start3A_500] : memref<4x128xi32, #tpu.memory_space<vmem>> -> memref<1x128xi32, #tpu.memory_space<vmem>>
        %dma_start3A_502 = tpu.memref_squeeze %dma_start3A_501 : memref<1x128xi32, #tpu.memory_space<vmem>> -> memref<128xi32, #tpu.memory_space<vmem>>
        %dma_start3A_503 = arith.constant 0 : i32
        %dma_start3A_504 = arith.constant 0 : i32
        %dma_start3A_505 = tpu.memref_slice %arg4[%dma_start3A_503, %dma_start3A_504] : memref<10240x16xf32, #tpu.memory_space<hbm>> -> memref<10240x16xf32, #tpu.memory_space<hbm>>
        tpu.enqueue_indirect_dma source(%dma_start3A_505 : memref<10240x16xf32, #tpu.memory_space<hbm>>) target(%dma_start3A_499 : memref<128x16xf32, #tpu.memory_space<vmem>>) offsets(%dma_start3A_502 : memref<128xi32, #tpu.memory_space<vmem>>) semaphore(%arg22 : memref<!tpu.dma_semaphore, #tpu.memory_space<semaphore_mem>>)
        %dma_start3A_506 = arith.constant 1 : i32
        %dma_start3A_507 = arith.constant 128 : i32
        %dma_start3A_508 = arith.constant 0 : i32
        %dma_start3A_509 = tpu.memref_slice %arg16[%dma_start3A_507, %dma_start3A_508] : memref<256x16xf32, #tpu.memory_space<vmem>> -> memref<128x16xf32, #tpu.memory_space<vmem>>
        %dma_start3A_510 = arith.constant 0 : i32
        %dma_start3A_511 = tpu.memref_slice %arg10[%dma_start3A_506, %dma_start3A_510] : memref<4x128xi32, #tpu.memory_space<vmem>> -> memref<1x128xi32, #tpu.memory_space<vmem>>
        %dma_start3A_512 = tpu.memref_squeeze %dma_start3A_511 : memref<1x128xi32, #tpu.memory_space<vmem>> -> memref<128xi32, #tpu.memory_space<vmem>>
        %dma_start3A_513 = arith.constant 0 : i32
        %dma_start3A_514 = arith.constant 0 : i32
        %dma_start3A_515 = tpu.memref_slice %arg4[%dma_start3A_513, %dma_start3A_514] : memref<10240x16xf32, #tpu.memory_space<hbm>> -> memref<10240x16xf32, #tpu.memory_space<hbm>>
        tpu.enqueue_indirect_dma source(%dma_start3A_515 : memref<10240x16xf32, #tpu.memory_space<hbm>>) target(%dma_start3A_509 : memref<128x16xf32, #tpu.memory_space<vmem>>) offsets(%dma_start3A_512 : memref<128xi32, #tpu.memory_space<vmem>>) semaphore(%arg22 : memref<!tpu.dma_semaphore, #tpu.memory_space<semaphore_mem>>)
        %dma_start3A_516 = arith.constant 2 : i32
        %dma_start3A_517 = arith.constant 0 : i32
        %dma_start3A_518 = arith.constant 0 : i32
        %dma_start3A_519 = tpu.memref_slice %arg18[%dma_start3A_517, %dma_start3A_518] : memref<256x16xf32, #tpu.memory_space<vmem>> -> memref<128x16xf32, #tpu.memory_space<vmem>>
        %dma_start3A_520 = arith.constant 0 : i32
        %dma_start3A_521 = tpu.memref_slice %arg10[%dma_start3A_516, %dma_start3A_520] : memref<4x128xi32, #tpu.memory_space<vmem>> -> memref<1x128xi32, #tpu.memory_space<vmem>>
        %dma_start3A_522 = tpu.memref_squeeze %dma_start3A_521 : memref<1x128xi32, #tpu.memory_space<vmem>> -> memref<128xi32, #tpu.memory_space<vmem>>
        %dma_start3A_523 = arith.constant 0 : i32
        %dma_start3A_524 = arith.constant 0 : i32
        %dma_start3A_525 = tpu.memref_slice %arg5[%dma_start3A_523, %dma_start3A_524] : memref<10240x16xf32, #tpu.memory_space<hbm>> -> memref<10240x16xf32, #tpu.memory_space<hbm>>
        tpu.enqueue_indirect_dma source(%dma_start3A_525 : memref<10240x16xf32, #tpu.memory_space<hbm>>) target(%dma_start3A_519 : memref<128x16xf32, #tpu.memory_space<vmem>>) offsets(%dma_start3A_522 : memref<128xi32, #tpu.memory_space<vmem>>) semaphore(%arg22 : memref<!tpu.dma_semaphore, #tpu.memory_space<semaphore_mem>>)
        %dma_start3A_526 = arith.constant 3 : i32
        %dma_start3A_527 = arith.constant 128 : i32
        %dma_start3A_528 = arith.constant 0 : i32
        %dma_start3A_529 = tpu.memref_slice %arg18[%dma_start3A_527, %dma_start3A_528] : memref<256x16xf32, #tpu.memory_space<vmem>> -> memref<128x16xf32, #tpu.memory_space<vmem>>
        %dma_start3A_530 = arith.constant 0 : i32
        %dma_start3A_531 = tpu.memref_slice %arg10[%dma_start3A_526, %dma_start3A_530] : memref<4x128xi32, #tpu.memory_space<vmem>> -> memref<1x128xi32, #tpu.memory_space<vmem>>
        %dma_start3A_532 = tpu.memref_squeeze %dma_start3A_531 : memref<1x128xi32, #tpu.memory_space<vmem>> -> memref<128xi32, #tpu.memory_space<vmem>>
        %dma_start3A_533 = arith.constant 0 : i32
        %dma_start3A_534 = arith.constant 0 : i32
        %dma_start3A_535 = tpu.memref_slice %arg5[%dma_start3A_533, %dma_start3A_534] : memref<10240x16xf32, #tpu.memory_space<hbm>> -> memref<10240x16xf32, #tpu.memory_space<hbm>>
        tpu.enqueue_indirect_dma source(%dma_start3A_535 : memref<10240x16xf32, #tpu.memory_space<hbm>>) target(%dma_start3A_529 : memref<128x16xf32, #tpu.memory_space<vmem>>) offsets(%dma_start3A_532 : memref<128xi32, #tpu.memory_space<vmem>>) semaphore(%arg22 : memref<!tpu.dma_semaphore, #tpu.memory_space<semaphore_mem>>)
      } else {
      }
      %dma_wait3A_321 = arith.constant 0 : i32
      %dma_wait3A_322 = arith.constant 0 : i32
      %dma_wait3A_323 = tpu.memref_slice %arg13[%dma_wait3A_321, %dma_wait3A_322] : memref<256x64xf32, #tpu.memory_space<vmem>> -> memref<128x64xf32, #tpu.memory_space<vmem>>
      %dma_wait3A_324 = arith.constant 0 : i32
      %dma_wait3A_325 = arith.constant 0 : i32
      %dma_wait3A_326 = tpu.memref_slice %arg3[%arg0, %dma_wait3A_324, %dma_wait3A_325] : memref<2x10240x64xf32, #tpu.memory_space<hbm>> -> memref<1x10240x64xf32, #tpu.memory_space<hbm>>
      %dma_wait3A_327 = tpu.memref_squeeze %dma_wait3A_326 : memref<1x10240x64xf32, #tpu.memory_space<hbm>> -> memref<10240x64xf32, #tpu.memory_space<hbm>>
      %dma_wait3A_328 = arith.constant 0 : i32
      %dma_wait3A_329 = arith.constant 0 : i32
      %dma_wait3A_330 = tpu.memref_slice %dma_wait3A_327[%dma_wait3A_328, %dma_wait3A_329] : memref<10240x64xf32, #tpu.memory_space<hbm>> -> memref<128x64xf32, #tpu.memory_space<hbm>>
      %dma_wait3A_331 = arith.constant 0 : i32
      %dma_wait3A_332 = arith.constant 0 : i32
      %dma_wait3A_333 = tpu.memref_slice %arg13[%dma_wait3A_331, %dma_wait3A_332] : memref<256x64xf32, #tpu.memory_space<vmem>> -> memref<128x64xf32, #tpu.memory_space<vmem>>
      %dma_wait3A_334 = arith.constant 0 : i32
      %dma_wait3A_335 = arith.constant 0 : i32
      %dma_wait3A_336 = tpu.memref_slice %arg3[%arg0, %dma_wait3A_334, %dma_wait3A_335] : memref<2x10240x64xf32, #tpu.memory_space<hbm>> -> memref<1x10240x64xf32, #tpu.memory_space<hbm>>
      %dma_wait3A_337 = tpu.memref_squeeze %dma_wait3A_336 : memref<1x10240x64xf32, #tpu.memory_space<hbm>> -> memref<10240x64xf32, #tpu.memory_space<hbm>>
      %dma_wait3A_338 = arith.constant 0 : i32
      %dma_wait3A_339 = arith.constant 0 : i32
      %dma_wait3A_340 = tpu.memref_slice %dma_wait3A_337[%dma_wait3A_338, %dma_wait3A_339] : memref<10240x64xf32, #tpu.memory_space<hbm>> -> memref<128x64xf32, #tpu.memory_space<hbm>>
      tpu.wait_dma2 semaphore(%arg23 : memref<!tpu.dma_semaphore, #tpu.memory_space<semaphore_mem>>) src(%dma_wait3A_340 : memref<128x64xf32, #tpu.memory_space<hbm>>) dst(%dma_wait3A_333 : memref<128x64xf32, #tpu.memory_space<vmem>>)
      %dma_wait3A_341 = arith.constant 128 : i32
      %dma_wait3A_342 = arith.constant 0 : i32
      %dma_wait3A_343 = tpu.memref_slice %arg13[%dma_wait3A_341, %dma_wait3A_342] : memref<256x64xf32, #tpu.memory_space<vmem>> -> memref<128x64xf32, #tpu.memory_space<vmem>>
      %dma_wait3A_344 = arith.constant 0 : i32
      %dma_wait3A_345 = arith.constant 0 : i32
      %dma_wait3A_346 = tpu.memref_slice %arg3[%arg0, %dma_wait3A_344, %dma_wait3A_345] : memref<2x10240x64xf32, #tpu.memory_space<hbm>> -> memref<1x10240x64xf32, #tpu.memory_space<hbm>>
      %dma_wait3A_347 = tpu.memref_squeeze %dma_wait3A_346 : memref<1x10240x64xf32, #tpu.memory_space<hbm>> -> memref<10240x64xf32, #tpu.memory_space<hbm>>
      %dma_wait3A_348 = arith.constant 0 : i32
      %dma_wait3A_349 = arith.constant 0 : i32
      %dma_wait3A_350 = tpu.memref_slice %dma_wait3A_347[%dma_wait3A_348, %dma_wait3A_349] : memref<10240x64xf32, #tpu.memory_space<hbm>> -> memref<128x64xf32, #tpu.memory_space<hbm>>
      %dma_wait3A_351 = arith.constant 128 : i32
      %dma_wait3A_352 = arith.constant 0 : i32
      %dma_wait3A_353 = tpu.memref_slice %arg13[%dma_wait3A_351, %dma_wait3A_352] : memref<256x64xf32, #tpu.memory_space<vmem>> -> memref<128x64xf32, #tpu.memory_space<vmem>>
      %dma_wait3A_354 = arith.constant 0 : i32
      %dma_wait3A_355 = arith.constant 0 : i32
      %dma_wait3A_356 = tpu.memref_slice %arg3[%arg0, %dma_wait3A_354, %dma_wait3A_355] : memref<2x10240x64xf32, #tpu.memory_space<hbm>> -> memref<1x10240x64xf32, #tpu.memory_space<hbm>>
      %dma_wait3A_357 = tpu.memref_squeeze %dma_wait3A_356 : memref<1x10240x64xf32, #tpu.memory_space<hbm>> -> memref<10240x64xf32, #tpu.memory_space<hbm>>
      %dma_wait3A_358 = arith.constant 0 : i32
      %dma_wait3A_359 = arith.constant 0 : i32
      %dma_wait3A_360 = tpu.memref_slice %dma_wait3A_357[%dma_wait3A_358, %dma_wait3A_359] : memref<10240x64xf32, #tpu.memory_space<hbm>> -> memref<128x64xf32, #tpu.memory_space<hbm>>
      tpu.wait_dma2 semaphore(%arg23 : memref<!tpu.dma_semaphore, #tpu.memory_space<semaphore_mem>>) src(%dma_wait3A_360 : memref<128x64xf32, #tpu.memory_space<hbm>>) dst(%dma_wait3A_353 : memref<128x64xf32, #tpu.memory_space<vmem>>)
      %dma_wait3A_361 = arith.constant 0 : i32
      %dma_wait3A_362 = arith.constant 0 : i32
      %dma_wait3A_363 = tpu.memref_slice %arg17[%dma_wait3A_361, %dma_wait3A_362] : memref<256x16xf32, #tpu.memory_space<vmem>> -> memref<128x16xf32, #tpu.memory_space<vmem>>
      %dma_wait3A_364 = arith.constant 0 : i32
      %dma_wait3A_365 = arith.constant 0 : i32
      %dma_wait3A_366 = tpu.memref_slice %arg4[%dma_wait3A_364, %dma_wait3A_365] : memref<10240x16xf32, #tpu.memory_space<hbm>> -> memref<128x16xf32, #tpu.memory_space<hbm>>
      %dma_wait3A_367 = arith.constant 0 : i32
      %dma_wait3A_368 = arith.constant 0 : i32
      %dma_wait3A_369 = tpu.memref_slice %arg17[%dma_wait3A_367, %dma_wait3A_368] : memref<256x16xf32, #tpu.memory_space<vmem>> -> memref<128x16xf32, #tpu.memory_space<vmem>>
      %dma_wait3A_370 = arith.constant 0 : i32
      %dma_wait3A_371 = arith.constant 0 : i32
      %dma_wait3A_372 = tpu.memref_slice %arg4[%dma_wait3A_370, %dma_wait3A_371] : memref<10240x16xf32, #tpu.memory_space<hbm>> -> memref<128x16xf32, #tpu.memory_space<hbm>>
      tpu.wait_dma2 semaphore(%arg23 : memref<!tpu.dma_semaphore, #tpu.memory_space<semaphore_mem>>) src(%dma_wait3A_372 : memref<128x16xf32, #tpu.memory_space<hbm>>) dst(%dma_wait3A_369 : memref<128x16xf32, #tpu.memory_space<vmem>>)
      %dma_wait3A_373 = arith.constant 128 : i32
      %dma_wait3A_374 = arith.constant 0 : i32
      %dma_wait3A_375 = tpu.memref_slice %arg17[%dma_wait3A_373, %dma_wait3A_374] : memref<256x16xf32, #tpu.memory_space<vmem>> -> memref<128x16xf32, #tpu.memory_space<vmem>>
      %dma_wait3A_376 = arith.constant 0 : i32
      %dma_wait3A_377 = arith.constant 0 : i32
      %dma_wait3A_378 = tpu.memref_slice %arg4[%dma_wait3A_376, %dma_wait3A_377] : memref<10240x16xf32, #tpu.memory_space<hbm>> -> memref<128x16xf32, #tpu.memory_space<hbm>>
      %dma_wait3A_379 = arith.constant 128 : i32
      %dma_wait3A_380 = arith.constant 0 : i32
      %dma_wait3A_381 = tpu.memref_slice %arg17[%dma_wait3A_379, %dma_wait3A_380] : memref<256x16xf32, #tpu.memory_space<vmem>> -> memref<128x16xf32, #tpu.memory_space<vmem>>
      %dma_wait3A_382 = arith.constant 0 : i32
      %dma_wait3A_383 = arith.constant 0 : i32
      %dma_wait3A_384 = tpu.memref_slice %arg4[%dma_wait3A_382, %dma_wait3A_383] : memref<10240x16xf32, #tpu.memory_space<hbm>> -> memref<128x16xf32, #tpu.memory_space<hbm>>
      tpu.wait_dma2 semaphore(%arg23 : memref<!tpu.dma_semaphore, #tpu.memory_space<semaphore_mem>>) src(%dma_wait3A_384 : memref<128x16xf32, #tpu.memory_space<hbm>>) dst(%dma_wait3A_381 : memref<128x16xf32, #tpu.memory_space<vmem>>)
      %dma_wait3A_385 = arith.constant 0 : i32
      %dma_wait3A_386 = arith.constant 0 : i32
      %dma_wait3A_387 = tpu.memref_slice %arg19[%dma_wait3A_385, %dma_wait3A_386] : memref<256x16xf32, #tpu.memory_space<vmem>> -> memref<128x16xf32, #tpu.memory_space<vmem>>
      %dma_wait3A_388 = arith.constant 0 : i32
      %dma_wait3A_389 = arith.constant 0 : i32
      %dma_wait3A_390 = tpu.memref_slice %arg5[%dma_wait3A_388, %dma_wait3A_389] : memref<10240x16xf32, #tpu.memory_space<hbm>> -> memref<128x16xf32, #tpu.memory_space<hbm>>
      %dma_wait3A_391 = arith.constant 0 : i32
      %dma_wait3A_392 = arith.constant 0 : i32
      %dma_wait3A_393 = tpu.memref_slice %arg19[%dma_wait3A_391, %dma_wait3A_392] : memref<256x16xf32, #tpu.memory_space<vmem>> -> memref<128x16xf32, #tpu.memory_space<vmem>>
      %dma_wait3A_394 = arith.constant 0 : i32
      %dma_wait3A_395 = arith.constant 0 : i32
      %dma_wait3A_396 = tpu.memref_slice %arg5[%dma_wait3A_394, %dma_wait3A_395] : memref<10240x16xf32, #tpu.memory_space<hbm>> -> memref<128x16xf32, #tpu.memory_space<hbm>>
      tpu.wait_dma2 semaphore(%arg23 : memref<!tpu.dma_semaphore, #tpu.memory_space<semaphore_mem>>) src(%dma_wait3A_396 : memref<128x16xf32, #tpu.memory_space<hbm>>) dst(%dma_wait3A_393 : memref<128x16xf32, #tpu.memory_space<vmem>>)
      %dma_wait3A_397 = arith.constant 128 : i32
      %dma_wait3A_398 = arith.constant 0 : i32
      %dma_wait3A_399 = tpu.memref_slice %arg19[%dma_wait3A_397, %dma_wait3A_398] : memref<256x16xf32, #tpu.memory_space<vmem>> -> memref<128x16xf32, #tpu.memory_space<vmem>>
      %dma_wait3A_400 = arith.constant 0 : i32
      %dma_wait3A_401 = arith.constant 0 : i32
      %dma_wait3A_402 = tpu.memref_slice %arg5[%dma_wait3A_400, %dma_wait3A_401] : memref<10240x16xf32, #tpu.memory_space<hbm>> -> memref<128x16xf32, #tpu.memory_space<hbm>>
      %dma_wait3A_403 = arith.constant 128 : i32
      %dma_wait3A_404 = arith.constant 0 : i32
      %dma_wait3A_405 = tpu.memref_slice %arg19[%dma_wait3A_403, %dma_wait3A_404] : memref<256x16xf32, #tpu.memory_space<vmem>> -> memref<128x16xf32, #tpu.memory_space<vmem>>
      %dma_wait3A_406 = arith.constant 0 : i32
      %dma_wait3A_407 = arith.constant 0 : i32
      %dma_wait3A_408 = tpu.memref_slice %arg5[%dma_wait3A_406, %dma_wait3A_407] : memref<10240x16xf32, #tpu.memory_space<hbm>> -> memref<128x16xf32, #tpu.memory_space<hbm>>
      tpu.wait_dma2 semaphore(%arg23 : memref<!tpu.dma_semaphore, #tpu.memory_space<semaphore_mem>>) src(%dma_wait3A_408 : memref<128x16xf32, #tpu.memory_space<hbm>>) dst(%dma_wait3A_405 : memref<128x16xf32, #tpu.memory_space<vmem>>)
      %parallel_loop3A_409 = arith.constant 0 : i32
      %parallel_loop3A_410 = arith.constant 256 : i32
      %parallel_loop3A_411 = arith.constant 1 : i32
      scf.for %parallel_loop3A_466 = %parallel_loop3A_409 to %parallel_loop3A_410 step %parallel_loop3A_411  : i32 {
        %parallel_loop3A_467 = arith.index_cast %parallel_loop3A_466 : i32 to index
        %parallel_loop3A_468 = arith.constant 0 : index
        %parallel_loop3A_469 = tpu.vector_load %arg17[%parallel_loop3A_467, %parallel_loop3A_468] {strides = array<i32>} : memref<256x16xf32, #tpu.memory_space<vmem>>, vector<1x16xf32>,
        %parallel_loop3A_470 = vector.shape_cast %parallel_loop3A_469 : vector<1x16xf32> to vector<16xf32>
        %parallel_loop3A_471 = arith.index_cast %parallel_loop3A_466 : i32 to index
        %parallel_loop3A_472 = arith.constant 0 : index
        %parallel_loop3A_473 = tpu.vector_load %arg19[%parallel_loop3A_471, %parallel_loop3A_472] {strides = array<i32>} : memref<256x16xf32, #tpu.memory_space<vmem>>, vector<1x16xf32>,
        %parallel_loop3A_474 = vector.shape_cast %parallel_loop3A_473 : vector<1x16xf32> to vector<16xf32>
        %parallel_loop3A_475 = arith.addf %parallel_loop3A_470, %parallel_loop3A_474 : vector<16xf32>
        %parallel_loop3A_476 = arith.constant 2.000000e-01 : f32
        %parallel_loop3A_477 = vector.broadcast %parallel_loop3A_476 : f32 to vector<16xf32>
        %parallel_loop3A_478 = arith.mulf %parallel_loop3A_477, %parallel_loop3A_475 : vector<16xf32>
        %parallel_loop3A_479 = arith.maximumf %parallel_loop3A_475, %parallel_loop3A_478 : vector<16xf32>
        %parallel_loop3A_480 = math.exp %parallel_loop3A_479 : vector<16xf32>
        %parallel_loop3A_481 = arith.index_cast %parallel_loop3A_466 : i32 to index
        %parallel_loop3A_482 = arith.constant 0 : index
        %parallel_loop3A_483 = tpu.vector_load %arg15[%parallel_loop3A_481, %parallel_loop3A_482] {strides = array<i32>} : memref<256x16xf32, #tpu.memory_space<vmem>>, vector<1x16xf32>,
        %parallel_loop3A_484 = vector.shape_cast %parallel_loop3A_483 : vector<1x16xf32> to vector<16xf32>
        %parallel_loop3A_485 = vector.shape_cast %parallel_loop3A_480 : vector<16xf32> to vector<1x16xf32>
        tpu.vector_store %arg15[%parallel_loop3A_481, %parallel_loop3A_482], %parallel_loop3A_485 {strides = array<i32>} : memref<256x16xf32, #tpu.memory_space<vmem>>, vector<1x16xf32>,
        %parallel_loop3A_486 = vector.shape_cast %add3A_4 : vector<16xi32> to vector<16x1xi32>
        %parallel_loop3A_487 = vector.shape_cast %parallel_loop3A_486 : vector<16x1xi32> to vector<16xi32>
        %parallel_loop3A_488 = tpu.dynamic_gather %parallel_loop3A_480[%parallel_loop3A_487] in [0] : vector<16xf32>, vector<16xi32> -> vector<16xf32>
        %parallel_loop3A_489 = arith.index_cast %parallel_loop3A_466 : i32 to index
        %parallel_loop3A_490 = arith.constant 0 : index
        %parallel_loop3A_491 = tpu.vector_load %arg13[%parallel_loop3A_489, %parallel_loop3A_490] {strides = array<i32>} : memref<256x64xf32, #tpu.memory_space<vmem>>, vector<1x16xf32>,
        %parallel_loop3A_492 = vector.shape_cast %parallel_loop3A_491 : vector<1x16xf32> to vector<16xf32>
        %parallel_loop3A_493 = arith.mulf %parallel_loop3A_492, %parallel_loop3A_488 : vector<16xf32>
        %parallel_loop3A_494 = arith.index_cast %parallel_loop3A_466 : i32 to index
        %parallel_loop3A_495 = arith.constant 0 : index
        %parallel_loop3A_496 = tpu.vector_load %arg13[%parallel_loop3A_494, %parallel_loop3A_495] {strides = array<i32>} : memref<256x64xf32, #tpu.memory_space<vmem>>, vector<1x16xf32>,
        %parallel_loop3A_497 = vector.shape_cast %parallel_loop3A_496 : vector<1x16xf32> to vector<16xf32>
        %parallel_loop3A_498 = vector.shape_cast %parallel_loop3A_493 : vector<16xf32> to vector<1x16xf32>
        tpu.vector_store %arg13[%parallel_loop3A_494, %parallel_loop3A_495], %parallel_loop3A_498 {strides = array<i32>} : memref<256x64xf32, #tpu.memory_space<vmem>>, vector<1x16xf32>,
        %parallel_loop3A_499 = vector.shape_cast %add3A_10 : vector<16xi32> to vector<16x1xi32>
        %parallel_loop3A_500 = vector.shape_cast %parallel_loop3A_499 : vector<16x1xi32> to vector<16xi32>
        %parallel_loop3A_501 = tpu.dynamic_gather %parallel_loop3A_480[%parallel_loop3A_500] in [0] : vector<16xf32>, vector<16xi32> -> vector<16xf32>
        %parallel_loop3A_502 = arith.index_cast %parallel_loop3A_466 : i32 to index
        %parallel_loop3A_503 = arith.constant 16 : index
        %parallel_loop3A_504 = tpu.vector_load %arg13[%parallel_loop3A_502, %parallel_loop3A_503] {strides = array<i32>} : memref<256x64xf32, #tpu.memory_space<vmem>>, vector<1x16xf32>,
        %parallel_loop3A_505 = vector.shape_cast %parallel_loop3A_504 : vector<1x16xf32> to vector<16xf32>
        %parallel_loop3A_506 = arith.mulf %parallel_loop3A_505, %parallel_loop3A_501 : vector<16xf32>
        %parallel_loop3A_507 = arith.index_cast %parallel_loop3A_466 : i32 to index
        %parallel_loop3A_508 = arith.constant 16 : index
        %parallel_loop3A_509 = tpu.vector_load %arg13[%parallel_loop3A_507, %parallel_loop3A_508] {strides = array<i32>} : memref<256x64xf32, #tpu.memory_space<vmem>>, vector<1x16xf32>,
        %parallel_loop3A_510 = vector.shape_cast %parallel_loop3A_509 : vector<1x16xf32> to vector<16xf32>
        %parallel_loop3A_511 = vector.shape_cast %parallel_loop3A_506 : vector<16xf32> to vector<1x16xf32>
        tpu.vector_store %arg13[%parallel_loop3A_507, %parallel_loop3A_508], %parallel_loop3A_511 {strides = array<i32>} : memref<256x64xf32, #tpu.memory_space<vmem>>, vector<1x16xf32>,
        %parallel_loop3A_512 = vector.shape_cast %add3A_16 : vector<16xi32> to vector<16x1xi32>
        %parallel_loop3A_513 = vector.shape_cast %parallel_loop3A_512 : vector<16x1xi32> to vector<16xi32>
        %parallel_loop3A_514 = tpu.dynamic_gather %parallel_loop3A_480[%parallel_loop3A_513] in [0] : vector<16xf32>, vector<16xi32> -> vector<16xf32>
        %parallel_loop3A_515 = arith.index_cast %parallel_loop3A_466 : i32 to index
        %parallel_loop3A_516 = arith.constant 32 : index
        %parallel_loop3A_517 = tpu.vector_load %arg13[%parallel_loop3A_515, %parallel_loop3A_516] {strides = array<i32>} : memref<256x64xf32, #tpu.memory_space<vmem>>, vector<1x16xf32>,
        %parallel_loop3A_518 = vector.shape_cast %parallel_loop3A_517 : vector<1x16xf32> to vector<16xf32>
        %parallel_loop3A_519 = arith.mulf %parallel_loop3A_518, %parallel_loop3A_514 : vector<16xf32>
        %parallel_loop3A_520 = arith.index_cast %parallel_loop3A_466 : i32 to index
        %parallel_loop3A_521 = arith.constant 32 : index
        %parallel_loop3A_522 = tpu.vector_load %arg13[%parallel_loop3A_520, %parallel_loop3A_521] {strides = array<i32>} : memref<256x64xf32, #tpu.memory_space<vmem>>, vector<1x16xf32>,
        %parallel_loop3A_523 = vector.shape_cast %parallel_loop3A_522 : vector<1x16xf32> to vector<16xf32>
        %parallel_loop3A_524 = vector.shape_cast %parallel_loop3A_519 : vector<16xf32> to vector<1x16xf32>
        tpu.vector_store %arg13[%parallel_loop3A_520, %parallel_loop3A_521], %parallel_loop3A_524 {strides = array<i32>} : memref<256x64xf32, #tpu.memory_space<vmem>>, vector<1x16xf32>,
        %parallel_loop3A_525 = vector.shape_cast %add3A_22 : vector<16xi32> to vector<16x1xi32>
        %parallel_loop3A_526 = vector.shape_cast %parallel_loop3A_525 : vector<16x1xi32> to vector<16xi32>
        %parallel_loop3A_527 = tpu.dynamic_gather %parallel_loop3A_480[%parallel_loop3A_526] in [0] : vector<16xf32>, vector<16xi32> -> vector<16xf32>
        %parallel_loop3A_528 = arith.index_cast %parallel_loop3A_466 : i32 to index
        %parallel_loop3A_529 = arith.constant 48 : index
        %parallel_loop3A_530 = tpu.vector_load %arg13[%parallel_loop3A_528, %parallel_loop3A_529] {strides = array<i32>} : memref<256x64xf32, #tpu.memory_space<vmem>>, vector<1x16xf32>,
        %parallel_loop3A_531 = vector.shape_cast %parallel_loop3A_530 : vector<1x16xf32> to vector<16xf32>
        %parallel_loop3A_532 = arith.mulf %parallel_loop3A_531, %parallel_loop3A_527 : vector<16xf32>
        %parallel_loop3A_533 = arith.index_cast %parallel_loop3A_466 : i32 to index
        %parallel_loop3A_534 = arith.constant 48 : index
        %parallel_loop3A_535 = tpu.vector_load %arg13[%parallel_loop3A_533, %parallel_loop3A_534] {strides = array<i32>} : memref<256x64xf32, #tpu.memory_space<vmem>>, vector<1x16xf32>,
        %parallel_loop3A_536 = vector.shape_cast %parallel_loop3A_535 : vector<1x16xf32> to vector<16xf32>
        %parallel_loop3A_537 = vector.shape_cast %parallel_loop3A_532 : vector<16xf32> to vector<1x16xf32>
        tpu.vector_store %arg13[%parallel_loop3A_533, %parallel_loop3A_534], %parallel_loop3A_537 {strides = array<i32>} : memref<256x64xf32, #tpu.memory_space<vmem>>, vector<1x16xf32>,
      } {sc.loop_unroll_factor = 8 : i64, sc.parallel_access}
      %dma_start3A_412 = arith.constant 2 : i32
      %dma_start3A_413 = arith.constant 0 : i32
      %dma_start3A_414 = arith.constant 0 : i32
      %dma_start3A_415 = tpu.memref_slice %arg13[%dma_start3A_413, %dma_start3A_414] : memref<256x64xf32, #tpu.memory_space<vmem>> -> memref<128x64xf32, #tpu.memory_space<vmem>>
      %dma_start3A_416 = arith.constant 0 : i32
      %dma_start3A_417 = tpu.memref_slice %arg11[%dma_start3A_412, %dma_start3A_416] : memref<4x128xi32, #tpu.memory_space<vmem>> -> memref<1x128xi32, #tpu.memory_space<vmem>>
      %dma_start3A_418 = tpu.memref_squeeze %dma_start3A_417 : memref<1x128xi32, #tpu.memory_space<vmem>> -> memref<128xi32, #tpu.memory_space<vmem>>
      %dma_start3A_419 = arith.constant 0 : i32
      %dma_start3A_420 = arith.constant 0 : i32
      %dma_start3A_421 = tpu.memref_slice %arg20[%dma_start3A_419, %dma_start3A_420] : memref<10240x64xf32, #tpu.memory_space<vmem_shared>> -> memref<10240x64xf32, #tpu.memory_space<vmem_shared>>
      tpu.enqueue_indirect_dma source(%dma_start3A_415 : memref<128x64xf32, #tpu.memory_space<vmem>>) target(%dma_start3A_421 : memref<10240x64xf32, #tpu.memory_space<vmem_shared>>) offsets(%dma_start3A_418 : memref<128xi32, #tpu.memory_space<vmem>>) semaphore(%arg25 : memref<!tpu.dma_semaphore, #tpu.memory_space<semaphore_mem>>) {add = true}
      %dma_start3A_422 = arith.constant 3 : i32
      %dma_start3A_423 = arith.constant 128 : i32
      %dma_start3A_424 = arith.constant 0 : i32
      %dma_start3A_425 = tpu.memref_slice %arg13[%dma_start3A_423, %dma_start3A_424] : memref<256x64xf32, #tpu.memory_space<vmem>> -> memref<128x64xf32, #tpu.memory_space<vmem>>
      %dma_start3A_426 = arith.constant 0 : i32
      %dma_start3A_427 = tpu.memref_slice %arg11[%dma_start3A_422, %dma_start3A_426] : memref<4x128xi32, #tpu.memory_space<vmem>> -> memref<1x128xi32, #tpu.memory_space<vmem>>
      %dma_start3A_428 = tpu.memref_squeeze %dma_start3A_427 : memref<1x128xi32, #tpu.memory_space<vmem>> -> memref<128xi32, #tpu.memory_space<vmem>>
      %dma_start3A_429 = arith.constant 0 : i32
      %dma_start3A_430 = arith.constant 0 : i32
      %dma_start3A_431 = tpu.memref_slice %arg20[%dma_start3A_429, %dma_start3A_430] : memref<10240x64xf32, #tpu.memory_space<vmem_shared>> -> memref<10240x64xf32, #tpu.memory_space<vmem_shared>>
      tpu.enqueue_indirect_dma source(%dma_start3A_425 : memref<128x64xf32, #tpu.memory_space<vmem>>) target(%dma_start3A_431 : memref<10240x64xf32, #tpu.memory_space<vmem_shared>>) offsets(%dma_start3A_428 : memref<128xi32, #tpu.memory_space<vmem>>) semaphore(%arg25 : memref<!tpu.dma_semaphore, #tpu.memory_space<semaphore_mem>>) {add = true}
      %eq3A_432 = arith.constant 0 : i32
      %eq3A_433 = arith.cmpi eq, %arg0, %eq3A_432 : i32
      %convert_element_type3A_434 = arith.extui %eq3A_433 : i1 to i32
      %cond3A_435 = arith.constant 0 : i32
      %cond3A_436 = arith.cmpi ne, %convert_element_type3A_434, %cond3A_435 : i32
      scf.if %cond3A_436 {
        %dma_start3A_466 = arith.constant 2 : i32
        %dma_start3A_467 = arith.constant 0 : i32
        %dma_start3A_468 = arith.constant 0 : i32
        %dma_start3A_469 = tpu.memref_slice %arg15[%dma_start3A_467, %dma_start3A_468] : memref<256x16xf32, #tpu.memory_space<vmem>> -> memref<128x16xf32, #tpu.memory_space<vmem>>
        %dma_start3A_470 = arith.constant 0 : i32
        %dma_start3A_471 = tpu.memref_slice %arg11[%dma_start3A_466, %dma_start3A_470] : memref<4x128xi32, #tpu.memory_space<vmem>> -> memref<1x128xi32, #tpu.memory_space<vmem>>
        %dma_start3A_472 = tpu.memref_squeeze %dma_start3A_471 : memref<1x128xi32, #tpu.memory_space<vmem>> -> memref<128xi32, #tpu.memory_space<vmem>>
        %dma_start3A_473 = arith.constant 0 : i32
        %dma_start3A_474 = arith.constant 0 : i32
        %dma_start3A_475 = tpu.memref_slice %arg21[%dma_start3A_473, %dma_start3A_474] : memref<10240x16xf32, #tpu.memory_space<vmem_shared>> -> memref<10240x16xf32, #tpu.memory_space<vmem_shared>>
        tpu.enqueue_indirect_dma source(%dma_start3A_469 : memref<128x16xf32, #tpu.memory_space<vmem>>) target(%dma_start3A_475 : memref<10240x16xf32, #tpu.memory_space<vmem_shared>>) offsets(%dma_start3A_472 : memref<128xi32, #tpu.memory_space<vmem>>) semaphore(%arg25 : memref<!tpu.dma_semaphore, #tpu.memory_space<semaphore_mem>>) {add = true}
        %dma_start3A_476 = arith.constant 3 : i32
        %dma_start3A_477 = arith.constant 128 : i32
        %dma_start3A_478 = arith.constant 0 : i32
        %dma_start3A_479 = tpu.memref_slice %arg15[%dma_start3A_477, %dma_start3A_478] : memref<256x16xf32, #tpu.memory_space<vmem>> -> memref<128x16xf32, #tpu.memory_space<vmem>>
        %dma_start3A_480 = arith.constant 0 : i32
        %dma_start3A_481 = tpu.memref_slice %arg11[%dma_start3A_476, %dma_start3A_480] : memref<4x128xi32, #tpu.memory_space<vmem>> -> memref<1x128xi32, #tpu.memory_space<vmem>>
        %dma_start3A_482 = tpu.memref_squeeze %dma_start3A_481 : memref<1x128xi32, #tpu.memory_space<vmem>> -> memref<128xi32, #tpu.memory_space<vmem>>
        %dma_start3A_483 = arith.constant 0 : i32
        %dma_start3A_484 = arith.constant 0 : i32
        %dma_start3A_485 = tpu.memref_slice %arg21[%dma_start3A_483, %dma_start3A_484] : memref<10240x16xf32, #tpu.memory_space<vmem_shared>> -> memref<10240x16xf32, #tpu.memory_space<vmem_shared>>
        tpu.enqueue_indirect_dma source(%dma_start3A_479 : memref<128x16xf32, #tpu.memory_space<vmem>>) target(%dma_start3A_485 : memref<10240x16xf32, #tpu.memory_space<vmem_shared>>) offsets(%dma_start3A_482 : memref<128xi32, #tpu.memory_space<vmem>>) semaphore(%arg25 : memref<!tpu.dma_semaphore, #tpu.memory_space<semaphore_mem>>) {add = true}
      } else {
      }
      %dma_wait3A_437 = arith.constant 0 : i32
      %dma_wait3A_438 = arith.constant 0 : i32
      %dma_wait3A_439 = tpu.memref_slice %arg13[%dma_wait3A_437, %dma_wait3A_438] : memref<256x64xf32, #tpu.memory_space<vmem>> -> memref<128x64xf32, #tpu.memory_space<vmem>>
      %dma_wait3A_440 = arith.constant 0 : i32
      %dma_wait3A_441 = arith.constant 0 : i32
      %dma_wait3A_442 = tpu.memref_slice %arg20[%dma_wait3A_440, %dma_wait3A_441] : memref<10240x64xf32, #tpu.memory_space<vmem_shared>> -> memref<128x64xf32, #tpu.memory_space<vmem_shared>>
      %dma_wait3A_443 = arith.constant 0 : i32
      %dma_wait3A_444 = arith.constant 0 : i32
      %dma_wait3A_445 = tpu.memref_slice %arg20[%dma_wait3A_443, %dma_wait3A_444] : memref<10240x64xf32, #tpu.memory_space<vmem_shared>> -> memref<128x64xf32, #tpu.memory_space<vmem_shared>>
      %dma_wait3A_446 = arith.constant 0 : i32
      %dma_wait3A_447 = arith.constant 0 : i32
      %dma_wait3A_448 = tpu.memref_slice %arg13[%dma_wait3A_446, %dma_wait3A_447] : memref<256x64xf32, #tpu.memory_space<vmem>> -> memref<128x64xf32, #tpu.memory_space<vmem>>
      tpu.wait_dma2 semaphore(%arg25 : memref<!tpu.dma_semaphore, #tpu.memory_space<semaphore_mem>>) src(%dma_wait3A_448 : memref<128x64xf32, #tpu.memory_space<vmem>>) dst(%dma_wait3A_445 : memref<128x64xf32, #tpu.memory_space<vmem_shared>>)
      %dma_wait3A_449 = arith.constant 128 : i32
      %dma_wait3A_450 = arith.constant 0 : i32
      %dma_wait3A_451 = tpu.memref_slice %arg13[%dma_wait3A_449, %dma_wait3A_450] : memref<256x64xf32, #tpu.memory_space<vmem>> -> memref<128x64xf32, #tpu.memory_space<vmem>>
      %dma_wait3A_452 = arith.constant 0 : i32
      %dma_wait3A_453 = arith.constant 0 : i32
      %dma_wait3A_454 = tpu.memref_slice %arg20[%dma_wait3A_452, %dma_wait3A_453] : memref<10240x64xf32, #tpu.memory_space<vmem_shared>> -> memref<128x64xf32, #tpu.memory_space<vmem_shared>>
      %dma_wait3A_455 = arith.constant 0 : i32
      %dma_wait3A_456 = arith.constant 0 : i32
      %dma_wait3A_457 = tpu.memref_slice %arg20[%dma_wait3A_455, %dma_wait3A_456] : memref<10240x64xf32, #tpu.memory_space<vmem_shared>> -> memref<128x64xf32, #tpu.memory_space<vmem_shared>>
      %dma_wait3A_458 = arith.constant 128 : i32
      %dma_wait3A_459 = arith.constant 0 : i32
      %dma_wait3A_460 = tpu.memref_slice %arg13[%dma_wait3A_458, %dma_wait3A_459] : memref<256x64xf32, #tpu.memory_space<vmem>> -> memref<128x64xf32, #tpu.memory_space<vmem>>
      tpu.wait_dma2 semaphore(%arg25 : memref<!tpu.dma_semaphore, #tpu.memory_space<semaphore_mem>>) src(%dma_wait3A_460 : memref<128x64xf32, #tpu.memory_space<vmem>>) dst(%dma_wait3A_457 : memref<128x64xf32, #tpu.memory_space<vmem_shared>>)
      %eq3A_461 = arith.constant 0 : i32
      %eq3A_462 = arith.cmpi eq, %arg0, %eq3A_461 : i32
      %convert_element_type3A_463 = arith.extui %eq3A_462 : i1 to i32
      %cond3A_464 = arith.constant 0 : i32
      %cond3A_465 = arith.cmpi ne, %convert_element_type3A_463, %cond3A_464 : i32
      scf.if %cond3A_465 {
        %dma_wait3A_466 = arith.constant 0 : i32
        %dma_wait3A_467 = arith.constant 0 : i32
        %dma_wait3A_468 = tpu.memref_slice %arg15[%dma_wait3A_466, %dma_wait3A_467] : memref<256x16xf32, #tpu.memory_space<vmem>> -> memref<128x16xf32, #tpu.memory_space<vmem>>
        %dma_wait3A_469 = arith.constant 0 : i32
        %dma_wait3A_470 = arith.constant 0 : i32
        %dma_wait3A_471 = tpu.memref_slice %arg21[%dma_wait3A_469, %dma_wait3A_470] : memref<10240x16xf32, #tpu.memory_space<vmem_shared>> -> memref<128x16xf32, #tpu.memory_space<vmem_shared>>
        %dma_wait3A_472 = arith.constant 0 : i32
        %dma_wait3A_473 = arith.constant 0 : i32
        %dma_wait3A_474 = tpu.memref_slice %arg21[%dma_wait3A_472, %dma_wait3A_473] : memref<10240x16xf32, #tpu.memory_space<vmem_shared>> -> memref<128x16xf32, #tpu.memory_space<vmem_shared>>
        %dma_wait3A_475 = arith.constant 0 : i32
        %dma_wait3A_476 = arith.constant 0 : i32
        %dma_wait3A_477 = tpu.memref_slice %arg15[%dma_wait3A_475, %dma_wait3A_476] : memref<256x16xf32, #tpu.memory_space<vmem>> -> memref<128x16xf32, #tpu.memory_space<vmem>>
        tpu.wait_dma2 semaphore(%arg25 : memref<!tpu.dma_semaphore, #tpu.memory_space<semaphore_mem>>) src(%dma_wait3A_477 : memref<128x16xf32, #tpu.memory_space<vmem>>) dst(%dma_wait3A_474 : memref<128x16xf32, #tpu.memory_space<vmem_shared>>)
        %dma_wait3A_478 = arith.constant 128 : i32
        %dma_wait3A_479 = arith.constant 0 : i32
        %dma_wait3A_480 = tpu.memref_slice %arg15[%dma_wait3A_478, %dma_wait3A_479] : memref<256x16xf32, #tpu.memory_space<vmem>> -> memref<128x16xf32, #tpu.memory_space<vmem>>
        %dma_wait3A_481 = arith.constant 0 : i32
        %dma_wait3A_482 = arith.constant 0 : i32
        %dma_wait3A_483 = tpu.memref_slice %arg21[%dma_wait3A_481, %dma_wait3A_482] : memref<10240x16xf32, #tpu.memory_space<vmem_shared>> -> memref<128x16xf32, #tpu.memory_space<vmem_shared>>
        %dma_wait3A_484 = arith.constant 0 : i32
        %dma_wait3A_485 = arith.constant 0 : i32
        %dma_wait3A_486 = tpu.memref_slice %arg21[%dma_wait3A_484, %dma_wait3A_485] : memref<10240x16xf32, #tpu.memory_space<vmem_shared>> -> memref<128x16xf32, #tpu.memory_space<vmem_shared>>
        %dma_wait3A_487 = arith.constant 128 : i32
        %dma_wait3A_488 = arith.constant 0 : i32
        %dma_wait3A_489 = tpu.memref_slice %arg15[%dma_wait3A_487, %dma_wait3A_488] : memref<256x16xf32, #tpu.memory_space<vmem>> -> memref<128x16xf32, #tpu.memory_space<vmem>>
        tpu.wait_dma2 semaphore(%arg25 : memref<!tpu.dma_semaphore, #tpu.memory_space<semaphore_mem>>) src(%dma_wait3A_489 : memref<128x16xf32, #tpu.memory_space<vmem>>) dst(%dma_wait3A_486 : memref<128x16xf32, #tpu.memory_space<vmem_shared>>)
      } else {
      }
    }
    %scan3A_96 = arith.constant 42 : i32
    %barrier3A_97 = arith.constant 0 : index
    tpu.barrier barrier_id(%barrier3A_97)
    "tpu.region"() ({
      %run_scoped3A = tpu.sem_alloc : memref<!tpu.dma_semaphore, #tpu.memory_space<semaphore_mem>>
      %dma_start3A_100 = arith.constant 0 : i32
      %dma_start3A_101 = arith.constant 0 : i32
      %dma_start3A_102 = tpu.memref_slice %arg8[%arg0, %dma_start3A_100, %dma_start3A_101] : memref<2x10240x64xf32, #tpu.memory_space<hbm>> -> memref<1x10240x64xf32, #tpu.memory_space<hbm>>
      %dma_start3A_103 = tpu.memref_squeeze %dma_start3A_102 : memref<1x10240x64xf32, #tpu.memory_space<hbm>> -> memref<10240x64xf32, #tpu.memory_space<hbm>>
      %dma_start3A_104 = arith.constant 0 : i32
      %dma_start3A_105 = tpu.memref_slice %dma_start3A_103[%mul3A_0, %dma_start3A_104] : memref<10240x64xf32, #tpu.memory_space<hbm>> -> memref<640x64xf32, #tpu.memory_space<hbm>>
      %dma_start3A_106 = arith.constant 0 : i32
      %dma_start3A_107 = tpu.memref_slice %arg20[%mul3A_0, %dma_start3A_106] : memref<10240x64xf32, #tpu.memory_space<vmem_shared>> -> memref<640x64xf32, #tpu.memory_space<vmem_shared>>
      tpu.enqueue_dma source(%dma_start3A_107 : memref<640x64xf32, #tpu.memory_space<vmem_shared>>) target(%dma_start3A_105 : memref<640x64xf32, #tpu.memory_space<hbm>>) target_semaphore(%run_scoped3A : memref<!tpu.dma_semaphore, #tpu.memory_space<semaphore_mem>>)
      %dma_wait3A = arith.constant 0 : i32
      %dma_wait3A_108 = arith.constant 0 : i32
      %dma_wait3A_109 = tpu.memref_slice %arg8[%arg0, %dma_wait3A, %dma_wait3A_108] : memref<2x10240x64xf32, #tpu.memory_space<hbm>> -> memref<1x10240x64xf32, #tpu.memory_space<hbm>>
      %dma_wait3A_110 = tpu.memref_squeeze %dma_wait3A_109 : memref<1x10240x64xf32, #tpu.memory_space<hbm>> -> memref<10240x64xf32, #tpu.memory_space<hbm>>
      %dma_wait3A_111 = arith.constant 0 : i32
      %dma_wait3A_112 = tpu.memref_slice %dma_wait3A_110[%mul3A_0, %dma_wait3A_111] : memref<10240x64xf32, #tpu.memory_space<hbm>> -> memref<640x64xf32, #tpu.memory_space<hbm>>
      %dma_wait3A_113 = arith.constant 0 : i32
      %dma_wait3A_114 = tpu.memref_slice %arg20[%mul3A_0, %dma_wait3A_113] : memref<10240x64xf32, #tpu.memory_space<vmem_shared>> -> memref<640x64xf32, #tpu.memory_space<vmem_shared>>
      tpu.wait_dma2 semaphore(%run_scoped3A : memref<!tpu.dma_semaphore, #tpu.memory_space<semaphore_mem>>) src(%dma_wait3A_114 : memref<640x64xf32, #tpu.memory_space<vmem_shared>>) dst(%dma_wait3A_112 : memref<640x64xf32, #tpu.memory_space<hbm>>)
      tpu.yield
    }) : () -> ()
    %eq3A = arith.constant 0 : i32
    %eq3A_98 = arith.cmpi eq, %arg0, %eq3A : i32
    %convert_element_type3A = arith.extui %eq3A_98 : i1 to i32
    %cond3A = arith.constant 0 : i32
    %cond3A_99 = arith.cmpi ne, %convert_element_type3A, %cond3A : i32
    scf.if %cond3A_99 {
      "tpu.region"() ({
        %run_scoped3A = tpu.sem_alloc : memref<!tpu.dma_semaphore, #tpu.memory_space<semaphore_mem>>
        %dma_start3A_100 = arith.constant 0 : i32
        %dma_start3A_101 = tpu.memref_slice %arg9[%mul3A_0, %dma_start3A_100] : memref<10240x16xf32, #tpu.memory_space<hbm>> -> memref<640x16xf32, #tpu.memory_space<hbm>>
        %dma_start3A_102 = arith.constant 0 : i32
        %dma_start3A_103 = tpu.memref_slice %arg21[%mul3A_0, %dma_start3A_102] : memref<10240x16xf32, #tpu.memory_space<vmem_shared>> -> memref<640x16xf32, #tpu.memory_space<vmem_shared>>
        tpu.enqueue_dma source(%dma_start3A_103 : memref<640x16xf32, #tpu.memory_space<vmem_shared>>) target(%dma_start3A_101 : memref<640x16xf32, #tpu.memory_space<hbm>>) target_semaphore(%run_scoped3A : memref<!tpu.dma_semaphore, #tpu.memory_space<semaphore_mem>>)
        %dma_wait3A = arith.constant 0 : i32
        %dma_wait3A_104 = tpu.memref_slice %arg9[%mul3A_0, %dma_wait3A] : memref<10240x16xf32, #tpu.memory_space<hbm>> -> memref<640x16xf32, #tpu.memory_space<hbm>>
        %dma_wait3A_105 = arith.constant 0 : i32
        %dma_wait3A_106 = tpu.memref_slice %arg21[%mul3A_0, %dma_wait3A_105] : memref<10240x16xf32, #tpu.memory_space<vmem_shared>> -> memref<640x16xf32, #tpu.memory_space<vmem_shared>>
        tpu.wait_dma2 semaphore(%run_scoped3A : memref<!tpu.dma_semaphore, #tpu.memory_space<semaphore_mem>>) src(%dma_wait3A_106 : memref<640x16xf32, #tpu.memory_space<vmem_shared>>) dst(%dma_wait3A_104 : memref<640x16xf32, #tpu.memory_space<hbm>>)
        tpu.yield
      }) : () -> ()
    } else {
    }
    return
  }
}

#map = affine_map<(d0, d1) -> (0, 0, 0)>
#map1 = affine_map<(d0, d1) -> (0, 0)>
module attributes {stable_mosaic.version = 14 : i64} {
  func.func @_sc_body(%arg0: i32, %arg1: i32, %arg2: memref<1344x4x128xi32, #tpu.memory_space<hbm>>, %arg3: memref<2x10240x64xf32, #tpu.memory_space<hbm>>, %arg4: memref<10240x16xf32, #tpu.memory_space<hbm>>, %arg5: memref<10240x16xf32, #tpu.memory_space<hbm>>, %arg6: memref<10240x64xf32, #tpu.memory_space<hbm>>, %arg7: memref<10240x16xf32, #tpu.memory_space<hbm>>, %arg8: memref<2x10240x64xf32, #tpu.memory_space<hbm>>, %arg9: memref<10240x16xf32, #tpu.memory_space<hbm>>, %arg10: memref<4x128xi32, #tpu.memory_space<vmem>>, %arg11: memref<4x128xi32, #tpu.memory_space<vmem>>, %arg12: memref<256x64xf32, #tpu.memory_space<vmem>>, %arg13: memref<256x64xf32, #tpu.memory_space<vmem>>, %arg14: memref<256x16xf32, #tpu.memory_space<vmem>>, %arg15: memref<256x16xf32, #tpu.memory_space<vmem>>, %arg16: memref<256x16xf32, #tpu.memory_space<vmem>>, %arg17: memref<256x16xf32, #tpu.memory_space<vmem>>, %arg18: memref<256x16xf32, #tpu.memory_space<vmem>>, %arg19: memref<256x16xf32, #tpu.memory_space<vmem>>, %arg20: memref<10240x64xf32, #tpu.memory_space<vmem_shared>>, %arg21: memref<10240x16xf32, #tpu.memory_space<vmem_shared>>, %arg22: memref<!tpu.dma_semaphore, #tpu.memory_space<semaphore_mem>>, %arg23: memref<!tpu.dma_semaphore, #tpu.memory_space<semaphore_mem>>, %arg24: memref<!tpu.dma_semaphore, #tpu.memory_space<semaphore_mem>>, %arg25: memref<!tpu.dma_semaphore, #tpu.memory_space<semaphore_mem>>) attributes {dimension_semantics = [#tpu.dimension_semantics<core_parallel>, #tpu.dimension_semantics<subcore_parallel>], iteration_bounds = array<i64: 2, 16>, scalar_prefetch = 0 : i64, scratch_operands = 16 : i64, tpu.core_type = #tpu.core_type<sc_vector_subcore>, window_params = [{transform_indices = #map}, {transform_indices = #map}, {transform_indices = #map1}, {transform_indices = #map1}, {transform_indices = #map1}, {transform_indices = #map1}, {transform_indices = #map}, {transform_indices = #map1}]} {
    %mul3A = arith.constant 640 : i32
    %mul3A_0 = arith.muli %arg1, %mul3A : i32
    "tpu.region"() ({
      %run_scoped3A = tpu.sem_alloc : memref<!tpu.dma_semaphore, #tpu.memory_space<semaphore_mem>>
      %dma_start3A_100 = arith.constant 0 : i32
      %dma_start3A_101 = tpu.memref_slice %arg20[%mul3A_0, %dma_start3A_100] : memref<10240x64xf32, #tpu.memory_space<vmem_shared>> -> memref<640x64xf32, #tpu.memory_space<vmem_shared>>
      %dma_start3A_102 = arith.constant 0 : i32
      %dma_start3A_103 = tpu.memref_slice %arg6[%mul3A_0, %dma_start3A_102] : memref<10240x64xf32, #tpu.memory_space<hbm>> -> memref<640x64xf32, #tpu.memory_space<hbm>>
      tpu.enqueue_dma source(%dma_start3A_103 : memref<640x64xf32, #tpu.memory_space<hbm>>) target(%dma_start3A_101 : memref<640x64xf32, #tpu.memory_space<vmem_shared>>) target_semaphore(%run_scoped3A : memref<!tpu.dma_semaphore, #tpu.memory_space<semaphore_mem>>)
      %dma_wait3A = arith.constant 0 : i32
      %dma_wait3A_104 = tpu.memref_slice %arg20[%mul3A_0, %dma_wait3A] : memref<10240x64xf32, #tpu.memory_space<vmem_shared>> -> memref<640x64xf32, #tpu.memory_space<vmem_shared>>
      %dma_wait3A_105 = arith.constant 0 : i32
      %dma_wait3A_106 = tpu.memref_slice %arg6[%mul3A_0, %dma_wait3A_105] : memref<10240x64xf32, #tpu.memory_space<hbm>> -> memref<640x64xf32, #tpu.memory_space<hbm>>
      tpu.wait_dma2 semaphore(%run_scoped3A : memref<!tpu.dma_semaphore, #tpu.memory_space<semaphore_mem>>) src(%dma_wait3A_106 : memref<640x64xf32, #tpu.memory_space<hbm>>) dst(%dma_wait3A_104 : memref<640x64xf32, #tpu.memory_space<vmem_shared>>)
      tpu.yield
    }) : () -> ()
    "tpu.region"() ({
      %run_scoped3A = tpu.sem_alloc : memref<!tpu.dma_semaphore, #tpu.memory_space<semaphore_mem>>
      %dma_start3A_100 = arith.constant 0 : i32
      %dma_start3A_101 = tpu.memref_slice %arg21[%mul3A_0, %dma_start3A_100] : memref<10240x16xf32, #tpu.memory_space<vmem_shared>> -> memref<640x16xf32, #tpu.memory_space<vmem_shared>>
      %dma_start3A_102 = arith.constant 0 : i32
      %dma_start3A_103 = tpu.memref_slice %arg7[%mul3A_0, %dma_start3A_102] : memref<10240x16xf32, #tpu.memory_space<hbm>> -> memref<640x16xf32, #tpu.memory_space<hbm>>
      tpu.enqueue_dma source(%dma_start3A_103 : memref<640x16xf32, #tpu.memory_space<hbm>>) target(%dma_start3A_101 : memref<640x16xf32, #tpu.memory_space<vmem_shared>>) target_semaphore(%run_scoped3A : memref<!tpu.dma_semaphore, #tpu.memory_space<semaphore_mem>>)
      %dma_wait3A = arith.constant 0 : i32
      %dma_wait3A_104 = tpu.memref_slice %arg21[%mul3A_0, %dma_wait3A] : memref<10240x16xf32, #tpu.memory_space<vmem_shared>> -> memref<640x16xf32, #tpu.memory_space<vmem_shared>>
      %dma_wait3A_105 = arith.constant 0 : i32
      %dma_wait3A_106 = tpu.memref_slice %arg7[%mul3A_0, %dma_wait3A_105] : memref<10240x16xf32, #tpu.memory_space<hbm>> -> memref<640x16xf32, #tpu.memory_space<hbm>>
      tpu.wait_dma2 semaphore(%run_scoped3A : memref<!tpu.dma_semaphore, #tpu.memory_space<semaphore_mem>>) src(%dma_wait3A_106 : memref<640x16xf32, #tpu.memory_space<hbm>>) dst(%dma_wait3A_104 : memref<640x16xf32, #tpu.memory_space<vmem_shared>>)
      tpu.yield
    }) : () -> ()
    %barrier3A = arith.constant 0 : index
    tpu.barrier barrier_id(%barrier3A)
    %broadcast_in_dim3A = arith.constant 0 : i32
    %broadcast_in_dim3A_1 = vector.broadcast %broadcast_in_dim3A : i32 to vector<16xi32>
    %mul3A_2 = arith.constant 4 : i32
    %mul3A_3 = arith.muli %arg0, %mul3A_2 : i32
    %add3A = vector.broadcast %mul3A_3 : i32 to vector<16xi32>
    %add3A_4 = arith.addi %broadcast_in_dim3A_1, %add3A : vector<16xi32>
    %broadcast_in_dim3A_5 = arith.constant 1 : i32
    %broadcast_in_dim3A_6 = vector.broadcast %broadcast_in_dim3A_5 : i32 to vector<16xi32>
    %mul3A_7 = arith.constant 4 : i32
    %mul3A_8 = arith.muli %arg0, %mul3A_7 : i32
    %add3A_9 = vector.broadcast %mul3A_8 : i32 to vector<16xi32>
    %add3A_10 = arith.addi %broadcast_in_dim3A_6, %add3A_9 : vector<16xi32>
    %broadcast_in_dim3A_11 = arith.constant 2 : i32
    %broadcast_in_dim3A_12 = vector.broadcast %broadcast_in_dim3A_11 : i32 to vector<16xi32>
    %mul3A_13 = arith.constant 4 : i32
    %mul3A_14 = arith.muli %arg0, %mul3A_13 : i32
    %add3A_15 = vector.broadcast %mul3A_14 : i32 to vector<16xi32>
    %add3A_16 = arith.addi %broadcast_in_dim3A_12, %add3A_15 : vector<16xi32>
    %broadcast_in_dim3A_17 = arith.constant 3 : i32
    %broadcast_in_dim3A_18 = vector.broadcast %broadcast_in_dim3A_17 : i32 to vector<16xi32>
    %mul3A_19 = arith.constant 4 : i32
    %mul3A_20 = arith.muli %arg0, %mul3A_19 : i32
    %add3A_21 = vector.broadcast %mul3A_20 : i32 to vector<16xi32>
    %add3A_22 = arith.addi %broadcast_in_dim3A_18, %add3A_21 : vector<16xi32>
    %mul3A_23 = arith.constant 84 : i32
    %mul3A_24 = arith.muli %arg1, %mul3A_23 : i32
    "tpu.region"() ({
      %run_scoped3A = tpu.sem_alloc : memref<!tpu.dma_semaphore, #tpu.memory_space<semaphore_mem>>
      %dma_start3A_100 = arith.constant 0 : i32
      %dma_start3A_101 = arith.constant 0 : i32
      %dma_start3A_102 = tpu.memref_slice %arg2[%mul3A_24, %dma_start3A_100, %dma_start3A_101] : memref<1344x4x128xi32, #tpu.memory_space<hbm>> -> memref<1x4x128xi32, #tpu.memory_space<hbm>>
      %dma_start3A_103 = tpu.memref_squeeze %dma_start3A_102 : memref<1x4x128xi32, #tpu.memory_space<hbm>> -> memref<4x128xi32, #tpu.memory_space<hbm>>
      %dma_start3A_104 = arith.constant 0 : i32
      %dma_start3A_105 = arith.constant 0 : i32
      %dma_start3A_106 = tpu.memref_slice %arg2[%mul3A_24, %dma_start3A_104, %dma_start3A_105] : memref<1344x4x128xi32, #tpu.memory_space<hbm>> -> memref<1x4x128xi32, #tpu.memory_space<hbm>>
      %dma_start3A_107 = tpu.memref_squeeze %dma_start3A_106 : memref<1x4x128xi32, #tpu.memory_space<hbm>> -> memref<4x128xi32, #tpu.memory_space<hbm>>
      tpu.enqueue_dma source(%dma_start3A_107 : memref<4x128xi32, #tpu.memory_space<hbm>>) target(%arg10 : memref<4x128xi32, #tpu.memory_space<vmem>>) target_semaphore(%run_scoped3A : memref<!tpu.dma_semaphore, #tpu.memory_space<semaphore_mem>>)
      %dma_wait3A = arith.constant 0 : i32
      %dma_wait3A_108 = arith.constant 0 : i32
      %dma_wait3A_109 = tpu.memref_slice %arg2[%mul3A_24, %dma_wait3A, %dma_wait3A_108] : memref<1344x4x128xi32, #tpu.memory_space<hbm>> -> memref<1x4x128xi32, #tpu.memory_space<hbm>>
      %dma_wait3A_110 = tpu.memref_squeeze %dma_wait3A_109 : memref<1x4x128xi32, #tpu.memory_space<hbm>> -> memref<4x128xi32, #tpu.memory_space<hbm>>
      %dma_wait3A_111 = arith.constant 0 : i32
      %dma_wait3A_112 = arith.constant 0 : i32
      %dma_wait3A_113 = tpu.memref_slice %arg2[%mul3A_24, %dma_wait3A_111, %dma_wait3A_112] : memref<1344x4x128xi32, #tpu.memory_space<hbm>> -> memref<1x4x128xi32, #tpu.memory_space<hbm>>
      %dma_wait3A_114 = tpu.memref_squeeze %dma_wait3A_113 : memref<1x4x128xi32, #tpu.memory_space<hbm>> -> memref<4x128xi32, #tpu.memory_space<hbm>>
      tpu.wait_dma2 semaphore(%run_scoped3A : memref<!tpu.dma_semaphore, #tpu.memory_space<semaphore_mem>>) src(%dma_wait3A_114 : memref<4x128xi32, #tpu.memory_space<hbm>>) dst(%arg10 : memref<4x128xi32, #tpu.memory_space<vmem>>)
      tpu.yield
    }) : () -> ()
    %dma_start3A = arith.constant 0 : i32
    %dma_start3A_25 = arith.constant 0 : i32
    %dma_start3A_26 = arith.constant 0 : i32
    %dma_start3A_27 = tpu.memref_slice %arg12[%dma_start3A_25, %dma_start3A_26] : memref<256x64xf32, #tpu.memory_space<vmem>> -> memref<128x64xf32, #tpu.memory_space<vmem>>
    %dma_start3A_28 = arith.constant 0 : i32
    %dma_start3A_29 = tpu.memref_slice %arg10[%dma_start3A, %dma_start3A_28] : memref<4x128xi32, #tpu.memory_space<vmem>> -> memref<1x128xi32, #tpu.memory_space<vmem>>
    %dma_start3A_30 = tpu.memref_squeeze %dma_start3A_29 : memref<1x128xi32, #tpu.memory_space<vmem>> -> memref<128xi32, #tpu.memory_space<vmem>>
    %dma_start3A_31 = arith.constant 0 : i32
    %dma_start3A_32 = arith.constant 0 : i32
    %dma_start3A_33 = tpu.memref_slice %arg3[%arg0, %dma_start3A_31, %dma_start3A_32] : memref<2x10240x64xf32, #tpu.memory_space<hbm>> -> memref<1x10240x64xf32, #tpu.memory_space<hbm>>
    %dma_start3A_34 = tpu.memref_squeeze %dma_start3A_33 : memref<1x10240x64xf32, #tpu.memory_space<hbm>> -> memref<10240x64xf32, #tpu.memory_space<hbm>>
    %dma_start3A_35 = arith.constant 0 : i32
    %dma_start3A_36 = arith.constant 0 : i32
    %dma_start3A_37 = tpu.memref_slice %dma_start3A_34[%dma_start3A_35, %dma_start3A_36] : memref<10240x64xf32, #tpu.memory_space<hbm>> -> memref<10240x64xf32, #tpu.memory_space<hbm>>
    tpu.enqueue_indirect_dma source(%dma_start3A_37 : memref<10240x64xf32, #tpu.memory_space<hbm>>) target(%dma_start3A_27 : memref<128x64xf32, #tpu.memory_space<vmem>>) offsets(%dma_start3A_30 : memref<128xi32, #tpu.memory_space<vmem>>) semaphore(%arg22 : memref<!tpu.dma_semaphore, #tpu.memory_space<semaphore_mem>>)
    %dma_start3A_38 = arith.constant 1 : i32
    %dma_start3A_39 = arith.constant 128 : i32
    %dma_start3A_40 = arith.constant 0 : i32
    %dma_start3A_41 = tpu.memref_slice %arg12[%dma_start3A_39, %dma_start3A_40] : memref<256x64xf32, #tpu.memory_space<vmem>> -> memref<128x64xf32, #tpu.memory_space<vmem>>
    %dma_start3A_42 = arith.constant 0 : i32
    %dma_start3A_43 = tpu.memref_slice %arg10[%dma_start3A_38, %dma_start3A_42] : memref<4x128xi32, #tpu.memory_space<vmem>> -> memref<1x128xi32, #tpu.memory_space<vmem>>
    %dma_start3A_44 = tpu.memref_squeeze %dma_start3A_43 : memref<1x128xi32, #tpu.memory_space<vmem>> -> memref<128xi32, #tpu.memory_space<vmem>>
    %dma_start3A_45 = arith.constant 0 : i32
    %dma_start3A_46 = arith.constant 0 : i32
    %dma_start3A_47 = tpu.memref_slice %arg3[%arg0, %dma_start3A_45, %dma_start3A_46] : memref<2x10240x64xf32, #tpu.memory_space<hbm>> -> memref<1x10240x64xf32, #tpu.memory_space<hbm>>
    %dma_start3A_48 = tpu.memref_squeeze %dma_start3A_47 : memref<1x10240x64xf32, #tpu.memory_space<hbm>> -> memref<10240x64xf32, #tpu.memory_space<hbm>>
    %dma_start3A_49 = arith.constant 0 : i32
    %dma_start3A_50 = arith.constant 0 : i32
    %dma_start3A_51 = tpu.memref_slice %dma_start3A_48[%dma_start3A_49, %dma_start3A_50] : memref<10240x64xf32, #tpu.memory_space<hbm>> -> memref<10240x64xf32, #tpu.memory_space<hbm>>
    tpu.enqueue_indirect_dma source(%dma_start3A_51 : memref<10240x64xf32, #tpu.memory_space<hbm>>) target(%dma_start3A_41 : memref<128x64xf32, #tpu.memory_space<vmem>>) offsets(%dma_start3A_44 : memref<128xi32, #tpu.memory_space<vmem>>) semaphore(%arg22 : memref<!tpu.dma_semaphore, #tpu.memory_space<semaphore_mem>>)
    %dma_start3A_52 = arith.constant 0 : i32
    %dma_start3A_53 = arith.constant 0 : i32
    %dma_start3A_54 = arith.constant 0 : i32
    %dma_start3A_55 = tpu.memref_slice %arg16[%dma_start3A_53, %dma_start3A_54] : memref<256x16xf32, #tpu.memory_space<vmem>> -> memref<128x16xf32, #tpu.memory_space<vmem>>
    %dma_start3A_56 = arith.constant 0 : i32
    %dma_start3A_57 = tpu.memref_slice %arg10[%dma_start3A_52, %dma_start3A_56] : memref<4x128xi32, #tpu.memory_space<vmem>> -> memref<1x128xi32, #tpu.memory_space<vmem>>
    %dma_start3A_58 = tpu.memref_squeeze %dma_start3A_57 : memref<1x128xi32, #tpu.memory_space<vmem>> -> memref<128xi32, #tpu.memory_space<vmem>>
    %dma_start3A_59 = arith.constant 0 : i32
    %dma_start3A_60 = arith.constant 0 : i32
    %dma_start3A_61 = tpu.memref_slice %arg4[%dma_start3A_59, %dma_start3A_60] : memref<10240x16xf32, #tpu.memory_space<hbm>> -> memref<10240x16xf32, #tpu.memory_space<hbm>>
    tpu.enqueue_indirect_dma source(%dma_start3A_61 : memref<10240x16xf32, #tpu.memory_space<hbm>>) target(%dma_start3A_55 : memref<128x16xf32, #tpu.memory_space<vmem>>) offsets(%dma_start3A_58 : memref<128xi32, #tpu.memory_space<vmem>>) semaphore(%arg22 : memref<!tpu.dma_semaphore, #tpu.memory_space<semaphore_mem>>)
    %dma_start3A_62 = arith.constant 1 : i32
    %dma_start3A_63 = arith.constant 128 : i32
    %dma_start3A_64 = arith.constant 0 : i32
    %dma_start3A_65 = tpu.memref_slice %arg16[%dma_start3A_63, %dma_start3A_64] : memref<256x16xf32, #tpu.memory_space<vmem>> -> memref<128x16xf32, #tpu.memory_space<vmem>>
    %dma_start3A_66 = arith.constant 0 : i32
    %dma_start3A_67 = tpu.memref_slice %arg10[%dma_start3A_62, %dma_start3A_66] : memref<4x128xi32, #tpu.memory_space<vmem>> -> memref<1x128xi32, #tpu.memory_space<vmem>>
    %dma_start3A_68 = tpu.memref_squeeze %dma_start3A_67 : memref<1x128xi32, #tpu.memory_space<vmem>> -> memref<128xi32, #tpu.memory_space<vmem>>
    %dma_start3A_69 = arith.constant 0 : i32
    %dma_start3A_70 = arith.constant 0 : i32
    %dma_start3A_71 = tpu.memref_slice %arg4[%dma_start3A_69, %dma_start3A_70] : memref<10240x16xf32, #tpu.memory_space<hbm>> -> memref<10240x16xf32, #tpu.memory_space<hbm>>
    tpu.enqueue_indirect_dma source(%dma_start3A_71 : memref<10240x16xf32, #tpu.memory_space<hbm>>) target(%dma_start3A_65 : memref<128x16xf32, #tpu.memory_space<vmem>>) offsets(%dma_start3A_68 : memref<128xi32, #tpu.memory_space<vmem>>) semaphore(%arg22 : memref<!tpu.dma_semaphore, #tpu.memory_space<semaphore_mem>>)
    %dma_start3A_72 = arith.constant 2 : i32
    %dma_start3A_73 = arith.constant 0 : i32
    %dma_start3A_74 = arith.constant 0 : i32
    %dma_start3A_75 = tpu.memref_slice %arg18[%dma_start3A_73, %dma_start3A_74] : memref<256x16xf32, #tpu.memory_space<vmem>> -> memref<128x16xf32, #tpu.memory_space<vmem>>
    %dma_start3A_76 = arith.constant 0 : i32
    %dma_start3A_77 = tpu.memref_slice %arg10[%dma_start3A_72, %dma_start3A_76] : memref<4x128xi32, #tpu.memory_space<vmem>> -> memref<1x128xi32, #tpu.memory_space<vmem>>
    %dma_start3A_78 = tpu.memref_squeeze %dma_start3A_77 : memref<1x128xi32, #tpu.memory_space<vmem>> -> memref<128xi32, #tpu.memory_space<vmem>>
    %dma_start3A_79 = arith.constant 0 : i32
    %dma_start3A_80 = arith.constant 0 : i32
    %dma_start3A_81 = tpu.memref_slice %arg5[%dma_start3A_79, %dma_start3A_80] : memref<10240x16xf32, #tpu.memory_space<hbm>> -> memref<10240x16xf32, #tpu.memory_space<hbm>>
    tpu.enqueue_indirect_dma source(%dma_start3A_81 : memref<10240x16xf32, #tpu.memory_space<hbm>>) target(%dma_start3A_75 : memref<128x16xf32, #tpu.memory_space<vmem>>) offsets(%dma_start3A_78 : memref<128xi32, #tpu.memory_space<vmem>>) semaphore(%arg22 : memref<!tpu.dma_semaphore, #tpu.memory_space<semaphore_mem>>)
    %dma_start3A_82 = arith.constant 3 : i32
    %dma_start3A_83 = arith.constant 128 : i32
    %dma_start3A_84 = arith.constant 0 : i32
    %dma_start3A_85 = tpu.memref_slice %arg18[%dma_start3A_83, %dma_start3A_84] : memref<256x16xf32, #tpu.memory_space<vmem>> -> memref<128x16xf32, #tpu.memory_space<vmem>>
    %dma_start3A_86 = arith.constant 0 : i32
    %dma_start3A_87 = tpu.memref_slice %arg10[%dma_start3A_82, %dma_start3A_86] : memref<4x128xi32, #tpu.memory_space<vmem>> -> memref<1x128xi32, #tpu.memory_space<vmem>>
    %dma_start3A_88 = tpu.memref_squeeze %dma_start3A_87 : memref<1x128xi32, #tpu.memory_space<vmem>> -> memref<128xi32, #tpu.memory_space<vmem>>
    %dma_start3A_89 = arith.constant 0 : i32
    %dma_start3A_90 = arith.constant 0 : i32
    %dma_start3A_91 = tpu.memref_slice %arg5[%dma_start3A_89, %dma_start3A_90] : memref<10240x16xf32, #tpu.memory_space<hbm>> -> memref<10240x16xf32, #tpu.memory_space<hbm>>
    tpu.enqueue_indirect_dma source(%dma_start3A_91 : memref<10240x16xf32, #tpu.memory_space<hbm>>) target(%dma_start3A_85 : memref<128x16xf32, #tpu.memory_space<vmem>>) offsets(%dma_start3A_88 : memref<128xi32, #tpu.memory_space<vmem>>) semaphore(%arg22 : memref<!tpu.dma_semaphore, #tpu.memory_space<semaphore_mem>>)
    %scan3A = arith.constant 0 : i32
    %scan3A_92 = arith.constant 0 : i32
    %scan3A_93 = arith.constant 42 : i32
    %scan3A_94 = arith.addi %scan3A_92, %scan3A_93 : i32
    %scan3A_95 = arith.constant 1 : i32
    scf.for %scan3A_100 = %scan3A_92 to %scan3A_94 step %scan3A_95  : i32 {
      %mul3A_101 = arith.constant 2 : i32
      %mul3A_102 = arith.muli %mul3A_101, %scan3A_100 : i32
      %add3A_103 = arith.addi %mul3A_24, %mul3A_102 : i32
      %add3A_104 = arith.constant 1 : i32
      %add3A_105 = arith.addi %add3A_103, %add3A_104 : i32
      "tpu.region"() ({
        %run_scoped3A = tpu.sem_alloc : memref<!tpu.dma_semaphore, #tpu.memory_space<semaphore_mem>>
        %dma_start3A_466 = arith.constant 0 : i32
        %dma_start3A_467 = arith.constant 0 : i32
        %dma_start3A_468 = tpu.memref_slice %arg2[%add3A_105, %dma_start3A_466, %dma_start3A_467] : memref<1344x4x128xi32, #tpu.memory_space<hbm>> -> memref<1x4x128xi32, #tpu.memory_space<hbm>>
        %dma_start3A_469 = tpu.memref_squeeze %dma_start3A_468 : memref<1x4x128xi32, #tpu.memory_space<hbm>> -> memref<4x128xi32, #tpu.memory_space<hbm>>
        %dma_start3A_470 = arith.constant 0 : i32
        %dma_start3A_471 = arith.constant 0 : i32
        %dma_start3A_472 = tpu.memref_slice %arg2[%add3A_105, %dma_start3A_470, %dma_start3A_471] : memref<1344x4x128xi32, #tpu.memory_space<hbm>> -> memref<1x4x128xi32, #tpu.memory_space<hbm>>
        %dma_start3A_473 = tpu.memref_squeeze %dma_start3A_472 : memref<1x4x128xi32, #tpu.memory_space<hbm>> -> memref<4x128xi32, #tpu.memory_space<hbm>>
        tpu.enqueue_dma source(%dma_start3A_473 : memref<4x128xi32, #tpu.memory_space<hbm>>) target(%arg11 : memref<4x128xi32, #tpu.memory_space<vmem>>) target_semaphore(%run_scoped3A : memref<!tpu.dma_semaphore, #tpu.memory_space<semaphore_mem>>)
        %dma_wait3A_474 = arith.constant 0 : i32
        %dma_wait3A_475 = arith.constant 0 : i32
        %dma_wait3A_476 = tpu.memref_slice %arg2[%add3A_105, %dma_wait3A_474, %dma_wait3A_475] : memref<1344x4x128xi32, #tpu.memory_space<hbm>> -> memref<1x4x128xi32, #tpu.memory_space<hbm>>
        %dma_wait3A_477 = tpu.memref_squeeze %dma_wait3A_476 : memref<1x4x128xi32, #tpu.memory_space<hbm>> -> memref<4x128xi32, #tpu.memory_space<hbm>>
        %dma_wait3A_478 = arith.constant 0 : i32
        %dma_wait3A_479 = arith.constant 0 : i32
        %dma_wait3A_480 = tpu.memref_slice %arg2[%add3A_105, %dma_wait3A_478, %dma_wait3A_479] : memref<1344x4x128xi32, #tpu.memory_space<hbm>> -> memref<1x4x128xi32, #tpu.memory_space<hbm>>
        %dma_wait3A_481 = tpu.memref_squeeze %dma_wait3A_480 : memref<1x4x128xi32, #tpu.memory_space<hbm>> -> memref<4x128xi32, #tpu.memory_space<hbm>>
        tpu.wait_dma2 semaphore(%run_scoped3A : memref<!tpu.dma_semaphore, #tpu.memory_space<semaphore_mem>>) src(%dma_wait3A_481 : memref<4x128xi32, #tpu.memory_space<hbm>>) dst(%arg11 : memref<4x128xi32, #tpu.memory_space<vmem>>)
        tpu.yield
      }) : () -> ()
      %dma_start3A_106 = arith.constant 0 : i32
      %dma_start3A_107 = arith.constant 0 : i32
      %dma_start3A_108 = arith.constant 0 : i32
      %dma_start3A_109 = tpu.memref_slice %arg13[%dma_start3A_107, %dma_start3A_108] : memref<256x64xf32, #tpu.memory_space<vmem>> -> memref<128x64xf32, #tpu.memory_space<vmem>>
      %dma_start3A_110 = arith.constant 0 : i32
      %dma_start3A_111 = tpu.memref_slice %arg11[%dma_start3A_106, %dma_start3A_110] : memref<4x128xi32, #tpu.memory_space<vmem>> -> memref<1x128xi32, #tpu.memory_space<vmem>>
      %dma_start3A_112 = tpu.memref_squeeze %dma_start3A_111 : memref<1x128xi32, #tpu.memory_space<vmem>> -> memref<128xi32, #tpu.memory_space<vmem>>
      %dma_start3A_113 = arith.constant 0 : i32
      %dma_start3A_114 = arith.constant 0 : i32
      %dma_start3A_115 = tpu.memref_slice %arg3[%arg0, %dma_start3A_113, %dma_start3A_114] : memref<2x10240x64xf32, #tpu.memory_space<hbm>> -> memref<1x10240x64xf32, #tpu.memory_space<hbm>>
      %dma_start3A_116 = tpu.memref_squeeze %dma_start3A_115 : memref<1x10240x64xf32, #tpu.memory_space<hbm>> -> memref<10240x64xf32, #tpu.memory_space<hbm>>
      %dma_start3A_117 = arith.constant 0 : i32
      %dma_start3A_118 = arith.constant 0 : i32
      %dma_start3A_119 = tpu.memref_slice %dma_start3A_116[%dma_start3A_117, %dma_start3A_118] : memref<10240x64xf32, #tpu.memory_space<hbm>> -> memref<10240x64xf32, #tpu.memory_space<hbm>>
      tpu.enqueue_indirect_dma source(%dma_start3A_119 : memref<10240x64xf32, #tpu.memory_space<hbm>>) target(%dma_start3A_109 : memref<128x64xf32, #tpu.memory_space<vmem>>) offsets(%dma_start3A_112 : memref<128xi32, #tpu.memory_space<vmem>>) semaphore(%arg23 : memref<!tpu.dma_semaphore, #tpu.memory_space<semaphore_mem>>)
      %dma_start3A_120 = arith.constant 1 : i32
      %dma_start3A_121 = arith.constant 128 : i32
      %dma_start3A_122 = arith.constant 0 : i32
      %dma_start3A_123 = tpu.memref_slice %arg13[%dma_start3A_121, %dma_start3A_122] : memref<256x64xf32, #tpu.memory_space<vmem>> -> memref<128x64xf32, #tpu.memory_space<vmem>>
      %dma_start3A_124 = arith.constant 0 : i32
      %dma_start3A_125 = tpu.memref_slice %arg11[%dma_start3A_120, %dma_start3A_124] : memref<4x128xi32, #tpu.memory_space<vmem>> -> memref<1x128xi32, #tpu.memory_space<vmem>>
      %dma_start3A_126 = tpu.memref_squeeze %dma_start3A_125 : memref<1x128xi32, #tpu.memory_space<vmem>> -> memref<128xi32, #tpu.memory_space<vmem>>
      %dma_start3A_127 = arith.constant 0 : i32
      %dma_start3A_128 = arith.constant 0 : i32
      %dma_start3A_129 = tpu.memref_slice %arg3[%arg0, %dma_start3A_127, %dma_start3A_128] : memref<2x10240x64xf32, #tpu.memory_space<hbm>> -> memref<1x10240x64xf32, #tpu.memory_space<hbm>>
      %dma_start3A_130 = tpu.memref_squeeze %dma_start3A_129 : memref<1x10240x64xf32, #tpu.memory_space<hbm>> -> memref<10240x64xf32, #tpu.memory_space<hbm>>
      %dma_start3A_131 = arith.constant 0 : i32
      %dma_start3A_132 = arith.constant 0 : i32
      %dma_start3A_133 = tpu.memref_slice %dma_start3A_130[%dma_start3A_131, %dma_start3A_132] : memref<10240x64xf32, #tpu.memory_space<hbm>> -> memref<10240x64xf32, #tpu.memory_space<hbm>>
      tpu.enqueue_indirect_dma source(%dma_start3A_133 : memref<10240x64xf32, #tpu.memory_space<hbm>>) target(%dma_start3A_123 : memref<128x64xf32, #tpu.memory_space<vmem>>) offsets(%dma_start3A_126 : memref<128xi32, #tpu.memory_space<vmem>>) semaphore(%arg23 : memref<!tpu.dma_semaphore, #tpu.memory_space<semaphore_mem>>)
      %dma_start3A_134 = arith.constant 0 : i32
      %dma_start3A_135 = arith.constant 0 : i32
      %dma_start3A_136 = arith.constant 0 : i32
      %dma_start3A_137 = tpu.memref_slice %arg17[%dma_start3A_135, %dma_start3A_136] : memref<256x16xf32, #tpu.memory_space<vmem>> -> memref<128x16xf32, #tpu.memory_space<vmem>>
      %dma_start3A_138 = arith.constant 0 : i32
      %dma_start3A_139 = tpu.memref_slice %arg11[%dma_start3A_134, %dma_start3A_138] : memref<4x128xi32, #tpu.memory_space<vmem>> -> memref<1x128xi32, #tpu.memory_space<vmem>>
      %dma_start3A_140 = tpu.memref_squeeze %dma_start3A_139 : memref<1x128xi32, #tpu.memory_space<vmem>> -> memref<128xi32, #tpu.memory_space<vmem>>
      %dma_start3A_141 = arith.constant 0 : i32
      %dma_start3A_142 = arith.constant 0 : i32
      %dma_start3A_143 = tpu.memref_slice %arg4[%dma_start3A_141, %dma_start3A_142] : memref<10240x16xf32, #tpu.memory_space<hbm>> -> memref<10240x16xf32, #tpu.memory_space<hbm>>
      tpu.enqueue_indirect_dma source(%dma_start3A_143 : memref<10240x16xf32, #tpu.memory_space<hbm>>) target(%dma_start3A_137 : memref<128x16xf32, #tpu.memory_space<vmem>>) offsets(%dma_start3A_140 : memref<128xi32, #tpu.memory_space<vmem>>) semaphore(%arg23 : memref<!tpu.dma_semaphore, #tpu.memory_space<semaphore_mem>>)
      %dma_start3A_144 = arith.constant 1 : i32
      %dma_start3A_145 = arith.constant 128 : i32
      %dma_start3A_146 = arith.constant 0 : i32
      %dma_start3A_147 = tpu.memref_slice %arg17[%dma_start3A_145, %dma_start3A_146] : memref<256x16xf32, #tpu.memory_space<vmem>> -> memref<128x16xf32, #tpu.memory_space<vmem>>
      %dma_start3A_148 = arith.constant 0 : i32
      %dma_start3A_149 = tpu.memref_slice %arg11[%dma_start3A_144, %dma_start3A_148] : memref<4x128xi32, #tpu.memory_space<vmem>> -> memref<1x128xi32, #tpu.memory_space<vmem>>
      %dma_start3A_150 = tpu.memref_squeeze %dma_start3A_149 : memref<1x128xi32, #tpu.memory_space<vmem>> -> memref<128xi32, #tpu.memory_space<vmem>>
      %dma_start3A_151 = arith.constant 0 : i32
      %dma_start3A_152 = arith.constant 0 : i32
      %dma_start3A_153 = tpu.memref_slice %arg4[%dma_start3A_151, %dma_start3A_152] : memref<10240x16xf32, #tpu.memory_space<hbm>> -> memref<10240x16xf32, #tpu.memory_space<hbm>>
      tpu.enqueue_indirect_dma source(%dma_start3A_153 : memref<10240x16xf32, #tpu.memory_space<hbm>>) target(%dma_start3A_147 : memref<128x16xf32, #tpu.memory_space<vmem>>) offsets(%dma_start3A_150 : memref<128xi32, #tpu.memory_space<vmem>>) semaphore(%arg23 : memref<!tpu.dma_semaphore, #tpu.memory_space<semaphore_mem>>)
      %dma_start3A_154 = arith.constant 2 : i32
      %dma_start3A_155 = arith.constant 0 : i32
      %dma_start3A_156 = arith.constant 0 : i32
      %dma_start3A_157 = tpu.memref_slice %arg19[%dma_start3A_155, %dma_start3A_156] : memref<256x16xf32, #tpu.memory_space<vmem>> -> memref<128x16xf32, #tpu.memory_space<vmem>>
      %dma_start3A_158 = arith.constant 0 : i32
      %dma_start3A_159 = tpu.memref_slice %arg11[%dma_start3A_154, %dma_start3A_158] : memref<4x128xi32, #tpu.memory_space<vmem>> -> memref<1x128xi32, #tpu.memory_space<vmem>>
      %dma_start3A_160 = tpu.memref_squeeze %dma_start3A_159 : memref<1x128xi32, #tpu.memory_space<vmem>> -> memref<128xi32, #tpu.memory_space<vmem>>
      %dma_start3A_161 = arith.constant 0 : i32
      %dma_start3A_162 = arith.constant 0 : i32
      %dma_start3A_163 = tpu.memref_slice %arg5[%dma_start3A_161, %dma_start3A_162] : memref<10240x16xf32, #tpu.memory_space<hbm>> -> memref<10240x16xf32, #tpu.memory_space<hbm>>
      tpu.enqueue_indirect_dma source(%dma_start3A_163 : memref<10240x16xf32, #tpu.memory_space<hbm>>) target(%dma_start3A_157 : memref<128x16xf32, #tpu.memory_space<vmem>>) offsets(%dma_start3A_160 : memref<128xi32, #tpu.memory_space<vmem>>) semaphore(%arg23 : memref<!tpu.dma_semaphore, #tpu.memory_space<semaphore_mem>>)
      %dma_start3A_164 = arith.constant 3 : i32
      %dma_start3A_165 = arith.constant 128 : i32
      %dma_start3A_166 = arith.constant 0 : i32
      %dma_start3A_167 = tpu.memref_slice %arg19[%dma_start3A_165, %dma_start3A_166] : memref<256x16xf32, #tpu.memory_space<vmem>> -> memref<128x16xf32, #tpu.memory_space<vmem>>
      %dma_start3A_168 = arith.constant 0 : i32
      %dma_start3A_169 = tpu.memref_slice %arg11[%dma_start3A_164, %dma_start3A_168] : memref<4x128xi32, #tpu.memory_space<vmem>> -> memref<1x128xi32, #tpu.memory_space<vmem>>
      %dma_start3A_170 = tpu.memref_squeeze %dma_start3A_169 : memref<1x128xi32, #tpu.memory_space<vmem>> -> memref<128xi32, #tpu.memory_space<vmem>>
      %dma_start3A_171 = arith.constant 0 : i32
      %dma_start3A_172 = arith.constant 0 : i32
      %dma_start3A_173 = tpu.memref_slice %arg5[%dma_start3A_171, %dma_start3A_172] : memref<10240x16xf32, #tpu.memory_space<hbm>> -> memref<10240x16xf32, #tpu.memory_space<hbm>>
      tpu.enqueue_indirect_dma source(%dma_start3A_173 : memref<10240x16xf32, #tpu.memory_space<hbm>>) target(%dma_start3A_167 : memref<128x16xf32, #tpu.memory_space<vmem>>) offsets(%dma_start3A_170 : memref<128xi32, #tpu.memory_space<vmem>>) semaphore(%arg23 : memref<!tpu.dma_semaphore, #tpu.memory_space<semaphore_mem>>)
      %dma_wait3A = arith.constant 0 : i32
      %dma_wait3A_174 = arith.constant 0 : i32
      %dma_wait3A_175 = tpu.memref_slice %arg12[%dma_wait3A, %dma_wait3A_174] : memref<256x64xf32, #tpu.memory_space<vmem>> -> memref<128x64xf32, #tpu.memory_space<vmem>>
      %dma_wait3A_176 = arith.constant 0 : i32
      %dma_wait3A_177 = arith.constant 0 : i32
      %dma_wait3A_178 = tpu.memref_slice %arg3[%arg0, %dma_wait3A_176, %dma_wait3A_177] : memref<2x10240x64xf32, #tpu.memory_space<hbm>> -> memref<1x10240x64xf32, #tpu.memory_space<hbm>>
      %dma_wait3A_179 = tpu.memref_squeeze %dma_wait3A_178 : memref<1x10240x64xf32, #tpu.memory_space<hbm>> -> memref<10240x64xf32, #tpu.memory_space<hbm>>
      %dma_wait3A_180 = arith.constant 0 : i32
      %dma_wait3A_181 = arith.constant 0 : i32
      %dma_wait3A_182 = tpu.memref_slice %dma_wait3A_179[%dma_wait3A_180, %dma_wait3A_181] : memref<10240x64xf32, #tpu.memory_space<hbm>> -> memref<128x64xf32, #tpu.memory_space<hbm>>
      %dma_wait3A_183 = arith.constant 0 : i32
      %dma_wait3A_184 = arith.constant 0 : i32
      %dma_wait3A_185 = tpu.memref_slice %arg12[%dma_wait3A_183, %dma_wait3A_184] : memref<256x64xf32, #tpu.memory_space<vmem>> -> memref<128x64xf32, #tpu.memory_space<vmem>>
      %dma_wait3A_186 = arith.constant 0 : i32
      %dma_wait3A_187 = arith.constant 0 : i32
      %dma_wait3A_188 = tpu.memref_slice %arg3[%arg0, %dma_wait3A_186, %dma_wait3A_187] : memref<2x10240x64xf32, #tpu.memory_space<hbm>> -> memref<1x10240x64xf32, #tpu.memory_space<hbm>>
      %dma_wait3A_189 = tpu.memref_squeeze %dma_wait3A_188 : memref<1x10240x64xf32, #tpu.memory_space<hbm>> -> memref<10240x64xf32, #tpu.memory_space<hbm>>
      %dma_wait3A_190 = arith.constant 0 : i32
      %dma_wait3A_191 = arith.constant 0 : i32
      %dma_wait3A_192 = tpu.memref_slice %dma_wait3A_189[%dma_wait3A_190, %dma_wait3A_191] : memref<10240x64xf32, #tpu.memory_space<hbm>> -> memref<128x64xf32, #tpu.memory_space<hbm>>
      tpu.wait_dma2 semaphore(%arg22 : memref<!tpu.dma_semaphore, #tpu.memory_space<semaphore_mem>>) src(%dma_wait3A_192 : memref<128x64xf32, #tpu.memory_space<hbm>>) dst(%dma_wait3A_185 : memref<128x64xf32, #tpu.memory_space<vmem>>)
      %dma_wait3A_193 = arith.constant 128 : i32
      %dma_wait3A_194 = arith.constant 0 : i32
      %dma_wait3A_195 = tpu.memref_slice %arg12[%dma_wait3A_193, %dma_wait3A_194] : memref<256x64xf32, #tpu.memory_space<vmem>> -> memref<128x64xf32, #tpu.memory_space<vmem>>
      %dma_wait3A_196 = arith.constant 0 : i32
      %dma_wait3A_197 = arith.constant 0 : i32
      %dma_wait3A_198 = tpu.memref_slice %arg3[%arg0, %dma_wait3A_196, %dma_wait3A_197] : memref<2x10240x64xf32, #tpu.memory_space<hbm>> -> memref<1x10240x64xf32, #tpu.memory_space<hbm>>
      %dma_wait3A_199 = tpu.memref_squeeze %dma_wait3A_198 : memref<1x10240x64xf32, #tpu.memory_space<hbm>> -> memref<10240x64xf32, #tpu.memory_space<hbm>>
      %dma_wait3A_200 = arith.constant 0 : i32
      %dma_wait3A_201 = arith.constant 0 : i32
      %dma_wait3A_202 = tpu.memref_slice %dma_wait3A_199[%dma_wait3A_200, %dma_wait3A_201] : memref<10240x64xf32, #tpu.memory_space<hbm>> -> memref<128x64xf32, #tpu.memory_space<hbm>>
      %dma_wait3A_203 = arith.constant 128 : i32
      %dma_wait3A_204 = arith.constant 0 : i32
      %dma_wait3A_205 = tpu.memref_slice %arg12[%dma_wait3A_203, %dma_wait3A_204] : memref<256x64xf32, #tpu.memory_space<vmem>> -> memref<128x64xf32, #tpu.memory_space<vmem>>
      %dma_wait3A_206 = arith.constant 0 : i32
      %dma_wait3A_207 = arith.constant 0 : i32
      %dma_wait3A_208 = tpu.memref_slice %arg3[%arg0, %dma_wait3A_206, %dma_wait3A_207] : memref<2x10240x64xf32, #tpu.memory_space<hbm>> -> memref<1x10240x64xf32, #tpu.memory_space<hbm>>
      %dma_wait3A_209 = tpu.memref_squeeze %dma_wait3A_208 : memref<1x10240x64xf32, #tpu.memory_space<hbm>> -> memref<10240x64xf32, #tpu.memory_space<hbm>>
      %dma_wait3A_210 = arith.constant 0 : i32
      %dma_wait3A_211 = arith.constant 0 : i32
      %dma_wait3A_212 = tpu.memref_slice %dma_wait3A_209[%dma_wait3A_210, %dma_wait3A_211] : memref<10240x64xf32, #tpu.memory_space<hbm>> -> memref<128x64xf32, #tpu.memory_space<hbm>>
      tpu.wait_dma2 semaphore(%arg22 : memref<!tpu.dma_semaphore, #tpu.memory_space<semaphore_mem>>) src(%dma_wait3A_212 : memref<128x64xf32, #tpu.memory_space<hbm>>) dst(%dma_wait3A_205 : memref<128x64xf32, #tpu.memory_space<vmem>>)
      %dma_wait3A_213 = arith.constant 0 : i32
      %dma_wait3A_214 = arith.constant 0 : i32
      %dma_wait3A_215 = tpu.memref_slice %arg16[%dma_wait3A_213, %dma_wait3A_214] : memref<256x16xf32, #tpu.memory_space<vmem>> -> memref<128x16xf32, #tpu.memory_space<vmem>>
      %dma_wait3A_216 = arith.constant 0 : i32
      %dma_wait3A_217 = arith.constant 0 : i32
      %dma_wait3A_218 = tpu.memref_slice %arg4[%dma_wait3A_216, %dma_wait3A_217] : memref<10240x16xf32, #tpu.memory_space<hbm>> -> memref<128x16xf32, #tpu.memory_space<hbm>>
      %dma_wait3A_219 = arith.constant 0 : i32
      %dma_wait3A_220 = arith.constant 0 : i32
      %dma_wait3A_221 = tpu.memref_slice %arg16[%dma_wait3A_219, %dma_wait3A_220] : memref<256x16xf32, #tpu.memory_space<vmem>> -> memref<128x16xf32, #tpu.memory_space<vmem>>
      %dma_wait3A_222 = arith.constant 0 : i32
      %dma_wait3A_223 = arith.constant 0 : i32
      %dma_wait3A_224 = tpu.memref_slice %arg4[%dma_wait3A_222, %dma_wait3A_223] : memref<10240x16xf32, #tpu.memory_space<hbm>> -> memref<128x16xf32, #tpu.memory_space<hbm>>
      tpu.wait_dma2 semaphore(%arg22 : memref<!tpu.dma_semaphore, #tpu.memory_space<semaphore_mem>>) src(%dma_wait3A_224 : memref<128x16xf32, #tpu.memory_space<hbm>>) dst(%dma_wait3A_221 : memref<128x16xf32, #tpu.memory_space<vmem>>)
      %dma_wait3A_225 = arith.constant 128 : i32
      %dma_wait3A_226 = arith.constant 0 : i32
      %dma_wait3A_227 = tpu.memref_slice %arg16[%dma_wait3A_225, %dma_wait3A_226] : memref<256x16xf32, #tpu.memory_space<vmem>> -> memref<128x16xf32, #tpu.memory_space<vmem>>
      %dma_wait3A_228 = arith.constant 0 : i32
      %dma_wait3A_229 = arith.constant 0 : i32
      %dma_wait3A_230 = tpu.memref_slice %arg4[%dma_wait3A_228, %dma_wait3A_229] : memref<10240x16xf32, #tpu.memory_space<hbm>> -> memref<128x16xf32, #tpu.memory_space<hbm>>
      %dma_wait3A_231 = arith.constant 128 : i32
      %dma_wait3A_232 = arith.constant 0 : i32
      %dma_wait3A_233 = tpu.memref_slice %arg16[%dma_wait3A_231, %dma_wait3A_232] : memref<256x16xf32, #tpu.memory_space<vmem>> -> memref<128x16xf32, #tpu.memory_space<vmem>>
      %dma_wait3A_234 = arith.constant 0 : i32
      %dma_wait3A_235 = arith.constant 0 : i32
      %dma_wait3A_236 = tpu.memref_slice %arg4[%dma_wait3A_234, %dma_wait3A_235] : memref<10240x16xf32, #tpu.memory_space<hbm>> -> memref<128x16xf32, #tpu.memory_space<hbm>>
      tpu.wait_dma2 semaphore(%arg22 : memref<!tpu.dma_semaphore, #tpu.memory_space<semaphore_mem>>) src(%dma_wait3A_236 : memref<128x16xf32, #tpu.memory_space<hbm>>) dst(%dma_wait3A_233 : memref<128x16xf32, #tpu.memory_space<vmem>>)
      %dma_wait3A_237 = arith.constant 0 : i32
      %dma_wait3A_238 = arith.constant 0 : i32
      %dma_wait3A_239 = tpu.memref_slice %arg18[%dma_wait3A_237, %dma_wait3A_238] : memref<256x16xf32, #tpu.memory_space<vmem>> -> memref<128x16xf32, #tpu.memory_space<vmem>>
      %dma_wait3A_240 = arith.constant 0 : i32
      %dma_wait3A_241 = arith.constant 0 : i32
      %dma_wait3A_242 = tpu.memref_slice %arg5[%dma_wait3A_240, %dma_wait3A_241] : memref<10240x16xf32, #tpu.memory_space<hbm>> -> memref<128x16xf32, #tpu.memory_space<hbm>>
      %dma_wait3A_243 = arith.constant 0 : i32
      %dma_wait3A_244 = arith.constant 0 : i32
      %dma_wait3A_245 = tpu.memref_slice %arg18[%dma_wait3A_243, %dma_wait3A_244] : memref<256x16xf32, #tpu.memory_space<vmem>> -> memref<128x16xf32, #tpu.memory_space<vmem>>
      %dma_wait3A_246 = arith.constant 0 : i32
      %dma_wait3A_247 = arith.constant 0 : i32
      %dma_wait3A_248 = tpu.memref_slice %arg5[%dma_wait3A_246, %dma_wait3A_247] : memref<10240x16xf32, #tpu.memory_space<hbm>> -> memref<128x16xf32, #tpu.memory_space<hbm>>
      tpu.wait_dma2 semaphore(%arg22 : memref<!tpu.dma_semaphore, #tpu.memory_space<semaphore_mem>>) src(%dma_wait3A_248 : memref<128x16xf32, #tpu.memory_space<hbm>>) dst(%dma_wait3A_245 : memref<128x16xf32, #tpu.memory_space<vmem>>)
      %dma_wait3A_249 = arith.constant 128 : i32
      %dma_wait3A_250 = arith.constant 0 : i32
      %dma_wait3A_251 = tpu.memref_slice %arg18[%dma_wait3A_249, %dma_wait3A_250] : memref<256x16xf32, #tpu.memory_space<vmem>> -> memref<128x16xf32, #tpu.memory_space<vmem>>
      %dma_wait3A_252 = arith.constant 0 : i32
      %dma_wait3A_253 = arith.constant 0 : i32
      %dma_wait3A_254 = tpu.memref_slice %arg5[%dma_wait3A_252, %dma_wait3A_253] : memref<10240x16xf32, #tpu.memory_space<hbm>> -> memref<128x16xf32, #tpu.memory_space<hbm>>
      %dma_wait3A_255 = arith.constant 128 : i32
      %dma_wait3A_256 = arith.constant 0 : i32
      %dma_wait3A_257 = tpu.memref_slice %arg18[%dma_wait3A_255, %dma_wait3A_256] : memref<256x16xf32, #tpu.memory_space<vmem>> -> memref<128x16xf32, #tpu.memory_space<vmem>>
      %dma_wait3A_258 = arith.constant 0 : i32
      %dma_wait3A_259 = arith.constant 0 : i32
      %dma_wait3A_260 = tpu.memref_slice %arg5[%dma_wait3A_258, %dma_wait3A_259] : memref<10240x16xf32, #tpu.memory_space<hbm>> -> memref<128x16xf32, #tpu.memory_space<hbm>>
      tpu.wait_dma2 semaphore(%arg22 : memref<!tpu.dma_semaphore, #tpu.memory_space<semaphore_mem>>) src(%dma_wait3A_260 : memref<128x16xf32, #tpu.memory_space<hbm>>) dst(%dma_wait3A_257 : memref<128x16xf32, #tpu.memory_space<vmem>>)
      %parallel_loop3A = arith.constant 0 : i32
      %parallel_loop3A_261 = arith.constant 256 : i32
      %parallel_loop3A_262 = arith.constant 1 : i32
      scf.for %parallel_loop3A_466 = %parallel_loop3A to %parallel_loop3A_261 step %parallel_loop3A_262  : i32 {
        %parallel_loop3A_467 = arith.index_cast %parallel_loop3A_466 : i32 to index
        %parallel_loop3A_468 = arith.constant 0 : index
        %parallel_loop3A_469 = tpu.vector_load %arg16[%parallel_loop3A_467, %parallel_loop3A_468] {strides = array<i32>} : memref<256x16xf32, #tpu.memory_space<vmem>>, vector<1x16xf32>,
        %parallel_loop3A_470 = vector.shape_cast %parallel_loop3A_469 : vector<1x16xf32> to vector<16xf32>
        %parallel_loop3A_471 = arith.index_cast %parallel_loop3A_466 : i32 to index
        %parallel_loop3A_472 = arith.constant 0 : index
        %parallel_loop3A_473 = tpu.vector_load %arg18[%parallel_loop3A_471, %parallel_loop3A_472] {strides = array<i32>} : memref<256x16xf32, #tpu.memory_space<vmem>>, vector<1x16xf32>,
        %parallel_loop3A_474 = vector.shape_cast %parallel_loop3A_473 : vector<1x16xf32> to vector<16xf32>
        %parallel_loop3A_475 = arith.addf %parallel_loop3A_470, %parallel_loop3A_474 : vector<16xf32>
        %parallel_loop3A_476 = arith.constant 2.000000e-01 : f32
        %parallel_loop3A_477 = vector.broadcast %parallel_loop3A_476 : f32 to vector<16xf32>
        %parallel_loop3A_478 = arith.mulf %parallel_loop3A_477, %parallel_loop3A_475 : vector<16xf32>
        %parallel_loop3A_479 = arith.maximumf %parallel_loop3A_475, %parallel_loop3A_478 : vector<16xf32>
        %parallel_loop3A_480 = math.exp %parallel_loop3A_479 : vector<16xf32>
        %parallel_loop3A_481 = arith.index_cast %parallel_loop3A_466 : i32 to index
        %parallel_loop3A_482 = arith.constant 0 : index
        %parallel_loop3A_483 = tpu.vector_load %arg14[%parallel_loop3A_481, %parallel_loop3A_482] {strides = array<i32>} : memref<256x16xf32, #tpu.memory_space<vmem>>, vector<1x16xf32>,
        %parallel_loop3A_484 = vector.shape_cast %parallel_loop3A_483 : vector<1x16xf32> to vector<16xf32>
        %parallel_loop3A_485 = vector.shape_cast %parallel_loop3A_480 : vector<16xf32> to vector<1x16xf32>
        tpu.vector_store %arg14[%parallel_loop3A_481, %parallel_loop3A_482], %parallel_loop3A_485 {strides = array<i32>} : memref<256x16xf32, #tpu.memory_space<vmem>>, vector<1x16xf32>,
        %parallel_loop3A_486 = vector.shape_cast %add3A_4 : vector<16xi32> to vector<16x1xi32>
        %parallel_loop3A_487 = vector.shape_cast %parallel_loop3A_486 : vector<16x1xi32> to vector<16xi32>
        %parallel_loop3A_488 = tpu.dynamic_gather %parallel_loop3A_480[%parallel_loop3A_487] in [0] : vector<16xf32>, vector<16xi32> -> vector<16xf32>
        %parallel_loop3A_489 = arith.index_cast %parallel_loop3A_466 : i32 to index
        %parallel_loop3A_490 = arith.constant 0 : index
        %parallel_loop3A_491 = tpu.vector_load %arg12[%parallel_loop3A_489, %parallel_loop3A_490] {strides = array<i32>} : memref<256x64xf32, #tpu.memory_space<vmem>>, vector<1x16xf32>,
        %parallel_loop3A_492 = vector.shape_cast %parallel_loop3A_491 : vector<1x16xf32> to vector<16xf32>
        %parallel_loop3A_493 = arith.mulf %parallel_loop3A_492, %parallel_loop3A_488 : vector<16xf32>
        %parallel_loop3A_494 = arith.index_cast %parallel_loop3A_466 : i32 to index
        %parallel_loop3A_495 = arith.constant 0 : index
        %parallel_loop3A_496 = tpu.vector_load %arg12[%parallel_loop3A_494, %parallel_loop3A_495] {strides = array<i32>} : memref<256x64xf32, #tpu.memory_space<vmem>>, vector<1x16xf32>,
        %parallel_loop3A_497 = vector.shape_cast %parallel_loop3A_496 : vector<1x16xf32> to vector<16xf32>
        %parallel_loop3A_498 = vector.shape_cast %parallel_loop3A_493 : vector<16xf32> to vector<1x16xf32>
        tpu.vector_store %arg12[%parallel_loop3A_494, %parallel_loop3A_495], %parallel_loop3A_498 {strides = array<i32>} : memref<256x64xf32, #tpu.memory_space<vmem>>, vector<1x16xf32>,
        %parallel_loop3A_499 = vector.shape_cast %add3A_10 : vector<16xi32> to vector<16x1xi32>
        %parallel_loop3A_500 = vector.shape_cast %parallel_loop3A_499 : vector<16x1xi32> to vector<16xi32>
        %parallel_loop3A_501 = tpu.dynamic_gather %parallel_loop3A_480[%parallel_loop3A_500] in [0] : vector<16xf32>, vector<16xi32> -> vector<16xf32>
        %parallel_loop3A_502 = arith.index_cast %parallel_loop3A_466 : i32 to index
        %parallel_loop3A_503 = arith.constant 16 : index
        %parallel_loop3A_504 = tpu.vector_load %arg12[%parallel_loop3A_502, %parallel_loop3A_503] {strides = array<i32>} : memref<256x64xf32, #tpu.memory_space<vmem>>, vector<1x16xf32>,
        %parallel_loop3A_505 = vector.shape_cast %parallel_loop3A_504 : vector<1x16xf32> to vector<16xf32>
        %parallel_loop3A_506 = arith.mulf %parallel_loop3A_505, %parallel_loop3A_501 : vector<16xf32>
        %parallel_loop3A_507 = arith.index_cast %parallel_loop3A_466 : i32 to index
        %parallel_loop3A_508 = arith.constant 16 : index
        %parallel_loop3A_509 = tpu.vector_load %arg12[%parallel_loop3A_507, %parallel_loop3A_508] {strides = array<i32>} : memref<256x64xf32, #tpu.memory_space<vmem>>, vector<1x16xf32>,
        %parallel_loop3A_510 = vector.shape_cast %parallel_loop3A_509 : vector<1x16xf32> to vector<16xf32>
        %parallel_loop3A_511 = vector.shape_cast %parallel_loop3A_506 : vector<16xf32> to vector<1x16xf32>
        tpu.vector_store %arg12[%parallel_loop3A_507, %parallel_loop3A_508], %parallel_loop3A_511 {strides = array<i32>} : memref<256x64xf32, #tpu.memory_space<vmem>>, vector<1x16xf32>,
        %parallel_loop3A_512 = vector.shape_cast %add3A_16 : vector<16xi32> to vector<16x1xi32>
        %parallel_loop3A_513 = vector.shape_cast %parallel_loop3A_512 : vector<16x1xi32> to vector<16xi32>
        %parallel_loop3A_514 = tpu.dynamic_gather %parallel_loop3A_480[%parallel_loop3A_513] in [0] : vector<16xf32>, vector<16xi32> -> vector<16xf32>
        %parallel_loop3A_515 = arith.index_cast %parallel_loop3A_466 : i32 to index
        %parallel_loop3A_516 = arith.constant 32 : index
        %parallel_loop3A_517 = tpu.vector_load %arg12[%parallel_loop3A_515, %parallel_loop3A_516] {strides = array<i32>} : memref<256x64xf32, #tpu.memory_space<vmem>>, vector<1x16xf32>,
        %parallel_loop3A_518 = vector.shape_cast %parallel_loop3A_517 : vector<1x16xf32> to vector<16xf32>
        %parallel_loop3A_519 = arith.mulf %parallel_loop3A_518, %parallel_loop3A_514 : vector<16xf32>
        %parallel_loop3A_520 = arith.index_cast %parallel_loop3A_466 : i32 to index
        %parallel_loop3A_521 = arith.constant 32 : index
        %parallel_loop3A_522 = tpu.vector_load %arg12[%parallel_loop3A_520, %parallel_loop3A_521] {strides = array<i32>} : memref<256x64xf32, #tpu.memory_space<vmem>>, vector<1x16xf32>,
        %parallel_loop3A_523 = vector.shape_cast %parallel_loop3A_522 : vector<1x16xf32> to vector<16xf32>
        %parallel_loop3A_524 = vector.shape_cast %parallel_loop3A_519 : vector<16xf32> to vector<1x16xf32>
        tpu.vector_store %arg12[%parallel_loop3A_520, %parallel_loop3A_521], %parallel_loop3A_524 {strides = array<i32>} : memref<256x64xf32, #tpu.memory_space<vmem>>, vector<1x16xf32>,
        %parallel_loop3A_525 = vector.shape_cast %add3A_22 : vector<16xi32> to vector<16x1xi32>
        %parallel_loop3A_526 = vector.shape_cast %parallel_loop3A_525 : vector<16x1xi32> to vector<16xi32>
        %parallel_loop3A_527 = tpu.dynamic_gather %parallel_loop3A_480[%parallel_loop3A_526] in [0] : vector<16xf32>, vector<16xi32> -> vector<16xf32>
        %parallel_loop3A_528 = arith.index_cast %parallel_loop3A_466 : i32 to index
        %parallel_loop3A_529 = arith.constant 48 : index
        %parallel_loop3A_530 = tpu.vector_load %arg12[%parallel_loop3A_528, %parallel_loop3A_529] {strides = array<i32>} : memref<256x64xf32, #tpu.memory_space<vmem>>, vector<1x16xf32>,
        %parallel_loop3A_531 = vector.shape_cast %parallel_loop3A_530 : vector<1x16xf32> to vector<16xf32>
        %parallel_loop3A_532 = arith.mulf %parallel_loop3A_531, %parallel_loop3A_527 : vector<16xf32>
        %parallel_loop3A_533 = arith.index_cast %parallel_loop3A_466 : i32 to index
        %parallel_loop3A_534 = arith.constant 48 : index
        %parallel_loop3A_535 = tpu.vector_load %arg12[%parallel_loop3A_533, %parallel_loop3A_534] {strides = array<i32>} : memref<256x64xf32, #tpu.memory_space<vmem>>, vector<1x16xf32>,
        %parallel_loop3A_536 = vector.shape_cast %parallel_loop3A_535 : vector<1x16xf32> to vector<16xf32>
        %parallel_loop3A_537 = vector.shape_cast %parallel_loop3A_532 : vector<16xf32> to vector<1x16xf32>
        tpu.vector_store %arg12[%parallel_loop3A_533, %parallel_loop3A_534], %parallel_loop3A_537 {strides = array<i32>} : memref<256x64xf32, #tpu.memory_space<vmem>>, vector<1x16xf32>,
      } {sc.loop_unroll_factor = 8 : i64, sc.parallel_access}
      %dma_start3A_263 = arith.constant 2 : i32
      %dma_start3A_264 = arith.constant 0 : i32
      %dma_start3A_265 = arith.constant 0 : i32
      %dma_start3A_266 = tpu.memref_slice %arg12[%dma_start3A_264, %dma_start3A_265] : memref<256x64xf32, #tpu.memory_space<vmem>> -> memref<128x64xf32, #tpu.memory_space<vmem>>
      %dma_start3A_267 = arith.constant 0 : i32
      %dma_start3A_268 = tpu.memref_slice %arg10[%dma_start3A_263, %dma_start3A_267] : memref<4x128xi32, #tpu.memory_space<vmem>> -> memref<1x128xi32, #tpu.memory_space<vmem>>
      %dma_start3A_269 = tpu.memref_squeeze %dma_start3A_268 : memref<1x128xi32, #tpu.memory_space<vmem>> -> memref<128xi32, #tpu.memory_space<vmem>>
      %dma_start3A_270 = arith.constant 0 : i32
      %dma_start3A_271 = arith.constant 0 : i32
      %dma_start3A_272 = tpu.memref_slice %arg20[%dma_start3A_270, %dma_start3A_271] : memref<10240x64xf32, #tpu.memory_space<vmem_shared>> -> memref<10240x64xf32, #tpu.memory_space<vmem_shared>>
      tpu.enqueue_indirect_dma source(%dma_start3A_266 : memref<128x64xf32, #tpu.memory_space<vmem>>) target(%dma_start3A_272 : memref<10240x64xf32, #tpu.memory_space<vmem_shared>>) offsets(%dma_start3A_269 : memref<128xi32, #tpu.memory_space<vmem>>) semaphore(%arg24 : memref<!tpu.dma_semaphore, #tpu.memory_space<semaphore_mem>>) {add = true}
      %dma_start3A_273 = arith.constant 3 : i32
      %dma_start3A_274 = arith.constant 128 : i32
      %dma_start3A_275 = arith.constant 0 : i32
      %dma_start3A_276 = tpu.memref_slice %arg12[%dma_start3A_274, %dma_start3A_275] : memref<256x64xf32, #tpu.memory_space<vmem>> -> memref<128x64xf32, #tpu.memory_space<vmem>>
      %dma_start3A_277 = arith.constant 0 : i32
      %dma_start3A_278 = tpu.memref_slice %arg10[%dma_start3A_273, %dma_start3A_277] : memref<4x128xi32, #tpu.memory_space<vmem>> -> memref<1x128xi32, #tpu.memory_space<vmem>>
      %dma_start3A_279 = tpu.memref_squeeze %dma_start3A_278 : memref<1x128xi32, #tpu.memory_space<vmem>> -> memref<128xi32, #tpu.memory_space<vmem>>
      %dma_start3A_280 = arith.constant 0 : i32
      %dma_start3A_281 = arith.constant 0 : i32
      %dma_start3A_282 = tpu.memref_slice %arg20[%dma_start3A_280, %dma_start3A_281] : memref<10240x64xf32, #tpu.memory_space<vmem_shared>> -> memref<10240x64xf32, #tpu.memory_space<vmem_shared>>
      tpu.enqueue_indirect_dma source(%dma_start3A_276 : memref<128x64xf32, #tpu.memory_space<vmem>>) target(%dma_start3A_282 : memref<10240x64xf32, #tpu.memory_space<vmem_shared>>) offsets(%dma_start3A_279 : memref<128xi32, #tpu.memory_space<vmem>>) semaphore(%arg24 : memref<!tpu.dma_semaphore, #tpu.memory_space<semaphore_mem>>) {add = true}
      %eq3A_283 = arith.constant 0 : i32
      %eq3A_284 = arith.cmpi eq, %arg0, %eq3A_283 : i32
      %convert_element_type3A_285 = arith.extui %eq3A_284 : i1 to i32
      %cond3A_286 = arith.constant 0 : i32
      %cond3A_287 = arith.cmpi ne, %convert_element_type3A_285, %cond3A_286 : i32
      scf.if %cond3A_287 {
        %dma_start3A_466 = arith.constant 2 : i32
        %dma_start3A_467 = arith.constant 0 : i32
        %dma_start3A_468 = arith.constant 0 : i32
        %dma_start3A_469 = tpu.memref_slice %arg14[%dma_start3A_467, %dma_start3A_468] : memref<256x16xf32, #tpu.memory_space<vmem>> -> memref<128x16xf32, #tpu.memory_space<vmem>>
        %dma_start3A_470 = arith.constant 0 : i32
        %dma_start3A_471 = tpu.memref_slice %arg10[%dma_start3A_466, %dma_start3A_470] : memref<4x128xi32, #tpu.memory_space<vmem>> -> memref<1x128xi32, #tpu.memory_space<vmem>>
        %dma_start3A_472 = tpu.memref_squeeze %dma_start3A_471 : memref<1x128xi32, #tpu.memory_space<vmem>> -> memref<128xi32, #tpu.memory_space<vmem>>
        %dma_start3A_473 = arith.constant 0 : i32
        %dma_start3A_474 = arith.constant 0 : i32
        %dma_start3A_475 = tpu.memref_slice %arg21[%dma_start3A_473, %dma_start3A_474] : memref<10240x16xf32, #tpu.memory_space<vmem_shared>> -> memref<10240x16xf32, #tpu.memory_space<vmem_shared>>
        tpu.enqueue_indirect_dma source(%dma_start3A_469 : memref<128x16xf32, #tpu.memory_space<vmem>>) target(%dma_start3A_475 : memref<10240x16xf32, #tpu.memory_space<vmem_shared>>) offsets(%dma_start3A_472 : memref<128xi32, #tpu.memory_space<vmem>>) semaphore(%arg24 : memref<!tpu.dma_semaphore, #tpu.memory_space<semaphore_mem>>) {add = true}
        %dma_start3A_476 = arith.constant 3 : i32
        %dma_start3A_477 = arith.constant 128 : i32
        %dma_start3A_478 = arith.constant 0 : i32
        %dma_start3A_479 = tpu.memref_slice %arg14[%dma_start3A_477, %dma_start3A_478] : memref<256x16xf32, #tpu.memory_space<vmem>> -> memref<128x16xf32, #tpu.memory_space<vmem>>
        %dma_start3A_480 = arith.constant 0 : i32
        %dma_start3A_481 = tpu.memref_slice %arg10[%dma_start3A_476, %dma_start3A_480] : memref<4x128xi32, #tpu.memory_space<vmem>> -> memref<1x128xi32, #tpu.memory_space<vmem>>
        %dma_start3A_482 = tpu.memref_squeeze %dma_start3A_481 : memref<1x128xi32, #tpu.memory_space<vmem>> -> memref<128xi32, #tpu.memory_space<vmem>>
        %dma_start3A_483 = arith.constant 0 : i32
        %dma_start3A_484 = arith.constant 0 : i32
        %dma_start3A_485 = tpu.memref_slice %arg21[%dma_start3A_483, %dma_start3A_484] : memref<10240x16xf32, #tpu.memory_space<vmem_shared>> -> memref<10240x16xf32, #tpu.memory_space<vmem_shared>>
        tpu.enqueue_indirect_dma source(%dma_start3A_479 : memref<128x16xf32, #tpu.memory_space<vmem>>) target(%dma_start3A_485 : memref<10240x16xf32, #tpu.memory_space<vmem_shared>>) offsets(%dma_start3A_482 : memref<128xi32, #tpu.memory_space<vmem>>) semaphore(%arg24 : memref<!tpu.dma_semaphore, #tpu.memory_space<semaphore_mem>>) {add = true}
      } else {
      }
      %dma_wait3A_288 = arith.constant 0 : i32
      %dma_wait3A_289 = arith.constant 0 : i32
      %dma_wait3A_290 = tpu.memref_slice %arg12[%dma_wait3A_288, %dma_wait3A_289] : memref<256x64xf32, #tpu.memory_space<vmem>> -> memref<128x64xf32, #tpu.memory_space<vmem>>
      %dma_wait3A_291 = arith.constant 0 : i32
      %dma_wait3A_292 = arith.constant 0 : i32
      %dma_wait3A_293 = tpu.memref_slice %arg20[%dma_wait3A_291, %dma_wait3A_292] : memref<10240x64xf32, #tpu.memory_space<vmem_shared>> -> memref<128x64xf32, #tpu.memory_space<vmem_shared>>
      %dma_wait3A_294 = arith.constant 0 : i32
      %dma_wait3A_295 = arith.constant 0 : i32
      %dma_wait3A_296 = tpu.memref_slice %arg20[%dma_wait3A_294, %dma_wait3A_295] : memref<10240x64xf32, #tpu.memory_space<vmem_shared>> -> memref<128x64xf32, #tpu.memory_space<vmem_shared>>
      %dma_wait3A_297 = arith.constant 0 : i32
      %dma_wait3A_298 = arith.constant 0 : i32
      %dma_wait3A_299 = tpu.memref_slice %arg12[%dma_wait3A_297, %dma_wait3A_298] : memref<256x64xf32, #tpu.memory_space<vmem>> -> memref<128x64xf32, #tpu.memory_space<vmem>>
      tpu.wait_dma2 semaphore(%arg24 : memref<!tpu.dma_semaphore, #tpu.memory_space<semaphore_mem>>) src(%dma_wait3A_299 : memref<128x64xf32, #tpu.memory_space<vmem>>) dst(%dma_wait3A_296 : memref<128x64xf32, #tpu.memory_space<vmem_shared>>)
      %dma_wait3A_300 = arith.constant 128 : i32
      %dma_wait3A_301 = arith.constant 0 : i32
      %dma_wait3A_302 = tpu.memref_slice %arg12[%dma_wait3A_300, %dma_wait3A_301] : memref<256x64xf32, #tpu.memory_space<vmem>> -> memref<128x64xf32, #tpu.memory_space<vmem>>
      %dma_wait3A_303 = arith.constant 0 : i32
      %dma_wait3A_304 = arith.constant 0 : i32
      %dma_wait3A_305 = tpu.memref_slice %arg20[%dma_wait3A_303, %dma_wait3A_304] : memref<10240x64xf32, #tpu.memory_space<vmem_shared>> -> memref<128x64xf32, #tpu.memory_space<vmem_shared>>
      %dma_wait3A_306 = arith.constant 0 : i32
      %dma_wait3A_307 = arith.constant 0 : i32
      %dma_wait3A_308 = tpu.memref_slice %arg20[%dma_wait3A_306, %dma_wait3A_307] : memref<10240x64xf32, #tpu.memory_space<vmem_shared>> -> memref<128x64xf32, #tpu.memory_space<vmem_shared>>
      %dma_wait3A_309 = arith.constant 128 : i32
      %dma_wait3A_310 = arith.constant 0 : i32
      %dma_wait3A_311 = tpu.memref_slice %arg12[%dma_wait3A_309, %dma_wait3A_310] : memref<256x64xf32, #tpu.memory_space<vmem>> -> memref<128x64xf32, #tpu.memory_space<vmem>>
      tpu.wait_dma2 semaphore(%arg24 : memref<!tpu.dma_semaphore, #tpu.memory_space<semaphore_mem>>) src(%dma_wait3A_311 : memref<128x64xf32, #tpu.memory_space<vmem>>) dst(%dma_wait3A_308 : memref<128x64xf32, #tpu.memory_space<vmem_shared>>)
      %eq3A_312 = arith.constant 0 : i32
      %eq3A_313 = arith.cmpi eq, %arg0, %eq3A_312 : i32
      %convert_element_type3A_314 = arith.extui %eq3A_313 : i1 to i32
      %cond3A_315 = arith.constant 0 : i32
      %cond3A_316 = arith.cmpi ne, %convert_element_type3A_314, %cond3A_315 : i32
      scf.if %cond3A_316 {
        %dma_wait3A_466 = arith.constant 0 : i32
        %dma_wait3A_467 = arith.constant 0 : i32
        %dma_wait3A_468 = tpu.memref_slice %arg14[%dma_wait3A_466, %dma_wait3A_467] : memref<256x16xf32, #tpu.memory_space<vmem>> -> memref<128x16xf32, #tpu.memory_space<vmem>>
        %dma_wait3A_469 = arith.constant 0 : i32
        %dma_wait3A_470 = arith.constant 0 : i32
        %dma_wait3A_471 = tpu.memref_slice %arg21[%dma_wait3A_469, %dma_wait3A_470] : memref<10240x16xf32, #tpu.memory_space<vmem_shared>> -> memref<128x16xf32, #tpu.memory_space<vmem_shared>>
        %dma_wait3A_472 = arith.constant 0 : i32
        %dma_wait3A_473 = arith.constant 0 : i32
        %dma_wait3A_474 = tpu.memref_slice %arg21[%dma_wait3A_472, %dma_wait3A_473] : memref<10240x16xf32, #tpu.memory_space<vmem_shared>> -> memref<128x16xf32, #tpu.memory_space<vmem_shared>>
        %dma_wait3A_475 = arith.constant 0 : i32
        %dma_wait3A_476 = arith.constant 0 : i32
        %dma_wait3A_477 = tpu.memref_slice %arg14[%dma_wait3A_475, %dma_wait3A_476] : memref<256x16xf32, #tpu.memory_space<vmem>> -> memref<128x16xf32, #tpu.memory_space<vmem>>
        tpu.wait_dma2 semaphore(%arg24 : memref<!tpu.dma_semaphore, #tpu.memory_space<semaphore_mem>>) src(%dma_wait3A_477 : memref<128x16xf32, #tpu.memory_space<vmem>>) dst(%dma_wait3A_474 : memref<128x16xf32, #tpu.memory_space<vmem_shared>>)
        %dma_wait3A_478 = arith.constant 128 : i32
        %dma_wait3A_479 = arith.constant 0 : i32
        %dma_wait3A_480 = tpu.memref_slice %arg14[%dma_wait3A_478, %dma_wait3A_479] : memref<256x16xf32, #tpu.memory_space<vmem>> -> memref<128x16xf32, #tpu.memory_space<vmem>>
        %dma_wait3A_481 = arith.constant 0 : i32
        %dma_wait3A_482 = arith.constant 0 : i32
        %dma_wait3A_483 = tpu.memref_slice %arg21[%dma_wait3A_481, %dma_wait3A_482] : memref<10240x16xf32, #tpu.memory_space<vmem_shared>> -> memref<128x16xf32, #tpu.memory_space<vmem_shared>>
        %dma_wait3A_484 = arith.constant 0 : i32
        %dma_wait3A_485 = arith.constant 0 : i32
        %dma_wait3A_486 = tpu.memref_slice %arg21[%dma_wait3A_484, %dma_wait3A_485] : memref<10240x16xf32, #tpu.memory_space<vmem_shared>> -> memref<128x16xf32, #tpu.memory_space<vmem_shared>>
        %dma_wait3A_487 = arith.constant 128 : i32
        %dma_wait3A_488 = arith.constant 0 : i32
        %dma_wait3A_489 = tpu.memref_slice %arg14[%dma_wait3A_487, %dma_wait3A_488] : memref<256x16xf32, #tpu.memory_space<vmem>> -> memref<128x16xf32, #tpu.memory_space<vmem>>
        tpu.wait_dma2 semaphore(%arg24 : memref<!tpu.dma_semaphore, #tpu.memory_space<semaphore_mem>>) src(%dma_wait3A_489 : memref<128x16xf32, #tpu.memory_space<vmem>>) dst(%dma_wait3A_486 : memref<128x16xf32, #tpu.memory_space<vmem_shared>>)
      } else {
      }
      %lt3A = arith.constant 41 : i32
      %lt3A_317 = arith.cmpi slt, %scan3A_100, %lt3A : i32
      %convert_element_type3A_318 = arith.extui %lt3A_317 : i1 to i32
      %cond3A_319 = arith.constant 0 : i32
      %cond3A_320 = arith.cmpi ne, %convert_element_type3A_318, %cond3A_319 : i32
      scf.if %cond3A_320 {
        %add3A_466 = arith.constant 2 : i32
        %add3A_467 = arith.addi %add3A_103, %add3A_466 : i32
        "tpu.region"() ({
          %run_scoped3A = tpu.sem_alloc : memref<!tpu.dma_semaphore, #tpu.memory_space<semaphore_mem>>
          %dma_start3A_536 = arith.constant 0 : i32
          %dma_start3A_537 = arith.constant 0 : i32
          %dma_start3A_538 = tpu.memref_slice %arg2[%add3A_467, %dma_start3A_536, %dma_start3A_537] : memref<1344x4x128xi32, #tpu.memory_space<hbm>> -> memref<1x4x128xi32, #tpu.memory_space<hbm>>
          %dma_start3A_539 = tpu.memref_squeeze %dma_start3A_538 : memref<1x4x128xi32, #tpu.memory_space<hbm>> -> memref<4x128xi32, #tpu.memory_space<hbm>>
          %dma_start3A_540 = arith.constant 0 : i32
          %dma_start3A_541 = arith.constant 0 : i32
          %dma_start3A_542 = tpu.memref_slice %arg2[%add3A_467, %dma_start3A_540, %dma_start3A_541] : memref<1344x4x128xi32, #tpu.memory_space<hbm>> -> memref<1x4x128xi32, #tpu.memory_space<hbm>>
          %dma_start3A_543 = tpu.memref_squeeze %dma_start3A_542 : memref<1x4x128xi32, #tpu.memory_space<hbm>> -> memref<4x128xi32, #tpu.memory_space<hbm>>
          tpu.enqueue_dma source(%dma_start3A_543 : memref<4x128xi32, #tpu.memory_space<hbm>>) target(%arg10 : memref<4x128xi32, #tpu.memory_space<vmem>>) target_semaphore(%run_scoped3A : memref<!tpu.dma_semaphore, #tpu.memory_space<semaphore_mem>>)
          %dma_wait3A_544 = arith.constant 0 : i32
          %dma_wait3A_545 = arith.constant 0 : i32
          %dma_wait3A_546 = tpu.memref_slice %arg2[%add3A_467, %dma_wait3A_544, %dma_wait3A_545] : memref<1344x4x128xi32, #tpu.memory_space<hbm>> -> memref<1x4x128xi32, #tpu.memory_space<hbm>>
          %dma_wait3A_547 = tpu.memref_squeeze %dma_wait3A_546 : memref<1x4x128xi32, #tpu.memory_space<hbm>> -> memref<4x128xi32, #tpu.memory_space<hbm>>
          %dma_wait3A_548 = arith.constant 0 : i32
          %dma_wait3A_549 = arith.constant 0 : i32
          %dma_wait3A_550 = tpu.memref_slice %arg2[%add3A_467, %dma_wait3A_548, %dma_wait3A_549] : memref<1344x4x128xi32, #tpu.memory_space<hbm>> -> memref<1x4x128xi32, #tpu.memory_space<hbm>>
          %dma_wait3A_551 = tpu.memref_squeeze %dma_wait3A_550 : memref<1x4x128xi32, #tpu.memory_space<hbm>> -> memref<4x128xi32, #tpu.memory_space<hbm>>
          tpu.wait_dma2 semaphore(%run_scoped3A : memref<!tpu.dma_semaphore, #tpu.memory_space<semaphore_mem>>) src(%dma_wait3A_551 : memref<4x128xi32, #tpu.memory_space<hbm>>) dst(%arg10 : memref<4x128xi32, #tpu.memory_space<vmem>>)
          tpu.yield
        }) : () -> ()
        %dma_start3A_468 = arith.constant 0 : i32
        %dma_start3A_469 = arith.constant 0 : i32
        %dma_start3A_470 = arith.constant 0 : i32
        %dma_start3A_471 = tpu.memref_slice %arg12[%dma_start3A_469, %dma_start3A_470] : memref<256x64xf32, #tpu.memory_space<vmem>> -> memref<128x64xf32, #tpu.memory_space<vmem>>
        %dma_start3A_472 = arith.constant 0 : i32
        %dma_start3A_473 = tpu.memref_slice %arg10[%dma_start3A_468, %dma_start3A_472] : memref<4x128xi32, #tpu.memory_space<vmem>> -> memref<1x128xi32, #tpu.memory_space<vmem>>
        %dma_start3A_474 = tpu.memref_squeeze %dma_start3A_473 : memref<1x128xi32, #tpu.memory_space<vmem>> -> memref<128xi32, #tpu.memory_space<vmem>>
        %dma_start3A_475 = arith.constant 0 : i32
        %dma_start3A_476 = arith.constant 0 : i32
        %dma_start3A_477 = tpu.memref_slice %arg3[%arg0, %dma_start3A_475, %dma_start3A_476] : memref<2x10240x64xf32, #tpu.memory_space<hbm>> -> memref<1x10240x64xf32, #tpu.memory_space<hbm>>
        %dma_start3A_478 = tpu.memref_squeeze %dma_start3A_477 : memref<1x10240x64xf32, #tpu.memory_space<hbm>> -> memref<10240x64xf32, #tpu.memory_space<hbm>>
        %dma_start3A_479 = arith.constant 0 : i32
        %dma_start3A_480 = arith.constant 0 : i32
        %dma_start3A_481 = tpu.memref_slice %dma_start3A_478[%dma_start3A_479, %dma_start3A_480] : memref<10240x64xf32, #tpu.memory_space<hbm>> -> memref<10240x64xf32, #tpu.memory_space<hbm>>
        tpu.enqueue_indirect_dma source(%dma_start3A_481 : memref<10240x64xf32, #tpu.memory_space<hbm>>) target(%dma_start3A_471 : memref<128x64xf32, #tpu.memory_space<vmem>>) offsets(%dma_start3A_474 : memref<128xi32, #tpu.memory_space<vmem>>) semaphore(%arg22 : memref<!tpu.dma_semaphore, #tpu.memory_space<semaphore_mem>>)
        %dma_start3A_482 = arith.constant 1 : i32
        %dma_start3A_483 = arith.constant 128 : i32
        %dma_start3A_484 = arith.constant 0 : i32
        %dma_start3A_485 = tpu.memref_slice %arg12[%dma_start3A_483, %dma_start3A_484] : memref<256x64xf32, #tpu.memory_space<vmem>> -> memref<128x64xf32, #tpu.memory_space<vmem>>
        %dma_start3A_486 = arith.constant 0 : i32
        %dma_start3A_487 = tpu.memref_slice %arg10[%dma_start3A_482, %dma_start3A_486] : memref<4x128xi32, #tpu.memory_space<vmem>> -> memref<1x128xi32, #tpu.memory_space<vmem>>
        %dma_start3A_488 = tpu.memref_squeeze %dma_start3A_487 : memref<1x128xi32, #tpu.memory_space<vmem>> -> memref<128xi32, #tpu.memory_space<vmem>>
        %dma_start3A_489 = arith.constant 0 : i32
        %dma_start3A_490 = arith.constant 0 : i32
        %dma_start3A_491 = tpu.memref_slice %arg3[%arg0, %dma_start3A_489, %dma_start3A_490] : memref<2x10240x64xf32, #tpu.memory_space<hbm>> -> memref<1x10240x64xf32, #tpu.memory_space<hbm>>
        %dma_start3A_492 = tpu.memref_squeeze %dma_start3A_491 : memref<1x10240x64xf32, #tpu.memory_space<hbm>> -> memref<10240x64xf32, #tpu.memory_space<hbm>>
        %dma_start3A_493 = arith.constant 0 : i32
        %dma_start3A_494 = arith.constant 0 : i32
        %dma_start3A_495 = tpu.memref_slice %dma_start3A_492[%dma_start3A_493, %dma_start3A_494] : memref<10240x64xf32, #tpu.memory_space<hbm>> -> memref<10240x64xf32, #tpu.memory_space<hbm>>
        tpu.enqueue_indirect_dma source(%dma_start3A_495 : memref<10240x64xf32, #tpu.memory_space<hbm>>) target(%dma_start3A_485 : memref<128x64xf32, #tpu.memory_space<vmem>>) offsets(%dma_start3A_488 : memref<128xi32, #tpu.memory_space<vmem>>) semaphore(%arg22 : memref<!tpu.dma_semaphore, #tpu.memory_space<semaphore_mem>>)
        %dma_start3A_496 = arith.constant 0 : i32
        %dma_start3A_497 = arith.constant 0 : i32
        %dma_start3A_498 = arith.constant 0 : i32
        %dma_start3A_499 = tpu.memref_slice %arg16[%dma_start3A_497, %dma_start3A_498] : memref<256x16xf32, #tpu.memory_space<vmem>> -> memref<128x16xf32, #tpu.memory_space<vmem>>
        %dma_start3A_500 = arith.constant 0 : i32
        %dma_start3A_501 = tpu.memref_slice %arg10[%dma_start3A_496, %dma_start3A_500] : memref<4x128xi32, #tpu.memory_space<vmem>> -> memref<1x128xi32, #tpu.memory_space<vmem>>
        %dma_start3A_502 = tpu.memref_squeeze %dma_start3A_501 : memref<1x128xi32, #tpu.memory_space<vmem>> -> memref<128xi32, #tpu.memory_space<vmem>>
        %dma_start3A_503 = arith.constant 0 : i32
        %dma_start3A_504 = arith.constant 0 : i32
        %dma_start3A_505 = tpu.memref_slice %arg4[%dma_start3A_503, %dma_start3A_504] : memref<10240x16xf32, #tpu.memory_space<hbm>> -> memref<10240x16xf32, #tpu.memory_space<hbm>>
        tpu.enqueue_indirect_dma source(%dma_start3A_505 : memref<10240x16xf32, #tpu.memory_space<hbm>>) target(%dma_start3A_499 : memref<128x16xf32, #tpu.memory_space<vmem>>) offsets(%dma_start3A_502 : memref<128xi32, #tpu.memory_space<vmem>>) semaphore(%arg22 : memref<!tpu.dma_semaphore, #tpu.memory_space<semaphore_mem>>)
        %dma_start3A_506 = arith.constant 1 : i32
        %dma_start3A_507 = arith.constant 128 : i32
        %dma_start3A_508 = arith.constant 0 : i32
        %dma_start3A_509 = tpu.memref_slice %arg16[%dma_start3A_507, %dma_start3A_508] : memref<256x16xf32, #tpu.memory_space<vmem>> -> memref<128x16xf32, #tpu.memory_space<vmem>>
        %dma_start3A_510 = arith.constant 0 : i32
        %dma_start3A_511 = tpu.memref_slice %arg10[%dma_start3A_506, %dma_start3A_510] : memref<4x128xi32, #tpu.memory_space<vmem>> -> memref<1x128xi32, #tpu.memory_space<vmem>>
        %dma_start3A_512 = tpu.memref_squeeze %dma_start3A_511 : memref<1x128xi32, #tpu.memory_space<vmem>> -> memref<128xi32, #tpu.memory_space<vmem>>
        %dma_start3A_513 = arith.constant 0 : i32
        %dma_start3A_514 = arith.constant 0 : i32
        %dma_start3A_515 = tpu.memref_slice %arg4[%dma_start3A_513, %dma_start3A_514] : memref<10240x16xf32, #tpu.memory_space<hbm>> -> memref<10240x16xf32, #tpu.memory_space<hbm>>
        tpu.enqueue_indirect_dma source(%dma_start3A_515 : memref<10240x16xf32, #tpu.memory_space<hbm>>) target(%dma_start3A_509 : memref<128x16xf32, #tpu.memory_space<vmem>>) offsets(%dma_start3A_512 : memref<128xi32, #tpu.memory_space<vmem>>) semaphore(%arg22 : memref<!tpu.dma_semaphore, #tpu.memory_space<semaphore_mem>>)
        %dma_start3A_516 = arith.constant 2 : i32
        %dma_start3A_517 = arith.constant 0 : i32
        %dma_start3A_518 = arith.constant 0 : i32
        %dma_start3A_519 = tpu.memref_slice %arg18[%dma_start3A_517, %dma_start3A_518] : memref<256x16xf32, #tpu.memory_space<vmem>> -> memref<128x16xf32, #tpu.memory_space<vmem>>
        %dma_start3A_520 = arith.constant 0 : i32
        %dma_start3A_521 = tpu.memref_slice %arg10[%dma_start3A_516, %dma_start3A_520] : memref<4x128xi32, #tpu.memory_space<vmem>> -> memref<1x128xi32, #tpu.memory_space<vmem>>
        %dma_start3A_522 = tpu.memref_squeeze %dma_start3A_521 : memref<1x128xi32, #tpu.memory_space<vmem>> -> memref<128xi32, #tpu.memory_space<vmem>>
        %dma_start3A_523 = arith.constant 0 : i32
        %dma_start3A_524 = arith.constant 0 : i32
        %dma_start3A_525 = tpu.memref_slice %arg5[%dma_start3A_523, %dma_start3A_524] : memref<10240x16xf32, #tpu.memory_space<hbm>> -> memref<10240x16xf32, #tpu.memory_space<hbm>>
        tpu.enqueue_indirect_dma source(%dma_start3A_525 : memref<10240x16xf32, #tpu.memory_space<hbm>>) target(%dma_start3A_519 : memref<128x16xf32, #tpu.memory_space<vmem>>) offsets(%dma_start3A_522 : memref<128xi32, #tpu.memory_space<vmem>>) semaphore(%arg22 : memref<!tpu.dma_semaphore, #tpu.memory_space<semaphore_mem>>)
        %dma_start3A_526 = arith.constant 3 : i32
        %dma_start3A_527 = arith.constant 128 : i32
        %dma_start3A_528 = arith.constant 0 : i32
        %dma_start3A_529 = tpu.memref_slice %arg18[%dma_start3A_527, %dma_start3A_528] : memref<256x16xf32, #tpu.memory_space<vmem>> -> memref<128x16xf32, #tpu.memory_space<vmem>>
        %dma_start3A_530 = arith.constant 0 : i32
        %dma_start3A_531 = tpu.memref_slice %arg10[%dma_start3A_526, %dma_start3A_530] : memref<4x128xi32, #tpu.memory_space<vmem>> -> memref<1x128xi32, #tpu.memory_space<vmem>>
        %dma_start3A_532 = tpu.memref_squeeze %dma_start3A_531 : memref<1x128xi32, #tpu.memory_space<vmem>> -> memref<128xi32, #tpu.memory_space<vmem>>
        %dma_start3A_533 = arith.constant 0 : i32
        %dma_start3A_534 = arith.constant 0 : i32
        %dma_start3A_535 = tpu.memref_slice %arg5[%dma_start3A_533, %dma_start3A_534] : memref<10240x16xf32, #tpu.memory_space<hbm>> -> memref<10240x16xf32, #tpu.memory_space<hbm>>
        tpu.enqueue_indirect_dma source(%dma_start3A_535 : memref<10240x16xf32, #tpu.memory_space<hbm>>) target(%dma_start3A_529 : memref<128x16xf32, #tpu.memory_space<vmem>>) offsets(%dma_start3A_532 : memref<128xi32, #tpu.memory_space<vmem>>) semaphore(%arg22 : memref<!tpu.dma_semaphore, #tpu.memory_space<semaphore_mem>>)
      } else {
      }
      %dma_wait3A_321 = arith.constant 0 : i32
      %dma_wait3A_322 = arith.constant 0 : i32
      %dma_wait3A_323 = tpu.memref_slice %arg13[%dma_wait3A_321, %dma_wait3A_322] : memref<256x64xf32, #tpu.memory_space<vmem>> -> memref<128x64xf32, #tpu.memory_space<vmem>>
      %dma_wait3A_324 = arith.constant 0 : i32
      %dma_wait3A_325 = arith.constant 0 : i32
      %dma_wait3A_326 = tpu.memref_slice %arg3[%arg0, %dma_wait3A_324, %dma_wait3A_325] : memref<2x10240x64xf32, #tpu.memory_space<hbm>> -> memref<1x10240x64xf32, #tpu.memory_space<hbm>>
      %dma_wait3A_327 = tpu.memref_squeeze %dma_wait3A_326 : memref<1x10240x64xf32, #tpu.memory_space<hbm>> -> memref<10240x64xf32, #tpu.memory_space<hbm>>
      %dma_wait3A_328 = arith.constant 0 : i32
      %dma_wait3A_329 = arith.constant 0 : i32
      %dma_wait3A_330 = tpu.memref_slice %dma_wait3A_327[%dma_wait3A_328, %dma_wait3A_329] : memref<10240x64xf32, #tpu.memory_space<hbm>> -> memref<128x64xf32, #tpu.memory_space<hbm>>
      %dma_wait3A_331 = arith.constant 0 : i32
      %dma_wait3A_332 = arith.constant 0 : i32
      %dma_wait3A_333 = tpu.memref_slice %arg13[%dma_wait3A_331, %dma_wait3A_332] : memref<256x64xf32, #tpu.memory_space<vmem>> -> memref<128x64xf32, #tpu.memory_space<vmem>>
      %dma_wait3A_334 = arith.constant 0 : i32
      %dma_wait3A_335 = arith.constant 0 : i32
      %dma_wait3A_336 = tpu.memref_slice %arg3[%arg0, %dma_wait3A_334, %dma_wait3A_335] : memref<2x10240x64xf32, #tpu.memory_space<hbm>> -> memref<1x10240x64xf32, #tpu.memory_space<hbm>>
      %dma_wait3A_337 = tpu.memref_squeeze %dma_wait3A_336 : memref<1x10240x64xf32, #tpu.memory_space<hbm>> -> memref<10240x64xf32, #tpu.memory_space<hbm>>
      %dma_wait3A_338 = arith.constant 0 : i32
      %dma_wait3A_339 = arith.constant 0 : i32
      %dma_wait3A_340 = tpu.memref_slice %dma_wait3A_337[%dma_wait3A_338, %dma_wait3A_339] : memref<10240x64xf32, #tpu.memory_space<hbm>> -> memref<128x64xf32, #tpu.memory_space<hbm>>
      tpu.wait_dma2 semaphore(%arg23 : memref<!tpu.dma_semaphore, #tpu.memory_space<semaphore_mem>>) src(%dma_wait3A_340 : memref<128x64xf32, #tpu.memory_space<hbm>>) dst(%dma_wait3A_333 : memref<128x64xf32, #tpu.memory_space<vmem>>)
      %dma_wait3A_341 = arith.constant 128 : i32
      %dma_wait3A_342 = arith.constant 0 : i32
      %dma_wait3A_343 = tpu.memref_slice %arg13[%dma_wait3A_341, %dma_wait3A_342] : memref<256x64xf32, #tpu.memory_space<vmem>> -> memref<128x64xf32, #tpu.memory_space<vmem>>
      %dma_wait3A_344 = arith.constant 0 : i32
      %dma_wait3A_345 = arith.constant 0 : i32
      %dma_wait3A_346 = tpu.memref_slice %arg3[%arg0, %dma_wait3A_344, %dma_wait3A_345] : memref<2x10240x64xf32, #tpu.memory_space<hbm>> -> memref<1x10240x64xf32, #tpu.memory_space<hbm>>
      %dma_wait3A_347 = tpu.memref_squeeze %dma_wait3A_346 : memref<1x10240x64xf32, #tpu.memory_space<hbm>> -> memref<10240x64xf32, #tpu.memory_space<hbm>>
      %dma_wait3A_348 = arith.constant 0 : i32
      %dma_wait3A_349 = arith.constant 0 : i32
      %dma_wait3A_350 = tpu.memref_slice %dma_wait3A_347[%dma_wait3A_348, %dma_wait3A_349] : memref<10240x64xf32, #tpu.memory_space<hbm>> -> memref<128x64xf32, #tpu.memory_space<hbm>>
      %dma_wait3A_351 = arith.constant 128 : i32
      %dma_wait3A_352 = arith.constant 0 : i32
      %dma_wait3A_353 = tpu.memref_slice %arg13[%dma_wait3A_351, %dma_wait3A_352] : memref<256x64xf32, #tpu.memory_space<vmem>> -> memref<128x64xf32, #tpu.memory_space<vmem>>
      %dma_wait3A_354 = arith.constant 0 : i32
      %dma_wait3A_355 = arith.constant 0 : i32
      %dma_wait3A_356 = tpu.memref_slice %arg3[%arg0, %dma_wait3A_354, %dma_wait3A_355] : memref<2x10240x64xf32, #tpu.memory_space<hbm>> -> memref<1x10240x64xf32, #tpu.memory_space<hbm>>
      %dma_wait3A_357 = tpu.memref_squeeze %dma_wait3A_356 : memref<1x10240x64xf32, #tpu.memory_space<hbm>> -> memref<10240x64xf32, #tpu.memory_space<hbm>>
      %dma_wait3A_358 = arith.constant 0 : i32
      %dma_wait3A_359 = arith.constant 0 : i32
      %dma_wait3A_360 = tpu.memref_slice %dma_wait3A_357[%dma_wait3A_358, %dma_wait3A_359] : memref<10240x64xf32, #tpu.memory_space<hbm>> -> memref<128x64xf32, #tpu.memory_space<hbm>>
      tpu.wait_dma2 semaphore(%arg23 : memref<!tpu.dma_semaphore, #tpu.memory_space<semaphore_mem>>) src(%dma_wait3A_360 : memref<128x64xf32, #tpu.memory_space<hbm>>) dst(%dma_wait3A_353 : memref<128x64xf32, #tpu.memory_space<vmem>>)
      %dma_wait3A_361 = arith.constant 0 : i32
      %dma_wait3A_362 = arith.constant 0 : i32
      %dma_wait3A_363 = tpu.memref_slice %arg17[%dma_wait3A_361, %dma_wait3A_362] : memref<256x16xf32, #tpu.memory_space<vmem>> -> memref<128x16xf32, #tpu.memory_space<vmem>>
      %dma_wait3A_364 = arith.constant 0 : i32
      %dma_wait3A_365 = arith.constant 0 : i32
      %dma_wait3A_366 = tpu.memref_slice %arg4[%dma_wait3A_364, %dma_wait3A_365] : memref<10240x16xf32, #tpu.memory_space<hbm>> -> memref<128x16xf32, #tpu.memory_space<hbm>>
      %dma_wait3A_367 = arith.constant 0 : i32
      %dma_wait3A_368 = arith.constant 0 : i32
      %dma_wait3A_369 = tpu.memref_slice %arg17[%dma_wait3A_367, %dma_wait3A_368] : memref<256x16xf32, #tpu.memory_space<vmem>> -> memref<128x16xf32, #tpu.memory_space<vmem>>
      %dma_wait3A_370 = arith.constant 0 : i32
      %dma_wait3A_371 = arith.constant 0 : i32
      %dma_wait3A_372 = tpu.memref_slice %arg4[%dma_wait3A_370, %dma_wait3A_371] : memref<10240x16xf32, #tpu.memory_space<hbm>> -> memref<128x16xf32, #tpu.memory_space<hbm>>
      tpu.wait_dma2 semaphore(%arg23 : memref<!tpu.dma_semaphore, #tpu.memory_space<semaphore_mem>>) src(%dma_wait3A_372 : memref<128x16xf32, #tpu.memory_space<hbm>>) dst(%dma_wait3A_369 : memref<128x16xf32, #tpu.memory_space<vmem>>)
      %dma_wait3A_373 = arith.constant 128 : i32
      %dma_wait3A_374 = arith.constant 0 : i32
      %dma_wait3A_375 = tpu.memref_slice %arg17[%dma_wait3A_373, %dma_wait3A_374] : memref<256x16xf32, #tpu.memory_space<vmem>> -> memref<128x16xf32, #tpu.memory_space<vmem>>
      %dma_wait3A_376 = arith.constant 0 : i32
      %dma_wait3A_377 = arith.constant 0 : i32
      %dma_wait3A_378 = tpu.memref_slice %arg4[%dma_wait3A_376, %dma_wait3A_377] : memref<10240x16xf32, #tpu.memory_space<hbm>> -> memref<128x16xf32, #tpu.memory_space<hbm>>
      %dma_wait3A_379 = arith.constant 128 : i32
      %dma_wait3A_380 = arith.constant 0 : i32
      %dma_wait3A_381 = tpu.memref_slice %arg17[%dma_wait3A_379, %dma_wait3A_380] : memref<256x16xf32, #tpu.memory_space<vmem>> -> memref<128x16xf32, #tpu.memory_space<vmem>>
      %dma_wait3A_382 = arith.constant 0 : i32
      %dma_wait3A_383 = arith.constant 0 : i32
      %dma_wait3A_384 = tpu.memref_slice %arg4[%dma_wait3A_382, %dma_wait3A_383] : memref<10240x16xf32, #tpu.memory_space<hbm>> -> memref<128x16xf32, #tpu.memory_space<hbm>>
      tpu.wait_dma2 semaphore(%arg23 : memref<!tpu.dma_semaphore, #tpu.memory_space<semaphore_mem>>) src(%dma_wait3A_384 : memref<128x16xf32, #tpu.memory_space<hbm>>) dst(%dma_wait3A_381 : memref<128x16xf32, #tpu.memory_space<vmem>>)
      %dma_wait3A_385 = arith.constant 0 : i32
      %dma_wait3A_386 = arith.constant 0 : i32
      %dma_wait3A_387 = tpu.memref_slice %arg19[%dma_wait3A_385, %dma_wait3A_386] : memref<256x16xf32, #tpu.memory_space<vmem>> -> memref<128x16xf32, #tpu.memory_space<vmem>>
      %dma_wait3A_388 = arith.constant 0 : i32
      %dma_wait3A_389 = arith.constant 0 : i32
      %dma_wait3A_390 = tpu.memref_slice %arg5[%dma_wait3A_388, %dma_wait3A_389] : memref<10240x16xf32, #tpu.memory_space<hbm>> -> memref<128x16xf32, #tpu.memory_space<hbm>>
      %dma_wait3A_391 = arith.constant 0 : i32
      %dma_wait3A_392 = arith.constant 0 : i32
      %dma_wait3A_393 = tpu.memref_slice %arg19[%dma_wait3A_391, %dma_wait3A_392] : memref<256x16xf32, #tpu.memory_space<vmem>> -> memref<128x16xf32, #tpu.memory_space<vmem>>
      %dma_wait3A_394 = arith.constant 0 : i32
      %dma_wait3A_395 = arith.constant 0 : i32
      %dma_wait3A_396 = tpu.memref_slice %arg5[%dma_wait3A_394, %dma_wait3A_395] : memref<10240x16xf32, #tpu.memory_space<hbm>> -> memref<128x16xf32, #tpu.memory_space<hbm>>
      tpu.wait_dma2 semaphore(%arg23 : memref<!tpu.dma_semaphore, #tpu.memory_space<semaphore_mem>>) src(%dma_wait3A_396 : memref<128x16xf32, #tpu.memory_space<hbm>>) dst(%dma_wait3A_393 : memref<128x16xf32, #tpu.memory_space<vmem>>)
      %dma_wait3A_397 = arith.constant 128 : i32
      %dma_wait3A_398 = arith.constant 0 : i32
      %dma_wait3A_399 = tpu.memref_slice %arg19[%dma_wait3A_397, %dma_wait3A_398] : memref<256x16xf32, #tpu.memory_space<vmem>> -> memref<128x16xf32, #tpu.memory_space<vmem>>
      %dma_wait3A_400 = arith.constant 0 : i32
      %dma_wait3A_401 = arith.constant 0 : i32
      %dma_wait3A_402 = tpu.memref_slice %arg5[%dma_wait3A_400, %dma_wait3A_401] : memref<10240x16xf32, #tpu.memory_space<hbm>> -> memref<128x16xf32, #tpu.memory_space<hbm>>
      %dma_wait3A_403 = arith.constant 128 : i32
      %dma_wait3A_404 = arith.constant 0 : i32
      %dma_wait3A_405 = tpu.memref_slice %arg19[%dma_wait3A_403, %dma_wait3A_404] : memref<256x16xf32, #tpu.memory_space<vmem>> -> memref<128x16xf32, #tpu.memory_space<vmem>>
      %dma_wait3A_406 = arith.constant 0 : i32
      %dma_wait3A_407 = arith.constant 0 : i32
      %dma_wait3A_408 = tpu.memref_slice %arg5[%dma_wait3A_406, %dma_wait3A_407] : memref<10240x16xf32, #tpu.memory_space<hbm>> -> memref<128x16xf32, #tpu.memory_space<hbm>>
      tpu.wait_dma2 semaphore(%arg23 : memref<!tpu.dma_semaphore, #tpu.memory_space<semaphore_mem>>) src(%dma_wait3A_408 : memref<128x16xf32, #tpu.memory_space<hbm>>) dst(%dma_wait3A_405 : memref<128x16xf32, #tpu.memory_space<vmem>>)
      %parallel_loop3A_409 = arith.constant 0 : i32
      %parallel_loop3A_410 = arith.constant 256 : i32
      %parallel_loop3A_411 = arith.constant 1 : i32
      scf.for %parallel_loop3A_466 = %parallel_loop3A_409 to %parallel_loop3A_410 step %parallel_loop3A_411  : i32 {
        %parallel_loop3A_467 = arith.index_cast %parallel_loop3A_466 : i32 to index
        %parallel_loop3A_468 = arith.constant 0 : index
        %parallel_loop3A_469 = tpu.vector_load %arg17[%parallel_loop3A_467, %parallel_loop3A_468] {strides = array<i32>} : memref<256x16xf32, #tpu.memory_space<vmem>>, vector<1x16xf32>,
        %parallel_loop3A_470 = vector.shape_cast %parallel_loop3A_469 : vector<1x16xf32> to vector<16xf32>
        %parallel_loop3A_471 = arith.index_cast %parallel_loop3A_466 : i32 to index
        %parallel_loop3A_472 = arith.constant 0 : index
        %parallel_loop3A_473 = tpu.vector_load %arg19[%parallel_loop3A_471, %parallel_loop3A_472] {strides = array<i32>} : memref<256x16xf32, #tpu.memory_space<vmem>>, vector<1x16xf32>,
        %parallel_loop3A_474 = vector.shape_cast %parallel_loop3A_473 : vector<1x16xf32> to vector<16xf32>
        %parallel_loop3A_475 = arith.addf %parallel_loop3A_470, %parallel_loop3A_474 : vector<16xf32>
        %parallel_loop3A_476 = arith.constant 2.000000e-01 : f32
        %parallel_loop3A_477 = vector.broadcast %parallel_loop3A_476 : f32 to vector<16xf32>
        %parallel_loop3A_478 = arith.mulf %parallel_loop3A_477, %parallel_loop3A_475 : vector<16xf32>
        %parallel_loop3A_479 = arith.maximumf %parallel_loop3A_475, %parallel_loop3A_478 : vector<16xf32>
        %parallel_loop3A_480 = math.exp %parallel_loop3A_479 : vector<16xf32>
        %parallel_loop3A_481 = arith.index_cast %parallel_loop3A_466 : i32 to index
        %parallel_loop3A_482 = arith.constant 0 : index
        %parallel_loop3A_483 = tpu.vector_load %arg15[%parallel_loop3A_481, %parallel_loop3A_482] {strides = array<i32>} : memref<256x16xf32, #tpu.memory_space<vmem>>, vector<1x16xf32>,
        %parallel_loop3A_484 = vector.shape_cast %parallel_loop3A_483 : vector<1x16xf32> to vector<16xf32>
        %parallel_loop3A_485 = vector.shape_cast %parallel_loop3A_480 : vector<16xf32> to vector<1x16xf32>
        tpu.vector_store %arg15[%parallel_loop3A_481, %parallel_loop3A_482], %parallel_loop3A_485 {strides = array<i32>} : memref<256x16xf32, #tpu.memory_space<vmem>>, vector<1x16xf32>,
        %parallel_loop3A_486 = vector.shape_cast %add3A_4 : vector<16xi32> to vector<16x1xi32>
        %parallel_loop3A_487 = vector.shape_cast %parallel_loop3A_486 : vector<16x1xi32> to vector<16xi32>
        %parallel_loop3A_488 = tpu.dynamic_gather %parallel_loop3A_480[%parallel_loop3A_487] in [0] : vector<16xf32>, vector<16xi32> -> vector<16xf32>
        %parallel_loop3A_489 = arith.index_cast %parallel_loop3A_466 : i32 to index
        %parallel_loop3A_490 = arith.constant 0 : index
        %parallel_loop3A_491 = tpu.vector_load %arg13[%parallel_loop3A_489, %parallel_loop3A_490] {strides = array<i32>} : memref<256x64xf32, #tpu.memory_space<vmem>>, vector<1x16xf32>,
        %parallel_loop3A_492 = vector.shape_cast %parallel_loop3A_491 : vector<1x16xf32> to vector<16xf32>
        %parallel_loop3A_493 = arith.mulf %parallel_loop3A_492, %parallel_loop3A_488 : vector<16xf32>
        %parallel_loop3A_494 = arith.index_cast %parallel_loop3A_466 : i32 to index
        %parallel_loop3A_495 = arith.constant 0 : index
        %parallel_loop3A_496 = tpu.vector_load %arg13[%parallel_loop3A_494, %parallel_loop3A_495] {strides = array<i32>} : memref<256x64xf32, #tpu.memory_space<vmem>>, vector<1x16xf32>,
        %parallel_loop3A_497 = vector.shape_cast %parallel_loop3A_496 : vector<1x16xf32> to vector<16xf32>
        %parallel_loop3A_498 = vector.shape_cast %parallel_loop3A_493 : vector<16xf32> to vector<1x16xf32>
        tpu.vector_store %arg13[%parallel_loop3A_494, %parallel_loop3A_495], %parallel_loop3A_498 {strides = array<i32>} : memref<256x64xf32, #tpu.memory_space<vmem>>, vector<1x16xf32>,
        %parallel_loop3A_499 = vector.shape_cast %add3A_10 : vector<16xi32> to vector<16x1xi32>
        %parallel_loop3A_500 = vector.shape_cast %parallel_loop3A_499 : vector<16x1xi32> to vector<16xi32>
        %parallel_loop3A_501 = tpu.dynamic_gather %parallel_loop3A_480[%parallel_loop3A_500] in [0] : vector<16xf32>, vector<16xi32> -> vector<16xf32>
        %parallel_loop3A_502 = arith.index_cast %parallel_loop3A_466 : i32 to index
        %parallel_loop3A_503 = arith.constant 16 : index
        %parallel_loop3A_504 = tpu.vector_load %arg13[%parallel_loop3A_502, %parallel_loop3A_503] {strides = array<i32>} : memref<256x64xf32, #tpu.memory_space<vmem>>, vector<1x16xf32>,
        %parallel_loop3A_505 = vector.shape_cast %parallel_loop3A_504 : vector<1x16xf32> to vector<16xf32>
        %parallel_loop3A_506 = arith.mulf %parallel_loop3A_505, %parallel_loop3A_501 : vector<16xf32>
        %parallel_loop3A_507 = arith.index_cast %parallel_loop3A_466 : i32 to index
        %parallel_loop3A_508 = arith.constant 16 : index
        %parallel_loop3A_509 = tpu.vector_load %arg13[%parallel_loop3A_507, %parallel_loop3A_508] {strides = array<i32>} : memref<256x64xf32, #tpu.memory_space<vmem>>, vector<1x16xf32>,
        %parallel_loop3A_510 = vector.shape_cast %parallel_loop3A_509 : vector<1x16xf32> to vector<16xf32>
        %parallel_loop3A_511 = vector.shape_cast %parallel_loop3A_506 : vector<16xf32> to vector<1x16xf32>
        tpu.vector_store %arg13[%parallel_loop3A_507, %parallel_loop3A_508], %parallel_loop3A_511 {strides = array<i32>} : memref<256x64xf32, #tpu.memory_space<vmem>>, vector<1x16xf32>,
        %parallel_loop3A_512 = vector.shape_cast %add3A_16 : vector<16xi32> to vector<16x1xi32>
        %parallel_loop3A_513 = vector.shape_cast %parallel_loop3A_512 : vector<16x1xi32> to vector<16xi32>
        %parallel_loop3A_514 = tpu.dynamic_gather %parallel_loop3A_480[%parallel_loop3A_513] in [0] : vector<16xf32>, vector<16xi32> -> vector<16xf32>
        %parallel_loop3A_515 = arith.index_cast %parallel_loop3A_466 : i32 to index
        %parallel_loop3A_516 = arith.constant 32 : index
        %parallel_loop3A_517 = tpu.vector_load %arg13[%parallel_loop3A_515, %parallel_loop3A_516] {strides = array<i32>} : memref<256x64xf32, #tpu.memory_space<vmem>>, vector<1x16xf32>,
        %parallel_loop3A_518 = vector.shape_cast %parallel_loop3A_517 : vector<1x16xf32> to vector<16xf32>
        %parallel_loop3A_519 = arith.mulf %parallel_loop3A_518, %parallel_loop3A_514 : vector<16xf32>
        %parallel_loop3A_520 = arith.index_cast %parallel_loop3A_466 : i32 to index
        %parallel_loop3A_521 = arith.constant 32 : index
        %parallel_loop3A_522 = tpu.vector_load %arg13[%parallel_loop3A_520, %parallel_loop3A_521] {strides = array<i32>} : memref<256x64xf32, #tpu.memory_space<vmem>>, vector<1x16xf32>,
        %parallel_loop3A_523 = vector.shape_cast %parallel_loop3A_522 : vector<1x16xf32> to vector<16xf32>
        %parallel_loop3A_524 = vector.shape_cast %parallel_loop3A_519 : vector<16xf32> to vector<1x16xf32>
        tpu.vector_store %arg13[%parallel_loop3A_520, %parallel_loop3A_521], %parallel_loop3A_524 {strides = array<i32>} : memref<256x64xf32, #tpu.memory_space<vmem>>, vector<1x16xf32>,
        %parallel_loop3A_525 = vector.shape_cast %add3A_22 : vector<16xi32> to vector<16x1xi32>
        %parallel_loop3A_526 = vector.shape_cast %parallel_loop3A_525 : vector<16x1xi32> to vector<16xi32>
        %parallel_loop3A_527 = tpu.dynamic_gather %parallel_loop3A_480[%parallel_loop3A_526] in [0] : vector<16xf32>, vector<16xi32> -> vector<16xf32>
        %parallel_loop3A_528 = arith.index_cast %parallel_loop3A_466 : i32 to index
        %parallel_loop3A_529 = arith.constant 48 : index
        %parallel_loop3A_530 = tpu.vector_load %arg13[%parallel_loop3A_528, %parallel_loop3A_529] {strides = array<i32>} : memref<256x64xf32, #tpu.memory_space<vmem>>, vector<1x16xf32>,
        %parallel_loop3A_531 = vector.shape_cast %parallel_loop3A_530 : vector<1x16xf32> to vector<16xf32>
        %parallel_loop3A_532 = arith.mulf %parallel_loop3A_531, %parallel_loop3A_527 : vector<16xf32>
        %parallel_loop3A_533 = arith.index_cast %parallel_loop3A_466 : i32 to index
        %parallel_loop3A_534 = arith.constant 48 : index
        %parallel_loop3A_535 = tpu.vector_load %arg13[%parallel_loop3A_533, %parallel_loop3A_534] {strides = array<i32>} : memref<256x64xf32, #tpu.memory_space<vmem>>, vector<1x16xf32>,
        %parallel_loop3A_536 = vector.shape_cast %parallel_loop3A_535 : vector<1x16xf32> to vector<16xf32>
        %parallel_loop3A_537 = vector.shape_cast %parallel_loop3A_532 : vector<16xf32> to vector<1x16xf32>
        tpu.vector_store %arg13[%parallel_loop3A_533, %parallel_loop3A_534], %parallel_loop3A_537 {strides = array<i32>} : memref<256x64xf32, #tpu.memory_space<vmem>>, vector<1x16xf32>,
      } {sc.loop_unroll_factor = 8 : i64, sc.parallel_access}
      %dma_start3A_412 = arith.constant 2 : i32
      %dma_start3A_413 = arith.constant 0 : i32
      %dma_start3A_414 = arith.constant 0 : i32
      %dma_start3A_415 = tpu.memref_slice %arg13[%dma_start3A_413, %dma_start3A_414] : memref<256x64xf32, #tpu.memory_space<vmem>> -> memref<128x64xf32, #tpu.memory_space<vmem>>
      %dma_start3A_416 = arith.constant 0 : i32
      %dma_start3A_417 = tpu.memref_slice %arg11[%dma_start3A_412, %dma_start3A_416] : memref<4x128xi32, #tpu.memory_space<vmem>> -> memref<1x128xi32, #tpu.memory_space<vmem>>
      %dma_start3A_418 = tpu.memref_squeeze %dma_start3A_417 : memref<1x128xi32, #tpu.memory_space<vmem>> -> memref<128xi32, #tpu.memory_space<vmem>>
      %dma_start3A_419 = arith.constant 0 : i32
      %dma_start3A_420 = arith.constant 0 : i32
      %dma_start3A_421 = tpu.memref_slice %arg20[%dma_start3A_419, %dma_start3A_420] : memref<10240x64xf32, #tpu.memory_space<vmem_shared>> -> memref<10240x64xf32, #tpu.memory_space<vmem_shared>>
      tpu.enqueue_indirect_dma source(%dma_start3A_415 : memref<128x64xf32, #tpu.memory_space<vmem>>) target(%dma_start3A_421 : memref<10240x64xf32, #tpu.memory_space<vmem_shared>>) offsets(%dma_start3A_418 : memref<128xi32, #tpu.memory_space<vmem>>) semaphore(%arg25 : memref<!tpu.dma_semaphore, #tpu.memory_space<semaphore_mem>>) {add = true}
      %dma_start3A_422 = arith.constant 3 : i32
      %dma_start3A_423 = arith.constant 128 : i32
      %dma_start3A_424 = arith.constant 0 : i32
      %dma_start3A_425 = tpu.memref_slice %arg13[%dma_start3A_423, %dma_start3A_424] : memref<256x64xf32, #tpu.memory_space<vmem>> -> memref<128x64xf32, #tpu.memory_space<vmem>>
      %dma_start3A_426 = arith.constant 0 : i32
      %dma_start3A_427 = tpu.memref_slice %arg11[%dma_start3A_422, %dma_start3A_426] : memref<4x128xi32, #tpu.memory_space<vmem>> -> memref<1x128xi32, #tpu.memory_space<vmem>>
      %dma_start3A_428 = tpu.memref_squeeze %dma_start3A_427 : memref<1x128xi32, #tpu.memory_space<vmem>> -> memref<128xi32, #tpu.memory_space<vmem>>
      %dma_start3A_429 = arith.constant 0 : i32
      %dma_start3A_430 = arith.constant 0 : i32
      %dma_start3A_431 = tpu.memref_slice %arg20[%dma_start3A_429, %dma_start3A_430] : memref<10240x64xf32, #tpu.memory_space<vmem_shared>> -> memref<10240x64xf32, #tpu.memory_space<vmem_shared>>
      tpu.enqueue_indirect_dma source(%dma_start3A_425 : memref<128x64xf32, #tpu.memory_space<vmem>>) target(%dma_start3A_431 : memref<10240x64xf32, #tpu.memory_space<vmem_shared>>) offsets(%dma_start3A_428 : memref<128xi32, #tpu.memory_space<vmem>>) semaphore(%arg25 : memref<!tpu.dma_semaphore, #tpu.memory_space<semaphore_mem>>) {add = true}
      %eq3A_432 = arith.constant 0 : i32
      %eq3A_433 = arith.cmpi eq, %arg0, %eq3A_432 : i32
      %convert_element_type3A_434 = arith.extui %eq3A_433 : i1 to i32
      %cond3A_435 = arith.constant 0 : i32
      %cond3A_436 = arith.cmpi ne, %convert_element_type3A_434, %cond3A_435 : i32
      scf.if %cond3A_436 {
        %dma_start3A_466 = arith.constant 2 : i32
        %dma_start3A_467 = arith.constant 0 : i32
        %dma_start3A_468 = arith.constant 0 : i32
        %dma_start3A_469 = tpu.memref_slice %arg15[%dma_start3A_467, %dma_start3A_468] : memref<256x16xf32, #tpu.memory_space<vmem>> -> memref<128x16xf32, #tpu.memory_space<vmem>>
        %dma_start3A_470 = arith.constant 0 : i32
        %dma_start3A_471 = tpu.memref_slice %arg11[%dma_start3A_466, %dma_start3A_470] : memref<4x128xi32, #tpu.memory_space<vmem>> -> memref<1x128xi32, #tpu.memory_space<vmem>>
        %dma_start3A_472 = tpu.memref_squeeze %dma_start3A_471 : memref<1x128xi32, #tpu.memory_space<vmem>> -> memref<128xi32, #tpu.memory_space<vmem>>
        %dma_start3A_473 = arith.constant 0 : i32
        %dma_start3A_474 = arith.constant 0 : i32
        %dma_start3A_475 = tpu.memref_slice %arg21[%dma_start3A_473, %dma_start3A_474] : memref<10240x16xf32, #tpu.memory_space<vmem_shared>> -> memref<10240x16xf32, #tpu.memory_space<vmem_shared>>
        tpu.enqueue_indirect_dma source(%dma_start3A_469 : memref<128x16xf32, #tpu.memory_space<vmem>>) target(%dma_start3A_475 : memref<10240x16xf32, #tpu.memory_space<vmem_shared>>) offsets(%dma_start3A_472 : memref<128xi32, #tpu.memory_space<vmem>>) semaphore(%arg25 : memref<!tpu.dma_semaphore, #tpu.memory_space<semaphore_mem>>) {add = true}
        %dma_start3A_476 = arith.constant 3 : i32
        %dma_start3A_477 = arith.constant 128 : i32
        %dma_start3A_478 = arith.constant 0 : i32
        %dma_start3A_479 = tpu.memref_slice %arg15[%dma_start3A_477, %dma_start3A_478] : memref<256x16xf32, #tpu.memory_space<vmem>> -> memref<128x16xf32, #tpu.memory_space<vmem>>
        %dma_start3A_480 = arith.constant 0 : i32
        %dma_start3A_481 = tpu.memref_slice %arg11[%dma_start3A_476, %dma_start3A_480] : memref<4x128xi32, #tpu.memory_space<vmem>> -> memref<1x128xi32, #tpu.memory_space<vmem>>
        %dma_start3A_482 = tpu.memref_squeeze %dma_start3A_481 : memref<1x128xi32, #tpu.memory_space<vmem>> -> memref<128xi32, #tpu.memory_space<vmem>>
        %dma_start3A_483 = arith.constant 0 : i32
        %dma_start3A_484 = arith.constant 0 : i32
        %dma_start3A_485 = tpu.memref_slice %arg21[%dma_start3A_483, %dma_start3A_484] : memref<10240x16xf32, #tpu.memory_space<vmem_shared>> -> memref<10240x16xf32, #tpu.memory_space<vmem_shared>>
        tpu.enqueue_indirect_dma source(%dma_start3A_479 : memref<128x16xf32, #tpu.memory_space<vmem>>) target(%dma_start3A_485 : memref<10240x16xf32, #tpu.memory_space<vmem_shared>>) offsets(%dma_start3A_482 : memref<128xi32, #tpu.memory_space<vmem>>) semaphore(%arg25 : memref<!tpu.dma_semaphore, #tpu.memory_space<semaphore_mem>>) {add = true}
      } else {
      }
      %dma_wait3A_437 = arith.constant 0 : i32
      %dma_wait3A_438 = arith.constant 0 : i32
      %dma_wait3A_439 = tpu.memref_slice %arg13[%dma_wait3A_437, %dma_wait3A_438] : memref<256x64xf32, #tpu.memory_space<vmem>> -> memref<128x64xf32, #tpu.memory_space<vmem>>
      %dma_wait3A_440 = arith.constant 0 : i32
      %dma_wait3A_441 = arith.constant 0 : i32
      %dma_wait3A_442 = tpu.memref_slice %arg20[%dma_wait3A_440, %dma_wait3A_441] : memref<10240x64xf32, #tpu.memory_space<vmem_shared>> -> memref<128x64xf32, #tpu.memory_space<vmem_shared>>
      %dma_wait3A_443 = arith.constant 0 : i32
      %dma_wait3A_444 = arith.constant 0 : i32
      %dma_wait3A_445 = tpu.memref_slice %arg20[%dma_wait3A_443, %dma_wait3A_444] : memref<10240x64xf32, #tpu.memory_space<vmem_shared>> -> memref<128x64xf32, #tpu.memory_space<vmem_shared>>
      %dma_wait3A_446 = arith.constant 0 : i32
      %dma_wait3A_447 = arith.constant 0 : i32
      %dma_wait3A_448 = tpu.memref_slice %arg13[%dma_wait3A_446, %dma_wait3A_447] : memref<256x64xf32, #tpu.memory_space<vmem>> -> memref<128x64xf32, #tpu.memory_space<vmem>>
      tpu.wait_dma2 semaphore(%arg25 : memref<!tpu.dma_semaphore, #tpu.memory_space<semaphore_mem>>) src(%dma_wait3A_448 : memref<128x64xf32, #tpu.memory_space<vmem>>) dst(%dma_wait3A_445 : memref<128x64xf32, #tpu.memory_space<vmem_shared>>)
      %dma_wait3A_449 = arith.constant 128 : i32
      %dma_wait3A_450 = arith.constant 0 : i32
      %dma_wait3A_451 = tpu.memref_slice %arg13[%dma_wait3A_449, %dma_wait3A_450] : memref<256x64xf32, #tpu.memory_space<vmem>> -> memref<128x64xf32, #tpu.memory_space<vmem>>
      %dma_wait3A_452 = arith.constant 0 : i32
      %dma_wait3A_453 = arith.constant 0 : i32
      %dma_wait3A_454 = tpu.memref_slice %arg20[%dma_wait3A_452, %dma_wait3A_453] : memref<10240x64xf32, #tpu.memory_space<vmem_shared>> -> memref<128x64xf32, #tpu.memory_space<vmem_shared>>
      %dma_wait3A_455 = arith.constant 0 : i32
      %dma_wait3A_456 = arith.constant 0 : i32
      %dma_wait3A_457 = tpu.memref_slice %arg20[%dma_wait3A_455, %dma_wait3A_456] : memref<10240x64xf32, #tpu.memory_space<vmem_shared>> -> memref<128x64xf32, #tpu.memory_space<vmem_shared>>
      %dma_wait3A_458 = arith.constant 128 : i32
      %dma_wait3A_459 = arith.constant 0 : i32
      %dma_wait3A_460 = tpu.memref_slice %arg13[%dma_wait3A_458, %dma_wait3A_459] : memref<256x64xf32, #tpu.memory_space<vmem>> -> memref<128x64xf32, #tpu.memory_space<vmem>>
      tpu.wait_dma2 semaphore(%arg25 : memref<!tpu.dma_semaphore, #tpu.memory_space<semaphore_mem>>) src(%dma_wait3A_460 : memref<128x64xf32, #tpu.memory_space<vmem>>) dst(%dma_wait3A_457 : memref<128x64xf32, #tpu.memory_space<vmem_shared>>)
      %eq3A_461 = arith.constant 0 : i32
      %eq3A_462 = arith.cmpi eq, %arg0, %eq3A_461 : i32
      %convert_element_type3A_463 = arith.extui %eq3A_462 : i1 to i32
      %cond3A_464 = arith.constant 0 : i32
      %cond3A_465 = arith.cmpi ne, %convert_element_type3A_463, %cond3A_464 : i32
      scf.if %cond3A_465 {
        %dma_wait3A_466 = arith.constant 0 : i32
        %dma_wait3A_467 = arith.constant 0 : i32
        %dma_wait3A_468 = tpu.memref_slice %arg15[%dma_wait3A_466, %dma_wait3A_467] : memref<256x16xf32, #tpu.memory_space<vmem>> -> memref<128x16xf32, #tpu.memory_space<vmem>>
        %dma_wait3A_469 = arith.constant 0 : i32
        %dma_wait3A_470 = arith.constant 0 : i32
        %dma_wait3A_471 = tpu.memref_slice %arg21[%dma_wait3A_469, %dma_wait3A_470] : memref<10240x16xf32, #tpu.memory_space<vmem_shared>> -> memref<128x16xf32, #tpu.memory_space<vmem_shared>>
        %dma_wait3A_472 = arith.constant 0 : i32
        %dma_wait3A_473 = arith.constant 0 : i32
        %dma_wait3A_474 = tpu.memref_slice %arg21[%dma_wait3A_472, %dma_wait3A_473] : memref<10240x16xf32, #tpu.memory_space<vmem_shared>> -> memref<128x16xf32, #tpu.memory_space<vmem_shared>>
        %dma_wait3A_475 = arith.constant 0 : i32
        %dma_wait3A_476 = arith.constant 0 : i32
        %dma_wait3A_477 = tpu.memref_slice %arg15[%dma_wait3A_475, %dma_wait3A_476] : memref<256x16xf32, #tpu.memory_space<vmem>> -> memref<128x16xf32, #tpu.memory_space<vmem>>
        tpu.wait_dma2 semaphore(%arg25 : memref<!tpu.dma_semaphore, #tpu.memory_space<semaphore_mem>>) src(%dma_wait3A_477 : memref<128x16xf32, #tpu.memory_space<vmem>>) dst(%dma_wait3A_474 : memref<128x16xf32, #tpu.memory_space<vmem_shared>>)
        %dma_wait3A_478 = arith.constant 128 : i32
        %dma_wait3A_479 = arith.constant 0 : i32
        %dma_wait3A_480 = tpu.memref_slice %arg15[%dma_wait3A_478, %dma_wait3A_479] : memref<256x16xf32, #tpu.memory_space<vmem>> -> memref<128x16xf32, #tpu.memory_space<vmem>>
        %dma_wait3A_481 = arith.constant 0 : i32
        %dma_wait3A_482 = arith.constant 0 : i32
        %dma_wait3A_483 = tpu.memref_slice %arg21[%dma_wait3A_481, %dma_wait3A_482] : memref<10240x16xf32, #tpu.memory_space<vmem_shared>> -> memref<128x16xf32, #tpu.memory_space<vmem_shared>>
        %dma_wait3A_484 = arith.constant 0 : i32
        %dma_wait3A_485 = arith.constant 0 : i32
        %dma_wait3A_486 = tpu.memref_slice %arg21[%dma_wait3A_484, %dma_wait3A_485] : memref<10240x16xf32, #tpu.memory_space<vmem_shared>> -> memref<128x16xf32, #tpu.memory_space<vmem_shared>>
        %dma_wait3A_487 = arith.constant 128 : i32
        %dma_wait3A_488 = arith.constant 0 : i32
        %dma_wait3A_489 = tpu.memref_slice %arg15[%dma_wait3A_487, %dma_wait3A_488] : memref<256x16xf32, #tpu.memory_space<vmem>> -> memref<128x16xf32, #tpu.memory_space<vmem>>
        tpu.wait_dma2 semaphore(%arg25 : memref<!tpu.dma_semaphore, #tpu.memory_space<semaphore_mem>>) src(%dma_wait3A_489 : memref<128x16xf32, #tpu.memory_space<vmem>>) dst(%dma_wait3A_486 : memref<128x16xf32, #tpu.memory_space<vmem_shared>>)
      } else {
      }
    }
    %scan3A_96 = arith.constant 42 : i32
    %barrier3A_97 = arith.constant 0 : index
    tpu.barrier barrier_id(%barrier3A_97)
    "tpu.region"() ({
      %run_scoped3A = tpu.sem_alloc : memref<!tpu.dma_semaphore, #tpu.memory_space<semaphore_mem>>
      %dma_start3A_100 = arith.constant 0 : i32
      %dma_start3A_101 = arith.constant 0 : i32
      %dma_start3A_102 = tpu.memref_slice %arg8[%arg0, %dma_start3A_100, %dma_start3A_101] : memref<2x10240x64xf32, #tpu.memory_space<hbm>> -> memref<1x10240x64xf32, #tpu.memory_space<hbm>>
      %dma_start3A_103 = tpu.memref_squeeze %dma_start3A_102 : memref<1x10240x64xf32, #tpu.memory_space<hbm>> -> memref<10240x64xf32, #tpu.memory_space<hbm>>
      %dma_start3A_104 = arith.constant 0 : i32
      %dma_start3A_105 = tpu.memref_slice %dma_start3A_103[%mul3A_0, %dma_start3A_104] : memref<10240x64xf32, #tpu.memory_space<hbm>> -> memref<640x64xf32, #tpu.memory_space<hbm>>
      %dma_start3A_106 = arith.constant 0 : i32
      %dma_start3A_107 = tpu.memref_slice %arg20[%mul3A_0, %dma_start3A_106] : memref<10240x64xf32, #tpu.memory_space<vmem_shared>> -> memref<640x64xf32, #tpu.memory_space<vmem_shared>>
      tpu.enqueue_dma source(%dma_start3A_107 : memref<640x64xf32, #tpu.memory_space<vmem_shared>>) target(%dma_start3A_105 : memref<640x64xf32, #tpu.memory_space<hbm>>) target_semaphore(%run_scoped3A : memref<!tpu.dma_semaphore, #tpu.memory_space<semaphore_mem>>)
      %dma_wait3A = arith.constant 0 : i32
      %dma_wait3A_108 = arith.constant 0 : i32
      %dma_wait3A_109 = tpu.memref_slice %arg8[%arg0, %dma_wait3A, %dma_wait3A_108] : memref<2x10240x64xf32, #tpu.memory_space<hbm>> -> memref<1x10240x64xf32, #tpu.memory_space<hbm>>
      %dma_wait3A_110 = tpu.memref_squeeze %dma_wait3A_109 : memref<1x10240x64xf32, #tpu.memory_space<hbm>> -> memref<10240x64xf32, #tpu.memory_space<hbm>>
      %dma_wait3A_111 = arith.constant 0 : i32
      %dma_wait3A_112 = tpu.memref_slice %dma_wait3A_110[%mul3A_0, %dma_wait3A_111] : memref<10240x64xf32, #tpu.memory_space<hbm>> -> memref<640x64xf32, #tpu.memory_space<hbm>>
      %dma_wait3A_113 = arith.constant 0 : i32
      %dma_wait3A_114 = tpu.memref_slice %arg20[%mul3A_0, %dma_wait3A_113] : memref<10240x64xf32, #tpu.memory_space<vmem_shared>> -> memref<640x64xf32, #tpu.memory_space<vmem_shared>>
      tpu.wait_dma2 semaphore(%run_scoped3A : memref<!tpu.dma_semaphore, #tpu.memory_space<semaphore_mem>>) src(%dma_wait3A_114 : memref<640x64xf32, #tpu.memory_space<vmem_shared>>) dst(%dma_wait3A_112 : memref<640x64xf32, #tpu.memory_space<hbm>>)
      tpu.yield
    }) : () -> ()
    %eq3A = arith.constant 0 : i32
    %eq3A_98 = arith.cmpi eq, %arg0, %eq3A : i32
    %convert_element_type3A = arith.extui %eq3A_98 : i1 to i32
    %cond3A = arith.constant 0 : i32
    %cond3A_99 = arith.cmpi ne, %convert_element_type3A, %cond3A : i32
    scf.if %cond3A_99 {
      "tpu.region"() ({
        %run_scoped3A = tpu.sem_alloc : memref<!tpu.dma_semaphore, #tpu.memory_space<semaphore_mem>>
        %dma_start3A_100 = arith.constant 0 : i32
        %dma_start3A_101 = tpu.memref_slice %arg9[%mul3A_0, %dma_start3A_100] : memref<10240x16xf32, #tpu.memory_space<hbm>> -> memref<640x16xf32, #tpu.memory_space<hbm>>
        %dma_start3A_102 = arith.constant 0 : i32
        %dma_start3A_103 = tpu.memref_slice %arg21[%mul3A_0, %dma_start3A_102] : memref<10240x16xf32, #tpu.memory_space<vmem_shared>> -> memref<640x16xf32, #tpu.memory_space<vmem_shared>>
        tpu.enqueue_dma source(%dma_start3A_103 : memref<640x16xf32, #tpu.memory_space<vmem_shared>>) target(%dma_start3A_101 : memref<640x16xf32, #tpu.memory_space<hbm>>) target_semaphore(%run_scoped3A : memref<!tpu.dma_semaphore, #tpu.memory_space<semaphore_mem>>)
        %dma_wait3A = arith.constant 0 : i32
        %dma_wait3A_104 = tpu.memref_slice %arg9[%mul3A_0, %dma_wait3A] : memref<10240x16xf32, #tpu.memory_space<hbm>> -> memref<640x16xf32, #tpu.memory_space<hbm>>
        %dma_wait3A_105 = arith.constant 0 : i32
        %dma_wait3A_106 = tpu.memref_slice %arg21[%mul3A_0, %dma_wait3A_105] : memref<10240x16xf32, #tpu.memory_space<vmem_shared>> -> memref<640x16xf32, #tpu.memory_space<vmem_shared>>
        tpu.wait_dma2 semaphore(%run_scoped3A : memref<!tpu.dma_semaphore, #tpu.memory_space<semaphore_mem>>) src(%dma_wait3A_106 : memref<640x16xf32, #tpu.memory_space<vmem_shared>>) dst(%dma_wait3A_104 : memref<640x16xf32, #tpu.memory_space<hbm>>)
        tpu.yield
      }) : () -> ()
    } else {
    }
    return
  }
}

module attributes {stable_mosaic.version = 14 : i64} {
  func.func @_tc_head_body(%arg0: i32, %arg1: memref<2048x128xf32, #tpu.memory_space<vmem>>, %arg2: memref<128x128xf32, #tpu.memory_space<vmem>>, %arg3: memref<128x16xf32, #tpu.memory_space<vmem>>, %arg4: memref<128x16xf32, #tpu.memory_space<vmem>>, %arg5: memref<2x2048x64xf32, #tpu.memory_space<vmem>>, %arg6: memref<2048x16xf32, #tpu.memory_space<vmem>>, %arg7: memref<2048x16xf32, #tpu.memory_space<vmem>>) attributes {dimension_semantics = [#tpu.dimension_semantics<arbitrary>], iteration_bounds = array<i64: 5>, scalar_prefetch = 0 : i64, scratch_operands = 0 : i64, tpu.core_type = #tpu.core_type<tc>, window_params = [{transform_indices = @transform_0, window_bounds = array<i64: 2048, 128>}, {pipeline_mode = #tpu.pipeline_mode<synchronous>, transform_indices = @transform_1, window_bounds = array<i64: 128, 128>}, {pipeline_mode = #tpu.pipeline_mode<synchronous>, transform_indices = @transform_2, window_bounds = array<i64: 128, 16>}, {pipeline_mode = #tpu.pipeline_mode<synchronous>, transform_indices = @transform_3, window_bounds = array<i64: 128, 16>}, {transform_indices = @transform_4, window_bounds = array<i64: 2, 2048, 64>}, {transform_indices = @transform_5, window_bounds = array<i64: 2048, 16>}, {transform_indices = @transform_6, window_bounds = array<i64: 2048, 16>}]} {
    %get3A = arith.constant 0 : index
    %get3A_0 = arith.constant 0 : index
    %get3A_1 = vector.load %arg1[%get3A, %get3A_0] : memref<2048x128xf32, #tpu.memory_space<vmem>>, vector<2048x128xf32>
    %get3A_2 = arith.constant 0 : index
    %get3A_3 = arith.constant 0 : index
    %get3A_4 = vector.load %arg2[%get3A_2, %get3A_3] : memref<128x128xf32, #tpu.memory_space<vmem>>, vector<128x128xf32>
    %dot_general3A = arith.constant dense<0.000000e+00> : vector<2048x128xf32>
    %dot_general3A_5 = tpu.matmul %get3A_1, %get3A_4, %dot_general3A {dimension_numbers = #tpu.dot_dimension_numbers<[1], [0], [0], [1], [0, 0, 1, 1], [], []>, transpose_lhs_hint = false} : vector<2048x128xf32>, vector<128x128xf32>, vector<2048x128xf32> -> vector<2048x128xf32>
    %get3A_6 = arith.constant 0 : index
    %get3A_7 = arith.constant 0 : index
    %get3A_8 = vector.load %arg3[%get3A_6, %get3A_7] : memref<128x16xf32, #tpu.memory_space<vmem>>, vector<128x16xf32>
    %dot_general3A_9 = arith.constant dense<0.000000e+00> : vector<2048x16xf32>
    %dot_general3A_10 = tpu.matmul %dot_general3A_5, %get3A_8, %dot_general3A_9 {dimension_numbers = #tpu.dot_dimension_numbers<[1], [0], [0], [1], [0, 0, 1, 1], [], []>, transpose_lhs_hint = false} : vector<2048x128xf32>, vector<128x16xf32>, vector<2048x16xf32> -> vector<2048x16xf32>
    %iota3A = tpu.iota {dimensions = array<i32: 0>} : vector<2048x1xi32>
    %mul3A = arith.constant 2048 : i32
    %mul3A_11 = arith.muli %arg0, %mul3A : i32
    %add3A = vector.broadcast %mul3A_11 : i32 to vector<2048x1xi32>
    %add3A_12 = arith.addi %iota3A, %add3A : vector<2048x1xi32>
    %lt3A = arith.constant 10000 : i32
    %lt3A_13 = vector.broadcast %lt3A : i32 to vector<2048x1xi32>
    %lt3A_14 = arith.cmpi slt, %add3A_12, %lt3A_13 : vector<2048x1xi32>
    %get3A_15 = arith.constant 0 : index
    %get3A_16 = arith.constant 0 : index
    %get3A_17 = vector.load %arg4[%get3A_15, %get3A_16] : memref<128x16xf32, #tpu.memory_space<vmem>>, vector<128x16xf32>
    %dot_general3A_18 = arith.constant dense<0.000000e+00> : vector<2048x16xf32>
    %dot_general3A_19 = tpu.matmul %dot_general3A_5, %get3A_17, %dot_general3A_18 {dimension_numbers = #tpu.dot_dimension_numbers<[1], [0], [0], [1], [0, 0, 1, 1], [], []>, transpose_lhs_hint = false} : vector<2048x128xf32>, vector<128x16xf32>, vector<2048x16xf32> -> vector<2048x16xf32>
    %swap3A = arith.constant 0 : index
    %swap3A_20 = arith.constant 0 : index
    %swap3A_21 = vector.load %arg7[%swap3A, %swap3A_20] : memref<2048x16xf32, #tpu.memory_space<vmem>>, vector<2048x16xf32>
    tpu.vector_store %arg7[%swap3A, %swap3A_20], %dot_general3A_19 {strides = array<i32>} : memref<2048x16xf32, #tpu.memory_space<vmem>>, vector<2048x16xf32>,
    %jit3A = arith.constant 0.000000e+00 : f32
    %broadcast_in_dim3A = vector.shape_cast %lt3A_14 : vector<2048x1xi1> to vector<2048x1xi1>
    %broadcast_in_dim3A_22 = vector.broadcast %broadcast_in_dim3A : vector<2048x1xi1> to vector<2048x128xi1>
    %broadcast_in_dim3A_23 = vector.broadcast %jit3A : f32 to vector<2048x128xf32>
    %select_n3A = arith.select %broadcast_in_dim3A_22, %dot_general3A_5, %broadcast_in_dim3A_23 : vector<2048x128xi1>, vector<2048x128xf32>
    %slice3A = vector.extract_strided_slice %select_n3A {offsets = [0, 0], sizes = [2048, 64], strides = [1, 1]} : vector<2048x128xf32> to vector<2048x64xf32>
    %swap3A_24 = arith.constant 0 : index
    %swap3A_25 = arith.constant 0 : index
    %swap3A_26 = arith.constant 0 : index
    %swap3A_27 = vector.load %arg5[%swap3A_24, %swap3A_25, %swap3A_26] : memref<2x2048x64xf32, #tpu.memory_space<vmem>>, vector<1x2048x64xf32>
    %swap3A_28 = vector.shape_cast %swap3A_27 : vector<1x2048x64xf32> to vector<2048x64xf32>
    %swap3A_29 = vector.shape_cast %slice3A : vector<2048x64xf32> to vector<1x2048x64xf32>
    tpu.vector_store %arg5[%swap3A_24, %swap3A_25, %swap3A_26], %swap3A_29 {strides = array<i32>} : memref<2x2048x64xf32, #tpu.memory_space<vmem>>, vector<1x2048x64xf32>,
    %slice3A_30 = vector.extract_strided_slice %select_n3A {offsets = [0, 64], sizes = [2048, 64], strides = [1, 1]} : vector<2048x128xf32> to vector<2048x64xf32>
    %swap3A_31 = arith.constant 1 : index
    %swap3A_32 = arith.constant 0 : index
    %swap3A_33 = arith.constant 0 : index
    %swap3A_34 = vector.load %arg5[%swap3A_31, %swap3A_32, %swap3A_33] : memref<2x2048x64xf32, #tpu.memory_space<vmem>>, vector<1x2048x64xf32>
    %swap3A_35 = vector.shape_cast %swap3A_34 : vector<1x2048x64xf32> to vector<2048x64xf32>
    %swap3A_36 = vector.shape_cast %slice3A_30 : vector<2048x64xf32> to vector<1x2048x64xf32>
    tpu.vector_store %arg5[%swap3A_31, %swap3A_32, %swap3A_33], %swap3A_36 {strides = array<i32>} : memref<2x2048x64xf32, #tpu.memory_space<vmem>>, vector<1x2048x64xf32>,
    %jit3A_37 = arith.constant -1.000000e+30 : f32
    %broadcast_in_dim3A_38 = vector.shape_cast %lt3A_14 : vector<2048x1xi1> to vector<2048x1xi1>
    %broadcast_in_dim3A_39 = vector.broadcast %broadcast_in_dim3A_38 : vector<2048x1xi1> to vector<2048x16xi1>
    %broadcast_in_dim3A_40 = vector.broadcast %jit3A_37 : f32 to vector<2048x16xf32>
    %select_n3A_41 = arith.select %broadcast_in_dim3A_39, %dot_general3A_10, %broadcast_in_dim3A_40 : vector<2048x16xi1>, vector<2048x16xf32>
    %swap3A_42 = arith.constant 0 : index
    %swap3A_43 = arith.constant 0 : index
    %swap3A_44 = vector.load %arg6[%swap3A_42, %swap3A_43] : memref<2048x16xf32, #tpu.memory_space<vmem>>, vector<2048x16xf32>
    tpu.vector_store %arg6[%swap3A_42, %swap3A_43], %select_n3A_41 {strides = array<i32>} : memref<2048x16xf32, #tpu.memory_space<vmem>>, vector<2048x16xf32>,
    return
  }
  func.func @transform_0(%arg0: i32) -> (i32, i32) {
    %c0_i32 = arith.constant 0 : i32
    %c0_i32_0 = arith.constant 0 : i32
    return %arg0, %c0_i32 : i32, i32
  }
  func.func @transform_1(%arg0: i32) -> (i32, i32) {
    %c0_i32 = arith.constant 0 : i32
    %c0_i32_0 = arith.constant 0 : i32
    %c0_i32_1 = arith.constant 0 : i32
    return %c0_i32, %c0_i32_0 : i32, i32
  }
  func.func @transform_2(%arg0: i32) -> (i32, i32) {
    %c0_i32 = arith.constant 0 : i32
    %c0_i32_0 = arith.constant 0 : i32
    %c0_i32_1 = arith.constant 0 : i32
    return %c0_i32, %c0_i32_0 : i32, i32
  }
  func.func @transform_3(%arg0: i32) -> (i32, i32) {
    %c0_i32 = arith.constant 0 : i32
    %c0_i32_0 = arith.constant 0 : i32
    %c0_i32_1 = arith.constant 0 : i32
    return %c0_i32, %c0_i32_0 : i32, i32
  }
  func.func @transform_4(%arg0: i32) -> (i32, i32, i32) {
    %c0_i32 = arith.constant 0 : i32
    %c0_i32_0 = arith.constant 0 : i32
    %c0_i32_1 = arith.constant 0 : i32
    return %c0_i32, %arg0, %c0_i32_0 : i32, i32, i32
  }
  func.func @transform_5(%arg0: i32) -> (i32, i32) {
    %c0_i32 = arith.constant 0 : i32
    %c0_i32_0 = arith.constant 0 : i32
    return %arg0, %c0_i32 : i32, i32
  }
  func.func @transform_6(%arg0: i32) -> (i32, i32) {
    %c0_i32 = arith.constant 0 : i32
    %c0_i32_0 = arith.constant 0 : i32
    return %arg0, %c0_i32 : i32, i32
  }
}

module attributes {stable_mosaic.version = 14 : i64} {
  func.func @_tc_mid_body(%arg0: i32, %arg1: memref<2x2048x64xf32, #tpu.memory_space<vmem>>, %arg2: memref<2048x16xf32, #tpu.memory_space<vmem>>, %arg3: memref<16x128xf32, #tpu.memory_space<vmem>>, %arg4: memref<1x128xf32, #tpu.memory_space<vmem>>, %arg5: memref<128x128xf32, #tpu.memory_space<vmem>>, %arg6: memref<128x16xf32, #tpu.memory_space<vmem>>, %arg7: memref<128x16xf32, #tpu.memory_space<vmem>>, %arg8: memref<2x2048x64xf32, #tpu.memory_space<vmem>>, %arg9: memref<2048x16xf32, #tpu.memory_space<vmem>>, %arg10: memref<2048x16xf32, #tpu.memory_space<vmem>>) attributes {dimension_semantics = [#tpu.dimension_semantics<arbitrary>], iteration_bounds = array<i64: 5>, scalar_prefetch = 0 : i64, scratch_operands = 0 : i64, tpu.core_type = #tpu.core_type<tc>, window_params = [{transform_indices = @transform_0, window_bounds = array<i64: 2, 2048, 64>}, {transform_indices = @transform_1, window_bounds = array<i64: 2048, 16>}, {pipeline_mode = #tpu.pipeline_mode<synchronous>, transform_indices = @transform_2, window_bounds = array<i64: 16, 128>}, {pipeline_mode = #tpu.pipeline_mode<synchronous>, transform_indices = @transform_3, window_bounds = array<i64: 1, 128>}, {pipeline_mode = #tpu.pipeline_mode<synchronous>, transform_indices = @transform_4, window_bounds = array<i64: 128, 128>}, {pipeline_mode = #tpu.pipeline_mode<synchronous>, transform_indices = @transform_5, window_bounds = array<i64: 128, 16>}, {pipeline_mode = #tpu.pipeline_mode<synchronous>, transform_indices = @transform_6, window_bounds = array<i64: 128, 16>}, {transform_indices = @transform_7, window_bounds = array<i64: 2, 2048, 64>}, {transform_indices = @transform_8, window_bounds = array<i64: 2048, 16>}, {transform_indices = @transform_9, window_bounds = array<i64: 2048, 16>}]} {
    %get3A = arith.constant 0 : index
    %get3A_0 = arith.constant 0 : index
    %get3A_1 = arith.constant 0 : index
    %get3A_2 = vector.load %arg1[%get3A, %get3A_0, %get3A_1] : memref<2x2048x64xf32, #tpu.memory_space<vmem>>, vector<1x2048x64xf32>
    %get3A_3 = vector.shape_cast %get3A_2 : vector<1x2048x64xf32> to vector<2048x64xf32>
    %get3A_4 = arith.constant 1 : index
    %get3A_5 = arith.constant 0 : index
    %get3A_6 = arith.constant 0 : index
    %get3A_7 = vector.load %arg1[%get3A_4, %get3A_5, %get3A_6] : memref<2x2048x64xf32, #tpu.memory_space<vmem>>, vector<1x2048x64xf32>
    %get3A_8 = vector.shape_cast %get3A_7 : vector<1x2048x64xf32> to vector<2048x64xf32>
    %concatenate3A = tpu.concatenate %get3A_3, %get3A_8 in 1 : vector<2048x64xf32>, vector<2048x64xf32> -> vector<2048x128xf32>
    %get3A_9 = arith.constant 0 : index
    %get3A_10 = arith.constant 0 : index
    %get3A_11 = vector.load %arg2[%get3A_9, %get3A_10] : memref<2048x16xf32, #tpu.memory_space<vmem>>, vector<2048x16xf32>
    %get3A_12 = arith.constant 0 : index
    %get3A_13 = arith.constant 0 : index
    %get3A_14 = vector.load %arg3[%get3A_12, %get3A_13] : memref<16x128xf32, #tpu.memory_space<vmem>>, vector<16x128xf32>
    %dot_general3A = arith.constant dense<0.000000e+00> : vector<2048x128xf32>
    %dot_general3A_15 = tpu.matmul %get3A_11, %get3A_14, %dot_general3A {dimension_numbers = #tpu.dot_dimension_numbers<[1], [0], [0], [1], [0, 0, 1, 1], [], []>, transpose_lhs_hint = false} : vector<2048x16xf32>, vector<16x128xf32>, vector<2048x128xf32> -> vector<2048x128xf32>
    %add3A = arith.constant 1.000000e-16 : f32
    %add3A_16 = vector.broadcast %add3A : f32 to vector<2048x128xf32>
    %add3A_17 = arith.addf %dot_general3A_15, %add3A_16 : vector<2048x128xf32>
    %div3A = arith.divf %concatenate3A, %add3A_17 : vector<2048x128xf32>
    %get3A_18 = arith.constant 0 : index
    %get3A_19 = arith.constant 0 : index
    %get3A_20 = vector.load %arg4[%get3A_18, %get3A_19] : memref<1x128xf32, #tpu.memory_space<vmem>>, vector<1x128xf32>
    %add3A_21 = vector.broadcast %get3A_20 : vector<1x128xf32> to vector<2048x128xf32>
    %add3A_22 = arith.addf %div3A, %add3A_21 : vector<2048x128xf32>
    %gt3A = arith.constant 0.000000e+00 : f32
    %gt3A_23 = vector.broadcast %gt3A : f32 to vector<2048x128xf32>
    %gt3A_24 = arith.cmpf ogt, %add3A_22, %gt3A_23 : vector<2048x128xf32>
    %exp3A = math.exp %add3A_22 : vector<2048x128xf32>
    %sub3A = arith.constant 1.000000e+00 : f32
    %sub3A_25 = vector.broadcast %sub3A : f32 to vector<2048x128xf32>
    %sub3A_26 = arith.subf %exp3A, %sub3A_25 : vector<2048x128xf32>
    %select_n3A = arith.select %gt3A_24, %add3A_22, %sub3A_26 : vector<2048x128xi1>, vector<2048x128xf32>
    %get3A_27 = arith.constant 0 : index
    %get3A_28 = arith.constant 0 : index
    %get3A_29 = vector.load %arg5[%get3A_27, %get3A_28] : memref<128x128xf32, #tpu.memory_space<vmem>>, vector<128x128xf32>
    %dot_general3A_30 = arith.constant dense<0.000000e+00> : vector<2048x128xf32>
    %dot_general3A_31 = tpu.matmul %select_n3A, %get3A_29, %dot_general3A_30 {dimension_numbers = #tpu.dot_dimension_numbers<[1], [0], [0], [1], [0, 0, 1, 1], [], []>, transpose_lhs_hint = false} : vector<2048x128xf32>, vector<128x128xf32>, vector<2048x128xf32> -> vector<2048x128xf32>
    %get3A_32 = arith.constant 0 : index
    %get3A_33 = arith.constant 0 : index
    %get3A_34 = vector.load %arg6[%get3A_32, %get3A_33] : memref<128x16xf32, #tpu.memory_space<vmem>>, vector<128x16xf32>
    %dot_general3A_35 = arith.constant dense<0.000000e+00> : vector<2048x16xf32>
    %dot_general3A_36 = tpu.matmul %dot_general3A_31, %get3A_34, %dot_general3A_35 {dimension_numbers = #tpu.dot_dimension_numbers<[1], [0], [0], [1], [0, 0, 1, 1], [], []>, transpose_lhs_hint = false} : vector<2048x128xf32>, vector<128x16xf32>, vector<2048x16xf32> -> vector<2048x16xf32>
    %iota3A = tpu.iota {dimensions = array<i32: 0>} : vector<2048x1xi32>
    %mul3A = arith.constant 2048 : i32
    %mul3A_37 = arith.muli %arg0, %mul3A : i32
    %add3A_38 = vector.broadcast %mul3A_37 : i32 to vector<2048x1xi32>
    %add3A_39 = arith.addi %iota3A, %add3A_38 : vector<2048x1xi32>
    %lt3A = arith.constant 10000 : i32
    %lt3A_40 = vector.broadcast %lt3A : i32 to vector<2048x1xi32>
    %lt3A_41 = arith.cmpi slt, %add3A_39, %lt3A_40 : vector<2048x1xi32>
    %get3A_42 = arith.constant 0 : index
    %get3A_43 = arith.constant 0 : index
    %get3A_44 = vector.load %arg7[%get3A_42, %get3A_43] : memref<128x16xf32, #tpu.memory_space<vmem>>, vector<128x16xf32>
    %dot_general3A_45 = arith.constant dense<0.000000e+00> : vector<2048x16xf32>
    %dot_general3A_46 = tpu.matmul %dot_general3A_31, %get3A_44, %dot_general3A_45 {dimension_numbers = #tpu.dot_dimension_numbers<[1], [0], [0], [1], [0, 0, 1, 1], [], []>, transpose_lhs_hint = false} : vector<2048x128xf32>, vector<128x16xf32>, vector<2048x16xf32> -> vector<2048x16xf32>
    %swap3A = arith.constant 0 : index
    %swap3A_47 = arith.constant 0 : index
    %swap3A_48 = vector.load %arg10[%swap3A, %swap3A_47] : memref<2048x16xf32, #tpu.memory_space<vmem>>, vector<2048x16xf32>
    tpu.vector_store %arg10[%swap3A, %swap3A_47], %dot_general3A_46 {strides = array<i32>} : memref<2048x16xf32, #tpu.memory_space<vmem>>, vector<2048x16xf32>,
    %jit3A = arith.constant 0.000000e+00 : f32
    %broadcast_in_dim3A = vector.shape_cast %lt3A_41 : vector<2048x1xi1> to vector<2048x1xi1>
    %broadcast_in_dim3A_49 = vector.broadcast %broadcast_in_dim3A : vector<2048x1xi1> to vector<2048x128xi1>
    %broadcast_in_dim3A_50 = vector.broadcast %jit3A : f32 to vector<2048x128xf32>
    %select_n3A_51 = arith.select %broadcast_in_dim3A_49, %dot_general3A_31, %broadcast_in_dim3A_50 : vector<2048x128xi1>, vector<2048x128xf32>
    %slice3A = vector.extract_strided_slice %select_n3A_51 {offsets = [0, 0], sizes = [2048, 64], strides = [1, 1]} : vector<2048x128xf32> to vector<2048x64xf32>
    %swap3A_52 = arith.constant 0 : index
    %swap3A_53 = arith.constant 0 : index
    %swap3A_54 = arith.constant 0 : index
    %swap3A_55 = vector.load %arg8[%swap3A_52, %swap3A_53, %swap3A_54] : memref<2x2048x64xf32, #tpu.memory_space<vmem>>, vector<1x2048x64xf32>
    %swap3A_56 = vector.shape_cast %swap3A_55 : vector<1x2048x64xf32> to vector<2048x64xf32>
    %swap3A_57 = vector.shape_cast %slice3A : vector<2048x64xf32> to vector<1x2048x64xf32>
    tpu.vector_store %arg8[%swap3A_52, %swap3A_53, %swap3A_54], %swap3A_57 {strides = array<i32>} : memref<2x2048x64xf32, #tpu.memory_space<vmem>>, vector<1x2048x64xf32>,
    %slice3A_58 = vector.extract_strided_slice %select_n3A_51 {offsets = [0, 64], sizes = [2048, 64], strides = [1, 1]} : vector<2048x128xf32> to vector<2048x64xf32>
    %swap3A_59 = arith.constant 1 : index
    %swap3A_60 = arith.constant 0 : index
    %swap3A_61 = arith.constant 0 : index
    %swap3A_62 = vector.load %arg8[%swap3A_59, %swap3A_60, %swap3A_61] : memref<2x2048x64xf32, #tpu.memory_space<vmem>>, vector<1x2048x64xf32>
    %swap3A_63 = vector.shape_cast %swap3A_62 : vector<1x2048x64xf32> to vector<2048x64xf32>
    %swap3A_64 = vector.shape_cast %slice3A_58 : vector<2048x64xf32> to vector<1x2048x64xf32>
    tpu.vector_store %arg8[%swap3A_59, %swap3A_60, %swap3A_61], %swap3A_64 {strides = array<i32>} : memref<2x2048x64xf32, #tpu.memory_space<vmem>>, vector<1x2048x64xf32>,
    %jit3A_65 = arith.constant -1.000000e+30 : f32
    %broadcast_in_dim3A_66 = vector.shape_cast %lt3A_41 : vector<2048x1xi1> to vector<2048x1xi1>
    %broadcast_in_dim3A_67 = vector.broadcast %broadcast_in_dim3A_66 : vector<2048x1xi1> to vector<2048x16xi1>
    %broadcast_in_dim3A_68 = vector.broadcast %jit3A_65 : f32 to vector<2048x16xf32>
    %select_n3A_69 = arith.select %broadcast_in_dim3A_67, %dot_general3A_36, %broadcast_in_dim3A_68 : vector<2048x16xi1>, vector<2048x16xf32>
    %swap3A_70 = arith.constant 0 : index
    %swap3A_71 = arith.constant 0 : index
    %swap3A_72 = vector.load %arg9[%swap3A_70, %swap3A_71] : memref<2048x16xf32, #tpu.memory_space<vmem>>, vector<2048x16xf32>
    tpu.vector_store %arg9[%swap3A_70, %swap3A_71], %select_n3A_69 {strides = array<i32>} : memref<2048x16xf32, #tpu.memory_space<vmem>>, vector<2048x16xf32>,
    return
  }
  func.func @transform_0(%arg0: i32) -> (i32, i32, i32) {
    %c0_i32 = arith.constant 0 : i32
    %c0_i32_0 = arith.constant 0 : i32
    %c0_i32_1 = arith.constant 0 : i32
    return %c0_i32, %arg0, %c0_i32_0 : i32, i32, i32
  }
  func.func @transform_1(%arg0: i32) -> (i32, i32) {
    %c0_i32 = arith.constant 0 : i32
    %c0_i32_0 = arith.constant 0 : i32
    return %arg0, %c0_i32 : i32, i32
  }
  func.func @transform_2(%arg0: i32) -> (i32, i32) {
    %c0_i32 = arith.constant 0 : i32
    %c0_i32_0 = arith.constant 0 : i32
    %c0_i32_1 = arith.constant 0 : i32
    return %c0_i32, %c0_i32_0 : i32, i32
  }
  func.func @transform_3(%arg0: i32) -> (i32, i32) {
    %c0_i32 = arith.constant 0 : i32
    %c0_i32_0 = arith.constant 0 : i32
    %c0_i32_1 = arith.constant 0 : i32
    return %c0_i32, %c0_i32_0 : i32, i32
  }
  func.func @transform_4(%arg0: i32) -> (i32, i32) {
    %c0_i32 = arith.constant 0 : i32
    %c0_i32_0 = arith.constant 0 : i32
    %c0_i32_1 = arith.constant 0 : i32
    return %c0_i32, %c0_i32_0 : i32, i32
  }
  func.func @transform_5(%arg0: i32) -> (i32, i32) {
    %c0_i32 = arith.constant 0 : i32
    %c0_i32_0 = arith.constant 0 : i32
    %c0_i32_1 = arith.constant 0 : i32
    return %c0_i32, %c0_i32_0 : i32, i32
  }
  func.func @transform_6(%arg0: i32) -> (i32, i32) {
    %c0_i32 = arith.constant 0 : i32
    %c0_i32_0 = arith.constant 0 : i32
    %c0_i32_1 = arith.constant 0 : i32
    return %c0_i32, %c0_i32_0 : i32, i32
  }
  func.func @transform_7(%arg0: i32) -> (i32, i32, i32) {
    %c0_i32 = arith.constant 0 : i32
    %c0_i32_0 = arith.constant 0 : i32
    %c0_i32_1 = arith.constant 0 : i32
    return %c0_i32, %arg0, %c0_i32_0 : i32, i32, i32
  }
  func.func @transform_8(%arg0: i32) -> (i32, i32) {
    %c0_i32 = arith.constant 0 : i32
    %c0_i32_0 = arith.constant 0 : i32
    return %arg0, %c0_i32 : i32, i32
  }
  func.func @transform_9(%arg0: i32) -> (i32, i32) {
    %c0_i32 = arith.constant 0 : i32
    %c0_i32_0 = arith.constant 0 : i32
    return %arg0, %c0_i32 : i32, i32
  }
}

module attributes {stable_mosaic.version = 14 : i64} {
  func.func @_tc_fin_body(%arg0: i32, %arg1: memref<2x2048x64xf32, #tpu.memory_space<vmem>>, %arg2: memref<2048x16xf32, #tpu.memory_space<vmem>>, %arg3: memref<16x128xf32, #tpu.memory_space<vmem>>, %arg4: memref<1x128xf32, #tpu.memory_space<vmem>>, %arg5: memref<2048x128xf32, #tpu.memory_space<vmem>>) attributes {dimension_semantics = [#tpu.dimension_semantics<arbitrary>], iteration_bounds = array<i64: 5>, scalar_prefetch = 0 : i64, scratch_operands = 0 : i64, tpu.core_type = #tpu.core_type<tc>, window_params = [{transform_indices = @transform_0, window_bounds = array<i64: 2, 2048, 64>}, {transform_indices = @transform_1, window_bounds = array<i64: 2048, 16>}, {pipeline_mode = #tpu.pipeline_mode<synchronous>, transform_indices = @transform_2, window_bounds = array<i64: 16, 128>}, {pipeline_mode = #tpu.pipeline_mode<synchronous>, transform_indices = @transform_3, window_bounds = array<i64: 1, 128>}, {transform_indices = @transform_4, window_bounds = array<i64: 2048, 128>}]} {
    %get3A = arith.constant 0 : index
    %get3A_0 = arith.constant 0 : index
    %get3A_1 = arith.constant 0 : index
    %get3A_2 = vector.load %arg1[%get3A, %get3A_0, %get3A_1] : memref<2x2048x64xf32, #tpu.memory_space<vmem>>, vector<1x2048x64xf32>
    %get3A_3 = vector.shape_cast %get3A_2 : vector<1x2048x64xf32> to vector<2048x64xf32>
    %get3A_4 = arith.constant 1 : index
    %get3A_5 = arith.constant 0 : index
    %get3A_6 = arith.constant 0 : index
    %get3A_7 = vector.load %arg1[%get3A_4, %get3A_5, %get3A_6] : memref<2x2048x64xf32, #tpu.memory_space<vmem>>, vector<1x2048x64xf32>
    %get3A_8 = vector.shape_cast %get3A_7 : vector<1x2048x64xf32> to vector<2048x64xf32>
    %concatenate3A = tpu.concatenate %get3A_3, %get3A_8 in 1 : vector<2048x64xf32>, vector<2048x64xf32> -> vector<2048x128xf32>
    %get3A_9 = arith.constant 0 : index
    %get3A_10 = arith.constant 0 : index
    %get3A_11 = vector.load %arg2[%get3A_9, %get3A_10] : memref<2048x16xf32, #tpu.memory_space<vmem>>, vector<2048x16xf32>
    %get3A_12 = arith.constant 0 : index
    %get3A_13 = arith.constant 0 : index
    %get3A_14 = vector.load %arg3[%get3A_12, %get3A_13] : memref<16x128xf32, #tpu.memory_space<vmem>>, vector<16x128xf32>
    %dot_general3A = arith.constant dense<0.000000e+00> : vector<2048x128xf32>
    %dot_general3A_15 = tpu.matmul %get3A_11, %get3A_14, %dot_general3A {dimension_numbers = #tpu.dot_dimension_numbers<[1], [0], [0], [1], [0, 0, 1, 1], [], []>, transpose_lhs_hint = false} : vector<2048x16xf32>, vector<16x128xf32>, vector<2048x128xf32> -> vector<2048x128xf32>
    %add3A = arith.constant 1.000000e-16 : f32
    %add3A_16 = vector.broadcast %add3A : f32 to vector<2048x128xf32>
    %add3A_17 = arith.addf %dot_general3A_15, %add3A_16 : vector<2048x128xf32>
    %div3A = arith.divf %concatenate3A, %add3A_17 : vector<2048x128xf32>
    %get3A_18 = arith.constant 0 : index
    %get3A_19 = arith.constant 0 : index
    %get3A_20 = vector.load %arg4[%get3A_18, %get3A_19] : memref<1x128xf32, #tpu.memory_space<vmem>>, vector<1x128xf32>
    %add3A_21 = vector.broadcast %get3A_20 : vector<1x128xf32> to vector<2048x128xf32>
    %add3A_22 = arith.addf %div3A, %add3A_21 : vector<2048x128xf32>
    %swap3A = arith.constant 0 : index
    %swap3A_23 = arith.constant 0 : index
    %swap3A_24 = vector.load %arg5[%swap3A, %swap3A_23] : memref<2048x128xf32, #tpu.memory_space<vmem>>, vector<2048x128xf32>
    tpu.vector_store %arg5[%swap3A, %swap3A_23], %add3A_22 {strides = array<i32>} : memref<2048x128xf32, #tpu.memory_space<vmem>>, vector<2048x128xf32>,
    return
  }
  func.func @transform_0(%arg0: i32) -> (i32, i32, i32) {
    %c0_i32 = arith.constant 0 : i32
    %c0_i32_0 = arith.constant 0 : i32
    %c0_i32_1 = arith.constant 0 : i32
    return %c0_i32, %arg0, %c0_i32_0 : i32, i32, i32
  }
  func.func @transform_1(%arg0: i32) -> (i32, i32) {
    %c0_i32 = arith.constant 0 : i32
    %c0_i32_0 = arith.constant 0 : i32
    return %arg0, %c0_i32 : i32, i32
  }
  func.func @transform_2(%arg0: i32) -> (i32, i32) {
    %c0_i32 = arith.constant 0 : i32
    %c0_i32_0 = arith.constant 0 : i32
    %c0_i32_1 = arith.constant 0 : i32
    return %c0_i32, %c0_i32_0 : i32, i32
  }
  func.func @transform_3(%arg0: i32) -> (i32, i32) {
    %c0_i32 = arith.constant 0 : i32
    %c0_i32_0 = arith.constant 0 : i32
    %c0_i32_1 = arith.constant 0 : i32
    return %c0_i32, %c0_i32_0 : i32, i32
  }
  func.func @transform_4(%arg0: i32) -> (i32, i32) {
    %c0_i32 = arith.constant 0 : i32
    %c0_i32_0 = arith.constant 0 : i32
    return %arg0, %c0_i32 : i32, i32
  }
}

</mosaic_0001>

<sc_bundles>
// kernel: kernel.10.cloned.1.call-start
scs
__scs_entry_jumppad:
0x0: {  	(pc) =	sbr.rel $0x88, $3  }
0x1: {  	(tag) =	ssettag $0x0;
	lr =	simm.s32 $0x1  }
0x2: {  	[smem:$0x3F97] =	sst lr;
	_ =	strace $0xD0000000  }
0x3: {  	_ = 	snop  }
0x4: {  	_ = 	snop  }
0x5: {  	_ = 	snop  }
0x6: {  	_ = 	snop  }
0x7: {  	_ = 	snop  }
__scs_overlays_trampoline_lowered:
0x8: {  	[smem:$0x3FA6] =	sst s0  }
0x9: {  	[smem:$0x3FA7] =	sst s1  }
0xa: {  	[smem:$0x3FA8] =	sst s2  }
0xb: {  	[smem:$0x3FA9] =	sst s3  }
0xc: {  	[smem:$0x3FAA] =	sst s4  }
0xd: {  	[smem:$0x3FAB] =	sst s5  }
0xe: {  	[smem:$0x3FAC] =	sst s6  }
0xf: {  	[smem:$0x3FAD] =	sst s7  }
0x10: {  	[smem:$0x3FAE] =	sst s8  }
0x11: {  	[smem:$0x3FAF] =	sst s9;
	s0 =	simm.s32 @!p0 $0x0  }
0x12: {  	s1 =	sld [smem:$0x3F95];
	s0 =	simm.s32 @p0 $0x1  }
0x13: {  	[smem:$0x3FB0] =	sst s0;
	s0 =	simm.s32 @!p1 $0x0  }
0x14: {  	s2 =	sld [smem:$0x3F94];
	s0 =	simm.s32 @p1 $0x1  }
0x15: {  	[smem:$0x3FB1] =	sst s0;
	s0 =	simm.s32 @!p2 $0x0  }
0x16: {  	s3 =	sld [smem:$0x3FDB];
	s0 =	simm.s32 @p2 $0x1  }
0x17: {  	s4 =	simm.s32 $0x1BF5;
	[smem:$0x3FB3] =	sst s0  }
0x18: {  	s0 =	sld [smem:$0x3F96];
	_ =	swait.ge [sflag:s4], $0x0  }
0x19: {  	s7 =	sld [smem:$0x3F97]  }
0x1a: {  	s8 =	sadd.s32 $0xFFFFE003, lr  }
0x1b: {  	s9 =	sadd.s32 $0xFFFFFEF7, lr;
	s5 =	simm.s32 $0xFFFFFFFF;
	p2 =	slt.u32 s8, $0xFFFFF086  }
0x1c: {  	p1 =	slt.u32 s9, $0xF7A;
	s5 =	simm.s32 @!p2 $0x0  }
0x1d: {  	s5 =	simm.s32 @p1 $0x1;
	p0 =	seq.s32 s7, s2  }
0x1e: {  	s7 =	smul.u32 @!p0 $0xF7A, s2;
	p2 =	seq.s32 @!p0 s5, $0x0  }
0x1f: {  	s9 =	smul.u32 $0xF7A, s1;
	s8 =	simm.s32 @!p0 $0x1BF5;
	p2 =	por !p2, p0  }
0x20: {  	[sflag:s8] =	ssyncset.s32 @!p0 $0xFFFFF086;
	s6 =	sadd.s32 @!p0 s3, s7;
	s7 =	simm.s32 @!p0 $0x108  }
0x21: {  	s3 =	sadd.s32 s3, s9;
	s6 =	sadd.s32 @!p0 $0x88, s6;
	s7 =	simm.s32 @p2 $0x1082  }
0x22: {  	[simem:s7], [sflag:s8] =	dma.local @!p0 [hbm:s6], $0xF7A  }
0x23: {  	s9 =	sor.u32 $0xD0000000, s2;
	s6 =	simm.s32 $0x108;
	_ =	swait.ge @!p0 [sflag:s8], $0x0  }
0x24: {  	s3 =	sadd.s32 $0x88, s3;
	s6 =	simm.s32 @!p1 $0x1082;
	[sflag:s4] =	ssyncset.s32 $0xFFFFF086  }
0x25: {  	[simem:s6], [sflag:s4] =	dma.local [hbm:s3], $0xF7A  }
0x26: {  	[smem:$0x3F97] =	sst s1;
	(tag) =	ssettag s2;
	_ =	strace s9  }
0x27: {  	s1 =	sld [smem:$0x3FA7]  }
0x28: {  	s2 =	sld [smem:$0x3FA8]  }
0x29: {  	s4 =	sld [smem:$0x3FAA]  }
0x2a: {  	p0 =	seq.s32 s5, $0x0;
	s5 =	sld [smem:$0x3FAB]  }
0x2b: {  	s6 =	sld [smem:$0x3FAC]  }
0x2c: {  	s7 =	sld [smem:$0x3FAD]  }
0x2d: {  	s3 =	simm.s32 $0x108;
	s8 =	sld [smem:$0x3FAE]  }
0x2e: {  	s3 =	simm.s32 @!p0 $0x1082;
	s9 =	sld [smem:$0x3FAF]  }
0x2f: {  	lr =	sadd.s32 s0, s3;
	s0 =	sld [smem:$0x3FA6]  }
0x30: {  	s3 =	sld [smem:$0x3FA9]  }
0x31: {  	[smem:$0x3FB2] =	sst s10  }
0x32: {  	s10 =	sld [smem:$0x3FB0];
	_ =	sdelay $0x3  }
0x33: {  	p0 =	seq.s32 s10, $0x1;
	s10 =	sld [smem:$0x3FB2];
	_ =	sdelay $0x3  }
0x34: {  	[smem:$0x3FB2] =	sst s10  }
0x35: {  	s10 =	sld [smem:$0x3FB1];
	_ =	sdelay $0x3  }
0x36: {  	p1 =	seq.s32 s10, $0x1;
	s10 =	sld [smem:$0x3FB2];
	_ =	sdelay $0x3  }
0x37: {  	[smem:$0x3FB2] =	sst s10  }
0x38: {  	s10 =	sld [smem:$0x3FB3]  }
0x39: {  	_ = 	snop;
	(pc) =	sbr.ind lr, $3  }
0x3a: {  	_ = 	snop  }
0x3b: {  	_ = 	snop  }
0x3c: {  	p2 =	seq.s32 s10, $0x1;
	s10 =	sld [smem:$0x3FB2]  }
0x3d: {  	_ =	shalt  }
0x3e: {  	_ =	shalt  }
0x3f: {  	_ =	shalt  }
0x40: {  	_ =	shalt  }
0x41: {  	_ =	shalt  }
0x42: {  	_ =	shalt  }
0x43: {  	_ =	shalt  }
0x44: {  	_ =	shalt  }
0x45: {  	_ =	shalt  }
0x46: {  	_ =	shalt  }
0x47: {  	_ =	shalt  }
0x48: {  	_ =	shalt  }
0x49: {  	_ =	shalt  }
0x4a: {  	_ =	shalt  }
0x4b: {  	_ =	shalt  }
0x4c: {  	_ =	shalt  }
0x4d: {  	_ =	shalt  }
0x4e: {  	_ =	shalt  }
0x4f: {  	_ =	shalt  }
0x50: {  	_ =	shalt  }
0x51: {  	_ =	shalt  }
0x52: {  	_ =	shalt  }
0x53: {  	_ =	shalt  }
0x54: {  	_ =	shalt  }
0x55: {  	_ =	shalt  }
0x56: {  	_ =	shalt  }
0x57: {  	_ =	shalt  }
0x58: {  	_ =	shalt  }
0x59: {  	_ =	shalt  }
0x5a: {  	_ =	shalt  }
0x5b: {  	_ =	shalt  }
0x5c: {  	_ =	shalt  }
0x5d: {  	_ =	shalt  }
0x5e: {  	_ =	shalt  }
0x5f: {  	_ =	shalt  }
0x60: {  	_ =	shalt  }
0x61: {  	_ =	shalt  }
0x62: {  	_ =	shalt  }
0x63: {  	_ =	shalt  }
0x64: {  	_ =	shalt  }
0x65: {  	_ =	shalt  }
0x66: {  	_ =	shalt  }
0x67: {  	_ =	shalt  }
0x68: {  	_ =	shalt  }
0x69: {  	_ =	shalt  }
0x6a: {  	_ =	shalt  }
0x6b: {  	_ =	shalt  }
0x6c: {  	_ =	shalt  }
0x6d: {  	_ =	shalt  }
0x6e: {  	_ =	shalt  }
0x6f: {  	_ =	shalt  }
0x70: {  	_ =	shalt  }
0x71: {  	_ =	shalt  }
0x72: {  	_ =	shalt  }
0x73: {  	_ =	shalt  }
0x74: {  	_ =	shalt  }
0x75: {  	_ =	shalt  }
0x76: {  	_ =	shalt  }
0x77: {  	_ =	shalt  }
0x78: {  	_ =	shalt  }
0x79: {  	_ =	shalt  }
0x7a: {  	_ =	shalt  }
0x7b: {  	_ =	shalt  }
0x7c: {  	_ =	shalt  }
0x7d: {  	_ =	shalt  }
0x7e: {  	_ =	shalt  }
0x7f: {  	_ =	shalt  }
0x80: {  	_ =	shalt  }
0x81: {  	_ =	shalt  }
0x82: {  	_ =	shalt  }
0x83: {  	_ =	shalt  }
0x84: {  	_ =	shalt  }
0x85: {  	_ =	shalt  }
0x86: {  	_ =	shalt  }
0x87: {  	_ =	shalt  }
.Lfunc_end0:
.L_simem_size_0:
called_computation.1_lowered:
.L_overlay_start_0:
0x88: {  	s2 =	sld [smem:$0x3FD9]  }
0x89: {  	s3 =	sld [smem:$0x3FFE];
	_ =	sdelay $0x1  }
0x8a: {  	s1 =	srdreg.scid  }
0x8b: {  	s0 =	sand.u32 $0x1, s1  }
0x8c: {  	s17 =	sshll.u32 s0, $0xA;
	s2 =	sadd.s32 s3, s2  }
0x8d: {  	s2 =	sadd.s32 s2, s17  }
0x8e: {  	[smem:$0x3FBE] =	sst s2  }
0x8f: {  	_ = 	snop  }
0x90: {  	s2 =	sld [smem:$0x3FD0];
	(tm) =	ssettm $0x1  }
0x91: {  	s18 =	sld [smem:$0x3FFB];
	_ =	sdelay $0x3  }
0x92: {  	_ =	strace s18  }
0x93: {  	s3 =	sld [smem:$0x3FFC];
	_ =	sdelay $0x3  }
0x94: {  	_ =	strace s3  }
0x95: {  	s3 =	sld [smem:$0x3FFD];
	_ =	sdelay $0x3  }
0x96: {  	_ =	strace s3  }
0x97: {  	_ =	strace $0x8FFFFFFF  }
0x98: {  	s19 =	sld [smem:$0x3FDB];
	_ =	sdelay $0x1  }
0x99: {  	s4 =	simm.s32 $_scs_section_size  }
0x9a: {  	s5 =	simm.s32 $_size__tile_overlayer_lowered;
	s6 =	simm.s32 $_tile_overlayer_lowered  }
0x9b: {  	s22 =	simm.s32 $0x1BFF;
	s21 =	sshll.u32 s6, $0x1;
	s3 =	sadd.s32 s4, s19  }
0x9c: {  	s7 =	simm.s32 $0x0;
	s20 =	sshll.u32 s5, $0x1;
	s5 =	sadd.s32 s21, s3  }
0x9d: {  	[timem:s7], [sflag:s22] =	dma.local [hbm:s5], s20  }
0x9e: {  	_ =	swait.ge [sflag:s22], s20  }
0x9f: {  	s4 =	ssub.s32 $0x0, s20;
	[sflag:s22] =	ssyncset.done $0x0  }
0xa0: {  	[sflag:s22] =	ssyncadd.s32 s4;
	_ =	sdelay $0x1  }
0xa1: {  	s23 =	simm.s32 $0x1B8B  }
0xa2: {  	_ =	swait.ge [sflag:s23], $0x1  }
0xa3: {  	[sflag:s23] =	ssyncset.done $0x0  }
0xa4: {  	s25 =	simm.s32 $0x1B8E;
	s24 =	sld [smem:$0x3FFE];
	[sflag:s23] =	ssyncadd.s32 $0xFFFFFFFF  }
0xa5: {  	s26 =	simm.s32 $execute0_lowered;
	[smem:$0x3FD2] =	sst s25  }
0xa6: {  	s5 =	sshll.u32 s26, $0x1;
	_ =	strace $0x80000049;
	[dreg:$0x1] =	wrdreg $0xFFFFFFFF  }
0xa7: {  	s28 =	simm.s32 $_size_execute0_lowered;
	s3 =	sadd.s32 s3, s5;
	[dreg:$0x0] =	wrdreg $0x0  }
0xa8: {  	s5 =	sshll.u32 s28, $0x1;
	[dreg:$0x2] =	wrdreg s3  }
0xa9: {  	[dreg:$0x3] =	wrdreg s5  }
0xaa: {  	[dreg:$0x4] =	wrdreg $0xC0  }
0xab: {  	_ =	task [dreg:s7], $0x5FFFF  }
0xac: {  	[dreg:$0x1] =	wrdreg $0xFFFFFFFF  }
0xad: {  	[dreg:$0x0] =	wrdreg $0x60  }
0xae: {  	[dreg:$0x2] =	wrdreg s2  }
0xaf: {  	[dreg:$0x3] =	wrdreg s24  }
0xb0: {  	[dreg:$0x4] =	wrdreg $0xE4000  }
0xb1: {  	[dreg:$0x5] =	wrdreg $0x184000  }
0xb2: {  	[dreg:$0x6] =	wrdreg $0x9  }
0xb3: {  	_ =	task.clear_ibuf [dreg:s7], $0x7FFFF;
	_ =	strace $0x90000049  }
0xb4: {  	s29 =	simm.s32 $0x9;
	_ =	strace $0x8000004B  }
0xb5: {  	_ =	swait.ge [sflag:s29], $0x1  }
0xb6: {  	[sflag:s29] =	ssyncadd.s32 $0xFFFFFFFF  }
0xb7: {  	_ =	strace $0x9000004B  }
0xb8: {  	_ =	sfence  }
0xb9: {  	s30 =	sld [smem:$0x0];
	_ =	sdelay $0x2  }
0xba: {  	s31 =	sshll.u32 s1, $0xD;
	s1 =	sshrl.u32 s1, $0x2  }
0xbb: {  	s3 =	sand.u32 $0x4000, s31;
	s1 =	sadd.s32 s1, s30  }
0xbc: {  	s0 =	sor.u32 s3, s0;
	s1 =	sshll.u32 s1, $0x11  }
0xbd: {  	s0 =	sor.u32 s1, s0  }
0xbe: {  	s0 =	sadd.s32 $0x8F2B, s0  }
0xbf: {  	[sflag:s0] =	ssyncadd.remote.s32 $0x1  }
0xc0: {  	_ =	sfence.sel $0xFFFF  }
0xc1: {  	[dreg:$0x0] =	wrdreg $0xFFFFFFFF;
	(pc) =	sbr.abs _section_cstart, $3  }
0xc2: {  	[dreg:$0x1] =	wrdreg $0xFFFFFFFF  }
0xc3: {  	_ =	task.clear_ibuf [dreg:s7], $0x2FFFF;
	_ =	strace $0x9FFFFFFF  }
0xc4: {  	(tm) =	ssettm $0x7FFFFFFF  }
0xc5: {  	_ =	shalt  }
tec
execute0_lowered:
.L_overlay_start_1:
0x0: {  	(tag) =	ssettag $0x1  }
0x1: {  	s0 =	rddreg [dreg:$0x0]  }
0x2: {  	s2 =	rddreg [dreg:$0x1]  }
0x3: {  	s1 =	rddreg [dreg:$0x2]  }
0x4: {  	s3 =	rddreg [dreg:$0x3]  }
0x5: {  	s4 =	simm.s32 $0x0;
	s15 =	stileid.u32;
	s6 =	srdreg.scid  }
0x6: {  	s19 =	simm.s32 $0x5;
	s29 =	simm.s32 $0x180;
	s31 =	simm.s32 $0x200  }
0x7: {  	s24 =	simm.s32 $0x6400;
	s30 =	simm.s32 $0x300;
	[smem:$0x7FF] =	sst s4  }
0x8: {  	s7 =	smul.u32 $0xA000, s15;
	s5 =	sadd.s32 $0x2200, s2;
	s8 =	sand.u32 $0x1, s6  }
0x9: {  	s10 =	smul.u32 $0x2800, s15;
	s6 =	sadd.s32 $0x7200, s2;
	s21 =	sshll.u32 s15, $0x6  }
0xa: {  	_ =	strace $0x8000004A;
	s9 =	smul.u32 $0x14000, s8;
	s14 =	ssub.s32 $0x2, s8  }
0xb: {  	s23 =	sshll.u32 s8, $0x2;
	p0 =	sne.s32 s8, $0x0;
	s11 =	sshrl.u32 s7, $0x3  }
0xc: {  	s13 =	sshrl.u32 s10, $0x3;
	s20 =	sshrl.u32 s14, $0x1;
	s7 =	sadd.s32 s7, s1  }
0xd: {  	s18 =	sadd.s32 s10, s3;
	s10 =	simm.s32 $0x0;
	s12 =	sadd.s32 s11, s2  }
0xe: {  	s16 =	sadd.s32 s9, s2;
	s2 =	sadd.s32 s13, s2;
	s17 =	ssub.s32 s14, s20  }
0xf: {  	s9 =	smul.u32 $0x1500, s15;
	s14 =	sadd.s32 $0x40, s0;
	s15 =	sadd.s32 $0x80, s0  }
0x10: {  	s20 =	simm.s32 $0x80;
	[dreg:$0x7] =	wrdreg s18;
	s12 =	sadd.s32 $0x11200, s12  }
0x11: {  	s22 =	sadd.s32 $0xC200, s2;
	s13 =	sadd.s32 $0x25200, s16;
	[dreg:$0x5] =	wrdreg s12  }
0x12: {  	s26 =	sadd.s32 $0x52200, s16;
	s2 =	sadd.s32 $0x4D200, s2;
	[dreg:$0x8] =	wrdreg s22  }
0x13: {  	s28 =	smax.u32 s17, $0x1;
	s16 =	simm.s32 $0x1;
	[dreg:$0xa] =	wrdreg s2  }
0x14: {  	s17 =	simm.s32 $0x2;
	s25 =	sadd.s32 s0, s9;
	[dreg:$0xb] =	wrdreg s28  }
0x15: {  	s12 =	sor.u32 $0x1C05, s21;
	s0 =	sadd.s32 s11, s26;
	[dreg:$0x9] =	wrdreg s25  }
0x16: {  	s21 =	sshrl.u32 s7, $0x3;
	s22 =	simm.s32 $0x2400;
	[dreg:$0xd] =	wrdreg s0  }
0x17: {  	v0 =	vmov s23;
	s26 =	simm.s32 $0x100;
	s2 =	simm.s32 $0x280;
	[dreg:$0x6] =	wrdreg s12  }
0x18: {  	v1 =	vor.u32 $0x1, v0;
	v2 =	vor.u32 $0x2, v0;
	v3 =	vor.u32 $0x3, v0;
	s11 =	simm.s32 $0x380;
	s0 =	simm.s32 $0x4400;
	[dreg:$0xc] =	wrdreg s21  }
.LBB2_1:
0x19: {  	[dreg:$0xe] =	wrdreg s10  }
0x1a: {  	s7 =	rddreg [dreg:$0x5]  }
0x1b: {  	[spmem:s21], [sflag:s12] =	dma.local [hbm:s7], $0x1400  }
0x1c: {  	_ =	swait.ge [sflag:s19], $0x1400  }
0x1d: {  	[sflag:s19] =	ssyncset.done $0x0  }
0x1e: {  	s10 =	sshrl.u32 s18, $0x3;
	s8 =	rddreg [dreg:$0x8];
	[sflag:s19] =	ssyncadd.s32 $0xFFFFEC00  }
0x1f: {  	[spmem:s10], [sflag:s12] =	dma.local [hbm:s8], $0x500  }
0x20: {  	_ =	swait.ge [sflag:s19], $0x500  }
0x21: {  	[sflag:s19] =	ssyncset.done $0x0  }
0x22: {  	[sflag:s19] =	ssyncadd.s32 $0xFFFFFB00  }
0x23: {  	[bflag:$0x0] =	sbarrier.arrive $0xFFFF  }
0x24: {  	s12 =	rddreg [dreg:$0x9]  }
0x25: {  	[tilespmem:s4], [sflag:$0x5] =	stream.linear.gather [hbm4b:s12+s4], $0x200, $0x38;
	[tilespmem:$0x1AC00] =	vst v63  }
0x26: {  	_ =	swait.ge [sflag:s19], $0x200  }
0x27: {  	[sflag:s19] =	ssyncset.done $0x0  }
0x28: {  	s18 =	simm.s32 $0x400;
	[sflag:s19] =	ssyncadd.s32 $0xFFFFFE00  }
0x29: {  	[tilespmem:s18], [sflag:$0x1] =	stream.indirect.gather [hbm4b:s13+s20], $0x40, s4, s20, $0xb8;
	[tilespmem:$0x1AC00] =	vst v63  }
0x2a: {  	_ = 	snop  }
0x2b: {  	[tilespmem:s22], [sflag:$0x1] =	stream.indirect.gather [hbm4b:s13+s20], $0x40, s20, s20, $0xb8;
	[tilespmem:$0x1AC00] =	vst v63  }
0x2c: {  	s21 =	simm.s32 $0xA400  }
0x2d: {  	[tilespmem:s21], [sflag:$0x1] =	stream.indirect.gather [hbm4b:s5+s20], $0x10, s4, s20, $0xb8;
	[tilespmem:$0x1AC00] =	vst v63  }
0x2e: {  	s23 =	simm.s32 $0xAC00  }
0x2f: {  	[tilespmem:s23], [sflag:$0x1] =	stream.indirect.gather [hbm4b:s5+s20], $0x10, s20, s20, $0xb8;
	[tilespmem:$0x1AC00] =	vst v63  }
0x30: {  	s25 =	simm.s32 $0xC400  }
0x31: {  	[tilespmem:s25], [sflag:$0x1] =	stream.indirect.gather [hbm4b:s6+s20], $0x10, s26, s20, $0xb8;
	[tilespmem:$0x1AC00] =	vst v63  }
0x32: {  	s28 =	simm.s32 $0xCC00;
	s10 =	simm.s32 $0x0  }
0x33: {  	[tilespmem:s28], [sflag:$0x1] =	stream.indirect.gather [hbm4b:s6+s20], $0x10, s29, s20, $0xb8;
	[tilespmem:$0x1AC00] =	vst v63  }
.LBB2_2:
0x34: {  	s7 =	sshll.u32 s10, $0x7  }
0x35: {  	s18 =	sadd.s32 s9, s7  }
0x36: {  	s7 =	sadd.s32 s18, s14  }
0x37: {  	[tilespmem:s31], [sflag:$0x5] =	stream.linear.gather [hbm4b:s7+s4], $0x200, $0x38;
	[tilespmem:$0x1AC00] =	vst v63  }
0x38: {  	_ =	swait.ge [sflag:s19], $0x200  }
0x39: {  	[sflag:s19] =	ssyncset.done $0x0  }
0x3a: {  	[sflag:s19] =	ssyncadd.s32 $0xFFFFFE00  }
0x3b: {  	[tilespmem:s0], [sflag:$0x2] =	stream.indirect.gather [hbm4b:s13+s20], $0x40, s31, s20, $0xb8;
	[tilespmem:$0x1AC00] =	vst v63  }
0x3c: {  	_ = 	snop  }
0x3d: {  	[tilespmem:s24], [sflag:$0x2] =	stream.indirect.gather [hbm4b:s13+s20], $0x40, s2, s20, $0xb8;
	[tilespmem:$0x1AC00] =	vst v63  }
0x3e: {  	s25 =	simm.s32 $0xB400  }
0x3f: {  	[tilespmem:s25], [sflag:$0x2] =	stream.indirect.gather [hbm4b:s5+s20], $0x10, s31, s20, $0xb8;
	[tilespmem:$0x1AC00] =	vst v63  }
0x40: {  	s8 =	simm.s32 $0xBC00  }
0x41: {  	[tilespmem:s8], [sflag:$0x2] =	stream.indirect.gather [hbm4b:s5+s20], $0x10, s2, s20, $0xb8;
	[tilespmem:$0x1AC00] =	vst v63  }
0x42: {  	s12 =	simm.s32 $0xD400  }
0x43: {  	[tilespmem:s12], [sflag:$0x2] =	stream.indirect.gather [hbm4b:s6+s20], $0x10, s30, s20, $0xb8;
	[tilespmem:$0x1AC00] =	vst v63  }
0x44: {  	s21 =	simm.s32 $0xDC00  }
0x45: {  	[tilespmem:s21], [sflag:$0x2] =	stream.indirect.gather [hbm4b:s6+s20], $0x10, s11, s20, $0xb8;
	[tilespmem:$0x1AC00] =	vst v63  }
0x46: {  	_ =	swait.ge [sflag:s16], $0x2000  }
0x47: {  	[sflag:s16] =	ssyncset.done $0x0  }
0x48: {  	[sflag:s16] =	ssyncadd.s32 $0xFFFFE000  }
0x49: {  	_ =	swait.ge [sflag:s16], $0x2000  }
0x4a: {  	[sflag:s16] =	ssyncset.done $0x0  }
0x4b: {  	[sflag:s16] =	ssyncadd.s32 $0xFFFFE000  }
0x4c: {  	_ =	swait.ge [sflag:s16], $0x800  }
0x4d: {  	[sflag:s16] =	ssyncset.done $0x0  }
0x4e: {  	[sflag:s16] =	ssyncadd.s32 $0xFFFFF800  }
0x4f: {  	_ =	swait.ge [sflag:s16], $0x800  }
0x50: {  	[sflag:s16] =	ssyncset.done $0x0  }
0x51: {  	[sflag:s16] =	ssyncadd.s32 $0xFFFFF800  }
0x52: {  	_ =	swait.ge [sflag:s16], $0x800  }
0x53: {  	[sflag:s16] =	ssyncset.done $0x0  }
0x54: {  	[sflag:s16] =	ssyncadd.s32 $0xFFFFF800  }
0x55: {  	_ =	swait.ge [sflag:s16], $0x800  }
0x56: {  	[sflag:s16] =	ssyncset.done $0x0  }
0x57: {  	s23 =	simm.s32 $0xA440;
	[sflag:s16] =	ssyncadd.s32 $0xFFFFF800  }
0x58: {  	s8 =	simm.s32 $0xC440;
	v4 =	vld [tilespmem:s23+$0x30]  }
0x59: {  	v5 =	vld [tilespmem:s8+$0x30]  }
0x5a: {  	v6 =	vld [tilespmem:s8+$0xFFFFFFC0]  }
0x5b: {  	v7 =	vld [tilespmem:s23+$0xFFFFFFD0]  }
0x5c: {  	v8 =	vld [tilespmem:s8+$0xFFFFFFD0]  }
0x5d: {  	v9 =	vld [tilespmem:s23+$0xFFFFFFE0]  }
0x5e: {  	v10 =	vld [tilespmem:s8+$0xFFFFFFE0]  }
0x5f: {  	v11 =	vld [tilespmem:s23+$0xFFFFFFF0]  }
0x60: {  	v12 =	vld [tilespmem:s23+$0x0];
	v4 =	vadd.f32 v5, v4  }
0x61: {  	v5 =	vld [tilespmem:s8+$0xFFFFFFF0]  }
0x62: {  	v14 =	vld [tilespmem:s8+$0x0];
	v13 =	vmul.f32 $2.000000030e-01, v4  }
0x63: {  	v15 =	vld [tilespmem:s23+$0x20];
	v7 =	vadd.f32 v8, v7  }
0x64: {  	v8 =	vld [tilespmem:s23+$0x10];
	v9 =	vadd.f32 v10, v9;
	v4 =	vmax.f32 v4, v13  }
0x65: {  	v10 =	vld [tilespmem:s8+$0x10];
	v13 =	vmul.f32 $2.000000030e-01, v7;
	v4 =	vmul.f32 $1.442695020e+00, v4  }
0x66: {  	v16 =	vmul.f32 $2.000000030e-01, v9;
	v5 =	vadd.f32 v5, v11;
	v11 =	vld [tilespmem:s8+$0x20]  }
0x67: {  	(erf) = vpow2.f32 v4;
	v4 =	vmax.f32 v7, v13;
	v7 =	vld [tilespmem:s23+$0xFFFFFFC0]  }
0x68: {  	v12 =	vadd.f32 v14, v12;
	v9 =	vmax.f32 v9, v16;
	v13 =	vmul.f32 $2.000000030e-01, v5  }
0x69: {  	v9 =	vmul.f32 $1.442695020e+00, v9;
	v4 =	vmul.f32 $1.442695020e+00, v4  }
0x6a: {  	v8 =	vadd.f32 v10, v8;
	v5 =	vmax.f32 v5, v13;
	v13 =	vmul.f32 $2.000000030e-01, v12  }
0x6b: {  	v5 =	vmul.f32 $1.442695020e+00, v5;
	(erf) = vpow2.f32 v4;
	v4 =	vadd.f32 v11, v15  }
0x6c: {  	v11 =	vmul.f32 $2.000000030e-01, v8;
	v10 =	vmax.f32 v12, v13;
	v6 =	vadd.f32 v6, v7  }
0x6d: {  	v7 =	vmul.f32 $1.442695020e+00, v10;
	v10 =	vmul.f32 $2.000000030e-01, v4  }
0x6e: {  	(erf) = vpow2.f32 v9;
	v8 =	vmax.f32 v8, v11;
	v9 =	vmul.f32 $2.000000030e-01, v6  }
0x6f: {  	s12 =	simm.s32 $0xA4C0;
	(erf) = vpow2.f32 v5;
	v5 =	vmul.f32 $1.442695020e+00, v8;
	v4 =	vmax.f32 v4, v10  }
0x70: {  	v52 =	vld [tilespmem:s12+$0x30];
	s23 =	simm.s32 $0xC4C0;
	(erf) = vpow2.f32 v7;
	v4 =	vmul.f32 $1.442695020e+00, v4;
	v6 =	vmax.f32 v6, v9  }
0x71: {  	s25 =	simm.s32 $0x8440;
	v55 =	vld [tilespmem:s23+$0x30];
	v7 =	vpop (erf);
	(erf) = vpow2.f32 v5;
	v5 =	vmul.f32 $1.442695020e+00, v6  }
0x72: {  	s8 =	simm.s32 $0x500;
	v57 =	vld [tilespmem:s23+$0xFFFFFFC0];
	[tilespmem:s25+$0x30] =	vst v7  }
0x73: {  	(erf) = vpow2.f32 v4;
	v4 =	vld [tilespmem:s8+$0xF0]  }
0x74: {  	v22 =	vld [tilespmem:s8+$0xC0]  }
0x75: {  	v20 =	vld [tilespmem:s8+$0xD0];
	(erf) = vpow2.f32 v5;
	v5 =	vpop (erf)  }
0x76: {  	v23 =	vld [tilespmem:s8+$0xE0];
	[tilespmem:s25+$0xFFFFFFD0] =	vst v5  }
0x77: {  	v6 =	vld [tilespmem:s8+$0xFFFFFF40]  }
0x78: {  	v13 =	vld [tilespmem:s8+$0xFFFFFF50]  }
0x79: {  	v8 =	vpop (erf);
	v15 =	vld [tilespmem:s8+$0xFFFFFF60]  }
0x7a: {  	[tilespmem:s25+$0xFFFFFFE0] =	vst v8;
	v16 =	vld [tilespmem:s8+$0xFFFFFF70]  }
0x7b: {  	v14 =	vpop (erf);
	v18 =	vld [tilespmem:s8+$0xFFFFFF80]  }
0x7c: {  	v24 =	vperm.xlane v7, v0;
	v9 =	vpop (erf);
	v27 =	vld [tilespmem:s8+$0xFFFFFF90]  }
0x7d: {  	v25 =	vperm.xlane v7, v1;
	v26 =	vperm.xlane v7, v2;
	v30 =	vld [tilespmem:s8+$0xFFFFFFA0];
	v17 =	vpop (erf);
	[tilespmem:s25+$0x0] =	vst v9  }
0x7e: {  	v7 =	vperm.xlane v7, v3;
	v21 =	vperm.xlane v5, v0;
	v19 =	vpop (erf);
	v45 =	vld [tilespmem:s8+$0x0]  }
0x7f: {  	v28 =	vperm.xlane v5, v1;
	v29 =	vperm.xlane v5, v2;
	v48 =	vld [tilespmem:s8+$0x10];
	v10 =	vpop (erf)  }
0x80: {  	v32 =	vperm.xlane v5, v3;
	v31 =	vmul.f32 v4, v7;
	v50 =	vld [tilespmem:s8+$0x20];
	[tilespmem:s25+$0xFFFFFFC0] =	vst v10  }
0x81: {  	v34 =	vperm.xlane v8, v0;
	v35 =	vperm.xlane v8, v1;
	v33 =	vld [tilespmem:s8+$0xFFFFFF00]  }
0x82: {  	v37 =	vperm.xlane v8, v2;
	v4 =	vperm.xlane v17, v3;
	v36 =	vld [tilespmem:s8+$0xFFFFFF10]  }
0x83: {  	v38 =	vperm.xlane v8, v3;
	v40 =	vperm.xlane v14, v0;
	v39 =	vld [tilespmem:s8+$0xFFFFFF20]  }
0x84: {  	v41 =	vperm.xlane v14, v1;
	v42 =	vld [tilespmem:s8+$0xFFFFFF30];
	[tilespmem:$0x1FFC0] =	vst v4;
	v4 =	vperm.xlane v19, v0  }
0x85: {  	v43 =	vperm.xlane v14, v2;
	v44 =	vperm.xlane v14, v3  }
0x86: {  	v46 =	vperm.xlane v9, v0;
	v58 =	vld [tilespmem:s12+$0xFFFFFFD0];
	[tilespmem:$0x1FFD0] =	vst v4;
	v4 =	vperm.xlane v19, v1  }
0x87: {  	v47 =	vperm.xlane v9, v1;
	v49 =	vperm.xlane v9, v2  }
0x88: {  	v7 =	vperm.xlane v9, v3;
	[tilespmem:$0x1FFE0] =	vst v4;
	v4 =	vperm.xlane v19, v2  }
0x89: {  	v8 =	vperm.xlane v17, v0;
	v29 =	vmul.f32 v15, v29;
	v15 =	vadd.f32 v55, v52  }
0x8a: {  	v11 =	vperm.xlane v17, v1;
	v9 =	vperm.xlane v19, v3;
	v59 =	vld [tilespmem:s23+$0xFFFFFFD0];
	[tilespmem:$0x1FFF0] =	vst v4  }
0x8b: {  	v34 =	vmul.f32 v18, v34;
	v18 =	vmul.f32 $2.000000030e-01, v15;
	v60 =	vld [tilespmem:s12+$0xFFFFFFE0]  }
0x8c: {  	v21 =	vmul.f32 v6, v21;
	v28 =	vmul.f32 v13, v28;
	v61 =	vld [tilespmem:s23+$0xFFFFFFE0]  }
0x8d: {  	v32 =	vmul.f32 v16, v32;
	v51 =	vperm.xlane v10, v0;
	v15 =	vmax.f32 v15, v18;
	v13 =	vld [tilespmem:s12+$0xFFFFFFF0]  }
0x8e: {  	v53 =	vperm.xlane v10, v1;
	v15 =	vmul.f32 $1.442695020e+00, v15;
	v62 =	vld [tilespmem:s23+$0xFFFFFFF0]  }
0x8f: {  	v54 =	vperm.xlane v10, v2;
	v56 =	vperm.xlane v10, v3;
	v16 =	vld [tilespmem:s12+$0x0]  }
0x90: {  	v36 =	vmul.f32 v36, v53;
	(erf) = vpow2.f32 v15;
	v53 =	vld [tilespmem:s23+$0x0]  }
0x91: {  	v10 =	vperm.xlane v17, v2;
	v30 =	vmul.f32 v30, v37;
	v37 =	vld [tilespmem:s12+$0x10];
	[tilespmem:s8+$0xF0] =	vst v31  }
0x92: {  	v27 =	vmul.f32 v27, v35;
	v45 =	vmul.f32 v45, v46;
	[tilespmem:s25+$0xFFFFFFF0] =	vst v14;
	v52 =	vld [tilespmem:s8+$0xFFFFFFB0]  }
0x93: {  	v33 =	vmul.f32 v33, v51;
	v39 =	vmul.f32 v39, v54;
	[tilespmem:s25+$0x20] =	vst v19;
	v19 =	vld [tilespmem:s8+$0xFFFFFFC0]  }
0x94: {  	v42 =	vmul.f32 v42, v56;
	v31 =	vmul.f32 v48, v47;
	[tilespmem:s25+$0x10] =	vst v17;
	v55 =	vld [tilespmem:s8+$0xFFFFFFD0];
	v63 =	vadd.f32 v59, v58  }
0x95: {  	v14 =	vmul.f32 v50, v49;
	[tilespmem:s8+$0xFFFFFF70] =	vst v32;
	v32 =	vmul.f32 v22, v24;
	v58 =	vld [tilespmem:s23+$0x10];
	v18 =	vadd.f32 v61, v60  }
0x96: {  	[tilespmem:s8+$0xFFFFFF80] =	vst v34;
	v34 =	vmul.f32 v20, v25;
	v59 =	vmul.f32 $2.000000030e-01, v63;
	v60 =	vld [tilespmem:s12+$0x20]  }
0x97: {  	[tilespmem:s8+$0x0] =	vst v45;
	v45 =	vmul.f32 v23, v26;
	v13 =	vadd.f32 v62, v13;
	v62 =	vld [tilespmem:s23+$0x20];
	v61 =	vmul.f32 $2.000000030e-01, v18  }
0x98: {  	[tilespmem:s8+$0xFFFFFF50] =	vst v28;
	v16 =	vadd.f32 v53, v16;
	v28 =	vmul.f32 v19, v40;
	v15 =	vmax.f32 v63, v59;
	v63 =	vld [tilespmem:s12+$0xFFFFFFC0]  }
0x99: {  	[tilespmem:s8+$0xFFFFFF60] =	vst v29;
	v56 =	vld [tilespmem:s8+$0xFFFFFFE0];
	v29 =	vpop (erf);
	v15 =	vmul.f32 $1.442695020e+00, v15;
	v17 =	vmax.f32 v18, v61;
	v18 =	vmul.f32 $2.000000030e-01, v13  }
0x9a: {  	s28 =	simm.s32 $0x84C0;
	v25 =	vld [tilespmem:s8+$0xB0];
	v37 =	vadd.f32 v58, v37;
	v20 =	vperm.xlane v29, v0;
	v22 =	vperm.xlane v29, v1  }
0x9b: {  	[tilespmem:s8+$0x10] =	vst v31;
	v19 =	vld [tilespmem:s8+$0x90];
	v17 =	vmul.f32 $1.442695020e+00, v17;
	v13 =	vmax.f32 v13, v18;
	v18 =	vmul.f32 $2.000000030e-01, v16  }
0x9c: {  	s25 =	simm.s32 $0x700;
	v59 =	vld [tilespmem:s8+$0xFFFFFFF0];
	[tilespmem:s28+$0x30] =	vst v29;
	(erf) = vpow2.f32 v15;
	v58 =	vadd.f32 v62, v60;
	v15 =	vmul.f32 $2.000000030e-01, v37  }
0x9d: {  	[tilespmem:s8+$0x20] =	vst v14;
	v24 =	vld [tilespmem:s25+$0xC0];
	v31 =	vmul.f32 $1.442695020e+00, v13;
	v14 =	vmax.f32 v16, v18;
	v18 =	vadd.f32 v57, v63  }
0x9e: {  	[tilespmem:s8+$0xFFFFFF40] =	vst v21;
	v26 =	vld [tilespmem:s25+$0xD0];
	(erf) = vpow2.f32 v17;
	v16 =	vmul.f32 $2.000000030e-01, v58  }
0x9f: {  	[tilespmem:s8+$0xFFFFFF90] =	vst v27;
	v27 =	vld [tilespmem:s25+$0xE0];
	v17 =	vmax.f32 v37, v15;
	v21 =	vmul.f32 $1.442695020e+00, v14;
	v60 =	vmul.f32 $2.000000030e-01, v18  }
0xa0: {  	v62 =	vld [tilespmem:s25+$0xF0];
	(erf) = vpow2.f32 v31;
	v31 =	vmul.f32 $1.442695020e+00, v17;
	v17 =	vmax.f32 v58, v16  }
0xa1: {  	v13 =	vld [tilespmem:s8+$0x30];
	(erf) = vpow2.f32 v21;
	v21 =	vmul.f32 $1.442695020e+00, v17;
	v18 =	vmax.f32 v18, v60  }
0xa2: {  	[tilespmem:s8+$0xFFFFFF00] =	vst v33;
	v15 =	vld [tilespmem:s8+$0x50];
	(erf) = vpow2.f32 v31;
	v31 =	vmul.f32 $1.442695020e+00, v18  }
0xa3: {  	[tilespmem:s8+$0xFFFFFF10] =	vst v36;
	v23 =	vperm.xlane v29, v2;
	v14 =	vld [tilespmem:s8+$0x40];
	(erf) = vpow2.f32 v21  }
0xa4: {  	[tilespmem:s8+$0xFFFFFF20] =	vst v39;
	v29 =	vperm.xlane v29, v3;
	v16 =	vld [tilespmem:s8+$0x60];
	(erf) = vpow2.f32 v31  }
0xa5: {  	[tilespmem:s8+$0xFFFFFF30] =	vst v42;
	v35 =	vmul.f32 v56, v43;
	v61 =	vmul.f32 v52, v38;
	v17 =	vld [tilespmem:s8+$0x70]  }
0xa6: {  	[tilespmem:s8+$0xFFFFFFA0] =	vst v30;
	v36 =	vmul.f32 v59, v44;
	v50 =	vmul.f32 v62, v29;
	v18 =	vld [tilespmem:s8+$0x80];
	v63 =	vpop (erf)  }
0xa7: {  	v21 =	vld [tilespmem:s8+$0xA0];
	v31 =	vmul.f32 v55, v41;
	[tilespmem:s28+$0xFFFFFFD0] =	vst v63;
	v46 =	vperm.xlane v63, v0  }
0xa8: {  	[tilespmem:s8+$0xC0] =	vst v32;
	v47 =	vperm.xlane v63, v1;
	v53 =	vperm.xlane v63, v2;
	v39 =	vpop (erf);
	v33 =	vld [tilespmem:s25+$0xFFFFFF40]  }
0xa9: {  	[tilespmem:s8+$0xD0] =	vst v34;
	v54 =	vperm.xlane v63, v3;
	v52 =	vld [tilespmem:s25+$0xFFFFFF50];
	v60 =	vperm.xlane v39, v0;
	v30 =	vpop (erf)  }
0xaa: {  	[tilespmem:s8+$0xFFFFFFC0] =	vst v28;
	v49 =	vld [tilespmem:s25+$0xFFFFFF60];
	v55 =	vperm.xlane v39, v1;
	v4 =	vperm.xlane v39, v2;
	v48 =	vpop (erf)  }
0xab: {  	v58 =	vld [tilespmem:s25+$0xFFFFFF70];
	v42 =	vperm.xlane v39, v3;
	[tilespmem:s28+$0xFFFFFFE0] =	vst v39;
	v43 =	vperm.xlane v30, v0;
	v51 =	vpop (erf)  }
0xac: {  	[tilespmem:s8+$0xFFFFFFB0] =	vst v61;
	v61 =	vld [tilespmem:s25+$0xFFFFFF90];
	v40 =	vperm.xlane v30, v1;
	v38 =	vperm.xlane v30, v2;
	v57 =	vpop (erf)  }
0xad: {  	[tilespmem:s8+$0xFFFFFFF0] =	vst v36;
	v62 =	vld [tilespmem:s25+$0xFFFFFFA0];
	v41 =	vperm.xlane v30, v3;
	v39 =	vperm.xlane v48, v0;
	v56 =	vpop (erf)  }
0xae: {  	v36 =	vld [tilespmem:s25+$0xFFFFFF80];
	v44 =	vperm.xlane v48, v1;
	v37 =	vperm.xlane v48, v2;
	[tilespmem:s28+$0xFFFFFFC0] =	vst v56  }
0xaf: {  	[tilespmem:s8+$0xFFFFFFE0] =	vst v35;
	v28 =	vperm.xlane v48, v3;
	v33 =	vmul.f32 v33, v46;
	v29 =	vld [tilespmem:s25+$0xFFFFFF00]  }
0xb0: {  	[tilespmem:s25+$0xF0] =	vst v50;
	v47 =	vmul.f32 v52, v47;
	v50 =	vmul.f32 v49, v53;
	v35 =	vld [tilespmem:s25+$0xFFFFFF10]  }
0xb1: {  	[tilespmem:s8+$0xE0] =	vst v45;
	v45 =	vld [tilespmem:s25+$0xFFFFFFB0];
	v52 =	vmul.f32 v58, v54;
	v58 =	vmul.f32 v61, v55  }
0xb2: {  	[tilespmem:s8+$0xFFFFFFD0] =	vst v31;
	v54 =	vmul.f32 v62, v4;
	v32 =	vperm.xlane v56, v0;
	v59 =	vld [tilespmem:s25+$0xFFFFFF20]  }
0xb3: {  	[tilespmem:s28+$0xFFFFFFF0] =	vst v30;
	v34 =	vperm.xlane v56, v1;
	v30 =	vperm.xlane v56, v2;
	v63 =	vld [tilespmem:s25+$0xFFFFFF30]  }
0xb4: {  	[tilespmem:s28+$0x0] =	vst v48;
	v46 =	vld [tilespmem:s25+$0xFFFFFFC0];
	v56 =	vperm.xlane v56, v3;
	v32 =	vmul.f32 v29, v32  }
0xb5: {  	v48 =	vld [tilespmem:s25+$0xFFFFFFD0];
	[tilespmem:s28+$0x10] =	vst v51;
	v29 =	vperm.xlane v51, v0;
	v31 =	vmul.f32 v35, v34  }
0xb6: {  	v49 =	vld [tilespmem:s25+$0xFFFFFFE0];
	[tilespmem:s25+$0xFFFFFF40] =	vst v33;
	v35 =	vperm.xlane v51, v1;
	v34 =	vperm.xlane v51, v2  }
0xb7: {  	v53 =	vld [tilespmem:s25+$0x0];
	[tilespmem:s28+$0x20] =	vst v57;
	v33 =	vmul.f32 v59, v30;
	v30 =	vperm.xlane v51, v3  }
0xb8: {  	v55 =	vld [tilespmem:s25+$0x10];
	v59 =	vmul.f32 v63, v56;
	v56 =	vmul.f32 v36, v60;
	[tilespmem:s25+$0xFFFFFF00] =	vst v32  }
0xb9: {  	v51 =	vld [tilespmem:s25+$0xFFFFFFF0];
	v36 =	vperm.xlane v57, v3;
	v32 =	vperm.xlane v57, v0;
	[tilespmem:s25+$0xFFFFFF10] =	vst v31  }
0xba: {  	s7 =	simm.s32 $0x700;
	s21 =	simm.s32 $0xA540;
	s12 =	simm.s32 $0x8;
	v31 =	vperm.xlane v57, v1;
	[tilespmem:s25+$0xFFFFFF20] =	vst v33;
	v33 =	vperm.xlane v57, v2;
	v57 =	vld [tilespmem:s25+$0x20]  }
.LBB2_3:
0xbb: {  	v60 =	vld [tilespmem:s21+$0x30];
	s23 =	sadd.s32 $0x80, s23  }
0xbc: {  	[tilespmem:s25+$0xFFFFFF30] =	vst v59;
	v63 =	vld [tilespmem:s23+$0x30]  }
0xbd: {  	[tilespmem:s25+$0xFFFFFF80] =	vst v56;
	v56 =	vld [tilespmem:s21+$0xFFFFFFF0]  }
0xbe: {  	v24 =	vmul.f32 v24, v20;
	[tilespmem:s25+$0xFFFFFF50] =	vst v47;
	v20 =	vld [tilespmem:s23+$0x0]  }
0xbf: {  	[tilespmem:s25+$0xFFFFFF60] =	vst v50;
	v4 =	vmov v29;
	v59 =	vld [tilespmem:s23+$0x10]  }
0xc0: {  	[tilespmem:$0x1FFB0] =	vst v4;
	v4 =	vld [tilespmem:$0x1FFC0]  }
0xc1: {  	v16 =	vmul.f32 v16, v10;
	v47 =	vld [tilespmem:s21+$0xFFFFFFD0]  }
0xc2: {  	v26 =	vmul.f32 v26, v22;
	[tilespmem:s25+$0xFFFFFF70] =	vst v52;
	v29 =	vld [tilespmem:s21+$0xFFFFFFE0];
	v42 =	vmul.f32 v45, v42  }
0xc3: {  	v5 =	vmov v28;
	[tilespmem:s25+$0xFFFFFF90] =	vst v58;
	v28 =	vld [tilespmem:s23+$0xFFFFFFD0];
	v43 =	vmul.f32 v46, v43;
	v40 =	vmul.f32 v48, v40  }
0xc4: {  	[tilespmem:$0x1FFA0] =	vst v5;
	v39 =	vmul.f32 v53, v39;
	v44 =	vmul.f32 v55, v44;
	v53 =	vld [tilespmem:s23+$0xFFFFFFE0];
	v55 =	vadd.f32 v63, v60  }
0xc5: {  	v13 =	vmul.f32 v13, v7;
	[tilespmem:s25+$0xFFFFFFA0] =	vst v54;
	v17 =	vmul.f32 v17, v4;
	v4 =	vld [tilespmem:$0x1FFD0]  }
0xc6: {  	v37 =	vmul.f32 v57, v37;
	v7 =	vmov v30;
	v30 =	vld [tilespmem:s23+$0xFFFFFFF0];
	[tilespmem:s25+$0xFFFFFFB0] =	vst v42;
	v57 =	vmul.f32 $2.000000030e-01, v55  }
0xc7: {  	v38 =	vmul.f32 v49, v38;
	v41 =	vmul.f32 v51, v41;
	v5 =	vmov v31;
	v31 =	vld [tilespmem:s21+$0x0];
	[tilespmem:s25+$0xFFFFFFC0] =	vst v43  }
0xc8: {  	v58 =	vld [tilespmem:s21+$0x10];
	v14 =	vmul.f32 v14, v8;
	[tilespmem:s25+$0xFFFFFFD0] =	vst v40;
	v28 =	vadd.f32 v28, v47;
	v22 =	vmax.f32 v55, v57  }
0xc9: {  	v49 =	vld [tilespmem:s23+$0xFFFFFFC0];
	v27 =	vmul.f32 v27, v23;
	[tilespmem:s25+$0xFFFFFFE0] =	vst v38;
	v29 =	vadd.f32 v53, v29;
	v22 =	vmul.f32 $1.442695020e+00, v22  }
0xca: {  	[tilespmem:s25+$0xFFFFFFF0] =	vst v41;
	v23 =	vmul.f32 $2.000000030e-01, v28;
	v18 =	vmul.f32 v18, v4;
	v4 =	vld [tilespmem:$0x1FFE0]  }
0xcb: {  	v10 =	vmovc v34;
	[tilespmem:s25+$0x0] =	vst v39;
	v60 =	vld [tilespmem:s21+$0x20];
	v30 =	vadd.f32 v30, v56;
	v34 =	vmul.f32 $2.000000030e-01, v29;
	(erf) = vpow2.f32 v22  }
0xcc: {  	v15 =	vmul.f32 v15, v11;
	[tilespmem:s25+$0x10] =	vst v44;
	v20 =	vadd.f32 v20, v31;
	v22 =	vmax.f32 v28, v23;
	v23 =	vld [tilespmem:s23+$0x20]  }
0xcd: {  	[tilespmem:s8+$0x40] =	vst v14;
	v61 =	vmul.f32 $2.000000030e-01, v30;
	v28 =	vld [tilespmem:s21+$0xFFFFFFC0];
	v29 =	vmax.f32 v29, v34;
	v22 =	vmul.f32 $1.442695020e+00, v22  }
0xce: {  	v6 =	vmovc v32;
	[tilespmem:s25+$0x20] =	vst v37;
	v32 =	vadd.f32 v59, v58;
	v14 =	vld [tilespmem:s25+$0x40];
	v31 =	vmul.f32 $2.000000030e-01, v20;
	v29 =	vmul.f32 $1.442695020e+00, v29  }
0xcf: {  	[tilespmem:s8+$0x30] =	vst v13;
	v30 =	vmax.f32 v30, v61;
	(erf) = vpow2.f32 v22;
	v19 =	vmul.f32 v19, v4;
	v4 =	vld [tilespmem:$0x1FFF0]  }
0xd0: {  	[tilespmem:s8+$0x50] =	vst v15;
	v13 =	vld [tilespmem:s25+$0x30];
	v20 =	vmax.f32 v20, v31;
	v30 =	vmul.f32 $1.442695020e+00, v30;
	v22 =	vmul.f32 $2.000000030e-01, v32  }
0xd1: {  	v15 =	vld [tilespmem:s25+$0x50];
	[tilespmem:s8+$0x60] =	vst v16;
	v31 =	vmul.f32 $1.442695020e+00, v20;
	(erf) = vpow2.f32 v29;
	v23 =	vadd.f32 v23, v60  }
0xd2: {  	v16 =	vld [tilespmem:s25+$0x60];
	[tilespmem:s8+$0x70] =	vst v17;
	v28 =	vadd.f32 v49, v28;
	v20 =	vmax.f32 v32, v22;
	(erf) = vpow2.f32 v30  }
0xd3: {  	v17 =	vld [tilespmem:s25+$0x70];
	[tilespmem:s8+$0x80] =	vst v18;
	v30 =	vmul.f32 $1.442695020e+00, v20;
	v22 =	vmul.f32 $2.000000030e-01, v23  }
0xd4: {  	s28 =	sadd.s32 $0x80, s28;
	v18 =	vld [tilespmem:s25+$0x80];
	[tilespmem:s8+$0x90] =	vst v19;
	v29 =	vmul.f32 $2.000000030e-01, v28;
	v21 =	vmul.f32 v21, v4;
	v62 =	vpop (erf)  }
0xd5: {  	v25 =	vmul.f32 v25, v9;
	v19 =	vld [tilespmem:s25+$0x90];
	s25 =	sadd.s32 $0x200, s25;
	[tilespmem:s28+$0x30] =	vst v62  }
0xd6: {  	v22 =	vmax.f32 v23, v22;
	v23 =	vmax.f32 v28, v29;
	[tilespmem:s8+$0xA0] =	vst v21;
	v29 =	vld [tilespmem:s25+$0xF0]  }
0xd7: {  	(erf) = vpow2.f32 v31;
	v21 =	vld [tilespmem:s7+$0xA0];
	[tilespmem:s8+$0xB0] =	vst v25;
	s8 =	smov.u32 s7  }
0xd8: {  	(erf) = vpow2.f32 v30;
	v30 =	vpop (erf);
	v25 =	vld [tilespmem:s8+$0xB0];
	[tilespmem:s8+$0xC0] =	vst v24  }
0xd9: {  	v4 =	vmov v33;
	v20 =	vperm.xlane v62, v0;
	v28 =	vmul.f32 $1.442695020e+00, v22;
	[tilespmem:s28+$0xFFFFFFD0] =	vst v30;
	v24 =	vld [tilespmem:s25+$0xC0]  }
0xda: {  	[tilespmem:$0x1FFF0] =	vst v4;
	v4 =	vmul.f32 $1.442695020e+00, v23;
	v22 =	vperm.xlane v62, v1;
	v48 =	vld [tilespmem:s25+$0xFFFFFF40]  }
0xdb: {  	v23 =	vperm.xlane v62, v2;
	(erf) = vpow2.f32 v28;
	v49 =	vld [tilespmem:s25+$0xFFFFFF50]  }
0xdc: {  	v28 =	vperm.xlane v62, v3;
	(erf) = vpow2.f32 v4;
	v51 =	vld [tilespmem:s25+$0xFFFFFF60]  }
0xdd: {  	v12 =	vmov v36;
	v36 =	vperm.xlane v30, v0;
	v47 =	vperm.xlane v30, v1;
	[tilespmem:s8+$0xD0] =	vst v26;
	v53 =	vld [tilespmem:s25+$0xFFFFFF70]  }
0xde: {  	v50 =	vperm.xlane v30, v2;
	v26 =	vld [tilespmem:s25+$0xD0];
	[tilespmem:s8+$0xE0] =	vst v27;
	v4 =	vmul.f32 v29, v28;
	v29 =	vpop (erf)  }
0xdf: {  	v52 =	vperm.xlane v30, v3;
	v27 =	vld [tilespmem:s25+$0xE0];
	[tilespmem:s28+$0xFFFFFFE0] =	vst v29;
	v54 =	vperm.xlane v29, v0  }
0xe0: {  	v30 =	vpop (erf);
	v57 =	vperm.xlane v29, v1;
	v60 =	vperm.xlane v29, v2;
	v55 =	vld [tilespmem:s25+$0xFFFFFF80]  }
0xe1: {  	v42 =	vperm.xlane v29, v3;
	v43 =	vperm.xlane v30, v0;
	v58 =	vld [tilespmem:s25+$0xFFFFFF90]  }
0xe2: {  	v28 =	vpop (erf);
	v40 =	vperm.xlane v30, v1;
	v38 =	vperm.xlane v30, v2;
	v61 =	vld [tilespmem:s25+$0xFFFFFFA0]  }
0xe3: {  	[tilespmem:s28+$0xFFFFFFF0] =	vst v30;
	v41 =	vperm.xlane v30, v3;
	v45 =	vld [tilespmem:s25+$0xFFFFFFB0];
	v31 =	vpop (erf);
	v39 =	vperm.xlane v28, v0  }
0xe4: {  	v44 =	vperm.xlane v28, v1;
	v46 =	vld [tilespmem:s25+$0xFFFFFFC0];
	v9 =	vmul.f32 v48, v36;
	v56 =	vpop (erf)  }
0xe5: {  	[tilespmem:$0x1FFC0] =	vst v7;
	v48 =	vld [tilespmem:s25+$0xFFFFFFD0];
	v47 =	vmul.f32 v49, v47;
	v50 =	vmul.f32 v51, v50;
	v30 =	vpop (erf)  }
0xe6: {  	v49 =	vld [tilespmem:s25+$0xFFFFFFE0];
	v52 =	vmul.f32 v53, v52;
	v29 =	vperm.xlane v31, v0;
	[tilespmem:s28+$0xFFFFFFC0] =	vst v30  }
0xe7: {  	v11 =	vmov v35;
	[tilespmem:$0x1FFD0] =	vst v6;
	v35 =	vperm.xlane v31, v1;
	v34 =	vperm.xlane v31, v2;
	v63 =	vld [tilespmem:s25+$0xFFFFFF00]  }
0xe8: {  	[tilespmem:$0x1FFE0] =	vst v5;
	v32 =	vperm.xlane v56, v0;
	v33 =	vperm.xlane v56, v2;
	v6 =	vld [tilespmem:s25+$0xFFFFFF10]  }
0xe9: {  	[tilespmem:s25+$0xF0] =	vst v4;
	v36 =	vperm.xlane v56, v3;
	v59 =	vperm.xlane v30, v0;
	v7 =	vld [tilespmem:s25+$0xFFFFFF20]  }
0xea: {  	s12 =	sadd.s32 $0x8, s12;
	[tilespmem:s28+$0x0] =	vst v28;
	v51 =	vld [tilespmem:s25+$0xFFFFFFF0];
	v62 =	vperm.xlane v30, v1;
	v4 =	vperm.xlane v30, v2  }
0xeb: {  	p1 =	slt.u32 s12, $0xF8;
	[tilespmem:s28+$0x10] =	vst v31;
	v5 =	vperm.xlane v30, v3;
	v30 =	vperm.xlane v31, v3;
	v8 =	vld [tilespmem:s25+$0xFFFFFF30]  }
.Ltmp0:
0xec: {  	v53 =	vld [tilespmem:s25+$0x0];
	[tilespmem:s25+$0xFFFFFF40] =	vst v9;
	v31 =	vperm.xlane v56, v1;
	v63 =	vmul.f32 v63, v59;
	(pc) =	sbr.rel @p1 .LBB2_3-.Ltmp0, $4  }
0xed: {  	[tilespmem:s28+$0x20] =	vst v56;
	v56 =	vmul.f32 v55, v54;
	v55 =	vld [tilespmem:s25+$0x10];
	v6 =	vmul.f32 v6, v62  }
0xee: {  	v58 =	vmul.f32 v58, v57;
	v57 =	vld [tilespmem:s25+$0x20];
	v4 =	vmul.f32 v7, v4;
	[tilespmem:s25+$0xFFFFFF00] =	vst v63  }
0xef: {  	v37 =	vperm.xlane v28, v2;
	v28 =	vperm.xlane v28, v3;
	v7 =	vld [tilespmem:$0x1FFA0];
	[tilespmem:s25+$0xFFFFFF10] =	vst v6  }
0xf0: {  	s21 =	sadd.s32 $0x80, s21;
	s7 =	smov.u32 s25;
	v9 =	vmov v12;
	v54 =	vmul.f32 v61, v60;
	v59 =	vmul.f32 v8, v5;
	v8 =	vld [tilespmem:$0x1FFB0];
	[tilespmem:s25+$0xFFFFFF20] =	vst v4  }
0xf1: {  	[tilespmem:s25+$0xFFFFFF50] =	vst v47  }
0xf2: {  	[tilespmem:s25+$0xFFFFFF60] =	vst v50  }
0xf3: {  	[tilespmem:s25+$0xFFFFFF70] =	vst v52  }
0xf4: {  	[tilespmem:s25+$0xFFFFFF80] =	vst v56  }
0xf5: {  	[tilespmem:s25+$0xFFFFFF90] =	vst v58  }
0xf6: {  	v4 =	vmul.f32 v45, v42;
	[tilespmem:s25+$0xFFFFFF30] =	vst v59  }
0xf7: {  	v5 =	vmul.f32 v46, v43;
	[tilespmem:s25+$0xFFFFFFA0] =	vst v54  }
0xf8: {  	v6 =	vmul.f32 v48, v40;
	[tilespmem:s25+$0xFFFFFFB0] =	vst v4  }
0xf9: {  	v4 =	vmul.f32 v49, v38;
	[tilespmem:s25+$0xFFFFFFC0] =	vst v5  }
0xfa: {  	v5 =	vmul.f32 v51, v41;
	[tilespmem:s25+$0xFFFFFFD0] =	vst v6  }
0xfb: {  	v6 =	vmul.f32 v53, v39;
	[tilespmem:s25+$0xFFFFFFE0] =	vst v4  }
0xfc: {  	v4 =	vmul.f32 v55, v44;
	[tilespmem:s25+$0xFFFFFFF0] =	vst v5  }
0xfd: {  	v5 =	vmul.f32 v57, v37;
	[tilespmem:s25+$0x0] =	vst v6  }
0xfe: {  	v6 =	vmul.f32 v13, v7;
	[tilespmem:s25+$0x10] =	vst v4  }
0xff: {  	v4 =	vmul.f32 v14, v8;
	[tilespmem:s25+$0x20] =	vst v5  }
0x100: {  	[tilespmem:s8+$0x30] =	vst v6  }
0x101: {  	[tilespmem:s8+$0x40] =	vst v4  }
0x102: {  	v4 =	vld [tilespmem:$0x1FFC0]  }
0x103: {  	v5 =	vmul.f32 v15, v11  }
0x104: {  	v6 =	vmul.f32 v16, v10  }
0x105: {  	[tilespmem:s8+$0x50] =	vst v5  }
0x106: {  	v5 =	vld [tilespmem:$0x1FFD0];
	[tilespmem:s8+$0x60] =	vst v6  }
0x107: {  	v6 =	vld [tilespmem:$0x1FFE0];
	v4 =	vmul.f32 v17, v4;
	_ =	sdelay $0x1  }
0x108: {  	[tilespmem:s8+$0x70] =	vst v4  }
0x109: {  	v4 =	vld [tilespmem:$0x1FFF0]  }
0x10a: {  	v5 =	vmul.f32 v18, v5  }
0x10b: {  	v7 =	vld [tilespmem:s25+$0x30];
	v6 =	vmul.f32 v19, v6  }
0x10c: {  	v10 =	vld [tilespmem:s25+$0x60];
	[tilespmem:s8+$0x80] =	vst v5;
	v5 =	vmul.f32 v25, v9  }
0x10d: {  	v8 =	vld [tilespmem:s25+$0x40];
	[tilespmem:s8+$0x90] =	vst v6;
	v6 =	vmul.f32 v24, v20  }
0x10e: {  	[tilespmem:s8+$0xB0] =	vst v5;
	v4 =	vmul.f32 v21, v4  }
0x10f: {  	v9 =	vld [tilespmem:s25+$0x50];
	v5 =	vmul.f32 v27, v23;
	[tilespmem:s7+$0xC0] =	vst v6  }
0x110: {  	v11 =	vld [tilespmem:s25+$0x70];
	[tilespmem:s8+$0xA0] =	vst v4;
	v4 =	vmul.f32 v26, v22  }
0x111: {  	v10 =	vmul.f32 v10, v34;
	v6 =	vld [tilespmem:s25+$0x80];
	[tilespmem:s7+$0xE0] =	vst v5  }
0x112: {  	v5 =	vmul.f32 v8, v29;
	v8 =	vld [tilespmem:s7+$0xA0];
	[tilespmem:s7+$0xD0] =	vst v4;
	v4 =	vmul.f32 v7, v28  }
0x113: {  	[tilespmem:s7+$0x60] =	vst v10;
	v7 =	vld [tilespmem:s25+$0x90]  }
0x114: {  	v9 =	vmul.f32 v9, v35;
	[tilespmem:s7+$0x30] =	vst v4;
	v4 =	vld [tilespmem:s7+$0xB0]  }
0x115: {  	[tilespmem:s7+$0x40] =	vst v5;
	v5 =	vmul.f32 v11, v30  }
0x116: {  	[tilespmem:s7+$0x50] =	vst v9;
	v6 =	vmul.f32 v6, v32  }
0x117: {  	[tilespmem:s7+$0x70] =	vst v5;
	v5 =	vmul.f32 v8, v33  }
0x118: {  	[tilespmem:s7+$0x80] =	vst v6;
	v7 =	vmul.f32 v7, v31  }
0x119: {  	[tilespmem:s7+$0xA0] =	vst v5;
	v4 =	vmul.f32 v4, v36  }
0x11a: {  	[tilespmem:s7+$0x90] =	vst v7  }
0x11b: {  	s12 =	simm.s32 $0x400;
	[tilespmem:s7+$0xB0] =	vst v4  }
0x11c: {  	[spmem:s1] =	stream.indirect.scatter.add.f32 [tilespmem:s12], [sflag:$0x3], $0x40, s26, s20, $0xb8;
	[tilespmem:$0x1AC00] =	vst v63  }
0x11d: {  	s7 =	simm.s32 @p0 $0x3  }
0x11e: {  	[spmem:s1] =	stream.indirect.scatter.add.f32 [tilespmem:s22], [sflag:$0x3], $0x40, s29, s20, $0xb8;
	[tilespmem:$0x1AC00] =	vst v63  }
0x11f: {  	_ =	swait.ge @p0 [sflag:s7], $0x2000  }
0x120: {  	[sflag:s7] =	ssyncset.done @p0 $0x0  }
0x121: {  	[sflag:s7] =	ssyncadd.s32 @p0 $0xFFFFE000  }
0x122: {  	_ =	swait.ge @p0 [sflag:s7], $0x2000  }
0x123: {  	s8 =	simm.s32 @!p0 $0x100;
	[sflag:s7] =	ssyncset.done @p0 $0x0  }
0x124: {  	s12 =	simm.s32 @!p0 $0x8400;
	[sflag:s7] =	ssyncadd.s32 @p0 $0xFFFFE000;
	s7 =	simm.s32 @!p0 $0x80  }
0x125: {  	[spmem:s3] =	stream.indirect.scatter.add.f32 @!p0 [tilespmem:s12], [sflag:$0x3], $0x10, s8, s7, $0xb8;
	[tilespmem:$0x1AC00] =	vst v63  }
0x126: {  	s8 =	simm.s32 @!p0 $0x180;
	s12 =	simm.s32 @!p0 $0x8C00  }
0x127: {  	[spmem:s3] =	stream.indirect.scatter.add.f32 @!p0 [tilespmem:s12], [sflag:$0x3], $0x10, s8, s7, $0xb8;
	[tilespmem:$0x1AC00] =	vst v63  }
0x128: {  	s7 =	simm.s32 @!p0 $0x3  }
0x129: {  	_ =	swait.ge @!p0 [sflag:s7], $0x2000  }
0x12a: {  	[sflag:s7] =	ssyncset.done @!p0 $0x0  }
0x12b: {  	[sflag:s7] =	ssyncadd.s32 @!p0 $0xFFFFE000  }
0x12c: {  	_ =	swait.ge @!p0 [sflag:s7], $0x2000  }
0x12d: {  	[sflag:s7] =	ssyncset.done @!p0 $0x0  }
0x12e: {  	[sflag:s7] =	ssyncadd.s32 @!p0 $0xFFFFE000  }
0x12f: {  	_ =	swait.ge @!p0 [sflag:s7], $0x800  }
0x130: {  	[sflag:s7] =	ssyncset.done @!p0 $0x0  }
0x131: {  	[sflag:s7] =	ssyncadd.s32 @!p0 $0xFFFFF800  }
0x132: {  	_ =	swait.ge @!p0 [sflag:s7], $0x800  }
0x133: {  	p1 =	seq.s32 s10, $0x29;
	[sflag:s7] =	ssyncset.done @!p0 $0x0  }
0x134: {  	s8 =	simm.s32 @!p1 $0x0;
	[sflag:s7] =	ssyncadd.s32 @!p0 $0xFFFFF800;
	s7 =	sadd.s32 @!p1 s18, s15  }
0x135: {  	[tilespmem:s8], [sflag:$0x5] =	stream.linear.gather @!p1 [hbm4b:s7+s8], $0x200, $0x38;
	[tilespmem:$0x1AC00] =	vst v63  }
0x136: {  	s7 =	simm.s32 @!p1 $0x5  }
0x137: {  	_ =	swait.ge @!p1 [sflag:s7], $0x200  }
0x138: {  	[sflag:s7] =	ssyncset.done @!p1 $0x0  }
0x139: {  	s12 =	simm.s32 @!p1 $0x400;
	[sflag:s7] =	ssyncadd.s32 @!p1 $0xFFFFFE00;
	s7 =	simm.s32 @!p1 $0x80  }
0x13a: {  	[tilespmem:s12], [sflag:$0x1] =	stream.indirect.gather @!p1 [hbm4b:s13+s7], $0x40, s8, s7, $0xb8;
	[tilespmem:$0x1AC00] =	vst v63  }
0x13b: {  	s12 =	simm.s32 @!p1 $0x2400  }
0x13c: {  	[tilespmem:s12], [sflag:$0x1] =	stream.indirect.gather @!p1 [hbm4b:s13+s7], $0x40, s7, s7, $0xb8;
	[tilespmem:$0x1AC00] =	vst v63  }
0x13d: {  	s12 =	simm.s32 @!p1 $0xA400  }
0x13e: {  	[tilespmem:s12], [sflag:$0x1] =	stream.indirect.gather @!p1 [hbm4b:s5+s7], $0x10, s8, s7, $0xb8;
	[tilespmem:$0x1AC00] =	vst v63  }
0x13f: {  	s8 =	simm.s32 @!p1 $0xAC00  }
0x140: {  	[tilespmem:s8], [sflag:$0x1] =	stream.indirect.gather @!p1 [hbm4b:s5+s7], $0x10, s7, s7, $0xb8;
	[tilespmem:$0x1AC00] =	vst v63  }
0x141: {  	s12 =	simm.s32 @!p1 $0xC400;
	s8 =	simm.s32 @!p1 $0x100  }
0x142: {  	[tilespmem:s12], [sflag:$0x1] =	stream.indirect.gather @!p1 [hbm4b:s6+s7], $0x10, s8, s7, $0xb8;
	[tilespmem:$0x1AC00] =	vst v63  }
0x143: {  	s8 =	simm.s32 @!p1 $0x180;
	s12 =	simm.s32 @!p1 $0xCC00  }
0x144: {  	[tilespmem:s12], [sflag:$0x1] =	stream.indirect.gather @!p1 [hbm4b:s6+s7], $0x10, s8, s7, $0xb8;
	[tilespmem:$0x1AC00] =	vst v63  }
0x145: {  	_ =	swait.ge [sflag:s17], $0x2000  }
0x146: {  	[sflag:s17] =	ssyncset.done $0x0  }
0x147: {  	[sflag:s17] =	ssyncadd.s32 $0xFFFFE000  }
0x148: {  	_ =	swait.ge [sflag:s17], $0x2000  }
0x149: {  	[sflag:s17] =	ssyncset.done $0x0  }
0x14a: {  	[sflag:s17] =	ssyncadd.s32 $0xFFFFE000  }
0x14b: {  	_ =	swait.ge [sflag:s17], $0x800  }
0x14c: {  	[sflag:s17] =	ssyncset.done $0x0  }
0x14d: {  	[sflag:s17] =	ssyncadd.s32 $0xFFFFF800  }
0x14e: {  	_ =	swait.ge [sflag:s17], $0x800  }
0x14f: {  	[sflag:s17] =	ssyncset.done $0x0  }
0x150: {  	[sflag:s17] =	ssyncadd.s32 $0xFFFFF800  }
0x151: {  	_ =	swait.ge [sflag:s17], $0x800  }
0x152: {  	[sflag:s17] =	ssyncset.done $0x0  }
0x153: {  	[sflag:s17] =	ssyncadd.s32 $0xFFFFF800  }
0x154: {  	_ =	swait.ge [sflag:s17], $0x800  }
0x155: {  	[sflag:s17] =	ssyncset.done $0x0  }
0x156: {  	s21 =	simm.s32 $0xB440;
	[sflag:s17] =	ssyncadd.s32 $0xFFFFF800  }
0x157: {  	s23 =	simm.s32 $0xD440;
	v4 =	vld [tilespmem:s21+$0x30]  }
0x158: {  	v5 =	vld [tilespmem:s23+$0x30]  }
0x159: {  	v6 =	vld [tilespmem:s23+$0xFFFFFFC0]  }
0x15a: {  	v7 =	vld [tilespmem:s21+$0xFFFFFFD0]  }
0x15b: {  	v8 =	vld [tilespmem:s23+$0xFFFFFFD0]  }
0x15c: {  	v9 =	vld [tilespmem:s21+$0xFFFFFFE0]  }
0x15d: {  	v10 =	vld [tilespmem:s23+$0xFFFFFFE0]  }
0x15e: {  	v11 =	vld [tilespmem:s21+$0xFFFFFFF0]  }
0x15f: {  	v12 =	vld [tilespmem:s21+$0x0];
	v4 =	vadd.f32 v5, v4  }
0x160: {  	v5 =	vld [tilespmem:s23+$0xFFFFFFF0]  }
0x161: {  	v14 =	vld [tilespmem:s23+$0x0];
	v13 =	vmul.f32 $2.000000030e-01, v4  }
0x162: {  	v15 =	vld [tilespmem:s21+$0x20];
	v7 =	vadd.f32 v8, v7  }
0x163: {  	v8 =	vld [tilespmem:s21+$0x10];
	v9 =	vadd.f32 v10, v9;
	v4 =	vmax.f32 v4, v13  }
0x164: {  	v10 =	vld [tilespmem:s23+$0x10];
	v13 =	vmul.f32 $2.000000030e-01, v7;
	v4 =	vmul.f32 $1.442695020e+00, v4  }
0x165: {  	v16 =	vmul.f32 $2.000000030e-01, v9;
	v5 =	vadd.f32 v5, v11;
	v11 =	vld [tilespmem:s23+$0x20]  }
0x166: {  	(erf) = vpow2.f32 v4;
	v4 =	vmax.f32 v7, v13;
	v7 =	vld [tilespmem:s21+$0xFFFFFFC0]  }
0x167: {  	v12 =	vadd.f32 v14, v12;
	v9 =	vmax.f32 v9, v16;
	v13 =	vmul.f32 $2.000000030e-01, v5  }
0x168: {  	v9 =	vmul.f32 $1.442695020e+00, v9;
	v4 =	vmul.f32 $1.442695020e+00, v4  }
0x169: {  	v8 =	vadd.f32 v10, v8;
	v5 =	vmax.f32 v5, v13;
	v13 =	vmul.f32 $2.000000030e-01, v12  }
0x16a: {  	v5 =	vmul.f32 $1.442695020e+00, v5;
	(erf) = vpow2.f32 v4;
	v4 =	vadd.f32 v11, v15  }
0x16b: {  	v11 =	vmul.f32 $2.000000030e-01, v8;
	v10 =	vmax.f32 v12, v13;
	v6 =	vadd.f32 v6, v7  }
0x16c: {  	v7 =	vmul.f32 $1.442695020e+00, v10;
	v10 =	vmul.f32 $2.000000030e-01, v4  }
0x16d: {  	(erf) = vpow2.f32 v9;
	v8 =	vmax.f32 v8, v11;
	v9 =	vmul.f32 $2.000000030e-01, v6  }
0x16e: {  	s28 =	simm.s32 $0xB4C0;
	(erf) = vpow2.f32 v5;
	v5 =	vmul.f32 $1.442695020e+00, v8;
	v4 =	vmax.f32 v4, v10  }
0x16f: {  	s18 =	simm.s32 $0xD4C0;
	v52 =	vld [tilespmem:s28+$0x30];
	(erf) = vpow2.f32 v7;
	v4 =	vmul.f32 $1.442695020e+00, v4;
	v6 =	vmax.f32 v6, v9  }
0x170: {  	s25 =	simm.s32 $0x9440;
	v55 =	vld [tilespmem:s18+$0x30];
	v7 =	vpop (erf);
	(erf) = vpow2.f32 v5;
	v5 =	vmul.f32 $1.442695020e+00, v6  }
0x171: {  	s8 =	simm.s32 $0x4500;
	v57 =	vld [tilespmem:s18+$0xFFFFFFC0];
	[tilespmem:s25+$0x30] =	vst v7  }
0x172: {  	(erf) = vpow2.f32 v4;
	v4 =	vld [tilespmem:s8+$0xF0]  }
0x173: {  	v22 =	vld [tilespmem:s8+$0xC0]  }
0x174: {  	v20 =	vld [tilespmem:s8+$0xD0];
	(erf) = vpow2.f32 v5;
	v5 =	vpop (erf)  }
0x175: {  	v23 =	vld [tilespmem:s8+$0xE0];
	[tilespmem:s25+$0xFFFFFFD0] =	vst v5  }
0x176: {  	v6 =	vld [tilespmem:s8+$0xFFFFFF40]  }
0x177: {  	v13 =	vld [tilespmem:s8+$0xFFFFFF50]  }
0x178: {  	v8 =	vpop (erf);
	v15 =	vld [tilespmem:s8+$0xFFFFFF60]  }
0x179: {  	[tilespmem:s25+$0xFFFFFFE0] =	vst v8;
	v16 =	vld [tilespmem:s8+$0xFFFFFF70]  }
0x17a: {  	v14 =	vpop (erf);
	v18 =	vld [tilespmem:s8+$0xFFFFFF80]  }
0x17b: {  	v24 =	vperm.xlane v7, v0;
	v9 =	vpop (erf);
	v27 =	vld [tilespmem:s8+$0xFFFFFF90]  }
0x17c: {  	v25 =	vperm.xlane v7, v1;
	v26 =	vperm.xlane v7, v2;
	v30 =	vld [tilespmem:s8+$0xFFFFFFA0];
	v17 =	vpop (erf);
	[tilespmem:s25+$0x0] =	vst v9  }
0x17d: {  	v7 =	vperm.xlane v7, v3;
	v21 =	vperm.xlane v5, v0;
	v19 =	vpop (erf);
	v45 =	vld [tilespmem:s8+$0x0]  }
0x17e: {  	v28 =	vperm.xlane v5, v1;
	v29 =	vperm.xlane v5, v2;
	v48 =	vld [tilespmem:s8+$0x10];
	v10 =	vpop (erf)  }
0x17f: {  	v32 =	vperm.xlane v5, v3;
	v31 =	vmul.f32 v4, v7;
	v50 =	vld [tilespmem:s8+$0x20];
	[tilespmem:s25+$0xFFFFFFC0] =	vst v10  }
0x180: {  	v34 =	vperm.xlane v8, v0;
	v35 =	vperm.xlane v8, v1;
	v33 =	vld [tilespmem:s8+$0xFFFFFF00]  }
0x181: {  	v37 =	vperm.xlane v8, v2;
	v4 =	vperm.xlane v17, v3;
	v36 =	vld [tilespmem:s8+$0xFFFFFF10]  }
0x182: {  	v38 =	vperm.xlane v8, v3;
	v40 =	vperm.xlane v14, v0;
	v39 =	vld [tilespmem:s8+$0xFFFFFF20]  }
0x183: {  	v41 =	vperm.xlane v14, v1;
	v42 =	vld [tilespmem:s8+$0xFFFFFF30];
	[tilespmem:$0x1FF60] =	vst v4;
	v4 =	vperm.xlane v19, v0  }
0x184: {  	v43 =	vperm.xlane v14, v2;
	v44 =	vperm.xlane v14, v3  }
0x185: {  	v46 =	vperm.xlane v9, v0;
	v58 =	vld [tilespmem:s28+$0xFFFFFFD0];
	[tilespmem:$0x1FF70] =	vst v4;
	v4 =	vperm.xlane v19, v1  }
0x186: {  	v47 =	vperm.xlane v9, v1;
	v49 =	vperm.xlane v9, v2  }
0x187: {  	v7 =	vperm.xlane v9, v3;
	[tilespmem:$0x1FF80] =	vst v4;
	v4 =	vperm.xlane v19, v2  }
0x188: {  	v8 =	vperm.xlane v17, v0;
	v29 =	vmul.f32 v15, v29;
	v15 =	vadd.f32 v55, v52  }
0x189: {  	v11 =	vperm.xlane v17, v1;
	v9 =	vperm.xlane v19, v3;
	v59 =	vld [tilespmem:s18+$0xFFFFFFD0];
	[tilespmem:$0x1FF90] =	vst v4  }
0x18a: {  	v34 =	vmul.f32 v18, v34;
	v18 =	vmul.f32 $2.000000030e-01, v15;
	v60 =	vld [tilespmem:s28+$0xFFFFFFE0]  }
0x18b: {  	v21 =	vmul.f32 v6, v21;
	v28 =	vmul.f32 v13, v28;
	v61 =	vld [tilespmem:s18+$0xFFFFFFE0]  }
0x18c: {  	v32 =	vmul.f32 v16, v32;
	v51 =	vperm.xlane v10, v0;
	v15 =	vmax.f32 v15, v18;
	v13 =	vld [tilespmem:s28+$0xFFFFFFF0]  }
0x18d: {  	v53 =	vperm.xlane v10, v1;
	v15 =	vmul.f32 $1.442695020e+00, v15;
	v62 =	vld [tilespmem:s18+$0xFFFFFFF0]  }
0x18e: {  	v54 =	vperm.xlane v10, v2;
	v56 =	vperm.xlane v10, v3;
	v16 =	vld [tilespmem:s28+$0x0]  }
0x18f: {  	v36 =	vmul.f32 v36, v53;
	(erf) = vpow2.f32 v15;
	v53 =	vld [tilespmem:s18+$0x0]  }
0x190: {  	v10 =	vperm.xlane v17, v2;
	v30 =	vmul.f32 v30, v37;
	v37 =	vld [tilespmem:s28+$0x10];
	[tilespmem:s8+$0xF0] =	vst v31  }
0x191: {  	v27 =	vmul.f32 v27, v35;
	v45 =	vmul.f32 v45, v46;
	[tilespmem:s25+$0xFFFFFFF0] =	vst v14;
	v52 =	vld [tilespmem:s8+$0xFFFFFFB0]  }
0x192: {  	v33 =	vmul.f32 v33, v51;
	v39 =	vmul.f32 v39, v54;
	[tilespmem:s25+$0x20] =	vst v19;
	v19 =	vld [tilespmem:s8+$0xFFFFFFC0]  }
0x193: {  	v42 =	vmul.f32 v42, v56;
	v31 =	vmul.f32 v48, v47;
	[tilespmem:s25+$0x10] =	vst v17;
	v55 =	vld [tilespmem:s8+$0xFFFFFFD0];
	v63 =	vadd.f32 v59, v58  }
0x194: {  	v14 =	vmul.f32 v50, v49;
	[tilespmem:s8+$0xFFFFFF70] =	vst v32;
	v32 =	vmul.f32 v22, v24;
	v58 =	vld [tilespmem:s18+$0x10];
	v18 =	vadd.f32 v61, v60  }
0x195: {  	[tilespmem:s8+$0xFFFFFF80] =	vst v34;
	v34 =	vmul.f32 v20, v25;
	v59 =	vmul.f32 $2.000000030e-01, v63;
	v60 =	vld [tilespmem:s28+$0x20]  }
0x196: {  	[tilespmem:s8+$0x0] =	vst v45;
	v45 =	vmul.f32 v23, v26;
	v13 =	vadd.f32 v62, v13;
	v62 =	vld [tilespmem:s18+$0x20];
	v61 =	vmul.f32 $2.000000030e-01, v18  }
0x197: {  	[tilespmem:s8+$0xFFFFFF50] =	vst v28;
	v16 =	vadd.f32 v53, v16;
	v28 =	vmul.f32 v19, v40;
	v15 =	vmax.f32 v63, v59;
	v63 =	vld [tilespmem:s28+$0xFFFFFFC0]  }
0x198: {  	[tilespmem:s8+$0xFFFFFF60] =	vst v29;
	v56 =	vld [tilespmem:s8+$0xFFFFFFE0];
	v29 =	vpop (erf);
	v15 =	vmul.f32 $1.442695020e+00, v15;
	v17 =	vmax.f32 v18, v61;
	v18 =	vmul.f32 $2.000000030e-01, v13  }
0x199: {  	s25 =	simm.s32 $0x94C0;
	v25 =	vld [tilespmem:s8+$0xB0];
	v37 =	vadd.f32 v58, v37;
	v20 =	vperm.xlane v29, v0;
	v22 =	vperm.xlane v29, v1  }
0x19a: {  	[tilespmem:s8+$0x10] =	vst v31;
	v19 =	vld [tilespmem:s8+$0x90];
	v17 =	vmul.f32 $1.442695020e+00, v17;
	v13 =	vmax.f32 v13, v18;
	v18 =	vmul.f32 $2.000000030e-01, v16  }
0x19b: {  	s23 =	simm.s32 $0x4700;
	v59 =	vld [tilespmem:s8+$0xFFFFFFF0];
	[tilespmem:s25+$0x30] =	vst v29;
	(erf) = vpow2.f32 v15;
	v58 =	vadd.f32 v62, v60;
	v15 =	vmul.f32 $2.000000030e-01, v37  }
0x19c: {  	[tilespmem:s8+$0x20] =	vst v14;
	v24 =	vld [tilespmem:s23+$0xC0];
	v31 =	vmul.f32 $1.442695020e+00, v13;
	v14 =	vmax.f32 v16, v18;
	v18 =	vadd.f32 v57, v63  }
0x19d: {  	[tilespmem:s8+$0xFFFFFF40] =	vst v21;
	v26 =	vld [tilespmem:s23+$0xD0];
	(erf) = vpow2.f32 v17;
	v16 =	vmul.f32 $2.000000030e-01, v58  }
0x19e: {  	[tilespmem:s8+$0xFFFFFF90] =	vst v27;
	v27 =	vld [tilespmem:s23+$0xE0];
	v17 =	vmax.f32 v37, v15;
	v21 =	vmul.f32 $1.442695020e+00, v14;
	v60 =	vmul.f32 $2.000000030e-01, v18  }
0x19f: {  	v62 =	vld [tilespmem:s23+$0xF0];
	(erf) = vpow2.f32 v31;
	v31 =	vmul.f32 $1.442695020e+00, v17;
	v17 =	vmax.f32 v58, v16  }
0x1a0: {  	v13 =	vld [tilespmem:s8+$0x30];
	(erf) = vpow2.f32 v21;
	v21 =	vmul.f32 $1.442695020e+00, v17;
	v18 =	vmax.f32 v18, v60  }
0x1a1: {  	[tilespmem:s8+$0xFFFFFF00] =	vst v33;
	v15 =	vld [tilespmem:s8+$0x50];
	(erf) = vpow2.f32 v31;
	v31 =	vmul.f32 $1.442695020e+00, v18  }
0x1a2: {  	[tilespmem:s8+$0xFFFFFF10] =	vst v36;
	v23 =	vperm.xlane v29, v2;
	v14 =	vld [tilespmem:s8+$0x40];
	(erf) = vpow2.f32 v21  }
0x1a3: {  	[tilespmem:s8+$0xFFFFFF20] =	vst v39;
	v29 =	vperm.xlane v29, v3;
	v16 =	vld [tilespmem:s8+$0x60];
	(erf) = vpow2.f32 v31  }
0x1a4: {  	[tilespmem:s8+$0xFFFFFF30] =	vst v42;
	v35 =	vmul.f32 v56, v43;
	v61 =	vmul.f32 v52, v38;
	v17 =	vld [tilespmem:s8+$0x70]  }
0x1a5: {  	[tilespmem:s8+$0xFFFFFFA0] =	vst v30;
	v36 =	vmul.f32 v59, v44;
	v50 =	vmul.f32 v62, v29;
	v18 =	vld [tilespmem:s8+$0x80];
	v63 =	vpop (erf)  }
0x1a6: {  	v21 =	vld [tilespmem:s8+$0xA0];
	v31 =	vmul.f32 v55, v41;
	[tilespmem:s25+$0xFFFFFFD0] =	vst v63;
	v46 =	vperm.xlane v63, v0  }
0x1a7: {  	[tilespmem:s8+$0xC0] =	vst v32;
	v47 =	vperm.xlane v63, v1;
	v53 =	vperm.xlane v63, v2;
	v39 =	vpop (erf);
	v33 =	vld [tilespmem:s23+$0xFFFFFF40]  }
0x1a8: {  	[tilespmem:s8+$0xD0] =	vst v34;
	v54 =	vperm.xlane v63, v3;
	v52 =	vld [tilespmem:s23+$0xFFFFFF50];
	v60 =	vperm.xlane v39, v0;
	v30 =	vpop (erf)  }
0x1a9: {  	[tilespmem:s8+$0xFFFFFFC0] =	vst v28;
	v49 =	vld [tilespmem:s23+$0xFFFFFF60];
	v55 =	vperm.xlane v39, v1;
	v4 =	vperm.xlane v39, v2;
	v48 =	vpop (erf)  }
0x1aa: {  	v58 =	vld [tilespmem:s23+$0xFFFFFF70];
	v42 =	vperm.xlane v39, v3;
	[tilespmem:s25+$0xFFFFFFE0] =	vst v39;
	v43 =	vperm.xlane v30, v0;
	v51 =	vpop (erf)  }
0x1ab: {  	[tilespmem:s8+$0xFFFFFFB0] =	vst v61;
	v61 =	vld [tilespmem:s23+$0xFFFFFF90];
	v40 =	vperm.xlane v30, v1;
	v38 =	vperm.xlane v30, v2;
	v57 =	vpop (erf)  }
0x1ac: {  	[tilespmem:s8+$0xFFFFFFF0] =	vst v36;
	v62 =	vld [tilespmem:s23+$0xFFFFFFA0];
	v41 =	vperm.xlane v30, v3;
	v39 =	vperm.xlane v48, v0;
	v56 =	vpop (erf)  }
0x1ad: {  	v36 =	vld [tilespmem:s23+$0xFFFFFF80];
	v44 =	vperm.xlane v48, v1;
	v37 =	vperm.xlane v48, v2;
	[tilespmem:s25+$0xFFFFFFC0] =	vst v56  }
0x1ae: {  	[tilespmem:s8+$0xFFFFFFE0] =	vst v35;
	v28 =	vperm.xlane v48, v3;
	v33 =	vmul.f32 v33, v46;
	v29 =	vld [tilespmem:s23+$0xFFFFFF00]  }
0x1af: {  	[tilespmem:s23+$0xF0] =	vst v50;
	v47 =	vmul.f32 v52, v47;
	v50 =	vmul.f32 v49, v53;
	v35 =	vld [tilespmem:s23+$0xFFFFFF10]  }
0x1b0: {  	[tilespmem:s8+$0xE0] =	vst v45;
	v45 =	vld [tilespmem:s23+$0xFFFFFFB0];
	v52 =	vmul.f32 v58, v54;
	v58 =	vmul.f32 v61, v55  }
0x1b1: {  	[tilespmem:s8+$0xFFFFFFD0] =	vst v31;
	v54 =	vmul.f32 v62, v4;
	v32 =	vperm.xlane v56, v0;
	v59 =	vld [tilespmem:s23+$0xFFFFFF20]  }
0x1b2: {  	[tilespmem:s25+$0xFFFFFFF0] =	vst v30;
	v34 =	vperm.xlane v56, v1;
	v30 =	vperm.xlane v56, v2;
	v63 =	vld [tilespmem:s23+$0xFFFFFF30]  }
0x1b3: {  	[tilespmem:s25+$0x0] =	vst v48;
	v46 =	vld [tilespmem:s23+$0xFFFFFFC0];
	v56 =	vperm.xlane v56, v3;
	v32 =	vmul.f32 v29, v32  }
0x1b4: {  	v48 =	vld [tilespmem:s23+$0xFFFFFFD0];
	[tilespmem:s25+$0x10] =	vst v51;
	v29 =	vperm.xlane v51, v0;
	v31 =	vmul.f32 v35, v34  }
0x1b5: {  	v49 =	vld [tilespmem:s23+$0xFFFFFFE0];
	[tilespmem:s23+$0xFFFFFF40] =	vst v33;
	v35 =	vperm.xlane v51, v1;
	v34 =	vperm.xlane v51, v2  }
0x1b6: {  	v53 =	vld [tilespmem:s23+$0x0];
	[tilespmem:s25+$0x20] =	vst v57;
	v33 =	vmul.f32 v59, v30;
	v30 =	vperm.xlane v51, v3  }
0x1b7: {  	v55 =	vld [tilespmem:s23+$0x10];
	v59 =	vmul.f32 v63, v56;
	v56 =	vmul.f32 v36, v60;
	[tilespmem:s23+$0xFFFFFF00] =	vst v32  }
0x1b8: {  	v51 =	vld [tilespmem:s23+$0xFFFFFFF0];
	v36 =	vperm.xlane v57, v3;
	v32 =	vperm.xlane v57, v0;
	[tilespmem:s23+$0xFFFFFF10] =	vst v31  }
0x1b9: {  	s12 =	simm.s32 $0x8;
	s7 =	simm.s32 $0x4700;
	s21 =	simm.s32 $0xB540;
	v31 =	vperm.xlane v57, v1;
	[tilespmem:s23+$0xFFFFFF20] =	vst v33;
	v33 =	vperm.xlane v57, v2;
	v57 =	vld [tilespmem:s23+$0x20]  }
.LBB2_5:
0x1ba: {  	v60 =	vld [tilespmem:s21+$0x30];
	s18 =	sadd.s32 $0x80, s18  }
0x1bb: {  	[tilespmem:s23+$0xFFFFFF30] =	vst v59;
	v63 =	vld [tilespmem:s18+$0x30]  }
0x1bc: {  	[tilespmem:s23+$0xFFFFFF80] =	vst v56;
	v56 =	vld [tilespmem:s21+$0xFFFFFFF0]  }
0x1bd: {  	v24 =	vmul.f32 v24, v20;
	[tilespmem:s23+$0xFFFFFF50] =	vst v47;
	v20 =	vld [tilespmem:s18+$0x0]  }
0x1be: {  	[tilespmem:s23+$0xFFFFFF60] =	vst v50;
	v4 =	vmov v29;
	v59 =	vld [tilespmem:s18+$0x10]  }
0x1bf: {  	[tilespmem:$0x1FF50] =	vst v4;
	v4 =	vld [tilespmem:$0x1FF60]  }
0x1c0: {  	v16 =	vmul.f32 v16, v10;
	v47 =	vld [tilespmem:s21+$0xFFFFFFD0]  }
0x1c1: {  	v26 =	vmul.f32 v26, v22;
	[tilespmem:s23+$0xFFFFFF70] =	vst v52;
	v29 =	vld [tilespmem:s21+$0xFFFFFFE0];
	v42 =	vmul.f32 v45, v42  }
0x1c2: {  	v5 =	vmov v28;
	[tilespmem:s23+$0xFFFFFF90] =	vst v58;
	v28 =	vld [tilespmem:s18+$0xFFFFFFD0];
	v43 =	vmul.f32 v46, v43;
	v40 =	vmul.f32 v48, v40  }
0x1c3: {  	[tilespmem:$0x1FF40] =	vst v5;
	v39 =	vmul.f32 v53, v39;
	v44 =	vmul.f32 v55, v44;
	v53 =	vld [tilespmem:s18+$0xFFFFFFE0];
	v55 =	vadd.f32 v63, v60  }
0x1c4: {  	v13 =	vmul.f32 v13, v7;
	[tilespmem:s23+$0xFFFFFFA0] =	vst v54;
	v17 =	vmul.f32 v17, v4;
	v4 =	vld [tilespmem:$0x1FF70]  }
0x1c5: {  	v37 =	vmul.f32 v57, v37;
	v7 =	vmov v30;
	v30 =	vld [tilespmem:s18+$0xFFFFFFF0];
	[tilespmem:s23+$0xFFFFFFB0] =	vst v42;
	v57 =	vmul.f32 $2.000000030e-01, v55  }
0x1c6: {  	v38 =	vmul.f32 v49, v38;
	v41 =	vmul.f32 v51, v41;
	v5 =	vmov v31;
	v31 =	vld [tilespmem:s21+$0x0];
	[tilespmem:s23+$0xFFFFFFC0] =	vst v43  }
0x1c7: {  	v58 =	vld [tilespmem:s21+$0x10];
	v14 =	vmul.f32 v14, v8;
	[tilespmem:s23+$0xFFFFFFD0] =	vst v40;
	v28 =	vadd.f32 v28, v47;
	v22 =	vmax.f32 v55, v57  }
0x1c8: {  	v49 =	vld [tilespmem:s18+$0xFFFFFFC0];
	v27 =	vmul.f32 v27, v23;
	[tilespmem:s23+$0xFFFFFFE0] =	vst v38;
	v29 =	vadd.f32 v53, v29;
	v22 =	vmul.f32 $1.442695020e+00, v22  }
0x1c9: {  	[tilespmem:s23+$0xFFFFFFF0] =	vst v41;
	v23 =	vmul.f32 $2.000000030e-01, v28;
	v18 =	vmul.f32 v18, v4;
	v4 =	vld [tilespmem:$0x1FF80]  }
0x1ca: {  	v10 =	vmovc v34;
	[tilespmem:s23+$0x0] =	vst v39;
	v60 =	vld [tilespmem:s21+$0x20];
	v30 =	vadd.f32 v30, v56;
	v34 =	vmul.f32 $2.000000030e-01, v29;
	(erf) = vpow2.f32 v22  }
0x1cb: {  	v15 =	vmul.f32 v15, v11;
	[tilespmem:s23+$0x10] =	vst v44;
	v20 =	vadd.f32 v20, v31;
	v22 =	vmax.f32 v28, v23;
	v23 =	vld [tilespmem:s18+$0x20]  }
0x1cc: {  	[tilespmem:s8+$0x40] =	vst v14;
	v61 =	vmul.f32 $2.000000030e-01, v30;
	v28 =	vld [tilespmem:s21+$0xFFFFFFC0];
	v29 =	vmax.f32 v29, v34;
	v22 =	vmul.f32 $1.442695020e+00, v22  }
0x1cd: {  	v6 =	vmovc v32;
	[tilespmem:s23+$0x20] =	vst v37;
	v32 =	vadd.f32 v59, v58;
	v14 =	vld [tilespmem:s23+$0x40];
	v31 =	vmul.f32 $2.000000030e-01, v20;
	v29 =	vmul.f32 $1.442695020e+00, v29  }
0x1ce: {  	[tilespmem:s8+$0x30] =	vst v13;
	v30 =	vmax.f32 v30, v61;
	(erf) = vpow2.f32 v22;
	v19 =	vmul.f32 v19, v4;
	v4 =	vld [tilespmem:$0x1FF90]  }
0x1cf: {  	[tilespmem:s8+$0x50] =	vst v15;
	v13 =	vld [tilespmem:s23+$0x30];
	v20 =	vmax.f32 v20, v31;
	v30 =	vmul.f32 $1.442695020e+00, v30;
	v22 =	vmul.f32 $2.000000030e-01, v32  }
0x1d0: {  	v15 =	vld [tilespmem:s23+$0x50];
	[tilespmem:s8+$0x60] =	vst v16;
	v31 =	vmul.f32 $1.442695020e+00, v20;
	(erf) = vpow2.f32 v29;
	v23 =	vadd.f32 v23, v60  }
0x1d1: {  	v16 =	vld [tilespmem:s23+$0x60];
	[tilespmem:s8+$0x70] =	vst v17;
	v28 =	vadd.f32 v49, v28;
	v20 =	vmax.f32 v32, v22;
	(erf) = vpow2.f32 v30  }
0x1d2: {  	v17 =	vld [tilespmem:s23+$0x70];
	[tilespmem:s8+$0x80] =	vst v18;
	v30 =	vmul.f32 $1.442695020e+00, v20;
	v22 =	vmul.f32 $2.000000030e-01, v23  }
0x1d3: {  	s25 =	sadd.s32 $0x80, s25;
	v18 =	vld [tilespmem:s23+$0x80];
	[tilespmem:s8+$0x90] =	vst v19;
	v29 =	vmul.f32 $2.000000030e-01, v28;
	v21 =	vmul.f32 v21, v4;
	v62 =	vpop (erf)  }
0x1d4: {  	v25 =	vmul.f32 v25, v9;
	v19 =	vld [tilespmem:s23+$0x90];
	s23 =	sadd.s32 $0x200, s23;
	[tilespmem:s25+$0x30] =	vst v62  }
0x1d5: {  	v22 =	vmax.f32 v23, v22;
	v23 =	vmax.f32 v28, v29;
	[tilespmem:s8+$0xA0] =	vst v21;
	v29 =	vld [tilespmem:s23+$0xF0]  }
0x1d6: {  	(erf) = vpow2.f32 v31;
	v21 =	vld [tilespmem:s7+$0xA0];
	[tilespmem:s8+$0xB0] =	vst v25;
	s8 =	smov.u32 s7  }
0x1d7: {  	(erf) = vpow2.f32 v30;
	v30 =	vpop (erf);
	v25 =	vld [tilespmem:s8+$0xB0];
	[tilespmem:s8+$0xC0] =	vst v24  }
0x1d8: {  	v4 =	vmov v33;
	v20 =	vperm.xlane v62, v0;
	v28 =	vmul.f32 $1.442695020e+00, v22;
	[tilespmem:s25+$0xFFFFFFD0] =	vst v30;
	v24 =	vld [tilespmem:s23+$0xC0]  }
0x1d9: {  	[tilespmem:$0x1FF90] =	vst v4;
	v4 =	vmul.f32 $1.442695020e+00, v23;
	v22 =	vperm.xlane v62, v1;
	v48 =	vld [tilespmem:s23+$0xFFFFFF40]  }
0x1da: {  	v23 =	vperm.xlane v62, v2;
	(erf) = vpow2.f32 v28;
	v49 =	vld [tilespmem:s23+$0xFFFFFF50]  }
0x1db: {  	v28 =	vperm.xlane v62, v3;
	(erf) = vpow2.f32 v4;
	v51 =	vld [tilespmem:s23+$0xFFFFFF60]  }
0x1dc: {  	v12 =	vmov v36;
	v36 =	vperm.xlane v30, v0;
	v47 =	vperm.xlane v30, v1;
	[tilespmem:s8+$0xD0] =	vst v26;
	v53 =	vld [tilespmem:s23+$0xFFFFFF70]  }
0x1dd: {  	v50 =	vperm.xlane v30, v2;
	v26 =	vld [tilespmem:s23+$0xD0];
	[tilespmem:s8+$0xE0] =	vst v27;
	v4 =	vmul.f32 v29, v28;
	v29 =	vpop (erf)  }
0x1de: {  	v52 =	vperm.xlane v30, v3;
	v27 =	vld [tilespmem:s23+$0xE0];
	[tilespmem:s25+$0xFFFFFFE0] =	vst v29;
	v54 =	vperm.xlane v29, v0  }
0x1df: {  	v30 =	vpop (erf);
	v57 =	vperm.xlane v29, v1;
	v60 =	vperm.xlane v29, v2;
	v55 =	vld [tilespmem:s23+$0xFFFFFF80]  }
0x1e0: {  	v42 =	vperm.xlane v29, v3;
	v43 =	vperm.xlane v30, v0;
	v58 =	vld [tilespmem:s23+$0xFFFFFF90]  }
0x1e1: {  	v28 =	vpop (erf);
	v40 =	vperm.xlane v30, v1;
	v38 =	vperm.xlane v30, v2;
	v61 =	vld [tilespmem:s23+$0xFFFFFFA0]  }
0x1e2: {  	[tilespmem:s25+$0xFFFFFFF0] =	vst v30;
	v41 =	vperm.xlane v30, v3;
	v45 =	vld [tilespmem:s23+$0xFFFFFFB0];
	v31 =	vpop (erf);
	v39 =	vperm.xlane v28, v0  }
0x1e3: {  	v44 =	vperm.xlane v28, v1;
	v46 =	vld [tilespmem:s23+$0xFFFFFFC0];
	v9 =	vmul.f32 v48, v36;
	v56 =	vpop (erf)  }
0x1e4: {  	[tilespmem:$0x1FF60] =	vst v7;
	v48 =	vld [tilespmem:s23+$0xFFFFFFD0];
	v47 =	vmul.f32 v49, v47;
	v50 =	vmul.f32 v51, v50;
	v30 =	vpop (erf)  }
0x1e5: {  	v49 =	vld [tilespmem:s23+$0xFFFFFFE0];
	v52 =	vmul.f32 v53, v52;
	v29 =	vperm.xlane v31, v0;
	[tilespmem:s25+$0xFFFFFFC0] =	vst v30  }
0x1e6: {  	v11 =	vmov v35;
	[tilespmem:$0x1FF70] =	vst v6;
	v35 =	vperm.xlane v31, v1;
	v34 =	vperm.xlane v31, v2;
	v63 =	vld [tilespmem:s23+$0xFFFFFF00]  }
0x1e7: {  	[tilespmem:$0x1FF80] =	vst v5;
	v32 =	vperm.xlane v56, v0;
	v33 =	vperm.xlane v56, v2;
	v6 =	vld [tilespmem:s23+$0xFFFFFF10]  }
0x1e8: {  	[tilespmem:s23+$0xF0] =	vst v4;
	v36 =	vperm.xlane v56, v3;
	v59 =	vperm.xlane v30, v0;
	v7 =	vld [tilespmem:s23+$0xFFFFFF20]  }
0x1e9: {  	s12 =	sadd.s32 $0x8, s12;
	[tilespmem:s25+$0x0] =	vst v28;
	v51 =	vld [tilespmem:s23+$0xFFFFFFF0];
	v62 =	vperm.xlane v30, v1;
	v4 =	vperm.xlane v30, v2  }
0x1ea: {  	p1 =	slt.u32 s12, $0xF8;
	[tilespmem:s25+$0x10] =	vst v31;
	v5 =	vperm.xlane v30, v3;
	v30 =	vperm.xlane v31, v3;
	v8 =	vld [tilespmem:s23+$0xFFFFFF30]  }
.Ltmp1:
0x1eb: {  	v53 =	vld [tilespmem:s23+$0x0];
	[tilespmem:s23+$0xFFFFFF40] =	vst v9;
	v31 =	vperm.xlane v56, v1;
	v63 =	vmul.f32 v63, v59;
	(pc) =	sbr.rel @p1 .LBB2_5-.Ltmp1, $4  }
0x1ec: {  	[tilespmem:s25+$0x20] =	vst v56;
	v56 =	vmul.f32 v55, v54;
	v55 =	vld [tilespmem:s23+$0x10];
	v6 =	vmul.f32 v6, v62  }
0x1ed: {  	v58 =	vmul.f32 v58, v57;
	v57 =	vld [tilespmem:s23+$0x20];
	v4 =	vmul.f32 v7, v4;
	[tilespmem:s23+$0xFFFFFF00] =	vst v63  }
0x1ee: {  	v37 =	vperm.xlane v28, v2;
	v28 =	vperm.xlane v28, v3;
	v7 =	vld [tilespmem:$0x1FF40];
	[tilespmem:s23+$0xFFFFFF10] =	vst v6  }
0x1ef: {  	s21 =	sadd.s32 $0x80, s21;
	s7 =	smov.u32 s23;
	v9 =	vmov v12;
	v54 =	vmul.f32 v61, v60;
	v59 =	vmul.f32 v8, v5;
	v8 =	vld [tilespmem:$0x1FF50];
	[tilespmem:s23+$0xFFFFFF20] =	vst v4  }
0x1f0: {  	[tilespmem:s23+$0xFFFFFF50] =	vst v47  }
0x1f1: {  	[tilespmem:s23+$0xFFFFFF60] =	vst v50  }
0x1f2: {  	[tilespmem:s23+$0xFFFFFF70] =	vst v52  }
0x1f3: {  	[tilespmem:s23+$0xFFFFFF80] =	vst v56  }
0x1f4: {  	[tilespmem:s23+$0xFFFFFF90] =	vst v58  }
0x1f5: {  	v4 =	vmul.f32 v45, v42;
	[tilespmem:s23+$0xFFFFFF30] =	vst v59  }
0x1f6: {  	v5 =	vmul.f32 v46, v43;
	[tilespmem:s23+$0xFFFFFFA0] =	vst v54  }
0x1f7: {  	v6 =	vmul.f32 v48, v40;
	[tilespmem:s23+$0xFFFFFFB0] =	vst v4  }
0x1f8: {  	v52 =	vmul.f32 v53, v39;
	[tilespmem:s23+$0xFFFFFFC0] =	vst v5  }
0x1f9: {  	v4 =	vmul.f32 v49, v38;
	[tilespmem:s23+$0xFFFFFFD0] =	vst v6  }
0x1fa: {  	v5 =	vmul.f32 v51, v41;
	[tilespmem:s23+$0x0] =	vst v52  }
0x1fb: {  	v53 =	vmul.f32 v13, v7;
	[tilespmem:s23+$0xFFFFFFE0] =	vst v4  }
0x1fc: {  	v4 =	vmul.f32 v55, v44;
	[tilespmem:s23+$0xFFFFFFF0] =	vst v5  }
0x1fd: {  	v5 =	vmul.f32 v57, v37;
	[tilespmem:s8+$0x30] =	vst v53  }
0x1fe: {  	[tilespmem:s23+$0x10] =	vst v4;
	v4 =	vmul.f32 v14, v8  }
0x1ff: {  	[tilespmem:s23+$0x20] =	vst v5  }
0x200: {  	[tilespmem:s8+$0x40] =	vst v4  }
0x201: {  	v4 =	vld [tilespmem:$0x1FF60]  }
0x202: {  	v5 =	vmul.f32 v15, v11;
	_ =	sdelay $0x1  }
0x203: {  	[tilespmem:s8+$0x50] =	vst v5  }
0x204: {  	v54 =	vmul.f32 v16, v10;
	v5 =	vld [tilespmem:$0x1FF70]  }
0x205: {  	v62 =	vld [tilespmem:s23+$0x90];
	v4 =	vmul.f32 v17, v4  }
0x206: {  	v59 =	vld [tilespmem:s23+$0x60];
	[tilespmem:s8+$0x60] =	vst v54  }
0x207: {  	v6 =	vld [tilespmem:$0x1FF80];
	[tilespmem:s8+$0x70] =	vst v4  }
0x208: {  	v4 =	vld [tilespmem:$0x1FF90]  }
0x209: {  	v5 =	vmul.f32 v18, v5  }
0x20a: {  	v56 =	vld [tilespmem:s23+$0x40];
	v57 =	vmul.f32 v24, v20  }
0x20b: {  	v58 =	vld [tilespmem:s23+$0x50];
	v10 =	vmul.f32 v59, v34;
	[tilespmem:s8+$0x80] =	vst v5  }
0x20c: {  	v55 =	vld [tilespmem:s23+$0x30];
	v7 =	vmul.f32 v62, v31;
	[tilespmem:s7+$0xC0] =	vst v57  }
0x20d: {  	v60 =	vld [tilespmem:s23+$0x70];
	[tilespmem:s7+$0x60] =	vst v10;
	v4 =	vmul.f32 v21, v4  }
0x20e: {  	v61 =	vld [tilespmem:s23+$0x80];
	v5 =	vmul.f32 v25, v9;
	[tilespmem:s7+$0x90] =	vst v7  }
0x20f: {  	[tilespmem:s8+$0xA0] =	vst v4;
	v4 =	vmul.f32 v26, v22  }
0x210: {  	[tilespmem:s8+$0xB0] =	vst v5;
	v5 =	vmul.f32 v27, v23  }
0x211: {  	[tilespmem:s7+$0xD0] =	vst v4;
	v4 =	vmul.f32 v55, v28  }
0x212: {  	v63 =	vld [tilespmem:s7+$0xA0];
	v6 =	vmul.f32 v19, v6;
	[tilespmem:s7+$0xE0] =	vst v5  }
0x213: {  	v5 =	vmul.f32 v56, v29;
	[tilespmem:s7+$0x30] =	vst v4;
	v4 =	vld [tilespmem:s7+$0xB0]  }
0x214: {  	v9 =	vmul.f32 v58, v35;
	[tilespmem:s8+$0x90] =	vst v6  }
0x215: {  	[tilespmem:s7+$0x40] =	vst v5;
	v5 =	vmul.f32 v60, v30  }
0x216: {  	v6 =	vmul.f32 v61, v32;
	[tilespmem:s7+$0x50] =	vst v9  }
0x217: {  	[tilespmem:s7+$0x70] =	vst v5;
	v5 =	vmul.f32 v63, v33  }
0x218: {  	[tilespmem:s7+$0x80] =	vst v6;
	v4 =	vmul.f32 v4, v36  }
0x219: {  	[tilespmem:s7+$0xA0] =	vst v5  }
0x21a: {  	[tilespmem:s7+$0xB0] =	vst v4  }
0x21b: {  	[spmem:s1] =	stream.indirect.scatter.add.f32 [tilespmem:s0], [sflag:$0x4], $0x40, s30, s20, $0xb8;
	[tilespmem:$0x1AC00] =	vst v63  }
0x21c: {  	s7 =	simm.s32 @p0 $0x4  }
0x21d: {  	[spmem:s1] =	stream.indirect.scatter.add.f32 [tilespmem:s24], [sflag:$0x4], $0x40, s11, s20, $0xb8;
	[tilespmem:$0x1AC00] =	vst v63  }
0x21e: {  	_ =	swait.ge @p0 [sflag:s7], $0x2000  }
0x21f: {  	[sflag:s7] =	ssyncset.done @p0 $0x0  }
0x220: {  	[sflag:s7] =	ssyncadd.s32 @p0 $0xFFFFE000  }
0x221: {  	_ =	swait.ge @p0 [sflag:s7], $0x2000  }
0x222: {  	s12 =	simm.s32 @!p0 $0x9400;
	[sflag:s7] =	ssyncset.done @p0 $0x0  }
0x223: {  	s8 =	simm.s32 @!p0 $0x300;
	[sflag:s7] =	ssyncadd.s32 @p0 $0xFFFFE000;
	s7 =	simm.s32 @!p0 $0x80  }
0x224: {  	[spmem:s3] =	stream.indirect.scatter.add.f32 @!p0 [tilespmem:s12], [sflag:$0x4], $0x10, s8, s7, $0xb8;
	[tilespmem:$0x1AC00] =	vst v63  }
0x225: {  	s8 =	simm.s32 @!p0 $0x380;
	s12 =	simm.s32 @!p0 $0x9C00  }
0x226: {  	[spmem:s3] =	stream.indirect.scatter.add.f32 @!p0 [tilespmem:s12], [sflag:$0x4], $0x10, s8, s7, $0xb8;
	[tilespmem:$0x1AC00] =	vst v63  }
0x227: {  	s7 =	simm.s32 @!p0 $0x4  }
0x228: {  	_ =	swait.ge @!p0 [sflag:s7], $0x2000  }
0x229: {  	[sflag:s7] =	ssyncset.done @!p0 $0x0  }
0x22a: {  	[sflag:s7] =	ssyncadd.s32 @!p0 $0xFFFFE000  }
0x22b: {  	_ =	swait.ge @!p0 [sflag:s7], $0x2000  }
0x22c: {  	[sflag:s7] =	ssyncset.done @!p0 $0x0  }
0x22d: {  	s10 =	sadd.s32 $0x1, s10;
	[sflag:s7] =	ssyncadd.s32 @!p0 $0xFFFFE000  }
0x22e: {  	p1 =	sne.s32 s10, $0x2A;
	_ =	swait.ge @!p0 [sflag:s7], $0x800  }
.Ltmp2:
0x22f: {  	[sflag:s7] =	ssyncset.done @!p0 $0x0;
	(pc) =	sbr.rel @p1 .LBB2_2-.Ltmp2, $4  }
0x230: {  	[sflag:s7] =	ssyncadd.s32 @!p0 $0xFFFFF800  }
0x231: {  	_ =	swait.ge @!p0 [sflag:s7], $0x800  }
0x232: {  	[sflag:s7] =	ssyncset.done @!p0 $0x0  }
0x233: {  	[sflag:s7] =	ssyncadd.s32 @!p0 $0xFFFFF800  }
0x234: {  	[bflag:$0x0] =	sbarrier.arrive $0xFFFF  }
0x235: {  	s12 =	rddreg [dreg:$0x6]  }
0x236: {  	s21 =	rddreg [dreg:$0xc]  }
0x237: {  	s7 =	rddreg [dreg:$0xd]  }
0x238: {  	[hbm:s7], [sflag:s12] =	dma.local [spmem:s21], $0x1400  }
0x239: {  	_ =	swait.ge [sflag:s19], $0x1400  }
0x23a: {  	[sflag:s19] =	ssyncset.done $0x0;
	s18 =	rddreg [dreg:$0x7]  }
0x23b: {  	s8 =	rddreg [dreg:$0xa];
	[sflag:s19] =	ssyncadd.s32 $0xFFFFEC00;
	s7 =	sshrl.u32 @!p0 s18, $0x3  }
0x23c: {  	[hbm:s8], [sflag:s12] =	dma.local @!p0 [spmem:s7], $0x500  }
0x23d: {  	s7 =	simm.s32 @!p0 $0x5  }
0x23e: {  	_ =	swait.ge @!p0 [sflag:s7], $0x500  }
0x23f: {  	s10 =	rddreg [dreg:$0xe]  }
0x240: {  	s28 =	rddreg [dreg:$0xb];
	s10 =	sadd.s32 $0x1, s10  }
0x241: {  	p1 =	sne.s32 s10, s28  }
.Ltmp3:
0x242: {  	_ = 	snop;
	(pc) =	sbr.rel @p1 .LBB2_1-.Ltmp3, $3  }
0x243: {  	_ =	sdelay $0x1  }
0x244: {  	[sflag:s7] =	ssyncset.done @!p0 $0x0  }
0x245: {  	[sflag:s7] =	ssyncadd.s32 @!p0 $0xFFFFFB00  }
0x246: {  	_ =	sfence.sel $0x180000  }
0x247: {  	[bflag:$0x0] =	sbarrier.arrive $0xFFFF  }
0x248: {  	_ =	strace $0x9000004A  }
0x249: {  	s0 =	stileid.u32;
	[bflag:$0x2] =	sbarrier.arrive $0xFFFF  }
0x24a: {  	p0 =	sne.s32 s0, $0x0;
	s0 =	rddreg [dreg:$0x4]  }
0x24b: {  	s0 =	sadd.s32 @!p0 $0x100000, s0  }
0x24c: {  	[sflag:s0] =	ssyncadd.tile.s32 @!p0 $0x1;
	_ =	shalt  }
.Lfunc_end2:
_tile_overlayer_lowered:
.L_overlay_start_2:
0x24d: {  	(tag) =	ssettag $0x2  }
0x24e: {  	s0 =	rddreg [dreg:$0x0];
	s2 =	stileid.u32  }
0x24f: {  	s1 =	rddreg [dreg:$0x1];
	p0 =	sne.s32 s2, $0x0  }
0x250: {  	s3 =	rddreg [dreg:$0x2];
	[bflag:$0x3] =	sbarrier.arrive $0xFFFF;
	s2 =	simm.s32 @!p0 $0x1C05  }
0x251: {  	[timem:s3], [sflag:s2] =	dma.local @!p0 [hbm:s0], s1  }
0x252: {  	s0 =	simm.s32 @!p0 $0x5  }
0x253: {  	_ =	swait.ge @!p0 [sflag:s0], s1  }
0x254: {  	s1 =	ssub.s32 @!p0 $0x0, s1;
	[sflag:s0] =	ssyncset.done @!p0 $0x0  }
0x255: {  	[sflag:s0] =	ssyncadd.s32 @!p0 s1  }
0x256: {  	[bflag:$0x3] =	sbarrier.arrive $0xFFFF  }
0x257: {  	_ =	shalt  }

// kernel: kernel.7.cloned.1.call-start
scs
__scs_entry_jumppad:
0x0: {  	(pc) =	sbr.rel $0x88, $3  }
0x1: {  	(tag) =	ssettag $0x0;
	lr =	simm.s32 $0x1  }
0x2: {  	[smem:$0x3F97] =	sst lr;
	_ =	strace $0xD0000000  }
0x3: {  	_ = 	snop  }
0x4: {  	_ = 	snop  }
0x5: {  	_ = 	snop  }
0x6: {  	_ = 	snop  }
0x7: {  	_ = 	snop  }
__scs_overlays_trampoline_lowered:
0x8: {  	[smem:$0x3FA6] =	sst s0  }
0x9: {  	[smem:$0x3FA7] =	sst s1  }
0xa: {  	[smem:$0x3FA8] =	sst s2  }
0xb: {  	[smem:$0x3FA9] =	sst s3  }
0xc: {  	[smem:$0x3FAA] =	sst s4  }
0xd: {  	[smem:$0x3FAB] =	sst s5  }
0xe: {  	[smem:$0x3FAC] =	sst s6  }
0xf: {  	[smem:$0x3FAD] =	sst s7  }
0x10: {  	[smem:$0x3FAE] =	sst s8  }
0x11: {  	[smem:$0x3FAF] =	sst s9;
	s0 =	simm.s32 @!p0 $0x0  }
0x12: {  	s1 =	sld [smem:$0x3F95];
	s0 =	simm.s32 @p0 $0x1  }
0x13: {  	[smem:$0x3FB0] =	sst s0;
	s0 =	simm.s32 @!p1 $0x0  }
0x14: {  	s2 =	sld [smem:$0x3F94];
	s0 =	simm.s32 @p1 $0x1  }
0x15: {  	[smem:$0x3FB1] =	sst s0;
	s0 =	simm.s32 @!p2 $0x0  }
0x16: {  	s3 =	sld [smem:$0x3FDB];
	s0 =	simm.s32 @p2 $0x1  }
0x17: {  	s4 =	simm.s32 $0x1BF5;
	[smem:$0x3FB3] =	sst s0  }
0x18: {  	s0 =	sld [smem:$0x3F96];
	_ =	swait.ge [sflag:s4], $0x0  }
0x19: {  	s7 =	sld [smem:$0x3F97]  }
0x1a: {  	s8 =	sadd.s32 $0xFFFFE003, lr  }
0x1b: {  	s9 =	sadd.s32 $0xFFFFFEF7, lr;
	s5 =	simm.s32 $0xFFFFFFFF;
	p2 =	slt.u32 s8, $0xFFFFF086  }
0x1c: {  	p1 =	slt.u32 s9, $0xF7A;
	s5 =	simm.s32 @!p2 $0x0  }
0x1d: {  	s5 =	simm.s32 @p1 $0x1;
	p0 =	seq.s32 s7, s2  }
0x1e: {  	s7 =	smul.u32 @!p0 $0xF7A, s2;
	p2 =	seq.s32 @!p0 s5, $0x0  }
0x1f: {  	s9 =	smul.u32 $0xF7A, s1;
	s8 =	simm.s32 @!p0 $0x1BF5;
	p2 =	por !p2, p0  }
0x20: {  	[sflag:s8] =	ssyncset.s32 @!p0 $0xFFFFF086;
	s6 =	sadd.s32 @!p0 s3, s7;
	s7 =	simm.s32 @!p0 $0x108  }
0x21: {  	s3 =	sadd.s32 s3, s9;
	s6 =	sadd.s32 @!p0 $0x88, s6;
	s7 =	simm.s32 @p2 $0x1082  }
0x22: {  	[simem:s7], [sflag:s8] =	dma.local @!p0 [hbm:s6], $0xF7A  }
0x23: {  	s9 =	sor.u32 $0xD0000000, s2;
	s6 =	simm.s32 $0x108;
	_ =	swait.ge @!p0 [sflag:s8], $0x0  }
0x24: {  	s3 =	sadd.s32 $0x88, s3;
	s6 =	simm.s32 @!p1 $0x1082;
	[sflag:s4] =	ssyncset.s32 $0xFFFFF086  }
0x25: {  	[simem:s6], [sflag:s4] =	dma.local [hbm:s3], $0xF7A  }
0x26: {  	[smem:$0x3F97] =	sst s1;
	(tag) =	ssettag s2;
	_ =	strace s9  }
0x27: {  	s1 =	sld [smem:$0x3FA7]  }
0x28: {  	s2 =	sld [smem:$0x3FA8]  }
0x29: {  	s4 =	sld [smem:$0x3FAA]  }
0x2a: {  	p0 =	seq.s32 s5, $0x0;
	s5 =	sld [smem:$0x3FAB]  }
0x2b: {  	s6 =	sld [smem:$0x3FAC]  }
0x2c: {  	s7 =	sld [smem:$0x3FAD]  }
0x2d: {  	s3 =	simm.s32 $0x108;
	s8 =	sld [smem:$0x3FAE]  }
0x2e: {  	s3 =	simm.s32 @!p0 $0x1082;
	s9 =	sld [smem:$0x3FAF]  }
0x2f: {  	lr =	sadd.s32 s0, s3;
	s0 =	sld [smem:$0x3FA6]  }
0x30: {  	s3 =	sld [smem:$0x3FA9]  }
0x31: {  	[smem:$0x3FB2] =	sst s10  }
0x32: {  	s10 =	sld [smem:$0x3FB0];
	_ =	sdelay $0x3  }
0x33: {  	p0 =	seq.s32 s10, $0x1;
	s10 =	sld [smem:$0x3FB2];
	_ =	sdelay $0x3  }
0x34: {  	[smem:$0x3FB2] =	sst s10  }
0x35: {  	s10 =	sld [smem:$0x3FB1];
	_ =	sdelay $0x3  }
0x36: {  	p1 =	seq.s32 s10, $0x1;
	s10 =	sld [smem:$0x3FB2];
	_ =	sdelay $0x3  }
0x37: {  	[smem:$0x3FB2] =	sst s10  }
0x38: {  	s10 =	sld [smem:$0x3FB3]  }
0x39: {  	_ = 	snop;
	(pc) =	sbr.ind lr, $3  }
0x3a: {  	_ = 	snop  }
0x3b: {  	_ = 	snop  }
0x3c: {  	p2 =	seq.s32 s10, $0x1;
	s10 =	sld [smem:$0x3FB2]  }
0x3d: {  	_ =	shalt  }
0x3e: {  	_ =	shalt  }
0x3f: {  	_ =	shalt  }
0x40: {  	_ =	shalt  }
0x41: {  	_ =	shalt  }
0x42: {  	_ =	shalt  }
0x43: {  	_ =	shalt  }
0x44: {  	_ =	shalt  }
0x45: {  	_ =	shalt  }
0x46: {  	_ =	shalt  }
0x47: {  	_ =	shalt  }
0x48: {  	_ =	shalt  }
0x49: {  	_ =	shalt  }
0x4a: {  	_ =	shalt  }
0x4b: {  	_ =	shalt  }
0x4c: {  	_ =	shalt  }
0x4d: {  	_ =	shalt  }
0x4e: {  	_ =	shalt  }
0x4f: {  	_ =	shalt  }
0x50: {  	_ =	shalt  }
0x51: {  	_ =	shalt  }
0x52: {  	_ =	shalt  }
0x53: {  	_ =	shalt  }
0x54: {  	_ =	shalt  }
0x55: {  	_ =	shalt  }
0x56: {  	_ =	shalt  }
0x57: {  	_ =	shalt  }
0x58: {  	_ =	shalt  }
0x59: {  	_ =	shalt  }
0x5a: {  	_ =	shalt  }
0x5b: {  	_ =	shalt  }
0x5c: {  	_ =	shalt  }
0x5d: {  	_ =	shalt  }
0x5e: {  	_ =	shalt  }
0x5f: {  	_ =	shalt  }
0x60: {  	_ =	shalt  }
0x61: {  	_ =	shalt  }
0x62: {  	_ =	shalt  }
0x63: {  	_ =	shalt  }
0x64: {  	_ =	shalt  }
0x65: {  	_ =	shalt  }
0x66: {  	_ =	shalt  }
0x67: {  	_ =	shalt  }
0x68: {  	_ =	shalt  }
0x69: {  	_ =	shalt  }
0x6a: {  	_ =	shalt  }
0x6b: {  	_ =	shalt  }
0x6c: {  	_ =	shalt  }
0x6d: {  	_ =	shalt  }
0x6e: {  	_ =	shalt  }
0x6f: {  	_ =	shalt  }
0x70: {  	_ =	shalt  }
0x71: {  	_ =	shalt  }
0x72: {  	_ =	shalt  }
0x73: {  	_ =	shalt  }
0x74: {  	_ =	shalt  }
0x75: {  	_ =	shalt  }
0x76: {  	_ =	shalt  }
0x77: {  	_ =	shalt  }
0x78: {  	_ =	shalt  }
0x79: {  	_ =	shalt  }
0x7a: {  	_ =	shalt  }
0x7b: {  	_ =	shalt  }
0x7c: {  	_ =	shalt  }
0x7d: {  	_ =	shalt  }
0x7e: {  	_ =	shalt  }
0x7f: {  	_ =	shalt  }
0x80: {  	_ =	shalt  }
0x81: {  	_ =	shalt  }
0x82: {  	_ =	shalt  }
0x83: {  	_ =	shalt  }
0x84: {  	_ =	shalt  }
0x85: {  	_ =	shalt  }
0x86: {  	_ =	shalt  }
0x87: {  	_ =	shalt  }
.Lfunc_end0:
.L_simem_size_0:
called_computation_lowered:
.L_overlay_start_0:
0x88: {  	s2 =	sld [smem:$0x3FD9]  }
0x89: {  	s3 =	sld [smem:$0x3FFE];
	_ =	sdelay $0x1  }
0x8a: {  	s1 =	srdreg.scid  }
0x8b: {  	s0 =	sand.u32 $0x1, s1  }
0x8c: {  	s17 =	sshll.u32 s0, $0xA;
	s2 =	sadd.s32 s3, s2  }
0x8d: {  	s2 =	sadd.s32 s2, s17  }
0x8e: {  	[smem:$0x3FBE] =	sst s2  }
0x8f: {  	_ = 	snop  }
0x90: {  	s2 =	sld [smem:$0x3FD0];
	(tm) =	ssettm $0x1  }
0x91: {  	s18 =	sld [smem:$0x3FFB];
	_ =	sdelay $0x3  }
0x92: {  	_ =	strace s18  }
0x93: {  	s3 =	sld [smem:$0x3FFC];
	_ =	sdelay $0x3  }
0x94: {  	_ =	strace s3  }
0x95: {  	s3 =	sld [smem:$0x3FFD];
	_ =	sdelay $0x3  }
0x96: {  	_ =	strace s3  }
0x97: {  	_ =	strace $0x8FFFFFFF  }
0x98: {  	s19 =	sld [smem:$0x3FDB];
	_ =	sdelay $0x1  }
0x99: {  	s4 =	simm.s32 $_scs_section_size  }
0x9a: {  	s5 =	simm.s32 $_size__tile_overlayer_lowered;
	s6 =	simm.s32 $_tile_overlayer_lowered  }
0x9b: {  	s22 =	simm.s32 $0x1BFF;
	s21 =	sshll.u32 s6, $0x1;
	s3 =	sadd.s32 s4, s19  }
0x9c: {  	s7 =	simm.s32 $0x0;
	s20 =	sshll.u32 s5, $0x1;
	s5 =	sadd.s32 s21, s3  }
0x9d: {  	[timem:s7], [sflag:s22] =	dma.local [hbm:s5], s20  }
0x9e: {  	_ =	swait.ge [sflag:s22], s20  }
0x9f: {  	s4 =	ssub.s32 $0x0, s20;
	[sflag:s22] =	ssyncset.done $0x0  }
0xa0: {  	[sflag:s22] =	ssyncadd.s32 s4;
	_ =	sdelay $0x1  }
0xa1: {  	s23 =	simm.s32 $0x1B8B  }
0xa2: {  	_ =	swait.ge [sflag:s23], $0x1  }
0xa3: {  	[sflag:s23] =	ssyncset.done $0x0  }
0xa4: {  	s25 =	simm.s32 $0x1B8E;
	s24 =	sld [smem:$0x3FFE];
	[sflag:s23] =	ssyncadd.s32 $0xFFFFFFFF  }
0xa5: {  	s26 =	simm.s32 $execute0_lowered;
	[smem:$0x3FD2] =	sst s25  }
0xa6: {  	s5 =	sshll.u32 s26, $0x1;
	_ =	strace $0x80000046;
	[dreg:$0x1] =	wrdreg $0xFFFFFFFF  }
0xa7: {  	s28 =	simm.s32 $_size_execute0_lowered;
	s3 =	sadd.s32 s3, s5;
	[dreg:$0x0] =	wrdreg $0x0  }
0xa8: {  	s5 =	sshll.u32 s28, $0x1;
	[dreg:$0x2] =	wrdreg s3  }
0xa9: {  	[dreg:$0x3] =	wrdreg s5  }
0xaa: {  	[dreg:$0x4] =	wrdreg $0xC0  }
0xab: {  	_ =	task [dreg:s7], $0x5FFFF  }
0xac: {  	[dreg:$0x1] =	wrdreg $0xFFFFFFFF  }
0xad: {  	[dreg:$0x0] =	wrdreg $0x60  }
0xae: {  	[dreg:$0x2] =	wrdreg s2  }
0xaf: {  	[dreg:$0x3] =	wrdreg s24  }
0xb0: {  	[dreg:$0x4] =	wrdreg $0xE4000  }
0xb1: {  	[dreg:$0x5] =	wrdreg $0x184000  }
0xb2: {  	[dreg:$0x6] =	wrdreg $0x9  }
0xb3: {  	_ =	task.clear_ibuf [dreg:s7], $0x7FFFF;
	_ =	strace $0x90000046  }
0xb4: {  	s29 =	simm.s32 $0x9;
	_ =	strace $0x80000048  }
0xb5: {  	_ =	swait.ge [sflag:s29], $0x1  }
0xb6: {  	[sflag:s29] =	ssyncadd.s32 $0xFFFFFFFF  }
0xb7: {  	_ =	strace $0x90000048  }
0xb8: {  	_ =	sfence  }
0xb9: {  	s30 =	sld [smem:$0x0];
	_ =	sdelay $0x2  }
0xba: {  	s31 =	sshll.u32 s1, $0xD;
	s1 =	sshrl.u32 s1, $0x2  }
0xbb: {  	s3 =	sand.u32 $0x4000, s31;
	s1 =	sadd.s32 s1, s30  }
0xbc: {  	s0 =	sor.u32 s3, s0;
	s1 =	sshll.u32 s1, $0x11  }
0xbd: {  	s0 =	sor.u32 s1, s0  }
0xbe: {  	s0 =	sadd.s32 $0x8F2B, s0  }
0xbf: {  	[sflag:s0] =	ssyncadd.remote.s32 $0x1  }
0xc0: {  	_ =	sfence.sel $0xFFFF  }
0xc1: {  	[dreg:$0x0] =	wrdreg $0xFFFFFFFF;
	(pc) =	sbr.abs _section_cstart, $3  }
0xc2: {  	[dreg:$0x1] =	wrdreg $0xFFFFFFFF  }
0xc3: {  	_ =	task.clear_ibuf [dreg:s7], $0x2FFFF;
	_ =	strace $0x9FFFFFFF  }
0xc4: {  	(tm) =	ssettm $0x7FFFFFFF  }
0xc5: {  	_ =	shalt  }
tec
execute0_lowered:
.L_overlay_start_1:
0x0: {  	(tag) =	ssettag $0x1  }
0x1: {  	s0 =	rddreg [dreg:$0x0]  }
0x2: {  	s2 =	rddreg [dreg:$0x1]  }
0x3: {  	s1 =	rddreg [dreg:$0x2]  }
0x4: {  	s3 =	rddreg [dreg:$0x3]  }
0x5: {  	s4 =	simm.s32 $0x0;
	s15 =	stileid.u32;
	s6 =	srdreg.scid  }
0x6: {  	s19 =	simm.s32 $0x5;
	s29 =	simm.s32 $0x180;
	s31 =	simm.s32 $0x200  }
0x7: {  	s24 =	simm.s32 $0x6400;
	s30 =	simm.s32 $0x300;
	[smem:$0x7FF] =	sst s4  }
0x8: {  	s7 =	smul.u32 $0xA000, s15;
	s5 =	sadd.s32 $0x2200, s2;
	s8 =	sand.u32 $0x1, s6  }
0x9: {  	s10 =	smul.u32 $0x2800, s15;
	s6 =	sadd.s32 $0x7200, s2;
	s21 =	sshll.u32 s15, $0x6  }
0xa: {  	_ =	strace $0x80000047;
	s9 =	smul.u32 $0x14000, s8;
	s14 =	ssub.s32 $0x2, s8  }
0xb: {  	s23 =	sshll.u32 s8, $0x2;
	p0 =	sne.s32 s8, $0x0;
	s11 =	sshrl.u32 s7, $0x3  }
0xc: {  	s13 =	sshrl.u32 s10, $0x3;
	s20 =	sshrl.u32 s14, $0x1;
	s7 =	sadd.s32 s7, s1  }
0xd: {  	s18 =	sadd.s32 s10, s3;
	s10 =	simm.s32 $0x0;
	s12 =	sadd.s32 s11, s2  }
0xe: {  	s16 =	sadd.s32 s9, s2;
	s2 =	sadd.s32 s13, s2;
	s17 =	ssub.s32 s14, s20  }
0xf: {  	s9 =	smul.u32 $0x1500, s15;
	s14 =	sadd.s32 $0x40, s0;
	s15 =	sadd.s32 $0x80, s0  }
0x10: {  	s20 =	simm.s32 $0x80;
	[dreg:$0x7] =	wrdreg s18;
	s12 =	sadd.s32 $0x11200, s12  }
0x11: {  	s22 =	sadd.s32 $0xC200, s2;
	s13 =	sadd.s32 $0x52200, s16;
	[dreg:$0x5] =	wrdreg s12  }
0x12: {  	s26 =	sadd.s32 $0x2A200, s16;
	s2 =	sadd.s32 $0x25200, s2;
	[dreg:$0x8] =	wrdreg s22  }
0x13: {  	s28 =	smax.u32 s17, $0x1;
	s16 =	simm.s32 $0x1;
	[dreg:$0xa] =	wrdreg s2  }
0x14: {  	s17 =	simm.s32 $0x2;
	s25 =	sadd.s32 s0, s9;
	[dreg:$0xb] =	wrdreg s28  }
0x15: {  	s12 =	sor.u32 $0x1C05, s21;
	s0 =	sadd.s32 s11, s26;
	[dreg:$0x9] =	wrdreg s25  }
0x16: {  	s21 =	sshrl.u32 s7, $0x3;
	s22 =	simm.s32 $0x2400;
	[dreg:$0xd] =	wrdreg s0  }
0x17: {  	v0 =	vmov s23;
	s26 =	simm.s32 $0x100;
	s2 =	simm.s32 $0x280;
	[dreg:$0x6] =	wrdreg s12  }
0x18: {  	v1 =	vor.u32 $0x1, v0;
	v2 =	vor.u32 $0x2, v0;
	v3 =	vor.u32 $0x3, v0;
	s11 =	simm.s32 $0x380;
	s0 =	simm.s32 $0x4400;
	[dreg:$0xc] =	wrdreg s21  }
.LBB2_1:
0x19: {  	[dreg:$0xe] =	wrdreg s10  }
0x1a: {  	s7 =	rddreg [dreg:$0x5]  }
0x1b: {  	[spmem:s21], [sflag:s12] =	dma.local [hbm:s7], $0x1400  }
0x1c: {  	_ =	swait.ge [sflag:s19], $0x1400  }
0x1d: {  	[sflag:s19] =	ssyncset.done $0x0  }
0x1e: {  	s10 =	sshrl.u32 s18, $0x3;
	s8 =	rddreg [dreg:$0x8];
	[sflag:s19] =	ssyncadd.s32 $0xFFFFEC00  }
0x1f: {  	[spmem:s10], [sflag:s12] =	dma.local [hbm:s8], $0x500  }
0x20: {  	_ =	swait.ge [sflag:s19], $0x500  }
0x21: {  	[sflag:s19] =	ssyncset.done $0x0  }
0x22: {  	[sflag:s19] =	ssyncadd.s32 $0xFFFFFB00  }
0x23: {  	[bflag:$0x0] =	sbarrier.arrive $0xFFFF  }
0x24: {  	s12 =	rddreg [dreg:$0x9]  }
0x25: {  	[tilespmem:s4], [sflag:$0x5] =	stream.linear.gather [hbm4b:s12+s4], $0x200, $0x38;
	[tilespmem:$0x1AC00] =	vst v63  }
0x26: {  	_ =	swait.ge [sflag:s19], $0x200  }
0x27: {  	[sflag:s19] =	ssyncset.done $0x0  }
0x28: {  	s18 =	simm.s32 $0x400;
	[sflag:s19] =	ssyncadd.s32 $0xFFFFFE00  }
0x29: {  	[tilespmem:s18], [sflag:$0x1] =	stream.indirect.gather [hbm4b:s13+s20], $0x40, s4, s20, $0xb8;
	[tilespmem:$0x1AC00] =	vst v63  }
0x2a: {  	_ = 	snop  }
0x2b: {  	[tilespmem:s22], [sflag:$0x1] =	stream.indirect.gather [hbm4b:s13+s20], $0x40, s20, s20, $0xb8;
	[tilespmem:$0x1AC00] =	vst v63  }
0x2c: {  	s21 =	simm.s32 $0xA400  }
0x2d: {  	[tilespmem:s21], [sflag:$0x1] =	stream.indirect.gather [hbm4b:s5+s20], $0x10, s4, s20, $0xb8;
	[tilespmem:$0x1AC00] =	vst v63  }
0x2e: {  	s23 =	simm.s32 $0xAC00  }
0x2f: {  	[tilespmem:s23], [sflag:$0x1] =	stream.indirect.gather [hbm4b:s5+s20], $0x10, s20, s20, $0xb8;
	[tilespmem:$0x1AC00] =	vst v63  }
0x30: {  	s25 =	simm.s32 $0xC400  }
0x31: {  	[tilespmem:s25], [sflag:$0x1] =	stream.indirect.gather [hbm4b:s6+s20], $0x10, s26, s20, $0xb8;
	[tilespmem:$0x1AC00] =	vst v63  }
0x32: {  	s28 =	simm.s32 $0xCC00;
	s10 =	simm.s32 $0x0  }
0x33: {  	[tilespmem:s28], [sflag:$0x1] =	stream.indirect.gather [hbm4b:s6+s20], $0x10, s29, s20, $0xb8;
	[tilespmem:$0x1AC00] =	vst v63  }
.LBB2_2:
0x34: {  	s7 =	sshll.u32 s10, $0x7  }
0x35: {  	s18 =	sadd.s32 s9, s7  }
0x36: {  	s7 =	sadd.s32 s18, s14  }
0x37: {  	[tilespmem:s31], [sflag:$0x5] =	stream.linear.gather [hbm4b:s7+s4], $0x200, $0x38;
	[tilespmem:$0x1AC00] =	vst v63  }
0x38: {  	_ =	swait.ge [sflag:s19], $0x200  }
0x39: {  	[sflag:s19] =	ssyncset.done $0x0  }
0x3a: {  	[sflag:s19] =	ssyncadd.s32 $0xFFFFFE00  }
0x3b: {  	[tilespmem:s0], [sflag:$0x2] =	stream.indirect.gather [hbm4b:s13+s20], $0x40, s31, s20, $0xb8;
	[tilespmem:$0x1AC00] =	vst v63  }
0x3c: {  	_ = 	snop  }
0x3d: {  	[tilespmem:s24], [sflag:$0x2] =	stream.indirect.gather [hbm4b:s13+s20], $0x40, s2, s20, $0xb8;
	[tilespmem:$0x1AC00] =	vst v63  }
0x3e: {  	s25 =	simm.s32 $0xB400  }
0x3f: {  	[tilespmem:s25], [sflag:$0x2] =	stream.indirect.gather [hbm4b:s5+s20], $0x10, s31, s20, $0xb8;
	[tilespmem:$0x1AC00] =	vst v63  }
0x40: {  	s8 =	simm.s32 $0xBC00  }
0x41: {  	[tilespmem:s8], [sflag:$0x2] =	stream.indirect.gather [hbm4b:s5+s20], $0x10, s2, s20, $0xb8;
	[tilespmem:$0x1AC00] =	vst v63  }
0x42: {  	s12 =	simm.s32 $0xD400  }
0x43: {  	[tilespmem:s12], [sflag:$0x2] =	stream.indirect.gather [hbm4b:s6+s20], $0x10, s30, s20, $0xb8;
	[tilespmem:$0x1AC00] =	vst v63  }
0x44: {  	s21 =	simm.s32 $0xDC00  }
0x45: {  	[tilespmem:s21], [sflag:$0x2] =	stream.indirect.gather [hbm4b:s6+s20], $0x10, s11, s20, $0xb8;
	[tilespmem:$0x1AC00] =	vst v63  }
0x46: {  	_ =	swait.ge [sflag:s16], $0x2000  }
0x47: {  	[sflag:s16] =	ssyncset.done $0x0  }
0x48: {  	[sflag:s16] =	ssyncadd.s32 $0xFFFFE000  }
0x49: {  	_ =	swait.ge [sflag:s16], $0x2000  }
0x4a: {  	[sflag:s16] =	ssyncset.done $0x0  }
0x4b: {  	[sflag:s16] =	ssyncadd.s32 $0xFFFFE000  }
0x4c: {  	_ =	swait.ge [sflag:s16], $0x800  }
0x4d: {  	[sflag:s16] =	ssyncset.done $0x0  }
0x4e: {  	[sflag:s16] =	ssyncadd.s32 $0xFFFFF800  }
0x4f: {  	_ =	swait.ge [sflag:s16], $0x800  }
0x50: {  	[sflag:s16] =	ssyncset.done $0x0  }
0x51: {  	[sflag:s16] =	ssyncadd.s32 $0xFFFFF800  }
0x52: {  	_ =	swait.ge [sflag:s16], $0x800  }
0x53: {  	[sflag:s16] =	ssyncset.done $0x0  }
0x54: {  	[sflag:s16] =	ssyncadd.s32 $0xFFFFF800  }
0x55: {  	_ =	swait.ge [sflag:s16], $0x800  }
0x56: {  	[sflag:s16] =	ssyncset.done $0x0  }
0x57: {  	s23 =	simm.s32 $0xA440;
	[sflag:s16] =	ssyncadd.s32 $0xFFFFF800  }
0x58: {  	s8 =	simm.s32 $0xC440;
	v4 =	vld [tilespmem:s23+$0x30]  }
0x59: {  	v5 =	vld [tilespmem:s8+$0x30]  }
0x5a: {  	v6 =	vld [tilespmem:s8+$0xFFFFFFC0]  }
0x5b: {  	v7 =	vld [tilespmem:s23+$0xFFFFFFD0]  }
0x5c: {  	v8 =	vld [tilespmem:s8+$0xFFFFFFD0]  }
0x5d: {  	v9 =	vld [tilespmem:s23+$0xFFFFFFE0]  }
0x5e: {  	v10 =	vld [tilespmem:s8+$0xFFFFFFE0]  }
0x5f: {  	v11 =	vld [tilespmem:s23+$0xFFFFFFF0]  }
0x60: {  	v12 =	vld [tilespmem:s23+$0x0];
	v4 =	vadd.f32 v5, v4  }
0x61: {  	v5 =	vld [tilespmem:s8+$0xFFFFFFF0]  }
0x62: {  	v14 =	vld [tilespmem:s8+$0x0];
	v13 =	vmul.f32 $2.000000030e-01, v4  }
0x63: {  	v15 =	vld [tilespmem:s23+$0x20];
	v7 =	vadd.f32 v8, v7  }
0x64: {  	v8 =	vld [tilespmem:s23+$0x10];
	v9 =	vadd.f32 v10, v9;
	v4 =	vmax.f32 v4, v13  }
0x65: {  	v10 =	vld [tilespmem:s8+$0x10];
	v13 =	vmul.f32 $2.000000030e-01, v7;
	v4 =	vmul.f32 $1.442695020e+00, v4  }
0x66: {  	v16 =	vmul.f32 $2.000000030e-01, v9;
	v5 =	vadd.f32 v5, v11;
	v11 =	vld [tilespmem:s8+$0x20]  }
0x67: {  	(erf) = vpow2.f32 v4;
	v4 =	vmax.f32 v7, v13;
	v7 =	vld [tilespmem:s23+$0xFFFFFFC0]  }
0x68: {  	v12 =	vadd.f32 v14, v12;
	v9 =	vmax.f32 v9, v16;
	v13 =	vmul.f32 $2.000000030e-01, v5  }
0x69: {  	v9 =	vmul.f32 $1.442695020e+00, v9;
	v4 =	vmul.f32 $1.442695020e+00, v4  }
0x6a: {  	v8 =	vadd.f32 v10, v8;
	v5 =	vmax.f32 v5, v13;
	v13 =	vmul.f32 $2.000000030e-01, v12  }
0x6b: {  	v5 =	vmul.f32 $1.442695020e+00, v5;
	(erf) = vpow2.f32 v4;
	v4 =	vadd.f32 v11, v15  }
0x6c: {  	v11 =	vmul.f32 $2.000000030e-01, v8;
	v10 =	vmax.f32 v12, v13;
	v6 =	vadd.f32 v6, v7  }
0x6d: {  	v7 =	vmul.f32 $1.442695020e+00, v10;
	v10 =	vmul.f32 $2.000000030e-01, v4  }
0x6e: {  	(erf) = vpow2.f32 v9;
	v8 =	vmax.f32 v8, v11;
	v9 =	vmul.f32 $2.000000030e-01, v6  }
0x6f: {  	s12 =	simm.s32 $0xA4C0;
	(erf) = vpow2.f32 v5;
	v5 =	vmul.f32 $1.442695020e+00, v8;
	v4 =	vmax.f32 v4, v10  }
0x70: {  	v52 =	vld [tilespmem:s12+$0x30];
	s23 =	simm.s32 $0xC4C0;
	(erf) = vpow2.f32 v7;
	v4 =	vmul.f32 $1.442695020e+00, v4;
	v6 =	vmax.f32 v6, v9  }
0x71: {  	s25 =	simm.s32 $0x8440;
	v55 =	vld [tilespmem:s23+$0x30];
	v7 =	vpop (erf);
	(erf) = vpow2.f32 v5;
	v5 =	vmul.f32 $1.442695020e+00, v6  }
0x72: {  	s8 =	simm.s32 $0x500;
	v57 =	vld [tilespmem:s23+$0xFFFFFFC0];
	[tilespmem:s25+$0x30] =	vst v7  }
0x73: {  	(erf) = vpow2.f32 v4;
	v4 =	vld [tilespmem:s8+$0xF0]  }
0x74: {  	v22 =	vld [tilespmem:s8+$0xC0]  }
0x75: {  	v20 =	vld [tilespmem:s8+$0xD0];
	(erf) = vpow2.f32 v5;
	v5 =	vpop (erf)  }
0x76: {  	v23 =	vld [tilespmem:s8+$0xE0];
	[tilespmem:s25+$0xFFFFFFD0] =	vst v5  }
0x77: {  	v6 =	vld [tilespmem:s8+$0xFFFFFF40]  }
0x78: {  	v13 =	vld [tilespmem:s8+$0xFFFFFF50]  }
0x79: {  	v8 =	vpop (erf);
	v15 =	vld [tilespmem:s8+$0xFFFFFF60]  }
0x7a: {  	[tilespmem:s25+$0xFFFFFFE0] =	vst v8;
	v16 =	vld [tilespmem:s8+$0xFFFFFF70]  }
0x7b: {  	v14 =	vpop (erf);
	v18 =	vld [tilespmem:s8+$0xFFFFFF80]  }
0x7c: {  	v24 =	vperm.xlane v7, v0;
	v9 =	vpop (erf);
	v27 =	vld [tilespmem:s8+$0xFFFFFF90]  }
0x7d: {  	v25 =	vperm.xlane v7, v1;
	v26 =	vperm.xlane v7, v2;
	v30 =	vld [tilespmem:s8+$0xFFFFFFA0];
	v17 =	vpop (erf);
	[tilespmem:s25+$0x0] =	vst v9  }
0x7e: {  	v7 =	vperm.xlane v7, v3;
	v21 =	vperm.xlane v5, v0;
	v19 =	vpop (erf);
	v45 =	vld [tilespmem:s8+$0x0]  }
0x7f: {  	v28 =	vperm.xlane v5, v1;
	v29 =	vperm.xlane v5, v2;
	v48 =	vld [tilespmem:s8+$0x10];
	v10 =	vpop (erf)  }
0x80: {  	v32 =	vperm.xlane v5, v3;
	v31 =	vmul.f32 v4, v7;
	v50 =	vld [tilespmem:s8+$0x20];
	[tilespmem:s25+$0xFFFFFFC0] =	vst v10  }
0x81: {  	v34 =	vperm.xlane v8, v0;
	v35 =	vperm.xlane v8, v1;
	v33 =	vld [tilespmem:s8+$0xFFFFFF00]  }
0x82: {  	v37 =	vperm.xlane v8, v2;
	v4 =	vperm.xlane v17, v3;
	v36 =	vld [tilespmem:s8+$0xFFFFFF10]  }
0x83: {  	v38 =	vperm.xlane v8, v3;
	v40 =	vperm.xlane v14, v0;
	v39 =	vld [tilespmem:s8+$0xFFFFFF20]  }
0x84: {  	v41 =	vperm.xlane v14, v1;
	v42 =	vld [tilespmem:s8+$0xFFFFFF30];
	[tilespmem:$0x1FFC0] =	vst v4;
	v4 =	vperm.xlane v19, v0  }
0x85: {  	v43 =	vperm.xlane v14, v2;
	v44 =	vperm.xlane v14, v3  }
0x86: {  	v46 =	vperm.xlane v9, v0;
	v58 =	vld [tilespmem:s12+$0xFFFFFFD0];
	[tilespmem:$0x1FFD0] =	vst v4;
	v4 =	vperm.xlane v19, v1  }
0x87: {  	v47 =	vperm.xlane v9, v1;
	v49 =	vperm.xlane v9, v2  }
0x88: {  	v7 =	vperm.xlane v9, v3;
	[tilespmem:$0x1FFE0] =	vst v4;
	v4 =	vperm.xlane v19, v2  }
0x89: {  	v8 =	vperm.xlane v17, v0;
	v29 =	vmul.f32 v15, v29;
	v15 =	vadd.f32 v55, v52  }
0x8a: {  	v11 =	vperm.xlane v17, v1;
	v9 =	vperm.xlane v19, v3;
	v59 =	vld [tilespmem:s23+$0xFFFFFFD0];
	[tilespmem:$0x1FFF0] =	vst v4  }
0x8b: {  	v34 =	vmul.f32 v18, v34;
	v18 =	vmul.f32 $2.000000030e-01, v15;
	v60 =	vld [tilespmem:s12+$0xFFFFFFE0]  }
0x8c: {  	v21 =	vmul.f32 v6, v21;
	v28 =	vmul.f32 v13, v28;
	v61 =	vld [tilespmem:s23+$0xFFFFFFE0]  }
0x8d: {  	v32 =	vmul.f32 v16, v32;
	v51 =	vperm.xlane v10, v0;
	v15 =	vmax.f32 v15, v18;
	v13 =	vld [tilespmem:s12+$0xFFFFFFF0]  }
0x8e: {  	v53 =	vperm.xlane v10, v1;
	v15 =	vmul.f32 $1.442695020e+00, v15;
	v62 =	vld [tilespmem:s23+$0xFFFFFFF0]  }
0x8f: {  	v54 =	vperm.xlane v10, v2;
	v56 =	vperm.xlane v10, v3;
	v16 =	vld [tilespmem:s12+$0x0]  }
0x90: {  	v36 =	vmul.f32 v36, v53;
	(erf) = vpow2.f32 v15;
	v53 =	vld [tilespmem:s23+$0x0]  }
0x91: {  	v10 =	vperm.xlane v17, v2;
	v30 =	vmul.f32 v30, v37;
	v37 =	vld [tilespmem:s12+$0x10];
	[tilespmem:s8+$0xF0] =	vst v31  }
0x92: {  	v27 =	vmul.f32 v27, v35;
	v45 =	vmul.f32 v45, v46;
	[tilespmem:s25+$0xFFFFFFF0] =	vst v14;
	v52 =	vld [tilespmem:s8+$0xFFFFFFB0]  }
0x93: {  	v33 =	vmul.f32 v33, v51;
	v39 =	vmul.f32 v39, v54;
	[tilespmem:s25+$0x20] =	vst v19;
	v19 =	vld [tilespmem:s8+$0xFFFFFFC0]  }
0x94: {  	v42 =	vmul.f32 v42, v56;
	v31 =	vmul.f32 v48, v47;
	[tilespmem:s25+$0x10] =	vst v17;
	v55 =	vld [tilespmem:s8+$0xFFFFFFD0];
	v63 =	vadd.f32 v59, v58  }
0x95: {  	v14 =	vmul.f32 v50, v49;
	[tilespmem:s8+$0xFFFFFF70] =	vst v32;
	v32 =	vmul.f32 v22, v24;
	v58 =	vld [tilespmem:s23+$0x10];
	v18 =	vadd.f32 v61, v60  }
0x96: {  	[tilespmem:s8+$0xFFFFFF80] =	vst v34;
	v34 =	vmul.f32 v20, v25;
	v59 =	vmul.f32 $2.000000030e-01, v63;
	v60 =	vld [tilespmem:s12+$0x20]  }
0x97: {  	[tilespmem:s8+$0x0] =	vst v45;
	v45 =	vmul.f32 v23, v26;
	v13 =	vadd.f32 v62, v13;
	v62 =	vld [tilespmem:s23+$0x20];
	v61 =	vmul.f32 $2.000000030e-01, v18  }
0x98: {  	[tilespmem:s8+$0xFFFFFF50] =	vst v28;
	v16 =	vadd.f32 v53, v16;
	v28 =	vmul.f32 v19, v40;
	v15 =	vmax.f32 v63, v59;
	v63 =	vld [tilespmem:s12+$0xFFFFFFC0]  }
0x99: {  	[tilespmem:s8+$0xFFFFFF60] =	vst v29;
	v56 =	vld [tilespmem:s8+$0xFFFFFFE0];
	v29 =	vpop (erf);
	v15 =	vmul.f32 $1.442695020e+00, v15;
	v17 =	vmax.f32 v18, v61;
	v18 =	vmul.f32 $2.000000030e-01, v13  }
0x9a: {  	s28 =	simm.s32 $0x84C0;
	v25 =	vld [tilespmem:s8+$0xB0];
	v37 =	vadd.f32 v58, v37;
	v20 =	vperm.xlane v29, v0;
	v22 =	vperm.xlane v29, v1  }
0x9b: {  	[tilespmem:s8+$0x10] =	vst v31;
	v19 =	vld [tilespmem:s8+$0x90];
	v17 =	vmul.f32 $1.442695020e+00, v17;
	v13 =	vmax.f32 v13, v18;
	v18 =	vmul.f32 $2.000000030e-01, v16  }
0x9c: {  	s25 =	simm.s32 $0x700;
	v59 =	vld [tilespmem:s8+$0xFFFFFFF0];
	[tilespmem:s28+$0x30] =	vst v29;
	(erf) = vpow2.f32 v15;
	v58 =	vadd.f32 v62, v60;
	v15 =	vmul.f32 $2.000000030e-01, v37  }
0x9d: {  	[tilespmem:s8+$0x20] =	vst v14;
	v24 =	vld [tilespmem:s25+$0xC0];
	v31 =	vmul.f32 $1.442695020e+00, v13;
	v14 =	vmax.f32 v16, v18;
	v18 =	vadd.f32 v57, v63  }
0x9e: {  	[tilespmem:s8+$0xFFFFFF40] =	vst v21;
	v26 =	vld [tilespmem:s25+$0xD0];
	(erf) = vpow2.f32 v17;
	v16 =	vmul.f32 $2.000000030e-01, v58  }
0x9f: {  	[tilespmem:s8+$0xFFFFFF90] =	vst v27;
	v27 =	vld [tilespmem:s25+$0xE0];
	v17 =	vmax.f32 v37, v15;
	v21 =	vmul.f32 $1.442695020e+00, v14;
	v60 =	vmul.f32 $2.000000030e-01, v18  }
0xa0: {  	v62 =	vld [tilespmem:s25+$0xF0];
	(erf) = vpow2.f32 v31;
	v31 =	vmul.f32 $1.442695020e+00, v17;
	v17 =	vmax.f32 v58, v16  }
0xa1: {  	v13 =	vld [tilespmem:s8+$0x30];
	(erf) = vpow2.f32 v21;
	v21 =	vmul.f32 $1.442695020e+00, v17;
	v18 =	vmax.f32 v18, v60  }
0xa2: {  	[tilespmem:s8+$0xFFFFFF00] =	vst v33;
	v15 =	vld [tilespmem:s8+$0x50];
	(erf) = vpow2.f32 v31;
	v31 =	vmul.f32 $1.442695020e+00, v18  }
0xa3: {  	[tilespmem:s8+$0xFFFFFF10] =	vst v36;
	v23 =	vperm.xlane v29, v2;
	v14 =	vld [tilespmem:s8+$0x40];
	(erf) = vpow2.f32 v21  }
0xa4: {  	[tilespmem:s8+$0xFFFFFF20] =	vst v39;
	v29 =	vperm.xlane v29, v3;
	v16 =	vld [tilespmem:s8+$0x60];
	(erf) = vpow2.f32 v31  }
0xa5: {  	[tilespmem:s8+$0xFFFFFF30] =	vst v42;
	v35 =	vmul.f32 v56, v43;
	v61 =	vmul.f32 v52, v38;
	v17 =	vld [tilespmem:s8+$0x70]  }
0xa6: {  	[tilespmem:s8+$0xFFFFFFA0] =	vst v30;
	v36 =	vmul.f32 v59, v44;
	v50 =	vmul.f32 v62, v29;
	v18 =	vld [tilespmem:s8+$0x80];
	v63 =	vpop (erf)  }
0xa7: {  	v21 =	vld [tilespmem:s8+$0xA0];
	v31 =	vmul.f32 v55, v41;
	[tilespmem:s28+$0xFFFFFFD0] =	vst v63;
	v46 =	vperm.xlane v63, v0  }
0xa8: {  	[tilespmem:s8+$0xC0] =	vst v32;
	v47 =	vperm.xlane v63, v1;
	v53 =	vperm.xlane v63, v2;
	v39 =	vpop (erf);
	v33 =	vld [tilespmem:s25+$0xFFFFFF40]  }
0xa9: {  	[tilespmem:s8+$0xD0] =	vst v34;
	v54 =	vperm.xlane v63, v3;
	v52 =	vld [tilespmem:s25+$0xFFFFFF50];
	v60 =	vperm.xlane v39, v0;
	v30 =	vpop (erf)  }
0xaa: {  	[tilespmem:s8+$0xFFFFFFC0] =	vst v28;
	v49 =	vld [tilespmem:s25+$0xFFFFFF60];
	v55 =	vperm.xlane v39, v1;
	v4 =	vperm.xlane v39, v2;
	v48 =	vpop (erf)  }
0xab: {  	v58 =	vld [tilespmem:s25+$0xFFFFFF70];
	v42 =	vperm.xlane v39, v3;
	[tilespmem:s28+$0xFFFFFFE0] =	vst v39;
	v43 =	vperm.xlane v30, v0;
	v51 =	vpop (erf)  }
0xac: {  	[tilespmem:s8+$0xFFFFFFB0] =	vst v61;
	v61 =	vld [tilespmem:s25+$0xFFFFFF90];
	v40 =	vperm.xlane v30, v1;
	v38 =	vperm.xlane v30, v2;
	v57 =	vpop (erf)  }
0xad: {  	[tilespmem:s8+$0xFFFFFFF0] =	vst v36;
	v62 =	vld [tilespmem:s25+$0xFFFFFFA0];
	v41 =	vperm.xlane v30, v3;
	v39 =	vperm.xlane v48, v0;
	v56 =	vpop (erf)  }
0xae: {  	v36 =	vld [tilespmem:s25+$0xFFFFFF80];
	v44 =	vperm.xlane v48, v1;
	v37 =	vperm.xlane v48, v2;
	[tilespmem:s28+$0xFFFFFFC0] =	vst v56  }
0xaf: {  	[tilespmem:s8+$0xFFFFFFE0] =	vst v35;
	v28 =	vperm.xlane v48, v3;
	v33 =	vmul.f32 v33, v46;
	v29 =	vld [tilespmem:s25+$0xFFFFFF00]  }
0xb0: {  	[tilespmem:s25+$0xF0] =	vst v50;
	v47 =	vmul.f32 v52, v47;
	v50 =	vmul.f32 v49, v53;
	v35 =	vld [tilespmem:s25+$0xFFFFFF10]  }
0xb1: {  	[tilespmem:s8+$0xE0] =	vst v45;
	v45 =	vld [tilespmem:s25+$0xFFFFFFB0];
	v52 =	vmul.f32 v58, v54;
	v58 =	vmul.f32 v61, v55  }
0xb2: {  	[tilespmem:s8+$0xFFFFFFD0] =	vst v31;
	v54 =	vmul.f32 v62, v4;
	v32 =	vperm.xlane v56, v0;
	v59 =	vld [tilespmem:s25+$0xFFFFFF20]  }
0xb3: {  	[tilespmem:s28+$0xFFFFFFF0] =	vst v30;
	v34 =	vperm.xlane v56, v1;
	v30 =	vperm.xlane v56, v2;
	v63 =	vld [tilespmem:s25+$0xFFFFFF30]  }
0xb4: {  	[tilespmem:s28+$0x0] =	vst v48;
	v46 =	vld [tilespmem:s25+$0xFFFFFFC0];
	v56 =	vperm.xlane v56, v3;
	v32 =	vmul.f32 v29, v32  }
0xb5: {  	v48 =	vld [tilespmem:s25+$0xFFFFFFD0];
	[tilespmem:s28+$0x10] =	vst v51;
	v29 =	vperm.xlane v51, v0;
	v31 =	vmul.f32 v35, v34  }
0xb6: {  	v49 =	vld [tilespmem:s25+$0xFFFFFFE0];
	[tilespmem:s25+$0xFFFFFF40] =	vst v33;
	v35 =	vperm.xlane v51, v1;
	v34 =	vperm.xlane v51, v2  }
0xb7: {  	v53 =	vld [tilespmem:s25+$0x0];
	[tilespmem:s28+$0x20] =	vst v57;
	v33 =	vmul.f32 v59, v30;
	v30 =	vperm.xlane v51, v3  }
0xb8: {  	v55 =	vld [tilespmem:s25+$0x10];
	v59 =	vmul.f32 v63, v56;
	v56 =	vmul.f32 v36, v60;
	[tilespmem:s25+$0xFFFFFF00] =	vst v32  }
0xb9: {  	v51 =	vld [tilespmem:s25+$0xFFFFFFF0];
	v36 =	vperm.xlane v57, v3;
	v32 =	vperm.xlane v57, v0;
	[tilespmem:s25+$0xFFFFFF10] =	vst v31  }
0xba: {  	s7 =	simm.s32 $0x700;
	s21 =	simm.s32 $0xA540;
	s12 =	simm.s32 $0x8;
	v31 =	vperm.xlane v57, v1;
	[tilespmem:s25+$0xFFFFFF20] =	vst v33;
	v33 =	vperm.xlane v57, v2;
	v57 =	vld [tilespmem:s25+$0x20]  }
.LBB2_3:
0xbb: {  	v60 =	vld [tilespmem:s21+$0x30];
	s23 =	sadd.s32 $0x80, s23  }
0xbc: {  	[tilespmem:s25+$0xFFFFFF30] =	vst v59;
	v63 =	vld [tilespmem:s23+$0x30]  }
0xbd: {  	[tilespmem:s25+$0xFFFFFF80] =	vst v56;
	v56 =	vld [tilespmem:s21+$0xFFFFFFF0]  }
0xbe: {  	v24 =	vmul.f32 v24, v20;
	[tilespmem:s25+$0xFFFFFF50] =	vst v47;
	v20 =	vld [tilespmem:s23+$0x0]  }
0xbf: {  	[tilespmem:s25+$0xFFFFFF60] =	vst v50;
	v4 =	vmov v29;
	v59 =	vld [tilespmem:s23+$0x10]  }
0xc0: {  	[tilespmem:$0x1FFB0] =	vst v4;
	v4 =	vld [tilespmem:$0x1FFC0]  }
0xc1: {  	v16 =	vmul.f32 v16, v10;
	v47 =	vld [tilespmem:s21+$0xFFFFFFD0]  }
0xc2: {  	v26 =	vmul.f32 v26, v22;
	[tilespmem:s25+$0xFFFFFF70] =	vst v52;
	v29 =	vld [tilespmem:s21+$0xFFFFFFE0];
	v42 =	vmul.f32 v45, v42  }
0xc3: {  	v5 =	vmov v28;
	[tilespmem:s25+$0xFFFFFF90] =	vst v58;
	v28 =	vld [tilespmem:s23+$0xFFFFFFD0];
	v43 =	vmul.f32 v46, v43;
	v40 =	vmul.f32 v48, v40  }
0xc4: {  	[tilespmem:$0x1FFA0] =	vst v5;
	v39 =	vmul.f32 v53, v39;
	v44 =	vmul.f32 v55, v44;
	v53 =	vld [tilespmem:s23+$0xFFFFFFE0];
	v55 =	vadd.f32 v63, v60  }
0xc5: {  	v13 =	vmul.f32 v13, v7;
	[tilespmem:s25+$0xFFFFFFA0] =	vst v54;
	v17 =	vmul.f32 v17, v4;
	v4 =	vld [tilespmem:$0x1FFD0]  }
0xc6: {  	v37 =	vmul.f32 v57, v37;
	v7 =	vmov v30;
	v30 =	vld [tilespmem:s23+$0xFFFFFFF0];
	[tilespmem:s25+$0xFFFFFFB0] =	vst v42;
	v57 =	vmul.f32 $2.000000030e-01, v55  }
0xc7: {  	v38 =	vmul.f32 v49, v38;
	v41 =	vmul.f32 v51, v41;
	v5 =	vmov v31;
	v31 =	vld [tilespmem:s21+$0x0];
	[tilespmem:s25+$0xFFFFFFC0] =	vst v43  }
0xc8: {  	v58 =	vld [tilespmem:s21+$0x10];
	v14 =	vmul.f32 v14, v8;
	[tilespmem:s25+$0xFFFFFFD0] =	vst v40;
	v28 =	vadd.f32 v28, v47;
	v22 =	vmax.f32 v55, v57  }
0xc9: {  	v49 =	vld [tilespmem:s23+$0xFFFFFFC0];
	v27 =	vmul.f32 v27, v23;
	[tilespmem:s25+$0xFFFFFFE0] =	vst v38;
	v29 =	vadd.f32 v53, v29;
	v22 =	vmul.f32 $1.442695020e+00, v22  }
0xca: {  	[tilespmem:s25+$0xFFFFFFF0] =	vst v41;
	v23 =	vmul.f32 $2.000000030e-01, v28;
	v18 =	vmul.f32 v18, v4;
	v4 =	vld [tilespmem:$0x1FFE0]  }
0xcb: {  	v10 =	vmovc v34;
	[tilespmem:s25+$0x0] =	vst v39;
	v60 =	vld [tilespmem:s21+$0x20];
	v30 =	vadd.f32 v30, v56;
	v34 =	vmul.f32 $2.000000030e-01, v29;
	(erf) = vpow2.f32 v22  }
0xcc: {  	v15 =	vmul.f32 v15, v11;
	[tilespmem:s25+$0x10] =	vst v44;
	v20 =	vadd.f32 v20, v31;
	v22 =	vmax.f32 v28, v23;
	v23 =	vld [tilespmem:s23+$0x20]  }
0xcd: {  	[tilespmem:s8+$0x40] =	vst v14;
	v61 =	vmul.f32 $2.000000030e-01, v30;
	v28 =	vld [tilespmem:s21+$0xFFFFFFC0];
	v29 =	vmax.f32 v29, v34;
	v22 =	vmul.f32 $1.442695020e+00, v22  }
0xce: {  	v6 =	vmovc v32;
	[tilespmem:s25+$0x20] =	vst v37;
	v32 =	vadd.f32 v59, v58;
	v14 =	vld [tilespmem:s25+$0x40];
	v31 =	vmul.f32 $2.000000030e-01, v20;
	v29 =	vmul.f32 $1.442695020e+00, v29  }
0xcf: {  	[tilespmem:s8+$0x30] =	vst v13;
	v30 =	vmax.f32 v30, v61;
	(erf) = vpow2.f32 v22;
	v19 =	vmul.f32 v19, v4;
	v4 =	vld [tilespmem:$0x1FFF0]  }
0xd0: {  	[tilespmem:s8+$0x50] =	vst v15;
	v13 =	vld [tilespmem:s25+$0x30];
	v20 =	vmax.f32 v20, v31;
	v30 =	vmul.f32 $1.442695020e+00, v30;
	v22 =	vmul.f32 $2.000000030e-01, v32  }
0xd1: {  	v15 =	vld [tilespmem:s25+$0x50];
	[tilespmem:s8+$0x60] =	vst v16;
	v31 =	vmul.f32 $1.442695020e+00, v20;
	(erf) = vpow2.f32 v29;
	v23 =	vadd.f32 v23, v60  }
0xd2: {  	v16 =	vld [tilespmem:s25+$0x60];
	[tilespmem:s8+$0x70] =	vst v17;
	v28 =	vadd.f32 v49, v28;
	v20 =	vmax.f32 v32, v22;
	(erf) = vpow2.f32 v30  }
0xd3: {  	v17 =	vld [tilespmem:s25+$0x70];
	[tilespmem:s8+$0x80] =	vst v18;
	v30 =	vmul.f32 $1.442695020e+00, v20;
	v22 =	vmul.f32 $2.000000030e-01, v23  }
0xd4: {  	s28 =	sadd.s32 $0x80, s28;
	v18 =	vld [tilespmem:s25+$0x80];
	[tilespmem:s8+$0x90] =	vst v19;
	v29 =	vmul.f32 $2.000000030e-01, v28;
	v21 =	vmul.f32 v21, v4;
	v62 =	vpop (erf)  }
0xd5: {  	v25 =	vmul.f32 v25, v9;
	v19 =	vld [tilespmem:s25+$0x90];
	s25 =	sadd.s32 $0x200, s25;
	[tilespmem:s28+$0x30] =	vst v62  }
0xd6: {  	v22 =	vmax.f32 v23, v22;
	v23 =	vmax.f32 v28, v29;
	[tilespmem:s8+$0xA0] =	vst v21;
	v29 =	vld [tilespmem:s25+$0xF0]  }
0xd7: {  	(erf) = vpow2.f32 v31;
	v21 =	vld [tilespmem:s7+$0xA0];
	[tilespmem:s8+$0xB0] =	vst v25;
	s8 =	smov.u32 s7  }
0xd8: {  	(erf) = vpow2.f32 v30;
	v30 =	vpop (erf);
	v25 =	vld [tilespmem:s8+$0xB0];
	[tilespmem:s8+$0xC0] =	vst v24  }
0xd9: {  	v4 =	vmov v33;
	v20 =	vperm.xlane v62, v0;
	v28 =	vmul.f32 $1.442695020e+00, v22;
	[tilespmem:s28+$0xFFFFFFD0] =	vst v30;
	v24 =	vld [tilespmem:s25+$0xC0]  }
0xda: {  	[tilespmem:$0x1FFF0] =	vst v4;
	v4 =	vmul.f32 $1.442695020e+00, v23;
	v22 =	vperm.xlane v62, v1;
	v48 =	vld [tilespmem:s25+$0xFFFFFF40]  }
0xdb: {  	v23 =	vperm.xlane v62, v2;
	(erf) = vpow2.f32 v28;
	v49 =	vld [tilespmem:s25+$0xFFFFFF50]  }
0xdc: {  	v28 =	vperm.xlane v62, v3;
	(erf) = vpow2.f32 v4;
	v51 =	vld [tilespmem:s25+$0xFFFFFF60]  }
0xdd: {  	v12 =	vmov v36;
	v36 =	vperm.xlane v30, v0;
	v47 =	vperm.xlane v30, v1;
	[tilespmem:s8+$0xD0] =	vst v26;
	v53 =	vld [tilespmem:s25+$0xFFFFFF70]  }
0xde: {  	v50 =	vperm.xlane v30, v2;
	v26 =	vld [tilespmem:s25+$0xD0];
	[tilespmem:s8+$0xE0] =	vst v27;
	v4 =	vmul.f32 v29, v28;
	v29 =	vpop (erf)  }
0xdf: {  	v52 =	vperm.xlane v30, v3;
	v27 =	vld [tilespmem:s25+$0xE0];
	[tilespmem:s28+$0xFFFFFFE0] =	vst v29;
	v54 =	vperm.xlane v29, v0  }
0xe0: {  	v30 =	vpop (erf);
	v57 =	vperm.xlane v29, v1;
	v60 =	vperm.xlane v29, v2;
	v55 =	vld [tilespmem:s25+$0xFFFFFF80]  }
0xe1: {  	v42 =	vperm.xlane v29, v3;
	v43 =	vperm.xlane v30, v0;
	v58 =	vld [tilespmem:s25+$0xFFFFFF90]  }
0xe2: {  	v28 =	vpop (erf);
	v40 =	vperm.xlane v30, v1;
	v38 =	vperm.xlane v30, v2;
	v61 =	vld [tilespmem:s25+$0xFFFFFFA0]  }
0xe3: {  	[tilespmem:s28+$0xFFFFFFF0] =	vst v30;
	v41 =	vperm.xlane v30, v3;
	v45 =	vld [tilespmem:s25+$0xFFFFFFB0];
	v31 =	vpop (erf);
	v39 =	vperm.xlane v28, v0  }
0xe4: {  	v44 =	vperm.xlane v28, v1;
	v46 =	vld [tilespmem:s25+$0xFFFFFFC0];
	v9 =	vmul.f32 v48, v36;
	v56 =	vpop (erf)  }
0xe5: {  	[tilespmem:$0x1FFC0] =	vst v7;
	v48 =	vld [tilespmem:s25+$0xFFFFFFD0];
	v47 =	vmul.f32 v49, v47;
	v50 =	vmul.f32 v51, v50;
	v30 =	vpop (erf)  }
0xe6: {  	v49 =	vld [tilespmem:s25+$0xFFFFFFE0];
	v52 =	vmul.f32 v53, v52;
	v29 =	vperm.xlane v31, v0;
	[tilespmem:s28+$0xFFFFFFC0] =	vst v30  }
0xe7: {  	v11 =	vmov v35;
	[tilespmem:$0x1FFD0] =	vst v6;
	v35 =	vperm.xlane v31, v1;
	v34 =	vperm.xlane v31, v2;
	v63 =	vld [tilespmem:s25+$0xFFFFFF00]  }
0xe8: {  	[tilespmem:$0x1FFE0] =	vst v5;
	v32 =	vperm.xlane v56, v0;
	v33 =	vperm.xlane v56, v2;
	v6 =	vld [tilespmem:s25+$0xFFFFFF10]  }
0xe9: {  	[tilespmem:s25+$0xF0] =	vst v4;
	v36 =	vperm.xlane v56, v3;
	v59 =	vperm.xlane v30, v0;
	v7 =	vld [tilespmem:s25+$0xFFFFFF20]  }
0xea: {  	s12 =	sadd.s32 $0x8, s12;
	[tilespmem:s28+$0x0] =	vst v28;
	v51 =	vld [tilespmem:s25+$0xFFFFFFF0];
	v62 =	vperm.xlane v30, v1;
	v4 =	vperm.xlane v30, v2  }
0xeb: {  	p1 =	slt.u32 s12, $0xF8;
	[tilespmem:s28+$0x10] =	vst v31;
	v5 =	vperm.xlane v30, v3;
	v30 =	vperm.xlane v31, v3;
	v8 =	vld [tilespmem:s25+$0xFFFFFF30]  }
.Ltmp0:
0xec: {  	v53 =	vld [tilespmem:s25+$0x0];
	[tilespmem:s25+$0xFFFFFF40] =	vst v9;
	v31 =	vperm.xlane v56, v1;
	v63 =	vmul.f32 v63, v59;
	(pc) =	sbr.rel @p1 .LBB2_3-.Ltmp0, $4  }
0xed: {  	[tilespmem:s28+$0x20] =	vst v56;
	v56 =	vmul.f32 v55, v54;
	v55 =	vld [tilespmem:s25+$0x10];
	v6 =	vmul.f32 v6, v62  }
0xee: {  	v58 =	vmul.f32 v58, v57;
	v57 =	vld [tilespmem:s25+$0x20];
	v4 =	vmul.f32 v7, v4;
	[tilespmem:s25+$0xFFFFFF00] =	vst v63  }
0xef: {  	v37 =	vperm.xlane v28, v2;
	v28 =	vperm.xlane v28, v3;
	v7 =	vld [tilespmem:$0x1FFA0];
	[tilespmem:s25+$0xFFFFFF10] =	vst v6  }
0xf0: {  	s21 =	sadd.s32 $0x80, s21;
	s7 =	smov.u32 s25;
	v9 =	vmov v12;
	v54 =	vmul.f32 v61, v60;
	v59 =	vmul.f32 v8, v5;
	v8 =	vld [tilespmem:$0x1FFB0];
	[tilespmem:s25+$0xFFFFFF20] =	vst v4  }
0xf1: {  	[tilespmem:s25+$0xFFFFFF50] =	vst v47  }
0xf2: {  	[tilespmem:s25+$0xFFFFFF60] =	vst v50  }
0xf3: {  	[tilespmem:s25+$0xFFFFFF70] =	vst v52  }
0xf4: {  	[tilespmem:s25+$0xFFFFFF80] =	vst v56  }
0xf5: {  	[tilespmem:s25+$0xFFFFFF90] =	vst v58  }
0xf6: {  	v4 =	vmul.f32 v45, v42;
	[tilespmem:s25+$0xFFFFFF30] =	vst v59  }
0xf7: {  	v5 =	vmul.f32 v46, v43;
	[tilespmem:s25+$0xFFFFFFA0] =	vst v54  }
0xf8: {  	v6 =	vmul.f32 v48, v40;
	[tilespmem:s25+$0xFFFFFFB0] =	vst v4  }
0xf9: {  	v4 =	vmul.f32 v49, v38;
	[tilespmem:s25+$0xFFFFFFC0] =	vst v5  }
0xfa: {  	v5 =	vmul.f32 v51, v41;
	[tilespmem:s25+$0xFFFFFFD0] =	vst v6  }
0xfb: {  	v6 =	vmul.f32 v53, v39;
	[tilespmem:s25+$0xFFFFFFE0] =	vst v4  }
0xfc: {  	v4 =	vmul.f32 v55, v44;
	[tilespmem:s25+$0xFFFFFFF0] =	vst v5  }
0xfd: {  	v5 =	vmul.f32 v57, v37;
	[tilespmem:s25+$0x0] =	vst v6  }
0xfe: {  	v6 =	vmul.f32 v13, v7;
	[tilespmem:s25+$0x10] =	vst v4  }
0xff: {  	v4 =	vmul.f32 v14, v8;
	[tilespmem:s25+$0x20] =	vst v5  }
0x100: {  	[tilespmem:s8+$0x30] =	vst v6  }
0x101: {  	[tilespmem:s8+$0x40] =	vst v4  }
0x102: {  	v4 =	vld [tilespmem:$0x1FFC0]  }
0x103: {  	v5 =	vmul.f32 v15, v11  }
0x104: {  	v6 =	vmul.f32 v16, v10  }
0x105: {  	[tilespmem:s8+$0x50] =	vst v5  }
0x106: {  	v5 =	vld [tilespmem:$0x1FFD0];
	[tilespmem:s8+$0x60] =	vst v6  }
0x107: {  	v6 =	vld [tilespmem:$0x1FFE0];
	v4 =	vmul.f32 v17, v4;
	_ =	sdelay $0x1  }
0x108: {  	[tilespmem:s8+$0x70] =	vst v4  }
0x109: {  	v4 =	vld [tilespmem:$0x1FFF0]  }
0x10a: {  	v5 =	vmul.f32 v18, v5  }
0x10b: {  	v7 =	vld [tilespmem:s25+$0x30];
	v6 =	vmul.f32 v19, v6  }
0x10c: {  	v10 =	vld [tilespmem:s25+$0x60];
	[tilespmem:s8+$0x80] =	vst v5;
	v5 =	vmul.f32 v25, v9  }
0x10d: {  	v8 =	vld [tilespmem:s25+$0x40];
	[tilespmem:s8+$0x90] =	vst v6;
	v6 =	vmul.f32 v24, v20  }
0x10e: {  	[tilespmem:s8+$0xB0] =	vst v5;
	v4 =	vmul.f32 v21, v4  }
0x10f: {  	v9 =	vld [tilespmem:s25+$0x50];
	v5 =	vmul.f32 v27, v23;
	[tilespmem:s7+$0xC0] =	vst v6  }
0x110: {  	v11 =	vld [tilespmem:s25+$0x70];
	[tilespmem:s8+$0xA0] =	vst v4;
	v4 =	vmul.f32 v26, v22  }
0x111: {  	v10 =	vmul.f32 v10, v34;
	v6 =	vld [tilespmem:s25+$0x80];
	[tilespmem:s7+$0xE0] =	vst v5  }
0x112: {  	v5 =	vmul.f32 v8, v29;
	v8 =	vld [tilespmem:s7+$0xA0];
	[tilespmem:s7+$0xD0] =	vst v4;
	v4 =	vmul.f32 v7, v28  }
0x113: {  	[tilespmem:s7+$0x60] =	vst v10;
	v7 =	vld [tilespmem:s25+$0x90]  }
0x114: {  	v9 =	vmul.f32 v9, v35;
	[tilespmem:s7+$0x30] =	vst v4;
	v4 =	vld [tilespmem:s7+$0xB0]  }
0x115: {  	[tilespmem:s7+$0x40] =	vst v5;
	v5 =	vmul.f32 v11, v30  }
0x116: {  	[tilespmem:s7+$0x50] =	vst v9;
	v6 =	vmul.f32 v6, v32  }
0x117: {  	[tilespmem:s7+$0x70] =	vst v5;
	v5 =	vmul.f32 v8, v33  }
0x118: {  	[tilespmem:s7+$0x80] =	vst v6;
	v7 =	vmul.f32 v7, v31  }
0x119: {  	[tilespmem:s7+$0xA0] =	vst v5;
	v4 =	vmul.f32 v4, v36  }
0x11a: {  	[tilespmem:s7+$0x90] =	vst v7  }
0x11b: {  	s12 =	simm.s32 $0x400;
	[tilespmem:s7+$0xB0] =	vst v4  }
0x11c: {  	[spmem:s1] =	stream.indirect.scatter.add.f32 [tilespmem:s12], [sflag:$0x3], $0x40, s26, s20, $0xb8;
	[tilespmem:$0x1AC00] =	vst v63  }
0x11d: {  	s7 =	simm.s32 @p0 $0x3  }
0x11e: {  	[spmem:s1] =	stream.indirect.scatter.add.f32 [tilespmem:s22], [sflag:$0x3], $0x40, s29, s20, $0xb8;
	[tilespmem:$0x1AC00] =	vst v63  }
0x11f: {  	_ =	swait.ge @p0 [sflag:s7], $0x2000  }
0x120: {  	[sflag:s7] =	ssyncset.done @p0 $0x0  }
0x121: {  	[sflag:s7] =	ssyncadd.s32 @p0 $0xFFFFE000  }
0x122: {  	_ =	swait.ge @p0 [sflag:s7], $0x2000  }
0x123: {  	s8 =	simm.s32 @!p0 $0x100;
	[sflag:s7] =	ssyncset.done @p0 $0x0  }
0x124: {  	s12 =	simm.s32 @!p0 $0x8400;
	[sflag:s7] =	ssyncadd.s32 @p0 $0xFFFFE000;
	s7 =	simm.s32 @!p0 $0x80  }
0x125: {  	[spmem:s3] =	stream.indirect.scatter.add.f32 @!p0 [tilespmem:s12], [sflag:$0x3], $0x10, s8, s7, $0xb8;
	[tilespmem:$0x1AC00] =	vst v63  }
0x126: {  	s8 =	simm.s32 @!p0 $0x180;
	s12 =	simm.s32 @!p0 $0x8C00  }
0x127: {  	[spmem:s3] =	stream.indirect.scatter.add.f32 @!p0 [tilespmem:s12], [sflag:$0x3], $0x10, s8, s7, $0xb8;
	[tilespmem:$0x1AC00] =	vst v63  }
0x128: {  	s7 =	simm.s32 @!p0 $0x3  }
0x129: {  	_ =	swait.ge @!p0 [sflag:s7], $0x2000  }
0x12a: {  	[sflag:s7] =	ssyncset.done @!p0 $0x0  }
0x12b: {  	[sflag:s7] =	ssyncadd.s32 @!p0 $0xFFFFE000  }
0x12c: {  	_ =	swait.ge @!p0 [sflag:s7], $0x2000  }
0x12d: {  	[sflag:s7] =	ssyncset.done @!p0 $0x0  }
0x12e: {  	[sflag:s7] =	ssyncadd.s32 @!p0 $0xFFFFE000  }
0x12f: {  	_ =	swait.ge @!p0 [sflag:s7], $0x800  }
0x130: {  	[sflag:s7] =	ssyncset.done @!p0 $0x0  }
0x131: {  	[sflag:s7] =	ssyncadd.s32 @!p0 $0xFFFFF800  }
0x132: {  	_ =	swait.ge @!p0 [sflag:s7], $0x800  }
0x133: {  	p1 =	seq.s32 s10, $0x29;
	[sflag:s7] =	ssyncset.done @!p0 $0x0  }
0x134: {  	s8 =	simm.s32 @!p1 $0x0;
	[sflag:s7] =	ssyncadd.s32 @!p0 $0xFFFFF800;
	s7 =	sadd.s32 @!p1 s18, s15  }
0x135: {  	[tilespmem:s8], [sflag:$0x5] =	stream.linear.gather @!p1 [hbm4b:s7+s8], $0x200, $0x38;
	[tilespmem:$0x1AC00] =	vst v63  }
0x136: {  	s7 =	simm.s32 @!p1 $0x5  }
0x137: {  	_ =	swait.ge @!p1 [sflag:s7], $0x200  }
0x138: {  	[sflag:s7] =	ssyncset.done @!p1 $0x0  }
0x139: {  	s12 =	simm.s32 @!p1 $0x400;
	[sflag:s7] =	ssyncadd.s32 @!p1 $0xFFFFFE00;
	s7 =	simm.s32 @!p1 $0x80  }
0x13a: {  	[tilespmem:s12], [sflag:$0x1] =	stream.indirect.gather @!p1 [hbm4b:s13+s7], $0x40, s8, s7, $0xb8;
	[tilespmem:$0x1AC00] =	vst v63  }
0x13b: {  	s12 =	simm.s32 @!p1 $0x2400  }
0x13c: {  	[tilespmem:s12], [sflag:$0x1] =	stream.indirect.gather @!p1 [hbm4b:s13+s7], $0x40, s7, s7, $0xb8;
	[tilespmem:$0x1AC00] =	vst v63  }
0x13d: {  	s12 =	simm.s32 @!p1 $0xA400  }
0x13e: {  	[tilespmem:s12], [sflag:$0x1] =	stream.indirect.gather @!p1 [hbm4b:s5+s7], $0x10, s8, s7, $0xb8;
	[tilespmem:$0x1AC00] =	vst v63  }
0x13f: {  	s8 =	simm.s32 @!p1 $0xAC00  }
0x140: {  	[tilespmem:s8], [sflag:$0x1] =	stream.indirect.gather @!p1 [hbm4b:s5+s7], $0x10, s7, s7, $0xb8;
	[tilespmem:$0x1AC00] =	vst v63  }
0x141: {  	s12 =	simm.s32 @!p1 $0xC400;
	s8 =	simm.s32 @!p1 $0x100  }
0x142: {  	[tilespmem:s12], [sflag:$0x1] =	stream.indirect.gather @!p1 [hbm4b:s6+s7], $0x10, s8, s7, $0xb8;
	[tilespmem:$0x1AC00] =	vst v63  }
0x143: {  	s8 =	simm.s32 @!p1 $0x180;
	s12 =	simm.s32 @!p1 $0xCC00  }
0x144: {  	[tilespmem:s12], [sflag:$0x1] =	stream.indirect.gather @!p1 [hbm4b:s6+s7], $0x10, s8, s7, $0xb8;
	[tilespmem:$0x1AC00] =	vst v63  }
0x145: {  	_ =	swait.ge [sflag:s17], $0x2000  }
0x146: {  	[sflag:s17] =	ssyncset.done $0x0  }
0x147: {  	[sflag:s17] =	ssyncadd.s32 $0xFFFFE000  }
0x148: {  	_ =	swait.ge [sflag:s17], $0x2000  }
0x149: {  	[sflag:s17] =	ssyncset.done $0x0  }
0x14a: {  	[sflag:s17] =	ssyncadd.s32 $0xFFFFE000  }
0x14b: {  	_ =	swait.ge [sflag:s17], $0x800  }
0x14c: {  	[sflag:s17] =	ssyncset.done $0x0  }
0x14d: {  	[sflag:s17] =	ssyncadd.s32 $0xFFFFF800  }
0x14e: {  	_ =	swait.ge [sflag:s17], $0x800  }
0x14f: {  	[sflag:s17] =	ssyncset.done $0x0  }
0x150: {  	[sflag:s17] =	ssyncadd.s32 $0xFFFFF800  }
0x151: {  	_ =	swait.ge [sflag:s17], $0x800  }
0x152: {  	[sflag:s17] =	ssyncset.done $0x0  }
0x153: {  	[sflag:s17] =	ssyncadd.s32 $0xFFFFF800  }
0x154: {  	_ =	swait.ge [sflag:s17], $0x800  }
0x155: {  	[sflag:s17] =	ssyncset.done $0x0  }
0x156: {  	s21 =	simm.s32 $0xB440;
	[sflag:s17] =	ssyncadd.s32 $0xFFFFF800  }
0x157: {  	s23 =	simm.s32 $0xD440;
	v4 =	vld [tilespmem:s21+$0x30]  }
0x158: {  	v5 =	vld [tilespmem:s23+$0x30]  }
0x159: {  	v6 =	vld [tilespmem:s23+$0xFFFFFFC0]  }
0x15a: {  	v7 =	vld [tilespmem:s21+$0xFFFFFFD0]  }
0x15b: {  	v8 =	vld [tilespmem:s23+$0xFFFFFFD0]  }
0x15c: {  	v9 =	vld [tilespmem:s21+$0xFFFFFFE0]  }
0x15d: {  	v10 =	vld [tilespmem:s23+$0xFFFFFFE0]  }
0x15e: {  	v11 =	vld [tilespmem:s21+$0xFFFFFFF0]  }
0x15f: {  	v12 =	vld [tilespmem:s21+$0x0];
	v4 =	vadd.f32 v5, v4  }
0x160: {  	v5 =	vld [tilespmem:s23+$0xFFFFFFF0]  }
0x161: {  	v14 =	vld [tilespmem:s23+$0x0];
	v13 =	vmul.f32 $2.000000030e-01, v4  }
0x162: {  	v15 =	vld [tilespmem:s21+$0x20];
	v7 =	vadd.f32 v8, v7  }
0x163: {  	v8 =	vld [tilespmem:s21+$0x10];
	v9 =	vadd.f32 v10, v9;
	v4 =	vmax.f32 v4, v13  }
0x164: {  	v10 =	vld [tilespmem:s23+$0x10];
	v13 =	vmul.f32 $2.000000030e-01, v7;
	v4 =	vmul.f32 $1.442695020e+00, v4  }
0x165: {  	v16 =	vmul.f32 $2.000000030e-01, v9;
	v5 =	vadd.f32 v5, v11;
	v11 =	vld [tilespmem:s23+$0x20]  }
0x166: {  	(erf) = vpow2.f32 v4;
	v4 =	vmax.f32 v7, v13;
	v7 =	vld [tilespmem:s21+$0xFFFFFFC0]  }
0x167: {  	v12 =	vadd.f32 v14, v12;
	v9 =	vmax.f32 v9, v16;
	v13 =	vmul.f32 $2.000000030e-01, v5  }
0x168: {  	v9 =	vmul.f32 $1.442695020e+00, v9;
	v4 =	vmul.f32 $1.442695020e+00, v4  }
0x169: {  	v8 =	vadd.f32 v10, v8;
	v5 =	vmax.f32 v5, v13;
	v13 =	vmul.f32 $2.000000030e-01, v12  }
0x16a: {  	v5 =	vmul.f32 $1.442695020e+00, v5;
	(erf) = vpow2.f32 v4;
	v4 =	vadd.f32 v11, v15  }
0x16b: {  	v11 =	vmul.f32 $2.000000030e-01, v8;
	v10 =	vmax.f32 v12, v13;
	v6 =	vadd.f32 v6, v7  }
0x16c: {  	v7 =	vmul.f32 $1.442695020e+00, v10;
	v10 =	vmul.f32 $2.000000030e-01, v4  }
0x16d: {  	(erf) = vpow2.f32 v9;
	v8 =	vmax.f32 v8, v11;
	v9 =	vmul.f32 $2.000000030e-01, v6  }
0x16e: {  	s28 =	simm.s32 $0xB4C0;
	(erf) = vpow2.f32 v5;
	v5 =	vmul.f32 $1.442695020e+00, v8;
	v4 =	vmax.f32 v4, v10  }
0x16f: {  	s18 =	simm.s32 $0xD4C0;
	v52 =	vld [tilespmem:s28+$0x30];
	(erf) = vpow2.f32 v7;
	v4 =	vmul.f32 $1.442695020e+00, v4;
	v6 =	vmax.f32 v6, v9  }
0x170: {  	s25 =	simm.s32 $0x9440;
	v55 =	vld [tilespmem:s18+$0x30];
	v7 =	vpop (erf);
	(erf) = vpow2.f32 v5;
	v5 =	vmul.f32 $1.442695020e+00, v6  }
0x171: {  	s8 =	simm.s32 $0x4500;
	v57 =	vld [tilespmem:s18+$0xFFFFFFC0];
	[tilespmem:s25+$0x30] =	vst v7  }
0x172: {  	(erf) = vpow2.f32 v4;
	v4 =	vld [tilespmem:s8+$0xF0]  }
0x173: {  	v22 =	vld [tilespmem:s8+$0xC0]  }
0x174: {  	v20 =	vld [tilespmem:s8+$0xD0];
	(erf) = vpow2.f32 v5;
	v5 =	vpop (erf)  }
0x175: {  	v23 =	vld [tilespmem:s8+$0xE0];
	[tilespmem:s25+$0xFFFFFFD0] =	vst v5  }
0x176: {  	v6 =	vld [tilespmem:s8+$0xFFFFFF40]  }
0x177: {  	v13 =	vld [tilespmem:s8+$0xFFFFFF50]  }
0x178: {  	v8 =	vpop (erf);
	v15 =	vld [tilespmem:s8+$0xFFFFFF60]  }
0x179: {  	[tilespmem:s25+$0xFFFFFFE0] =	vst v8;
	v16 =	vld [tilespmem:s8+$0xFFFFFF70]  }
0x17a: {  	v14 =	vpop (erf);
	v18 =	vld [tilespmem:s8+$0xFFFFFF80]  }
0x17b: {  	v24 =	vperm.xlane v7, v0;
	v9 =	vpop (erf);
	v27 =	vld [tilespmem:s8+$0xFFFFFF90]  }
0x17c: {  	v25 =	vperm.xlane v7, v1;
	v26 =	vperm.xlane v7, v2;
	v30 =	vld [tilespmem:s8+$0xFFFFFFA0];
	v17 =	vpop (erf);
	[tilespmem:s25+$0x0] =	vst v9  }
0x17d: {  	v7 =	vperm.xlane v7, v3;
	v21 =	vperm.xlane v5, v0;
	v19 =	vpop (erf);
	v45 =	vld [tilespmem:s8+$0x0]  }
0x17e: {  	v28 =	vperm.xlane v5, v1;
	v29 =	vperm.xlane v5, v2;
	v48 =	vld [tilespmem:s8+$0x10];
	v10 =	vpop (erf)  }
0x17f: {  	v32 =	vperm.xlane v5, v3;
	v31 =	vmul.f32 v4, v7;
	v50 =	vld [tilespmem:s8+$0x20];
	[tilespmem:s25+$0xFFFFFFC0] =	vst v10  }
0x180: {  	v34 =	vperm.xlane v8, v0;
	v35 =	vperm.xlane v8, v1;
	v33 =	vld [tilespmem:s8+$0xFFFFFF00]  }
0x181: {  	v37 =	vperm.xlane v8, v2;
	v4 =	vperm.xlane v17, v3;
	v36 =	vld [tilespmem:s8+$0xFFFFFF10]  }
0x182: {  	v38 =	vperm.xlane v8, v3;
	v40 =	vperm.xlane v14, v0;
	v39 =	vld [tilespmem:s8+$0xFFFFFF20]  }
0x183: {  	v41 =	vperm.xlane v14, v1;
	v42 =	vld [tilespmem:s8+$0xFFFFFF30];
	[tilespmem:$0x1FF60] =	vst v4;
	v4 =	vperm.xlane v19, v0  }
0x184: {  	v43 =	vperm.xlane v14, v2;
	v44 =	vperm.xlane v14, v3  }
0x185: {  	v46 =	vperm.xlane v9, v0;
	v58 =	vld [tilespmem:s28+$0xFFFFFFD0];
	[tilespmem:$0x1FF70] =	vst v4;
	v4 =	vperm.xlane v19, v1  }
0x186: {  	v47 =	vperm.xlane v9, v1;
	v49 =	vperm.xlane v9, v2  }
0x187: {  	v7 =	vperm.xlane v9, v3;
	[tilespmem:$0x1FF80] =	vst v4;
	v4 =	vperm.xlane v19, v2  }
0x188: {  	v8 =	vperm.xlane v17, v0;
	v29 =	vmul.f32 v15, v29;
	v15 =	vadd.f32 v55, v52  }
0x189: {  	v11 =	vperm.xlane v17, v1;
	v9 =	vperm.xlane v19, v3;
	v59 =	vld [tilespmem:s18+$0xFFFFFFD0];
	[tilespmem:$0x1FF90] =	vst v4  }
0x18a: {  	v34 =	vmul.f32 v18, v34;
	v18 =	vmul.f32 $2.000000030e-01, v15;
	v60 =	vld [tilespmem:s28+$0xFFFFFFE0]  }
0x18b: {  	v21 =	vmul.f32 v6, v21;
	v28 =	vmul.f32 v13, v28;
	v61 =	vld [tilespmem:s18+$0xFFFFFFE0]  }
0x18c: {  	v32 =	vmul.f32 v16, v32;
	v51 =	vperm.xlane v10, v0;
	v15 =	vmax.f32 v15, v18;
	v13 =	vld [tilespmem:s28+$0xFFFFFFF0]  }
0x18d: {  	v53 =	vperm.xlane v10, v1;
	v15 =	vmul.f32 $1.442695020e+00, v15;
	v62 =	vld [tilespmem:s18+$0xFFFFFFF0]  }
0x18e: {  	v54 =	vperm.xlane v10, v2;
	v56 =	vperm.xlane v10, v3;
	v16 =	vld [tilespmem:s28+$0x0]  }
0x18f: {  	v36 =	vmul.f32 v36, v53;
	(erf) = vpow2.f32 v15;
	v53 =	vld [tilespmem:s18+$0x0]  }
0x190: {  	v10 =	vperm.xlane v17, v2;
	v30 =	vmul.f32 v30, v37;
	v37 =	vld [tilespmem:s28+$0x10];
	[tilespmem:s8+$0xF0] =	vst v31  }
0x191: {  	v27 =	vmul.f32 v27, v35;
	v45 =	vmul.f32 v45, v46;
	[tilespmem:s25+$0xFFFFFFF0] =	vst v14;
	v52 =	vld [tilespmem:s8+$0xFFFFFFB0]  }
0x192: {  	v33 =	vmul.f32 v33, v51;
	v39 =	vmul.f32 v39, v54;
	[tilespmem:s25+$0x20] =	vst v19;
	v19 =	vld [tilespmem:s8+$0xFFFFFFC0]  }
0x193: {  	v42 =	vmul.f32 v42, v56;
	v31 =	vmul.f32 v48, v47;
	[tilespmem:s25+$0x10] =	vst v17;
	v55 =	vld [tilespmem:s8+$0xFFFFFFD0];
	v63 =	vadd.f32 v59, v58  }
0x194: {  	v14 =	vmul.f32 v50, v49;
	[tilespmem:s8+$0xFFFFFF70] =	vst v32;
	v32 =	vmul.f32 v22, v24;
	v58 =	vld [tilespmem:s18+$0x10];
	v18 =	vadd.f32 v61, v60  }
0x195: {  	[tilespmem:s8+$0xFFFFFF80] =	vst v34;
	v34 =	vmul.f32 v20, v25;
	v59 =	vmul.f32 $2.000000030e-01, v63;
	v60 =	vld [tilespmem:s28+$0x20]  }
0x196: {  	[tilespmem:s8+$0x0] =	vst v45;
	v45 =	vmul.f32 v23, v26;
	v13 =	vadd.f32 v62, v13;
	v62 =	vld [tilespmem:s18+$0x20];
	v61 =	vmul.f32 $2.000000030e-01, v18  }
0x197: {  	[tilespmem:s8+$0xFFFFFF50] =	vst v28;
	v16 =	vadd.f32 v53, v16;
	v28 =	vmul.f32 v19, v40;
	v15 =	vmax.f32 v63, v59;
	v63 =	vld [tilespmem:s28+$0xFFFFFFC0]  }
0x198: {  	[tilespmem:s8+$0xFFFFFF60] =	vst v29;
	v56 =	vld [tilespmem:s8+$0xFFFFFFE0];
	v29 =	vpop (erf);
	v15 =	vmul.f32 $1.442695020e+00, v15;
	v17 =	vmax.f32 v18, v61;
	v18 =	vmul.f32 $2.000000030e-01, v13  }
0x199: {  	s25 =	simm.s32 $0x94C0;
	v25 =	vld [tilespmem:s8+$0xB0];
	v37 =	vadd.f32 v58, v37;
	v20 =	vperm.xlane v29, v0;
	v22 =	vperm.xlane v29, v1  }
0x19a: {  	[tilespmem:s8+$0x10] =	vst v31;
	v19 =	vld [tilespmem:s8+$0x90];
	v17 =	vmul.f32 $1.442695020e+00, v17;
	v13 =	vmax.f32 v13, v18;
	v18 =	vmul.f32 $2.000000030e-01, v16  }
0x19b: {  	s23 =	simm.s32 $0x4700;
	v59 =	vld [tilespmem:s8+$0xFFFFFFF0];
	[tilespmem:s25+$0x30] =	vst v29;
	(erf) = vpow2.f32 v15;
	v58 =	vadd.f32 v62, v60;
	v15 =	vmul.f32 $2.000000030e-01, v37  }
0x19c: {  	[tilespmem:s8+$0x20] =	vst v14;
	v24 =	vld [tilespmem:s23+$0xC0];
	v31 =	vmul.f32 $1.442695020e+00, v13;
	v14 =	vmax.f32 v16, v18;
	v18 =	vadd.f32 v57, v63  }
0x19d: {  	[tilespmem:s8+$0xFFFFFF40] =	vst v21;
	v26 =	vld [tilespmem:s23+$0xD0];
	(erf) = vpow2.f32 v17;
	v16 =	vmul.f32 $2.000000030e-01, v58  }
0x19e: {  	[tilespmem:s8+$0xFFFFFF90] =	vst v27;
	v27 =	vld [tilespmem:s23+$0xE0];
	v17 =	vmax.f32 v37, v15;
	v21 =	vmul.f32 $1.442695020e+00, v14;
	v60 =	vmul.f32 $2.000000030e-01, v18  }
0x19f: {  	v62 =	vld [tilespmem:s23+$0xF0];
	(erf) = vpow2.f32 v31;
	v31 =	vmul.f32 $1.442695020e+00, v17;
	v17 =	vmax.f32 v58, v16  }
0x1a0: {  	v13 =	vld [tilespmem:s8+$0x30];
	(erf) = vpow2.f32 v21;
	v21 =	vmul.f32 $1.442695020e+00, v17;
	v18 =	vmax.f32 v18, v60  }
0x1a1: {  	[tilespmem:s8+$0xFFFFFF00] =	vst v33;
	v15 =	vld [tilespmem:s8+$0x50];
	(erf) = vpow2.f32 v31;
	v31 =	vmul.f32 $1.442695020e+00, v18  }
0x1a2: {  	[tilespmem:s8+$0xFFFFFF10] =	vst v36;
	v23 =	vperm.xlane v29, v2;
	v14 =	vld [tilespmem:s8+$0x40];
	(erf) = vpow2.f32 v21  }
0x1a3: {  	[tilespmem:s8+$0xFFFFFF20] =	vst v39;
	v29 =	vperm.xlane v29, v3;
	v16 =	vld [tilespmem:s8+$0x60];
	(erf) = vpow2.f32 v31  }
0x1a4: {  	[tilespmem:s8+$0xFFFFFF30] =	vst v42;
	v35 =	vmul.f32 v56, v43;
	v61 =	vmul.f32 v52, v38;
	v17 =	vld [tilespmem:s8+$0x70]  }
0x1a5: {  	[tilespmem:s8+$0xFFFFFFA0] =	vst v30;
	v36 =	vmul.f32 v59, v44;
	v50 =	vmul.f32 v62, v29;
	v18 =	vld [tilespmem:s8+$0x80];
	v63 =	vpop (erf)  }
0x1a6: {  	v21 =	vld [tilespmem:s8+$0xA0];
	v31 =	vmul.f32 v55, v41;
	[tilespmem:s25+$0xFFFFFFD0] =	vst v63;
	v46 =	vperm.xlane v63, v0  }
0x1a7: {  	[tilespmem:s8+$0xC0] =	vst v32;
	v47 =	vperm.xlane v63, v1;
	v53 =	vperm.xlane v63, v2;
	v39 =	vpop (erf);
	v33 =	vld [tilespmem:s23+$0xFFFFFF40]  }
0x1a8: {  	[tilespmem:s8+$0xD0] =	vst v34;
	v54 =	vperm.xlane v63, v3;
	v52 =	vld [tilespmem:s23+$0xFFFFFF50];
	v60 =	vperm.xlane v39, v0;
	v30 =	vpop (erf)  }
0x1a9: {  	[tilespmem:s8+$0xFFFFFFC0] =	vst v28;
	v49 =	vld [tilespmem:s23+$0xFFFFFF60];
	v55 =	vperm.xlane v39, v1;
	v4 =	vperm.xlane v39, v2;
	v48 =	vpop (erf)  }
0x1aa: {  	v58 =	vld [tilespmem:s23+$0xFFFFFF70];
	v42 =	vperm.xlane v39, v3;
	[tilespmem:s25+$0xFFFFFFE0] =	vst v39;
	v43 =	vperm.xlane v30, v0;
	v51 =	vpop (erf)  }
0x1ab: {  	[tilespmem:s8+$0xFFFFFFB0] =	vst v61;
	v61 =	vld [tilespmem:s23+$0xFFFFFF90];
	v40 =	vperm.xlane v30, v1;
	v38 =	vperm.xlane v30, v2;
	v57 =	vpop (erf)  }
0x1ac: {  	[tilespmem:s8+$0xFFFFFFF0] =	vst v36;
	v62 =	vld [tilespmem:s23+$0xFFFFFFA0];
	v41 =	vperm.xlane v30, v3;
	v39 =	vperm.xlane v48, v0;
	v56 =	vpop (erf)  }
0x1ad: {  	v36 =	vld [tilespmem:s23+$0xFFFFFF80];
	v44 =	vperm.xlane v48, v1;
	v37 =	vperm.xlane v48, v2;
	[tilespmem:s25+$0xFFFFFFC0] =	vst v56  }
0x1ae: {  	[tilespmem:s8+$0xFFFFFFE0] =	vst v35;
	v28 =	vperm.xlane v48, v3;
	v33 =	vmul.f32 v33, v46;
	v29 =	vld [tilespmem:s23+$0xFFFFFF00]  }
0x1af: {  	[tilespmem:s23+$0xF0] =	vst v50;
	v47 =	vmul.f32 v52, v47;
	v50 =	vmul.f32 v49, v53;
	v35 =	vld [tilespmem:s23+$0xFFFFFF10]  }
0x1b0: {  	[tilespmem:s8+$0xE0] =	vst v45;
	v45 =	vld [tilespmem:s23+$0xFFFFFFB0];
	v52 =	vmul.f32 v58, v54;
	v58 =	vmul.f32 v61, v55  }
0x1b1: {  	[tilespmem:s8+$0xFFFFFFD0] =	vst v31;
	v54 =	vmul.f32 v62, v4;
	v32 =	vperm.xlane v56, v0;
	v59 =	vld [tilespmem:s23+$0xFFFFFF20]  }
0x1b2: {  	[tilespmem:s25+$0xFFFFFFF0] =	vst v30;
	v34 =	vperm.xlane v56, v1;
	v30 =	vperm.xlane v56, v2;
	v63 =	vld [tilespmem:s23+$0xFFFFFF30]  }
0x1b3: {  	[tilespmem:s25+$0x0] =	vst v48;
	v46 =	vld [tilespmem:s23+$0xFFFFFFC0];
	v56 =	vperm.xlane v56, v3;
	v32 =	vmul.f32 v29, v32  }
0x1b4: {  	v48 =	vld [tilespmem:s23+$0xFFFFFFD0];
	[tilespmem:s25+$0x10] =	vst v51;
	v29 =	vperm.xlane v51, v0;
	v31 =	vmul.f32 v35, v34  }
0x1b5: {  	v49 =	vld [tilespmem:s23+$0xFFFFFFE0];
	[tilespmem:s23+$0xFFFFFF40] =	vst v33;
	v35 =	vperm.xlane v51, v1;
	v34 =	vperm.xlane v51, v2  }
0x1b6: {  	v53 =	vld [tilespmem:s23+$0x0];
	[tilespmem:s25+$0x20] =	vst v57;
	v33 =	vmul.f32 v59, v30;
	v30 =	vperm.xlane v51, v3  }
0x1b7: {  	v55 =	vld [tilespmem:s23+$0x10];
	v59 =	vmul.f32 v63, v56;
	v56 =	vmul.f32 v36, v60;
	[tilespmem:s23+$0xFFFFFF00] =	vst v32  }
0x1b8: {  	v51 =	vld [tilespmem:s23+$0xFFFFFFF0];
	v36 =	vperm.xlane v57, v3;
	v32 =	vperm.xlane v57, v0;
	[tilespmem:s23+$0xFFFFFF10] =	vst v31  }
0x1b9: {  	s12 =	simm.s32 $0x8;
	s7 =	simm.s32 $0x4700;
	s21 =	simm.s32 $0xB540;
	v31 =	vperm.xlane v57, v1;
	[tilespmem:s23+$0xFFFFFF20] =	vst v33;
	v33 =	vperm.xlane v57, v2;
	v57 =	vld [tilespmem:s23+$0x20]  }
.LBB2_5:
0x1ba: {  	v60 =	vld [tilespmem:s21+$0x30];
	s18 =	sadd.s32 $0x80, s18  }
0x1bb: {  	[tilespmem:s23+$0xFFFFFF30] =	vst v59;
	v63 =	vld [tilespmem:s18+$0x30]  }
0x1bc: {  	[tilespmem:s23+$0xFFFFFF80] =	vst v56;
	v56 =	vld [tilespmem:s21+$0xFFFFFFF0]  }
0x1bd: {  	v24 =	vmul.f32 v24, v20;
	[tilespmem:s23+$0xFFFFFF50] =	vst v47;
	v20 =	vld [tilespmem:s18+$0x0]  }
0x1be: {  	[tilespmem:s23+$0xFFFFFF60] =	vst v50;
	v4 =	vmov v29;
	v59 =	vld [tilespmem:s18+$0x10]  }
0x1bf: {  	[tilespmem:$0x1FF50] =	vst v4;
	v4 =	vld [tilespmem:$0x1FF60]  }
0x1c0: {  	v16 =	vmul.f32 v16, v10;
	v47 =	vld [tilespmem:s21+$0xFFFFFFD0]  }
0x1c1: {  	v26 =	vmul.f32 v26, v22;
	[tilespmem:s23+$0xFFFFFF70] =	vst v52;
	v29 =	vld [tilespmem:s21+$0xFFFFFFE0];
	v42 =	vmul.f32 v45, v42  }
0x1c2: {  	v5 =	vmov v28;
	[tilespmem:s23+$0xFFFFFF90] =	vst v58;
	v28 =	vld [tilespmem:s18+$0xFFFFFFD0];
	v43 =	vmul.f32 v46, v43;
	v40 =	vmul.f32 v48, v40  }
0x1c3: {  	[tilespmem:$0x1FF40] =	vst v5;
	v39 =	vmul.f32 v53, v39;
	v44 =	vmul.f32 v55, v44;
	v53 =	vld [tilespmem:s18+$0xFFFFFFE0];
	v55 =	vadd.f32 v63, v60  }
0x1c4: {  	v13 =	vmul.f32 v13, v7;
	[tilespmem:s23+$0xFFFFFFA0] =	vst v54;
	v17 =	vmul.f32 v17, v4;
	v4 =	vld [tilespmem:$0x1FF70]  }
0x1c5: {  	v37 =	vmul.f32 v57, v37;
	v7 =	vmov v30;
	v30 =	vld [tilespmem:s18+$0xFFFFFFF0];
	[tilespmem:s23+$0xFFFFFFB0] =	vst v42;
	v57 =	vmul.f32 $2.000000030e-01, v55  }
0x1c6: {  	v38 =	vmul.f32 v49, v38;
	v41 =	vmul.f32 v51, v41;
	v5 =	vmov v31;
	v31 =	vld [tilespmem:s21+$0x0];
	[tilespmem:s23+$0xFFFFFFC0] =	vst v43  }
0x1c7: {  	v58 =	vld [tilespmem:s21+$0x10];
	v14 =	vmul.f32 v14, v8;
	[tilespmem:s23+$0xFFFFFFD0] =	vst v40;
	v28 =	vadd.f32 v28, v47;
	v22 =	vmax.f32 v55, v57  }
0x1c8: {  	v49 =	vld [tilespmem:s18+$0xFFFFFFC0];
	v27 =	vmul.f32 v27, v23;
	[tilespmem:s23+$0xFFFFFFE0] =	vst v38;
	v29 =	vadd.f32 v53, v29;
	v22 =	vmul.f32 $1.442695020e+00, v22  }
0x1c9: {  	[tilespmem:s23+$0xFFFFFFF0] =	vst v41;
	v23 =	vmul.f32 $2.000000030e-01, v28;
	v18 =	vmul.f32 v18, v4;
	v4 =	vld [tilespmem:$0x1FF80]  }
0x1ca: {  	v10 =	vmovc v34;
	[tilespmem:s23+$0x0] =	vst v39;
	v60 =	vld [tilespmem:s21+$0x20];
	v30 =	vadd.f32 v30, v56;
	v34 =	vmul.f32 $2.000000030e-01, v29;
	(erf) = vpow2.f32 v22  }
0x1cb: {  	v15 =	vmul.f32 v15, v11;
	[tilespmem:s23+$0x10] =	vst v44;
	v20 =	vadd.f32 v20, v31;
	v22 =	vmax.f32 v28, v23;
	v23 =	vld [tilespmem:s18+$0x20]  }
0x1cc: {  	[tilespmem:s8+$0x40] =	vst v14;
	v61 =	vmul.f32 $2.000000030e-01, v30;
	v28 =	vld [tilespmem:s21+$0xFFFFFFC0];
	v29 =	vmax.f32 v29, v34;
	v22 =	vmul.f32 $1.442695020e+00, v22  }
0x1cd: {  	v6 =	vmovc v32;
	[tilespmem:s23+$0x20] =	vst v37;
	v32 =	vadd.f32 v59, v58;
	v14 =	vld [tilespmem:s23+$0x40];
	v31 =	vmul.f32 $2.000000030e-01, v20;
	v29 =	vmul.f32 $1.442695020e+00, v29  }
0x1ce: {  	[tilespmem:s8+$0x30] =	vst v13;
	v30 =	vmax.f32 v30, v61;
	(erf) = vpow2.f32 v22;
	v19 =	vmul.f32 v19, v4;
	v4 =	vld [tilespmem:$0x1FF90]  }
0x1cf: {  	[tilespmem:s8+$0x50] =	vst v15;
	v13 =	vld [tilespmem:s23+$0x30];
	v20 =	vmax.f32 v20, v31;
	v30 =	vmul.f32 $1.442695020e+00, v30;
	v22 =	vmul.f32 $2.000000030e-01, v32  }
0x1d0: {  	v15 =	vld [tilespmem:s23+$0x50];
	[tilespmem:s8+$0x60] =	vst v16;
	v31 =	vmul.f32 $1.442695020e+00, v20;
	(erf) = vpow2.f32 v29;
	v23 =	vadd.f32 v23, v60  }
0x1d1: {  	v16 =	vld [tilespmem:s23+$0x60];
	[tilespmem:s8+$0x70] =	vst v17;
	v28 =	vadd.f32 v49, v28;
	v20 =	vmax.f32 v32, v22;
	(erf) = vpow2.f32 v30  }
0x1d2: {  	v17 =	vld [tilespmem:s23+$0x70];
	[tilespmem:s8+$0x80] =	vst v18;
	v30 =	vmul.f32 $1.442695020e+00, v20;
	v22 =	vmul.f32 $2.000000030e-01, v23  }
0x1d3: {  	s25 =	sadd.s32 $0x80, s25;
	v18 =	vld [tilespmem:s23+$0x80];
	[tilespmem:s8+$0x90] =	vst v19;
	v29 =	vmul.f32 $2.000000030e-01, v28;
	v21 =	vmul.f32 v21, v4;
	v62 =	vpop (erf)  }
0x1d4: {  	v25 =	vmul.f32 v25, v9;
	v19 =	vld [tilespmem:s23+$0x90];
	s23 =	sadd.s32 $0x200, s23;
	[tilespmem:s25+$0x30] =	vst v62  }
0x1d5: {  	v22 =	vmax.f32 v23, v22;
	v23 =	vmax.f32 v28, v29;
	[tilespmem:s8+$0xA0] =	vst v21;
	v29 =	vld [tilespmem:s23+$0xF0]  }
0x1d6: {  	(erf) = vpow2.f32 v31;
	v21 =	vld [tilespmem:s7+$0xA0];
	[tilespmem:s8+$0xB0] =	vst v25;
	s8 =	smov.u32 s7  }
0x1d7: {  	(erf) = vpow2.f32 v30;
	v30 =	vpop (erf);
	v25 =	vld [tilespmem:s8+$0xB0];
	[tilespmem:s8+$0xC0] =	vst v24  }
0x1d8: {  	v4 =	vmov v33;
	v20 =	vperm.xlane v62, v0;
	v28 =	vmul.f32 $1.442695020e+00, v22;
	[tilespmem:s25+$0xFFFFFFD0] =	vst v30;
	v24 =	vld [tilespmem:s23+$0xC0]  }
0x1d9: {  	[tilespmem:$0x1FF90] =	vst v4;
	v4 =	vmul.f32 $1.442695020e+00, v23;
	v22 =	vperm.xlane v62, v1;
	v48 =	vld [tilespmem:s23+$0xFFFFFF40]  }
0x1da: {  	v23 =	vperm.xlane v62, v2;
	(erf) = vpow2.f32 v28;
	v49 =	vld [tilespmem:s23+$0xFFFFFF50]  }
0x1db: {  	v28 =	vperm.xlane v62, v3;
	(erf) = vpow2.f32 v4;
	v51 =	vld [tilespmem:s23+$0xFFFFFF60]  }
0x1dc: {  	v12 =	vmov v36;
	v36 =	vperm.xlane v30, v0;
	v47 =	vperm.xlane v30, v1;
	[tilespmem:s8+$0xD0] =	vst v26;
	v53 =	vld [tilespmem:s23+$0xFFFFFF70]  }
0x1dd: {  	v50 =	vperm.xlane v30, v2;
	v26 =	vld [tilespmem:s23+$0xD0];
	[tilespmem:s8+$0xE0] =	vst v27;
	v4 =	vmul.f32 v29, v28;
	v29 =	vpop (erf)  }
0x1de: {  	v52 =	vperm.xlane v30, v3;
	v27 =	vld [tilespmem:s23+$0xE0];
	[tilespmem:s25+$0xFFFFFFE0] =	vst v29;
	v54 =	vperm.xlane v29, v0  }
0x1df: {  	v30 =	vpop (erf);
	v57 =	vperm.xlane v29, v1;
	v60 =	vperm.xlane v29, v2;
	v55 =	vld [tilespmem:s23+$0xFFFFFF80]  }
0x1e0: {  	v42 =	vperm.xlane v29, v3;
	v43 =	vperm.xlane v30, v0;
	v58 =	vld [tilespmem:s23+$0xFFFFFF90]  }
0x1e1: {  	v28 =	vpop (erf);
	v40 =	vperm.xlane v30, v1;
	v38 =	vperm.xlane v30, v2;
	v61 =	vld [tilespmem:s23+$0xFFFFFFA0]  }
0x1e2: {  	[tilespmem:s25+$0xFFFFFFF0] =	vst v30;
	v41 =	vperm.xlane v30, v3;
	v45 =	vld [tilespmem:s23+$0xFFFFFFB0];
	v31 =	vpop (erf);
	v39 =	vperm.xlane v28, v0  }
0x1e3: {  	v44 =	vperm.xlane v28, v1;
	v46 =	vld [tilespmem:s23+$0xFFFFFFC0];
	v9 =	vmul.f32 v48, v36;
	v56 =	vpop (erf)  }
0x1e4: {  	[tilespmem:$0x1FF60] =	vst v7;
	v48 =	vld [tilespmem:s23+$0xFFFFFFD0];
	v47 =	vmul.f32 v49, v47;
	v50 =	vmul.f32 v51, v50;
	v30 =	vpop (erf)  }
0x1e5: {  	v49 =	vld [tilespmem:s23+$0xFFFFFFE0];
	v52 =	vmul.f32 v53, v52;
	v29 =	vperm.xlane v31, v0;
	[tilespmem:s25+$0xFFFFFFC0] =	vst v30  }
0x1e6: {  	v11 =	vmov v35;
	[tilespmem:$0x1FF70] =	vst v6;
	v35 =	vperm.xlane v31, v1;
	v34 =	vperm.xlane v31, v2;
	v63 =	vld [tilespmem:s23+$0xFFFFFF00]  }
0x1e7: {  	[tilespmem:$0x1FF80] =	vst v5;
	v32 =	vperm.xlane v56, v0;
	v33 =	vperm.xlane v56, v2;
	v6 =	vld [tilespmem:s23+$0xFFFFFF10]  }
0x1e8: {  	[tilespmem:s23+$0xF0] =	vst v4;
	v36 =	vperm.xlane v56, v3;
	v59 =	vperm.xlane v30, v0;
	v7 =	vld [tilespmem:s23+$0xFFFFFF20]  }
0x1e9: {  	s12 =	sadd.s32 $0x8, s12;
	[tilespmem:s25+$0x0] =	vst v28;
	v51 =	vld [tilespmem:s23+$0xFFFFFFF0];
	v62 =	vperm.xlane v30, v1;
	v4 =	vperm.xlane v30, v2  }
0x1ea: {  	p1 =	slt.u32 s12, $0xF8;
	[tilespmem:s25+$0x10] =	vst v31;
	v5 =	vperm.xlane v30, v3;
	v30 =	vperm.xlane v31, v3;
	v8 =	vld [tilespmem:s23+$0xFFFFFF30]  }
.Ltmp1:
0x1eb: {  	v53 =	vld [tilespmem:s23+$0x0];
	[tilespmem:s23+$0xFFFFFF40] =	vst v9;
	v31 =	vperm.xlane v56, v1;
	v63 =	vmul.f32 v63, v59;
	(pc) =	sbr.rel @p1 .LBB2_5-.Ltmp1, $4  }
0x1ec: {  	[tilespmem:s25+$0x20] =	vst v56;
	v56 =	vmul.f32 v55, v54;
	v55 =	vld [tilespmem:s23+$0x10];
	v6 =	vmul.f32 v6, v62  }
0x1ed: {  	v58 =	vmul.f32 v58, v57;
	v57 =	vld [tilespmem:s23+$0x20];
	v4 =	vmul.f32 v7, v4;
	[tilespmem:s23+$0xFFFFFF00] =	vst v63  }
0x1ee: {  	v37 =	vperm.xlane v28, v2;
	v28 =	vperm.xlane v28, v3;
	v7 =	vld [tilespmem:$0x1FF40];
	[tilespmem:s23+$0xFFFFFF10] =	vst v6  }
0x1ef: {  	s21 =	sadd.s32 $0x80, s21;
	s7 =	smov.u32 s23;
	v9 =	vmov v12;
	v54 =	vmul.f32 v61, v60;
	v59 =	vmul.f32 v8, v5;
	v8 =	vld [tilespmem:$0x1FF50];
	[tilespmem:s23+$0xFFFFFF20] =	vst v4  }
0x1f0: {  	[tilespmem:s23+$0xFFFFFF50] =	vst v47  }
0x1f1: {  	[tilespmem:s23+$0xFFFFFF60] =	vst v50  }
0x1f2: {  	[tilespmem:s23+$0xFFFFFF70] =	vst v52  }
0x1f3: {  	[tilespmem:s23+$0xFFFFFF80] =	vst v56  }
0x1f4: {  	[tilespmem:s23+$0xFFFFFF90] =	vst v58  }
0x1f5: {  	v4 =	vmul.f32 v45, v42;
	[tilespmem:s23+$0xFFFFFF30] =	vst v59  }
0x1f6: {  	v5 =	vmul.f32 v46, v43;
	[tilespmem:s23+$0xFFFFFFA0] =	vst v54  }
0x1f7: {  	v6 =	vmul.f32 v48, v40;
	[tilespmem:s23+$0xFFFFFFB0] =	vst v4  }
0x1f8: {  	v52 =	vmul.f32 v53, v39;
	[tilespmem:s23+$0xFFFFFFC0] =	vst v5  }
0x1f9: {  	v4 =	vmul.f32 v49, v38;
	[tilespmem:s23+$0xFFFFFFD0] =	vst v6  }
0x1fa: {  	v5 =	vmul.f32 v51, v41;
	[tilespmem:s23+$0x0] =	vst v52  }
0x1fb: {  	v53 =	vmul.f32 v13, v7;
	[tilespmem:s23+$0xFFFFFFE0] =	vst v4  }
0x1fc: {  	v4 =	vmul.f32 v55, v44;
	[tilespmem:s23+$0xFFFFFFF0] =	vst v5  }
0x1fd: {  	v5 =	vmul.f32 v57, v37;
	[tilespmem:s8+$0x30] =	vst v53  }
0x1fe: {  	[tilespmem:s23+$0x10] =	vst v4;
	v4 =	vmul.f32 v14, v8  }
0x1ff: {  	[tilespmem:s23+$0x20] =	vst v5  }
0x200: {  	[tilespmem:s8+$0x40] =	vst v4  }
0x201: {  	v4 =	vld [tilespmem:$0x1FF60]  }
0x202: {  	v5 =	vmul.f32 v15, v11;
	_ =	sdelay $0x1  }
0x203: {  	[tilespmem:s8+$0x50] =	vst v5  }
0x204: {  	v54 =	vmul.f32 v16, v10;
	v5 =	vld [tilespmem:$0x1FF70]  }
0x205: {  	v62 =	vld [tilespmem:s23+$0x90];
	v4 =	vmul.f32 v17, v4  }
0x206: {  	v59 =	vld [tilespmem:s23+$0x60];
	[tilespmem:s8+$0x60] =	vst v54  }
0x207: {  	v6 =	vld [tilespmem:$0x1FF80];
	[tilespmem:s8+$0x70] =	vst v4  }
0x208: {  	v4 =	vld [tilespmem:$0x1FF90]  }
0x209: {  	v5 =	vmul.f32 v18, v5  }
0x20a: {  	v56 =	vld [tilespmem:s23+$0x40];
	v57 =	vmul.f32 v24, v20  }
0x20b: {  	v58 =	vld [tilespmem:s23+$0x50];
	v10 =	vmul.f32 v59, v34;
	[tilespmem:s8+$0x80] =	vst v5  }
0x20c: {  	v55 =	vld [tilespmem:s23+$0x30];
	v7 =	vmul.f32 v62, v31;
	[tilespmem:s7+$0xC0] =	vst v57  }
0x20d: {  	v60 =	vld [tilespmem:s23+$0x70];
	[tilespmem:s7+$0x60] =	vst v10;
	v4 =	vmul.f32 v21, v4  }
0x20e: {  	v61 =	vld [tilespmem:s23+$0x80];
	v5 =	vmul.f32 v25, v9;
	[tilespmem:s7+$0x90] =	vst v7  }
0x20f: {  	[tilespmem:s8+$0xA0] =	vst v4;
	v4 =	vmul.f32 v26, v22  }
0x210: {  	[tilespmem:s8+$0xB0] =	vst v5;
	v5 =	vmul.f32 v27, v23  }
0x211: {  	[tilespmem:s7+$0xD0] =	vst v4;
	v4 =	vmul.f32 v55, v28  }
0x212: {  	v63 =	vld [tilespmem:s7+$0xA0];
	v6 =	vmul.f32 v19, v6;
	[tilespmem:s7+$0xE0] =	vst v5  }
0x213: {  	v5 =	vmul.f32 v56, v29;
	[tilespmem:s7+$0x30] =	vst v4;
	v4 =	vld [tilespmem:s7+$0xB0]  }
0x214: {  	v9 =	vmul.f32 v58, v35;
	[tilespmem:s8+$0x90] =	vst v6  }
0x215: {  	[tilespmem:s7+$0x40] =	vst v5;
	v5 =	vmul.f32 v60, v30  }
0x216: {  	v6 =	vmul.f32 v61, v32;
	[tilespmem:s7+$0x50] =	vst v9  }
0x217: {  	[tilespmem:s7+$0x70] =	vst v5;
	v5 =	vmul.f32 v63, v33  }
0x218: {  	[tilespmem:s7+$0x80] =	vst v6;
	v4 =	vmul.f32 v4, v36  }
0x219: {  	[tilespmem:s7+$0xA0] =	vst v5  }
0x21a: {  	[tilespmem:s7+$0xB0] =	vst v4  }
0x21b: {  	[spmem:s1] =	stream.indirect.scatter.add.f32 [tilespmem:s0], [sflag:$0x4], $0x40, s30, s20, $0xb8;
	[tilespmem:$0x1AC00] =	vst v63  }
0x21c: {  	s7 =	simm.s32 @p0 $0x4  }
0x21d: {  	[spmem:s1] =	stream.indirect.scatter.add.f32 [tilespmem:s24], [sflag:$0x4], $0x40, s11, s20, $0xb8;
	[tilespmem:$0x1AC00] =	vst v63  }
0x21e: {  	_ =	swait.ge @p0 [sflag:s7], $0x2000  }
0x21f: {  	[sflag:s7] =	ssyncset.done @p0 $0x0  }
0x220: {  	[sflag:s7] =	ssyncadd.s32 @p0 $0xFFFFE000  }
0x221: {  	_ =	swait.ge @p0 [sflag:s7], $0x2000  }
0x222: {  	s12 =	simm.s32 @!p0 $0x9400;
	[sflag:s7] =	ssyncset.done @p0 $0x0  }
0x223: {  	s8 =	simm.s32 @!p0 $0x300;
	[sflag:s7] =	ssyncadd.s32 @p0 $0xFFFFE000;
	s7 =	simm.s32 @!p0 $0x80  }
0x224: {  	[spmem:s3] =	stream.indirect.scatter.add.f32 @!p0 [tilespmem:s12], [sflag:$0x4], $0x10, s8, s7, $0xb8;
	[tilespmem:$0x1AC00] =	vst v63  }
0x225: {  	s8 =	simm.s32 @!p0 $0x380;
	s12 =	simm.s32 @!p0 $0x9C00  }
0x226: {  	[spmem:s3] =	stream.indirect.scatter.add.f32 @!p0 [tilespmem:s12], [sflag:$0x4], $0x10, s8, s7, $0xb8;
	[tilespmem:$0x1AC00] =	vst v63  }
0x227: {  	s7 =	simm.s32 @!p0 $0x4  }
0x228: {  	_ =	swait.ge @!p0 [sflag:s7], $0x2000  }
0x229: {  	[sflag:s7] =	ssyncset.done @!p0 $0x0  }
0x22a: {  	[sflag:s7] =	ssyncadd.s32 @!p0 $0xFFFFE000  }
0x22b: {  	_ =	swait.ge @!p0 [sflag:s7], $0x2000  }
0x22c: {  	[sflag:s7] =	ssyncset.done @!p0 $0x0  }
0x22d: {  	s10 =	sadd.s32 $0x1, s10;
	[sflag:s7] =	ssyncadd.s32 @!p0 $0xFFFFE000  }
0x22e: {  	p1 =	sne.s32 s10, $0x2A;
	_ =	swait.ge @!p0 [sflag:s7], $0x800  }
.Ltmp2:
0x22f: {  	[sflag:s7] =	ssyncset.done @!p0 $0x0;
	(pc) =	sbr.rel @p1 .LBB2_2-.Ltmp2, $4  }
0x230: {  	[sflag:s7] =	ssyncadd.s32 @!p0 $0xFFFFF800  }
0x231: {  	_ =	swait.ge @!p0 [sflag:s7], $0x800  }
0x232: {  	[sflag:s7] =	ssyncset.done @!p0 $0x0  }
0x233: {  	[sflag:s7] =	ssyncadd.s32 @!p0 $0xFFFFF800  }
0x234: {  	[bflag:$0x0] =	sbarrier.arrive $0xFFFF  }
0x235: {  	s12 =	rddreg [dreg:$0x6]  }
0x236: {  	s21 =	rddreg [dreg:$0xc]  }
0x237: {  	s7 =	rddreg [dreg:$0xd]  }
0x238: {  	[hbm:s7], [sflag:s12] =	dma.local [spmem:s21], $0x1400  }
0x239: {  	_ =	swait.ge [sflag:s19], $0x1400  }
0x23a: {  	[sflag:s19] =	ssyncset.done $0x0;
	s18 =	rddreg [dreg:$0x7]  }
0x23b: {  	s8 =	rddreg [dreg:$0xa];
	[sflag:s19] =	ssyncadd.s32 $0xFFFFEC00;
	s7 =	sshrl.u32 @!p0 s18, $0x3  }
0x23c: {  	[hbm:s8], [sflag:s12] =	dma.local @!p0 [spmem:s7], $0x500  }
0x23d: {  	s7 =	simm.s32 @!p0 $0x5  }
0x23e: {  	_ =	swait.ge @!p0 [sflag:s7], $0x500  }
0x23f: {  	s10 =	rddreg [dreg:$0xe]  }
0x240: {  	s28 =	rddreg [dreg:$0xb];
	s10 =	sadd.s32 $0x1, s10  }
0x241: {  	p1 =	sne.s32 s10, s28  }
.Ltmp3:
0x242: {  	_ = 	snop;
	(pc) =	sbr.rel @p1 .LBB2_1-.Ltmp3, $3  }
0x243: {  	_ =	sdelay $0x1  }
0x244: {  	[sflag:s7] =	ssyncset.done @!p0 $0x0  }
0x245: {  	[sflag:s7] =	ssyncadd.s32 @!p0 $0xFFFFFB00  }
0x246: {  	_ =	sfence.sel $0x180000  }
0x247: {  	[bflag:$0x0] =	sbarrier.arrive $0xFFFF  }
0x248: {  	_ =	strace $0x90000047  }
0x249: {  	s0 =	stileid.u32;
	[bflag:$0x2] =	sbarrier.arrive $0xFFFF  }
0x24a: {  	p0 =	sne.s32 s0, $0x0;
	s0 =	rddreg [dreg:$0x4]  }
0x24b: {  	s0 =	sadd.s32 @!p0 $0x100000, s0  }
0x24c: {  	[sflag:s0] =	ssyncadd.tile.s32 @!p0 $0x1;
	_ =	shalt  }
.Lfunc_end2:
_tile_overlayer_lowered:
.L_overlay_start_2:
0x24d: {  	(tag) =	ssettag $0x2  }
0x24e: {  	s0 =	rddreg [dreg:$0x0];
	s2 =	stileid.u32  }
0x24f: {  	s1 =	rddreg [dreg:$0x1];
	p0 =	sne.s32 s2, $0x0  }
0x250: {  	s3 =	rddreg [dreg:$0x2];
	[bflag:$0x3] =	sbarrier.arrive $0xFFFF;
	s2 =	simm.s32 @!p0 $0x1C05  }
0x251: {  	[timem:s3], [sflag:s2] =	dma.local @!p0 [hbm:s0], s1  }
0x252: {  	s0 =	simm.s32 @!p0 $0x5  }
0x253: {  	_ =	swait.ge @!p0 [sflag:s0], s1  }
0x254: {  	s1 =	ssub.s32 @!p0 $0x0, s1;
	[sflag:s0] =	ssyncset.done @!p0 $0x0  }
0x255: {  	[sflag:s0] =	ssyncadd.s32 @!p0 s1  }
0x256: {  	[bflag:$0x3] =	sbarrier.arrive $0xFFFF  }
0x257: {  	_ =	shalt  }

</sc_bundles>
